<compile_context>
chip_gen: v7x
topology: tpu7x:2x2x1
jax: 0.10.2.dev20260603
libtpu: 0.0.44.dev20260713+nightly
codegen_flags: <defaults>
</compile_context>

<pallas_src>
import functools

import jax
import jax.numpy as jnp
from jax import lax
from jax.experimental import pallas as pl
from jax.experimental.pallas import tpu as pltpu
from jax.experimental.pallas import tpu_sc as plsc

B, N, K, CIN, COUT, KS = 2, 4096, 16, 128, 128, 5
M = B * N
MK = M * K
RADIUS, TAU, EPS = 1.0, 1.0, 1e-5
_F32 = jnp.float32
_BF16 = jnp.bfloat16

_NC, _NS = 2, 16
_NW = _NC * _NS
_PW = MK // _NW
_CH = 128
_NCH = _PW // _CH


def _make_sc_gather(D, dtype):
  mesh = plsc.VectorSubcoreMesh(core_axis_name="c", subcore_axis_name="s")

  @functools.partial(
      pl.kernel,
      out_type=jax.ShapeDtypeStruct((MK, D), dtype),
      mesh=mesh,
      scratch_types=[
          pltpu.VMEM((_PW,), jnp.int32),
          pltpu.VMEM((_CH, D), dtype),
          pltpu.VMEM((_CH, D), dtype),
          pltpu.SemaphoreType.DMA,
          pltpu.SemaphoreType.DMA,
      ],
  )
  def gather(table_hbm, idx_hbm, out_hbm, idx_v, buf0, buf1, sem0, sem1):
    wid = lax.axis_index("s") * _NC + lax.axis_index("c")
    base = wid * _PW
    pltpu.sync_copy(idx_hbm.at[pl.ds(base, _PW)], idx_v)
    bufs = (buf0, buf1)
    sems = (sem0, sem1)

    def start(c, b):
      pltpu.make_async_copy(
          table_hbm.at[idx_v.at[pl.ds(c * _CH, _CH)]], bufs[b], sems[b]
      ).start()

    def wait(b):
      pltpu.make_async_copy(
          table_hbm.at[idx_v.at[pl.ds(0, _CH)]], bufs[b], sems[b]
      ).wait()

    def store(c, b):
      pltpu.sync_copy(bufs[b], out_hbm.at[pl.ds(base + c * _CH, _CH)])

    start(0, 0)
    start(1, 1)

    def body(j, carry):
      c0 = 2 * j
      wait(0)
      store(c0, 0)
      start(c0 + 2, 0)
      wait(1)
      store(c0 + 1, 1)
      start(c0 + 3, 1)
      return carry

    lax.fori_loop(0, _NCH // 2 - 1, body, 0)
    wait(0)
    store(_NCH - 2, 0)
    wait(1)
    store(_NCH - 1, 1)

  return gather


_gather_by_d = {}


def _sc_gather_call(table, idx, D):
  key = (D, table.dtype)
  if key not in _gather_by_d:
    _gather_by_d[key] = _make_sc_gather(D, table.dtype)
  return _gather_by_d[key](table, idx)


_BLK = 512
_NSET = 4


def _ptm0_body(fea_ref, w_ref, st_ref):
  raw = jnp.dot(fea_ref[...], w_ref[...], preferred_element_type=_F32)
  s1 = jnp.sum(raw, axis=0, keepdims=True)
  s2 = jnp.sum(raw * raw, axis=0, keepdims=True)
  c4 = w_ref.shape[1]
  st_ref[...] = jnp.concatenate([s1, s2, jnp.zeros((6, c4), _F32)], axis=0)


def _ptm0_call(feaT, w, c4):
  return pl.pallas_call(
      _ptm0_body,
      out_shape=jax.ShapeDtypeStruct((8, c4), _F32),
  )(feaT, w)


def _agg(infl3, neigh, s0, Din):
  nf = [neigh[k, :, :Din].astype(_F32) for k in range(K)]
  aggs = []
  for s in range(KS):
    acc = infl3[0, :, s0 + s:s0 + s + 1] * nf[0]
    for k in range(1, K):
      acc = acc + infl3[k, :, s0 + s:s0 + s + 1] * nf[k]
    aggs.append(acc)
  return jnp.concatenate(aggs, axis=1)


def _stats_update(o, st_ref, dout):
  @pl.when(pl.program_id(0) == 0)
  def _():
    st_ref[...] = jnp.zeros_like(st_ref)

  s1 = jnp.sum(o, axis=0, keepdims=True)
  s2 = jnp.sum(o * o, axis=0, keepdims=True)
  st_ref[...] += jnp.concatenate([s1, s2, jnp.zeros((6, dout), _F32)], axis=0)


def _body0_body(g1x_ref, xyz_ref, kpt_ref, kpsq_ref, w_ref,
                o_ref, st_ref, infl_ref):
  blk = g1x_ref.shape[1]
  gxyz = g1x_ref[:, :, CIN:CIN + 16]
  cx = xyz_ref[...].reshape(1, blk, 16)
  rel = (gxyz - cx) * (1.0 / RADIUS)
  rel2 = rel.reshape(K * blk, 16)
  ones = jnp.ones((16, 8 * _NSET), _F32)
  r2 = jnp.dot(rel2 * rel2, ones, preferred_element_type=_F32)
  rk = jnp.dot(rel2, kpt_ref[...], preferred_element_type=_F32)
  d2 = r2 - 2.0 * rk + kpsq_ref[...]
  dist = jnp.sqrt(d2 + 1e-12)
  infl = jnp.maximum(1.0 - dist, 0.0)
  infl3 = infl.reshape(K, blk, 8 * _NSET)
  infl_ref[...] = infl3.astype(_BF16)

  agg = _agg(infl3, g1x_ref[...], 8 * 2, CIN)
  o = jnp.dot(agg, w_ref[...], preferred_element_type=_F32)
  o_ref[...] = o
  _stats_update(o, st_ref, COUT)


def _body0_call(g1x, xyzp, kpt, kpsq, wf):
  grid = (M // _BLK,)
  return pl.pallas_call(
      _body0_body,
      grid=grid,
      in_specs=[
          pl.BlockSpec((K, _BLK, 2 * CIN), lambda i: (0, i, 0)),
          pl.BlockSpec((_BLK, 16), lambda i: (i, 0)),
          pl.BlockSpec((16, 8 * _NSET), lambda i: (0, 0)),
          pl.BlockSpec((1, 8 * _NSET), lambda i: (0, 0)),
          pl.BlockSpec((KS * CIN, COUT), lambda i: (0, 0)),
      ],
      out_specs=(
          pl.BlockSpec((_BLK, COUT), lambda i: (i, 0)),
          pl.BlockSpec((8, COUT), lambda i: (0, 0)),
          pl.BlockSpec((K, _BLK, 8 * _NSET), lambda i: (0, i, 0)),
      ),
      out_shape=(
          jax.ShapeDtypeStruct((M, COUT), _F32),
          jax.ShapeDtypeStruct((8, COUT), _F32),
          jax.ShapeDtypeStruct((K, M, 8 * _NSET), _BF16),
      ),
  )(g1x, xyzp, kpt, kpsq, wf)


def _ptm1_body(g1x_ref, infl_ref, w0_ref, st0_ref, g0_ref, b0_ref, w1_ref,
               o_ref, st_ref):
  c4 = w0_ref.shape[1]
  st0 = st0_ref[...]
  mean = st0[0:1, :] / M
  var = st0[1:2, :] / M - mean * mean
  inv = lax.rsqrt(var + EPS)
  a = inv * g0_ref[...]
  c = b0_ref[...] - mean * a
  infl3 = infl_ref[...].astype(_F32)
  nf = []
  for k in range(K):
    raw = jnp.dot(g1x_ref[k, :, :CIN], w0_ref[...],
                  preferred_element_type=_F32)
    nf.append(jnp.maximum(raw * a + c, 0.0))
  aggs = []
  for s in range(KS):
    acc = infl3[0, :, s:s + 1] * nf[0]
    for k in range(1, K):
      acc = acc + infl3[k, :, s:s + 1] * nf[k]
    aggs.append(acc)
  agg = jnp.concatenate(aggs, axis=1)
  o = jnp.dot(agg, w1_ref[...], preferred_element_type=_F32)
  o_ref[...] = o
  _stats_update(o, st_ref, c4)


def _ptm1_call(g1x, infl4, w0, st0, g0, b0, w1f, c4):
  grid = (M // _BLK,)
  return pl.pallas_call(
      _ptm1_body,
      grid=grid,
      in_specs=[
          pl.BlockSpec((K, _BLK, 2 * CIN), lambda i: (0, i, 0)),
          pl.BlockSpec((K, _BLK, 8 * _NSET), lambda i: (0, i, 0)),
          pl.BlockSpec((CIN, c4), lambda i: (0, 0)),
          pl.BlockSpec((8, c4), lambda i: (0, 0)),
          pl.BlockSpec((1, c4), lambda i: (0, 0)),
          pl.BlockSpec((1, c4), lambda i: (0, 0)),
          pl.BlockSpec((KS * c4, c4), lambda i: (0, 0)),
      ],
      out_specs=(
          pl.BlockSpec((_BLK, c4), lambda i: (i, 0)),
          pl.BlockSpec((8, c4), lambda i: (0, 0)),
      ),
      out_shape=(
          jax.ShapeDtypeStruct((M, c4), _F32),
          jax.ShapeDtypeStruct((8, c4), _F32),
      ),
  )(g1x, infl4, w0, st0, g0.reshape(1, c4), b0.reshape(1, c4), w1f)


def _kpconv_body(neigh_ref, infl_ref, w_ref, o_ref, st_ref, *, Din, Dout, s0):
  agg = _agg(infl_ref[...].astype(_F32), neigh_ref[...], s0, Din)
  o = jnp.dot(agg, w_ref[...], preferred_element_type=_F32)
  o_ref[...] = o
  _stats_update(o, st_ref, Dout)


def _kpconv_call(neigh, infl4, wf, Din, Dout, s0, blk=_BLK):
  grid = (M // blk,)
  dblk = neigh.shape[2]
  return pl.pallas_call(
      functools.partial(_kpconv_body, Din=Din, Dout=Dout, s0=s0),
      grid=grid,
      in_specs=[
          pl.BlockSpec((K, blk, dblk), lambda i: (0, i, 0)),
          pl.BlockSpec((K, blk, 8 * _NSET), lambda i: (0, i, 0)),
          pl.BlockSpec((KS * Din, Dout), lambda i: (0, 0)),
      ],
      out_specs=(
          pl.BlockSpec((blk, Dout), lambda i: (i, 0)),
          pl.BlockSpec((8, Dout), lambda i: (0, 0)),
      ),
      out_shape=(
          jax.ShapeDtypeStruct((M, Dout), _F32),
          jax.ShapeDtypeStruct((8, Dout), _F32),
      ),
  )(neigh, infl4, wf)


def _ptm2_body(neigh_ref, infl_ref, w_ref, pm_ref, *, Din, s0):
  agg = _agg(infl_ref[...].astype(_F32), neigh_ref[...], s0, Din)
  o = jnp.dot(agg, w_ref[...], preferred_element_type=_F32)
  a0 = o[:, 0:1] / TAU
  a1 = o[:, 1:2] / TAU
  mx = jnp.maximum(a0, a1)
  e0 = jnp.exp(a0 - mx)
  e1 = jnp.exp(a1 - mx)
  pm = e1 / (e0 + e1)
  pm_ref[...] = jnp.broadcast_to(pm, (pm_ref.shape[0], COUT))


def _ptm2_call(neigh, infl4, wf, Din, s0, blk=_BLK):
  grid = (M // blk,)
  dblk = neigh.shape[2]
  return pl.pallas_call(
      functools.partial(_ptm2_body, Din=Din, s0=s0),
      grid=grid,
      in_specs=[
          pl.BlockSpec((K, blk, dblk), lambda i: (0, i, 0)),
          pl.BlockSpec((K, blk, 8 * _NSET), lambda i: (0, i, 0)),
          pl.BlockSpec((KS * Din, 8), lambda i: (0, 0)),
      ],
      out_specs=pl.BlockSpec((blk, COUT), lambda i: (i, 0)),
      out_shape=jax.ShapeDtypeStruct((M, COUT), _F32),
  )(neigh, infl4, wf)


def _bn_from_stats(st, g, b):
  mean = st[0:1, :] / M
  var = st[1:2, :] / M - mean * mean
  inv = lax.rsqrt(var + EPS)
  a = inv * g
  return a, b - mean * a


def _fin_p1_body(raw_ref, st_ref, g_ref, b_ref, out_ref):
  a, c = _bn_from_stats(st_ref[...], g_ref[...], b_ref[...])
  y = jnp.maximum(raw_ref[...] * a + c, 0.0)
  d = raw_ref.shape[1]
  out_ref[...] = jnp.concatenate(
      [y, jnp.zeros((raw_ref.shape[0], COUT - d), _F32)], axis=1)


def _fin_p1_call(raw, st, g, b):
  d = raw.shape[1]
  return pl.pallas_call(
      _fin_p1_body,
      out_shape=jax.ShapeDtypeStruct((M, COUT), _F32),
  )(raw, st, g.reshape(1, d), b.reshape(1, d))


def _chw(m0, m1):
  a0 = m0 / TAU
  a1 = m1 / TAU
  mx = jnp.maximum(a0, a1)
  e0 = jnp.exp(a0 - mx)
  e1 = jnp.exp(a1 - mx)
  s = e0 + e1
  return e0 / s, e1 / s


def _fin_o0_body(raw_ref, st_ref, g_ref, b_ref, pm_ref, m0_ref, m1_ref,
                 out_ref):
  a, c = _bn_from_stats(st_ref[...], g_ref[...], b_ref[...])
  w0, w1 = _chw(m0_ref[...], m1_ref[...])
  o = jnp.maximum(raw_ref[...] * a + c, 0.0)
  out_ref[...] = o * (pm_ref[...] * w1 + w0)


def _fin_o0_call(raw, st, g, b, pm, m0, m1):
  return pl.pallas_call(
      _fin_o0_body,
      out_shape=jax.ShapeDtypeStruct((M, COUT), _F32),
  )(raw, st, g.reshape(1, COUT), b.reshape(1, COUT), pm,
    m0.reshape(1, COUT), m1.reshape(1, COUT))


_FLOP_SCALE0 = float(K * (CIN + 1))
_FLOP_SCALE1 = float(K * (COUT + 1))


def _tail_body(o0_ref, o1raw_ref, st1_ref, g1_ref, b1_ref, pm_ref,
               m0l0_ref, m1l0_ref, m0l1_ref, m1l1_ref,
               tw_ref, tb_ref, tg_ref, tbb_ref, fea_ref,
               out_ref, f0_ref, f1_ref):
  a, c = _bn_from_stats(st1_ref[...], g1_ref[...], b1_ref[...])
  w0l1, w1l1 = _chw(m0l1_ref[...], m1l1_ref[...])
  pm = pm_ref[...]
  o1 = jnp.maximum(o1raw_ref[...] * a + c, 0.0) * (pm * w1l1 + w0l1)
  cat = jnp.concatenate([o0_ref[...], o1], axis=1)
  traw = jnp.dot(cat, tw_ref[...], preferred_element_type=_F32) + tb_ref[...]
  s1 = jnp.sum(traw, axis=0, keepdims=True)
  s2 = jnp.sum(traw * traw, axis=0, keepdims=True)
  mean = s1 / M
  var = s2 / M - mean * mean
  inv = lax.rsqrt(var + EPS)
  t = (traw - mean) * (inv * tg_ref[...]) + tbb_ref[...]
  out_ref[...] = jnp.maximum(t + fea_ref[...], 0.0)
  w0l0, w1l0 = _chw(m0l0_ref[...], m1l0_ref[...])
  f0_ref[...] = (pm * w1l0 + w0l0) * _FLOP_SCALE0
  f1_ref[...] = (pm * w1l1 + w0l1) * _FLOP_SCALE1


def _tail_call(o0, o1raw, st1, g1, b1, pm, m0l0, m1l0, m0l1, m1l1,
               tw, tb, tg, tbb, feaT):
  r = lambda v: v.reshape(1, COUT)
  return pl.pallas_call(
      _tail_body,
      out_shape=(
          jax.ShapeDtypeStruct((M, COUT), _F32),
          jax.ShapeDtypeStruct((M, COUT), _F32),
          jax.ShapeDtypeStruct((M, COUT), _F32),
      ),
  )(o0, o1raw, st1, r(g1), r(b1), pm, r(m0l0), r(m1l0), r(m0l1), r(m1l1),
    tw, r(tb), r(tg), r(tbb), feaT)


def _kp_prep(kps):
  kpt = jnp.zeros((16, 8 * _NSET), _F32)
  kpsq = jnp.zeros((1, 8 * _NSET), _F32)
  for i, kp in enumerate(kps):
    kpt = kpt.at[:3, 8 * i:8 * i + KS].set(jnp.transpose(kp))
    kpsq = kpsq.at[0, 8 * i:8 * i + KS].set(jnp.sum(kp * kp, axis=1))
  return kpt, kpsq


_TOTAL_FLOPS = float(B * N * K * COUT * ((CIN + 1) + (COUT + 1)))


def kernel(xyz, fea, knn_idx, ch_mask, body0_kp, body0_W, body0_g, body0_b,
           body1_kp, body1_W, body1_g, body1_b, ptm0_W, ptm0_g, ptm0_b,
           ptm1_kp, ptm1_W, ptm1_g, ptm1_b, ptm2_kp, ptm2_W, tail_W,
           tail_bias, tail_g, tail_bb):
  c4 = ptm0_W.shape[1]
  feaT = fea.transpose(0, 2, 1).reshape(M, CIN)
  xyzt = xyz.transpose(0, 2, 1).reshape(M, 3)
  xyzp = jnp.concatenate([xyzt, jnp.zeros((M, 13), _F32)], axis=1)
  table1 = jnp.concatenate([feaT, xyzp, jnp.zeros((M, CIN - 16), _F32)],
                           axis=1)
  idxf = (knn_idx.astype(jnp.int32)
          + (jnp.arange(B, dtype=jnp.int32) * N)[:, None, None]
          ).transpose(2, 0, 1).reshape(MK)

  kpt, kpsq = _kp_prep([ptm1_kp, ptm2_kp, body0_kp, body1_kp])

  g1x = _sc_gather_call(table1, idxf, 2 * CIN).reshape(K, M, 2 * CIN)
  o0raw, st_o0, infl4 = _body0_call(
      g1x, xyzp, kpt, kpsq, body0_W.reshape(KS * CIN, COUT))

  st_p0 = _ptm0_call(feaT, ptm0_W, c4)
  p1raw, st_p1 = _ptm1_call(g1x, infl4, ptm0_W, st_p0, ptm0_g, ptm0_b,
                            ptm1_W.reshape(KS * c4, c4), c4)
  p1 = _fin_p1_call(p1raw, st_p1, ptm1_g, ptm1_b)
  g3 = _sc_gather_call(p1, idxf, COUT).reshape(K, M, COUT)
  w2p = jnp.zeros((KS * c4, 8), _F32).at[:, :2].set(ptm2_W.reshape(KS * c4, 2))
  pm = _ptm2_call(g3, infl4, w2p, c4, 8 * 1)

  m0l0, m1l0 = ch_mask[0, :, 0], ch_mask[0, :, 1]
  o0 = _fin_o0_call(o0raw, st_o0, body0_g, body0_b, pm, m0l0, m1l0)

  g4 = _sc_gather_call(o0, idxf, COUT).reshape(K, M, COUT)
  o1raw, st_o1 = _kpconv_call(g4, infl4, body1_W.reshape(KS * COUT, COUT),
                              COUT, COUT, 8 * 3)

  m0l1, m1l1 = ch_mask[1, :, 0], ch_mask[1, :, 1]
  out_pm, f0, f1 = _tail_call(o0, o1raw, st_o1, body1_g, body1_b, pm,
                              m0l0, m1l0, m0l1, m1l1,
                              tail_W, tail_bias, tail_g, tail_bb, feaT)

  out = out_pm.reshape(B, N, COUT).transpose(0, 2, 1)
  flops = jnp.concatenate([
      f0.reshape(B, N, COUT).transpose(0, 2, 1).reshape(-1),
      f1.reshape(B, N, COUT).transpose(0, 2, 1).reshape(-1),
  ], 0)
  return (out, flops, jnp.float32(_TOTAL_FLOPS))

# --- scband reference (transcript-rebuilt; emitter-appended) ---
"""Pipeline reference for scband-basic-block-8323646619714 (READ-ONLY COPY).

The authoritative reference and input builder live on the scoring server;
editing this copy changes nothing except your own understanding.
"""

import jax, jax.numpy as jnp
import numpy as np

B, N, K_NEIGH, C_IN, C_OUT, KS, N_LAYERS, RADIUS, TAU = 2, 4096, 16, 128, 128, 5, 2, 1.0, 1.0


def batch_gather(x, idx):
    # x: [B, C, N], idx: [B, N, K] -> [B, C, K, N]
    g = jax.vmap(lambda xb, ib: xb[:, ib])(x, idx)  # [B, C, N, K]
    return g.transpose(0, 1, 3, 2)


def bn(x, g, b, eps=1e-5):
    m = x.mean(axis=(0, 2), keepdims=True)
    v = x.var(axis=(0, 2), keepdims=True)
    return (x - m) / jnp.sqrt(v + eps) * g[None, :, None] + b[None, :, None]


def conv1x1(x, W, b=None):
    out = jnp.einsum('bcn,co->bon', x, W)
    if b is not None:
        out = out + b[None, :, None]
    return out


def kpconv(sample_xyz, fea, knn_idx, kp, W, b=None):
    # sample_xyz: [B,K,N,1,3]; kp: [KS,3]; fea: [B,C,N]; W: [KS,C_in,C_out]
    d2 = jnp.sum((sample_xyz - kp[None, None, None, :, :]) ** 2, axis=-1)
    dist = jnp.sqrt(d2 + 1e-12)  # [B,K,N,KS]
    infl = jax.nn.relu(1.0 - dist)
    neigh = batch_gather(fea, knn_idx)  # [B,C,K,N]
    agg = jnp.einsum('bckn,bknm->bcmn', neigh, infl)
    out = jnp.einsum('bcmn,mco->bon', agg, W)
    if b is not None:
        out = out + b[None, :, None]
    return out


def gumbel_softmax(logits, axis, tau):
    return jax.nn.softmax(logits / tau, axis=axis)


def setup_inputs(seed: int = 0):
    key = jax.random.key(seed)
    ks = jax.random.split(key, 32)
    C4 = C_IN // 4
    inp = {}
    inp['xyz'] = jax.random.normal(ks[0], (B, 3, N), dtype=jnp.float32)
    inp['fea'] = jax.random.normal(ks[1], (B, C_IN, N), dtype=jnp.float32)
    inp['knn_idx'] = jax.random.randint(ks[2], (B, N, K_NEIGH), 0, N)
    inp['ch_mask'] = jax.random.uniform(ks[3], (N_LAYERS, C_OUT, 2), dtype=jnp.float32)
    inp['body0_kp'] = jax.random.normal(ks[4], (KS, 3), dtype=jnp.float32) * 0.5
    inp['body0_W'] = jax.random.normal(ks[5], (KS, C_IN, C_OUT), dtype=jnp.float32) * 0.05
    inp['body0_g'] = jnp.ones((C_OUT,), jnp.float32)
    inp['body0_b'] = jnp.zeros((C_OUT,), jnp.float32)
    inp['body1_kp'] = jax.random.normal(ks[6], (KS, 3), dtype=jnp.float32) * 0.5
    inp['body1_W'] = jax.random.normal(ks[7], (KS, C_OUT, C_OUT), dtype=jnp.float32) * 0.05
    inp['body1_g'] = jnp.ones((C_OUT,), jnp.float32)
    inp['body1_b'] = jnp.zeros((C_OUT,), jnp.float32)
    inp['ptm0_W'] = jax.random.normal(ks[8], (C_IN, C4), dtype=jnp.float32) * 0.05
    inp['ptm0_g'] = jnp.ones((C4,), jnp.float32)
    inp['ptm0_b'] = jnp.zeros((C4,), jnp.float32)
    inp['ptm1_kp'] = jax.random.normal(ks[9], (KS, 3), dtype=jnp.float32) * 0.5
    inp['ptm1_W'] = jax.random.normal(ks[10], (KS, C4, C4), dtype=jnp.float32) * 0.05
    inp['ptm1_g'] = jnp.ones((C4,), jnp.float32)
    inp['ptm1_b'] = jnp.zeros((C4,), jnp.float32)
    inp['ptm2_kp'] = jax.random.normal(ks[11], (KS, 3), dtype=jnp.float32) * 0.5
    inp['ptm2_W'] = jax.random.normal(ks[12], (KS, C4, 2), dtype=jnp.float32) * 0.05
    inp['tail_W'] = jax.random.normal(ks[13], (C_OUT * N_LAYERS, C_OUT), dtype=jnp.float32) * 0.05
    inp['tail_bias'] = jnp.zeros((C_OUT,), jnp.float32)
    inp['tail_g'] = jnp.ones((C_OUT,), jnp.float32)
    inp['tail_bb'] = jnp.zeros((C_OUT,), jnp.float32)
    return inp


def reference(xyz, fea, knn_idx, ch_mask, body0_kp, body0_W, body0_g, body0_b, body1_kp, body1_W, body1_g, body1_b, ptm0_W, ptm0_g, ptm0_b, ptm1_kp, ptm1_W, ptm1_g, ptm1_b, ptm2_kp, ptm2_W, tail_W, tail_bias, tail_g, tail_bb):
    xyz = xyz[..., :fea.shape[2]]
    neighbor_xyz = batch_gather(xyz, knn_idx)  # [B,3,K,N]
    rel_xyz = neighbor_xyz - xyz[:, :, None, :]
    sample_xyz = (rel_xyz / RADIUS).transpose(0, 2, 3, 1)[:, :, :, None, :]  # [B,K,N,1,3]
    # point-mask routing network
    pt = jax.nn.relu(bn(conv1x1(fea, ptm0_W), ptm0_g, ptm0_b))
    pt = jax.nn.relu(bn(kpconv(sample_xyz, pt, knn_idx, ptm1_kp, ptm1_W), ptm1_g, ptm1_b))
    pt = kpconv(sample_xyz, pt, knn_idx, ptm2_kp, ptm2_W)  # [B,2,N]
    pt_mask = gumbel_softmax(pt, 1, TAU)[:, 1:, :]  # [B,1,N]
    chm = gumbel_softmax(ch_mask, -1, TAU)  # [L,C,2]
    buf = []
    x = fea
    layer_params = [(body0_kp, body0_W, body0_g, body0_b), (body1_kp, body1_W, body1_g, body1_b)]
    for i in range(N_LAYERS):
        kp, W, g, b = layer_params[i]
        o = jax.nn.relu(bn(kpconv(sample_xyz, x, knn_idx, kp, W), g, b))
        o = o * chm[i, :, 1][None, :, None] * pt_mask + o * chm[i, :, 0][None, :, None]
        buf.append(o)
        x = o
    cat = jnp.concatenate(buf, axis=1)
    tail = bn(conv1x1(cat, tail_W, tail_bias), tail_g, tail_bb)
    out = jax.nn.relu(tail + fea)  # shortcut is identity (C_in == C_out)
    flops = []
    total_flops = 0
    for i in range(N_LAYERS):
        sp = (pt_mask * chm[i, :, 1].reshape(1, -1, 1) + jnp.ones_like(pt_mask) * chm[i, :, 0].reshape(1, -1, 1)).reshape(-1)
        cin = C_IN if i == 0 else C_OUT
        flops.append(sp * K_NEIGH * (cin + 1))
        total_flops += B * N * K_NEIGH * C_OUT * (cin + 1)
    return (out, jnp.concatenate(flops, 0), jnp.float32(total_flops))

if __name__ == "__main__":
    import jax
    _d = setup_inputs()
    print(jax.jit(kernel)(*tuple(_d.values())))

</pallas_src>

<mosaic_0001>
#map = affine_map<(d0, d1) -> (0, 0)>
#map1 = affine_map<(d0, d1) -> (0)>
module attributes {stable_mosaic.version = 14 : i64} {
  func.func @gather(%arg0: i32, %arg1: i32, %arg2: memref<8192x256xf32, #tpu.memory_space<hbm>>, %arg3: memref<131072xi32, #tpu.memory_space<hbm>>, %arg4: memref<131072x256xf32, #tpu.memory_space<hbm>>, %arg5: memref<4096xi32, #tpu.memory_space<vmem>>, %arg6: memref<128x256xf32, #tpu.memory_space<vmem>>, %arg7: memref<128x256xf32, #tpu.memory_space<vmem>>, %arg8: memref<!tpu.dma_semaphore, #tpu.memory_space<semaphore_mem>>, %arg9: memref<!tpu.dma_semaphore, #tpu.memory_space<semaphore_mem>>) attributes {dimension_semantics = [#tpu.dimension_semantics<core_parallel>, #tpu.dimension_semantics<subcore_parallel>], iteration_bounds = array<i64: 2, 16>, scalar_prefetch = 0 : i64, scratch_operands = 5 : i64, tpu.core_type = #tpu.core_type<sc_vector_subcore>, window_params = [{transform_indices = #map}, {transform_indices = #map1}, {transform_indices = #map}]} {
    %mul3A = arith.constant 2 : i32
    %mul3A_0 = arith.muli %arg1, %mul3A : i32
    %add3A = arith.addi %mul3A_0, %arg0 : i32
    %mul3A_1 = arith.constant 4096 : i32
    %mul3A_2 = arith.muli %add3A, %mul3A_1 : i32
    "tpu.region"() ({
      %run_scoped3A = tpu.sem_alloc : memref<!tpu.dma_semaphore, #tpu.memory_space<semaphore_mem>>
      %dma_start3A_30 = tpu.memref_slice %arg3[%mul3A_2] : memref<131072xi32, #tpu.memory_space<hbm>> -> memref<4096xi32, #tpu.memory_space<hbm>>
      %dma_start3A_31 = tpu.memref_slice %arg3[%mul3A_2] : memref<131072xi32, #tpu.memory_space<hbm>> -> memref<4096xi32, #tpu.memory_space<hbm>>
      tpu.enqueue_dma source(%dma_start3A_31 : memref<4096xi32, #tpu.memory_space<hbm>>) target(%arg5 : memref<4096xi32, #tpu.memory_space<vmem>>) target_semaphore(%run_scoped3A : memref<!tpu.dma_semaphore, #tpu.memory_space<semaphore_mem>>)
      %dma_wait3A_32 = tpu.memref_slice %arg3[%mul3A_2] : memref<131072xi32, #tpu.memory_space<hbm>> -> memref<4096xi32, #tpu.memory_space<hbm>>
      %dma_wait3A_33 = tpu.memref_slice %arg3[%mul3A_2] : memref<131072xi32, #tpu.memory_space<hbm>> -> memref<4096xi32, #tpu.memory_space<hbm>>
      tpu.wait_dma2 semaphore(%run_scoped3A : memref<!tpu.dma_semaphore, #tpu.memory_space<semaphore_mem>>) src(%dma_wait3A_33 : memref<4096xi32, #tpu.memory_space<hbm>>) dst(%arg5 : memref<4096xi32, #tpu.memory_space<vmem>>)
      tpu.yield
    }) : () -> ()
    %dma_start3A = arith.constant 0 : i32
    %dma_start3A_3 = tpu.memref_slice %arg5[%dma_start3A] : memref<4096xi32, #tpu.memory_space<vmem>> -> memref<128xi32, #tpu.memory_space<vmem>>
    %dma_start3A_4 = arith.constant 0 : i32
    %dma_start3A_5 = arith.constant 0 : i32
    %dma_start3A_6 = tpu.memref_slice %arg2[%dma_start3A_4, %dma_start3A_5] : memref<8192x256xf32, #tpu.memory_space<hbm>> -> memref<8192x256xf32, #tpu.memory_space<hbm>>
    tpu.enqueue_indirect_dma source(%dma_start3A_6 : memref<8192x256xf32, #tpu.memory_space<hbm>>) target(%arg6 : memref<128x256xf32, #tpu.memory_space<vmem>>) offsets(%dma_start3A_3 : memref<128xi32, #tpu.memory_space<vmem>>) semaphore(%arg8 : memref<!tpu.dma_semaphore, #tpu.memory_space<semaphore_mem>>)
    %dma_start3A_7 = arith.constant 128 : i32
    %dma_start3A_8 = tpu.memref_slice %arg5[%dma_start3A_7] : memref<4096xi32, #tpu.memory_space<vmem>> -> memref<128xi32, #tpu.memory_space<vmem>>
    %dma_start3A_9 = arith.constant 0 : i32
    %dma_start3A_10 = arith.constant 0 : i32
    %dma_start3A_11 = tpu.memref_slice %arg2[%dma_start3A_9, %dma_start3A_10] : memref<8192x256xf32, #tpu.memory_space<hbm>> -> memref<8192x256xf32, #tpu.memory_space<hbm>>
    tpu.enqueue_indirect_dma source(%dma_start3A_11 : memref<8192x256xf32, #tpu.memory_space<hbm>>) target(%arg7 : memref<128x256xf32, #tpu.memory_space<vmem>>) offsets(%dma_start3A_8 : memref<128xi32, #tpu.memory_space<vmem>>) semaphore(%arg9 : memref<!tpu.dma_semaphore, #tpu.memory_space<semaphore_mem>>)
    %scan3A = arith.constant 0 : i32
    %scan3A_12 = arith.constant 0 : i32
    %scan3A_13 = arith.constant 15 : i32
    %scan3A_14 = arith.addi %scan3A_12, %scan3A_13 : i32
    %scan3A_15 = arith.constant 1 : i32
    scf.for %scan3A_30 = %scan3A_12 to %scan3A_14 step %scan3A_15  : i32 {
      %mul3A_31 = arith.constant 2 : i32
      %mul3A_32 = arith.muli %mul3A_31, %scan3A_30 : i32
      %dma_wait3A_33 = arith.constant 0 : i32
      %dma_wait3A_34 = tpu.memref_slice %arg5[%dma_wait3A_33] : memref<4096xi32, #tpu.memory_space<vmem>> -> memref<128xi32, #tpu.memory_space<vmem>>
      %dma_wait3A_35 = arith.constant 0 : i32
      %dma_wait3A_36 = arith.constant 0 : i32
      %dma_wait3A_37 = tpu.memref_slice %arg2[%dma_wait3A_35, %dma_wait3A_36] : memref<8192x256xf32, #tpu.memory_space<hbm>> -> memref<8192x256xf32, #tpu.memory_space<hbm>>
      tpu.wait_indirect_dma semaphore(%arg8 : memref<!tpu.dma_semaphore, #tpu.memory_space<semaphore_mem>>) src(%dma_wait3A_37 : memref<8192x256xf32, #tpu.memory_space<hbm>>) dst(%arg6 : memref<128x256xf32, #tpu.memory_space<vmem>>)
      %mul3A_38 = arith.constant 128 : i32
      %mul3A_39 = arith.muli %mul3A_32, %mul3A_38 : i32
      %add3A_40 = arith.addi %mul3A_2, %mul3A_39 : i32
      "tpu.region"() ({
        %run_scoped3A = tpu.sem_alloc : memref<!tpu.dma_semaphore, #tpu.memory_space<semaphore_mem>>
        %dma_start3A_67 = arith.constant 0 : i32
        %dma_start3A_68 = tpu.memref_slice %arg4[%add3A_40, %dma_start3A_67] : memref<131072x256xf32, #tpu.memory_space<hbm>> -> memref<128x256xf32, #tpu.memory_space<hbm>>
        %dma_start3A_69 = arith.constant 0 : i32
        %dma_start3A_70 = tpu.memref_slice %arg4[%add3A_40, %dma_start3A_69] : memref<131072x256xf32, #tpu.memory_space<hbm>> -> memref<128x256xf32, #tpu.memory_space<hbm>>
        tpu.enqueue_dma source(%arg6 : memref<128x256xf32, #tpu.memory_space<vmem>>) target(%dma_start3A_70 : memref<128x256xf32, #tpu.memory_space<hbm>>) target_semaphore(%run_scoped3A : memref<!tpu.dma_semaphore, #tpu.memory_space<semaphore_mem>>)
        %dma_wait3A_71 = arith.constant 0 : i32
        %dma_wait3A_72 = tpu.memref_slice %arg4[%add3A_40, %dma_wait3A_71] : memref<131072x256xf32, #tpu.memory_space<hbm>> -> memref<128x256xf32, #tpu.memory_space<hbm>>
        %dma_wait3A_73 = arith.constant 0 : i32
        %dma_wait3A_74 = tpu.memref_slice %arg4[%add3A_40, %dma_wait3A_73] : memref<131072x256xf32, #tpu.memory_space<hbm>> -> memref<128x256xf32, #tpu.memory_space<hbm>>
        tpu.wait_dma2 semaphore(%run_scoped3A : memref<!tpu.dma_semaphore, #tpu.memory_space<semaphore_mem>>) src(%arg6 : memref<128x256xf32, #tpu.memory_space<vmem>>) dst(%dma_wait3A_74 : memref<128x256xf32, #tpu.memory_space<hbm>>)
        tpu.yield
      }) : () -> ()
      %add3A_41 = arith.constant 2 : i32
      %add3A_42 = arith.addi %mul3A_32, %add3A_41 : i32
      %mul3A_43 = arith.constant 128 : i32
      %mul3A_44 = arith.muli %add3A_42, %mul3A_43 : i32
      %dma_start3A_45 = tpu.memref_slice %arg5[%mul3A_44] : memref<4096xi32, #tpu.memory_space<vmem>> -> memref<128xi32, #tpu.memory_space<vmem>>
      %dma_start3A_46 = arith.constant 0 : i32
      %dma_start3A_47 = arith.constant 0 : i32
      %dma_start3A_48 = tpu.memref_slice %arg2[%dma_start3A_46, %dma_start3A_47] : memref<8192x256xf32, #tpu.memory_space<hbm>> -> memref<8192x256xf32, #tpu.memory_space<hbm>>
      tpu.enqueue_indirect_dma source(%dma_start3A_48 : memref<8192x256xf32, #tpu.memory_space<hbm>>) target(%arg6 : memref<128x256xf32, #tpu.memory_space<vmem>>) offsets(%dma_start3A_45 : memref<128xi32, #tpu.memory_space<vmem>>) semaphore(%arg8 : memref<!tpu.dma_semaphore, #tpu.memory_space<semaphore_mem>>)
      %dma_wait3A_49 = arith.constant 0 : i32
      %dma_wait3A_50 = tpu.memref_slice %arg5[%dma_wait3A_49] : memref<4096xi32, #tpu.memory_space<vmem>> -> memref<128xi32, #tpu.memory_space<vmem>>
      %dma_wait3A_51 = arith.constant 0 : i32
      %dma_wait3A_52 = arith.constant 0 : i32
      %dma_wait3A_53 = tpu.memref_slice %arg2[%dma_wait3A_51, %dma_wait3A_52] : memref<8192x256xf32, #tpu.memory_space<hbm>> -> memref<8192x256xf32, #tpu.memory_space<hbm>>
      tpu.wait_indirect_dma semaphore(%arg9 : memref<!tpu.dma_semaphore, #tpu.memory_space<semaphore_mem>>) src(%dma_wait3A_53 : memref<8192x256xf32, #tpu.memory_space<hbm>>) dst(%arg7 : memref<128x256xf32, #tpu.memory_space<vmem>>)
      %add3A_54 = arith.constant 1 : i32
      %add3A_55 = arith.addi %mul3A_32, %add3A_54 : i32
      %mul3A_56 = arith.constant 128 : i32
      %mul3A_57 = arith.muli %add3A_55, %mul3A_56 : i32
      %add3A_58 = arith.addi %mul3A_2, %mul3A_57 : i32
      "tpu.region"() ({
        %run_scoped3A = tpu.sem_alloc : memref<!tpu.dma_semaphore, #tpu.memory_space<semaphore_mem>>
        %dma_start3A_67 = arith.constant 0 : i32
        %dma_start3A_68 = tpu.memref_slice %arg4[%add3A_58, %dma_start3A_67] : memref<131072x256xf32, #tpu.memory_space<hbm>> -> memref<128x256xf32, #tpu.memory_space<hbm>>
        %dma_start3A_69 = arith.constant 0 : i32
        %dma_start3A_70 = tpu.memref_slice %arg4[%add3A_58, %dma_start3A_69] : memref<131072x256xf32, #tpu.memory_space<hbm>> -> memref<128x256xf32, #tpu.memory_space<hbm>>
        tpu.enqueue_dma source(%arg7 : memref<128x256xf32, #tpu.memory_space<vmem>>) target(%dma_start3A_70 : memref<128x256xf32, #tpu.memory_space<hbm>>) target_semaphore(%run_scoped3A : memref<!tpu.dma_semaphore, #tpu.memory_space<semaphore_mem>>)
        %dma_wait3A_71 = arith.constant 0 : i32
        %dma_wait3A_72 = tpu.memref_slice %arg4[%add3A_58, %dma_wait3A_71] : memref<131072x256xf32, #tpu.memory_space<hbm>> -> memref<128x256xf32, #tpu.memory_space<hbm>>
        %dma_wait3A_73 = arith.constant 0 : i32
        %dma_wait3A_74 = tpu.memref_slice %arg4[%add3A_58, %dma_wait3A_73] : memref<131072x256xf32, #tpu.memory_space<hbm>> -> memref<128x256xf32, #tpu.memory_space<hbm>>
        tpu.wait_dma2 semaphore(%run_scoped3A : memref<!tpu.dma_semaphore, #tpu.memory_space<semaphore_mem>>) src(%arg7 : memref<128x256xf32, #tpu.memory_space<vmem>>) dst(%dma_wait3A_74 : memref<128x256xf32, #tpu.memory_space<hbm>>)
        tpu.yield
      }) : () -> ()
      %add3A_59 = arith.constant 3 : i32
      %add3A_60 = arith.addi %mul3A_32, %add3A_59 : i32
      %mul3A_61 = arith.constant 128 : i32
      %mul3A_62 = arith.muli %add3A_60, %mul3A_61 : i32
      %dma_start3A_63 = tpu.memref_slice %arg5[%mul3A_62] : memref<4096xi32, #tpu.memory_space<vmem>> -> memref<128xi32, #tpu.memory_space<vmem>>
      %dma_start3A_64 = arith.constant 0 : i32
      %dma_start3A_65 = arith.constant 0 : i32
      %dma_start3A_66 = tpu.memref_slice %arg2[%dma_start3A_64, %dma_start3A_65] : memref<8192x256xf32, #tpu.memory_space<hbm>> -> memref<8192x256xf32, #tpu.memory_space<hbm>>
      tpu.enqueue_indirect_dma source(%dma_start3A_66 : memref<8192x256xf32, #tpu.memory_space<hbm>>) target(%arg7 : memref<128x256xf32, #tpu.memory_space<vmem>>) offsets(%dma_start3A_63 : memref<128xi32, #tpu.memory_space<vmem>>) semaphore(%arg9 : memref<!tpu.dma_semaphore, #tpu.memory_space<semaphore_mem>>)
    }
    %scan3A_16 = arith.constant 15 : i32
    %dma_wait3A = arith.constant 0 : i32
    %dma_wait3A_17 = tpu.memref_slice %arg5[%dma_wait3A] : memref<4096xi32, #tpu.memory_space<vmem>> -> memref<128xi32, #tpu.memory_space<vmem>>
    %dma_wait3A_18 = arith.constant 0 : i32
    %dma_wait3A_19 = arith.constant 0 : i32
    %dma_wait3A_20 = tpu.memref_slice %arg2[%dma_wait3A_18, %dma_wait3A_19] : memref<8192x256xf32, #tpu.memory_space<hbm>> -> memref<8192x256xf32, #tpu.memory_space<hbm>>
    tpu.wait_indirect_dma semaphore(%arg8 : memref<!tpu.dma_semaphore, #tpu.memory_space<semaphore_mem>>) src(%dma_wait3A_20 : memref<8192x256xf32, #tpu.memory_space<hbm>>) dst(%arg6 : memref<128x256xf32, #tpu.memory_space<vmem>>)
    %add3A_21 = arith.constant 3840 : i32
    %add3A_22 = arith.addi %mul3A_2, %add3A_21 : i32
    "tpu.region"() ({
      %run_scoped3A = tpu.sem_alloc : memref<!tpu.dma_semaphore, #tpu.memory_space<semaphore_mem>>
      %dma_start3A_30 = arith.constant 0 : i32
      %dma_start3A_31 = tpu.memref_slice %arg4[%add3A_22, %dma_start3A_30] : memref<131072x256xf32, #tpu.memory_space<hbm>> -> memref<128x256xf32, #tpu.memory_space<hbm>>
      %dma_start3A_32 = arith.constant 0 : i32
      %dma_start3A_33 = tpu.memref_slice %arg4[%add3A_22, %dma_start3A_32] : memref<131072x256xf32, #tpu.memory_space<hbm>> -> memref<128x256xf32, #tpu.memory_space<hbm>>
      tpu.enqueue_dma source(%arg6 : memref<128x256xf32, #tpu.memory_space<vmem>>) target(%dma_start3A_33 : memref<128x256xf32, #tpu.memory_space<hbm>>) target_semaphore(%run_scoped3A : memref<!tpu.dma_semaphore, #tpu.memory_space<semaphore_mem>>)
      %dma_wait3A_34 = arith.constant 0 : i32
      %dma_wait3A_35 = tpu.memref_slice %arg4[%add3A_22, %dma_wait3A_34] : memref<131072x256xf32, #tpu.memory_space<hbm>> -> memref<128x256xf32, #tpu.memory_space<hbm>>
      %dma_wait3A_36 = arith.constant 0 : i32
      %dma_wait3A_37 = tpu.memref_slice %arg4[%add3A_22, %dma_wait3A_36] : memref<131072x256xf32, #tpu.memory_space<hbm>> -> memref<128x256xf32, #tpu.memory_space<hbm>>
      tpu.wait_dma2 semaphore(%run_scoped3A : memref<!tpu.dma_semaphore, #tpu.memory_space<semaphore_mem>>) src(%arg6 : memref<128x256xf32, #tpu.memory_space<vmem>>) dst(%dma_wait3A_37 : memref<128x256xf32, #tpu.memory_space<hbm>>)
      tpu.yield
    }) : () -> ()
    %dma_wait3A_23 = arith.constant 0 : i32
    %dma_wait3A_24 = tpu.memref_slice %arg5[%dma_wait3A_23] : memref<4096xi32, #tpu.memory_space<vmem>> -> memref<128xi32, #tpu.memory_space<vmem>>
    %dma_wait3A_25 = arith.constant 0 : i32
    %dma_wait3A_26 = arith.constant 0 : i32
    %dma_wait3A_27 = tpu.memref_slice %arg2[%dma_wait3A_25, %dma_wait3A_26] : memref<8192x256xf32, #tpu.memory_space<hbm>> -> memref<8192x256xf32, #tpu.memory_space<hbm>>
    tpu.wait_indirect_dma semaphore(%arg9 : memref<!tpu.dma_semaphore, #tpu.memory_space<semaphore_mem>>) src(%dma_wait3A_27 : memref<8192x256xf32, #tpu.memory_space<hbm>>) dst(%arg7 : memref<128x256xf32, #tpu.memory_space<vmem>>)
    %add3A_28 = arith.constant 3968 : i32
    %add3A_29 = arith.addi %mul3A_2, %add3A_28 : i32
    "tpu.region"() ({
      %run_scoped3A = tpu.sem_alloc : memref<!tpu.dma_semaphore, #tpu.memory_space<semaphore_mem>>
      %dma_start3A_30 = arith.constant 0 : i32
      %dma_start3A_31 = tpu.memref_slice %arg4[%add3A_29, %dma_start3A_30] : memref<131072x256xf32, #tpu.memory_space<hbm>> -> memref<128x256xf32, #tpu.memory_space<hbm>>
      %dma_start3A_32 = arith.constant 0 : i32
      %dma_start3A_33 = tpu.memref_slice %arg4[%add3A_29, %dma_start3A_32] : memref<131072x256xf32, #tpu.memory_space<hbm>> -> memref<128x256xf32, #tpu.memory_space<hbm>>
      tpu.enqueue_dma source(%arg7 : memref<128x256xf32, #tpu.memory_space<vmem>>) target(%dma_start3A_33 : memref<128x256xf32, #tpu.memory_space<hbm>>) target_semaphore(%run_scoped3A : memref<!tpu.dma_semaphore, #tpu.memory_space<semaphore_mem>>)
      %dma_wait3A_34 = arith.constant 0 : i32
      %dma_wait3A_35 = tpu.memref_slice %arg4[%add3A_29, %dma_wait3A_34] : memref<131072x256xf32, #tpu.memory_space<hbm>> -> memref<128x256xf32, #tpu.memory_space<hbm>>
      %dma_wait3A_36 = arith.constant 0 : i32
      %dma_wait3A_37 = tpu.memref_slice %arg4[%add3A_29, %dma_wait3A_36] : memref<131072x256xf32, #tpu.memory_space<hbm>> -> memref<128x256xf32, #tpu.memory_space<hbm>>
      tpu.wait_dma2 semaphore(%run_scoped3A : memref<!tpu.dma_semaphore, #tpu.memory_space<semaphore_mem>>) src(%arg7 : memref<128x256xf32, #tpu.memory_space<vmem>>) dst(%dma_wait3A_37 : memref<128x256xf32, #tpu.memory_space<hbm>>)
      tpu.yield
    }) : () -> ()
    return
  }
}

#map = affine_map<(d0, d1) -> (0, 0)>
#map1 = affine_map<(d0, d1) -> (0)>
module attributes {stable_mosaic.version = 14 : i64} {
  func.func @gather(%arg0: i32, %arg1: i32, %arg2: memref<8192x128xf32, #tpu.memory_space<hbm>>, %arg3: memref<131072xi32, #tpu.memory_space<hbm>>, %arg4: memref<131072x128xf32, #tpu.memory_space<hbm>>, %arg5: memref<4096xi32, #tpu.memory_space<vmem>>, %arg6: memref<128x128xf32, #tpu.memory_space<vmem>>, %arg7: memref<128x128xf32, #tpu.memory_space<vmem>>, %arg8: memref<!tpu.dma_semaphore, #tpu.memory_space<semaphore_mem>>, %arg9: memref<!tpu.dma_semaphore, #tpu.memory_space<semaphore_mem>>) attributes {dimension_semantics = [#tpu.dimension_semantics<core_parallel>, #tpu.dimension_semantics<subcore_parallel>], iteration_bounds = array<i64: 2, 16>, scalar_prefetch = 0 : i64, scratch_operands = 5 : i64, tpu.core_type = #tpu.core_type<sc_vector_subcore>, window_params = [{transform_indices = #map}, {transform_indices = #map1}, {transform_indices = #map}]} {
    %mul3A = arith.constant 2 : i32
    %mul3A_0 = arith.muli %arg1, %mul3A : i32
    %add3A = arith.addi %mul3A_0, %arg0 : i32
    %mul3A_1 = arith.constant 4096 : i32
    %mul3A_2 = arith.muli %add3A, %mul3A_1 : i32
    "tpu.region"() ({
      %run_scoped3A = tpu.sem_alloc : memref<!tpu.dma_semaphore, #tpu.memory_space<semaphore_mem>>
      %dma_start3A_30 = tpu.memref_slice %arg3[%mul3A_2] : memref<131072xi32, #tpu.memory_space<hbm>> -> memref<4096xi32, #tpu.memory_space<hbm>>
      %dma_start3A_31 = tpu.memref_slice %arg3[%mul3A_2] : memref<131072xi32, #tpu.memory_space<hbm>> -> memref<4096xi32, #tpu.memory_space<hbm>>
      tpu.enqueue_dma source(%dma_start3A_31 : memref<4096xi32, #tpu.memory_space<hbm>>) target(%arg5 : memref<4096xi32, #tpu.memory_space<vmem>>) target_semaphore(%run_scoped3A : memref<!tpu.dma_semaphore, #tpu.memory_space<semaphore_mem>>)
      %dma_wait3A_32 = tpu.memref_slice %arg3[%mul3A_2] : memref<131072xi32, #tpu.memory_space<hbm>> -> memref<4096xi32, #tpu.memory_space<hbm>>
      %dma_wait3A_33 = tpu.memref_slice %arg3[%mul3A_2] : memref<131072xi32, #tpu.memory_space<hbm>> -> memref<4096xi32, #tpu.memory_space<hbm>>
      tpu.wait_dma2 semaphore(%run_scoped3A : memref<!tpu.dma_semaphore, #tpu.memory_space<semaphore_mem>>) src(%dma_wait3A_33 : memref<4096xi32, #tpu.memory_space<hbm>>) dst(%arg5 : memref<4096xi32, #tpu.memory_space<vmem>>)
      tpu.yield
    }) : () -> ()
    %dma_start3A = arith.constant 0 : i32
    %dma_start3A_3 = tpu.memref_slice %arg5[%dma_start3A] : memref<4096xi32, #tpu.memory_space<vmem>> -> memref<128xi32, #tpu.memory_space<vmem>>
    %dma_start3A_4 = arith.constant 0 : i32
    %dma_start3A_5 = arith.constant 0 : i32
    %dma_start3A_6 = tpu.memref_slice %arg2[%dma_start3A_4, %dma_start3A_5] : memref<8192x128xf32, #tpu.memory_space<hbm>> -> memref<8192x128xf32, #tpu.memory_space<hbm>>
    tpu.enqueue_indirect_dma source(%dma_start3A_6 : memref<8192x128xf32, #tpu.memory_space<hbm>>) target(%arg6 : memref<128x128xf32, #tpu.memory_space<vmem>>) offsets(%dma_start3A_3 : memref<128xi32, #tpu.memory_space<vmem>>) semaphore(%arg8 : memref<!tpu.dma_semaphore, #tpu.memory_space<semaphore_mem>>)
    %dma_start3A_7 = arith.constant 128 : i32
    %dma_start3A_8 = tpu.memref_slice %arg5[%dma_start3A_7] : memref<4096xi32, #tpu.memory_space<vmem>> -> memref<128xi32, #tpu.memory_space<vmem>>
    %dma_start3A_9 = arith.constant 0 : i32
    %dma_start3A_10 = arith.constant 0 : i32
    %dma_start3A_11 = tpu.memref_slice %arg2[%dma_start3A_9, %dma_start3A_10] : memref<8192x128xf32, #tpu.memory_space<hbm>> -> memref<8192x128xf32, #tpu.memory_space<hbm>>
    tpu.enqueue_indirect_dma source(%dma_start3A_11 : memref<8192x128xf32, #tpu.memory_space<hbm>>) target(%arg7 : memref<128x128xf32, #tpu.memory_space<vmem>>) offsets(%dma_start3A_8 : memref<128xi32, #tpu.memory_space<vmem>>) semaphore(%arg9 : memref<!tpu.dma_semaphore, #tpu.memory_space<semaphore_mem>>)
    %scan3A = arith.constant 0 : i32
    %scan3A_12 = arith.constant 0 : i32
    %scan3A_13 = arith.constant 15 : i32
    %scan3A_14 = arith.addi %scan3A_12, %scan3A_13 : i32
    %scan3A_15 = arith.constant 1 : i32
    scf.for %scan3A_30 = %scan3A_12 to %scan3A_14 step %scan3A_15  : i32 {
      %mul3A_31 = arith.constant 2 : i32
      %mul3A_32 = arith.muli %mul3A_31, %scan3A_30 : i32
      %dma_wait3A_33 = arith.constant 0 : i32
      %dma_wait3A_34 = tpu.memref_slice %arg5[%dma_wait3A_33] : memref<4096xi32, #tpu.memory_space<vmem>> -> memref<128xi32, #tpu.memory_space<vmem>>
      %dma_wait3A_35 = arith.constant 0 : i32
      %dma_wait3A_36 = arith.constant 0 : i32
      %dma_wait3A_37 = tpu.memref_slice %arg2[%dma_wait3A_35, %dma_wait3A_36] : memref<8192x128xf32, #tpu.memory_space<hbm>> -> memref<8192x128xf32, #tpu.memory_space<hbm>>
      tpu.wait_indirect_dma semaphore(%arg8 : memref<!tpu.dma_semaphore, #tpu.memory_space<semaphore_mem>>) src(%dma_wait3A_37 : memref<8192x128xf32, #tpu.memory_space<hbm>>) dst(%arg6 : memref<128x128xf32, #tpu.memory_space<vmem>>)
      %mul3A_38 = arith.constant 128 : i32
      %mul3A_39 = arith.muli %mul3A_32, %mul3A_38 : i32
      %add3A_40 = arith.addi %mul3A_2, %mul3A_39 : i32
      "tpu.region"() ({
        %run_scoped3A = tpu.sem_alloc : memref<!tpu.dma_semaphore, #tpu.memory_space<semaphore_mem>>
        %dma_start3A_67 = arith.constant 0 : i32
        %dma_start3A_68 = tpu.memref_slice %arg4[%add3A_40, %dma_start3A_67] : memref<131072x128xf32, #tpu.memory_space<hbm>> -> memref<128x128xf32, #tpu.memory_space<hbm>>
        %dma_start3A_69 = arith.constant 0 : i32
        %dma_start3A_70 = tpu.memref_slice %arg4[%add3A_40, %dma_start3A_69] : memref<131072x128xf32, #tpu.memory_space<hbm>> -> memref<128x128xf32, #tpu.memory_space<hbm>>
        tpu.enqueue_dma source(%arg6 : memref<128x128xf32, #tpu.memory_space<vmem>>) target(%dma_start3A_70 : memref<128x128xf32, #tpu.memory_space<hbm>>) target_semaphore(%run_scoped3A : memref<!tpu.dma_semaphore, #tpu.memory_space<semaphore_mem>>)
        %dma_wait3A_71 = arith.constant 0 : i32
        %dma_wait3A_72 = tpu.memref_slice %arg4[%add3A_40, %dma_wait3A_71] : memref<131072x128xf32, #tpu.memory_space<hbm>> -> memref<128x128xf32, #tpu.memory_space<hbm>>
        %dma_wait3A_73 = arith.constant 0 : i32
        %dma_wait3A_74 = tpu.memref_slice %arg4[%add3A_40, %dma_wait3A_73] : memref<131072x128xf32, #tpu.memory_space<hbm>> -> memref<128x128xf32, #tpu.memory_space<hbm>>
        tpu.wait_dma2 semaphore(%run_scoped3A : memref<!tpu.dma_semaphore, #tpu.memory_space<semaphore_mem>>) src(%arg6 : memref<128x128xf32, #tpu.memory_space<vmem>>) dst(%dma_wait3A_74 : memref<128x128xf32, #tpu.memory_space<hbm>>)
        tpu.yield
      }) : () -> ()
      %add3A_41 = arith.constant 2 : i32
      %add3A_42 = arith.addi %mul3A_32, %add3A_41 : i32
      %mul3A_43 = arith.constant 128 : i32
      %mul3A_44 = arith.muli %add3A_42, %mul3A_43 : i32
      %dma_start3A_45 = tpu.memref_slice %arg5[%mul3A_44] : memref<4096xi32, #tpu.memory_space<vmem>> -> memref<128xi32, #tpu.memory_space<vmem>>
      %dma_start3A_46 = arith.constant 0 : i32
      %dma_start3A_47 = arith.constant 0 : i32
      %dma_start3A_48 = tpu.memref_slice %arg2[%dma_start3A_46, %dma_start3A_47] : memref<8192x128xf32, #tpu.memory_space<hbm>> -> memref<8192x128xf32, #tpu.memory_space<hbm>>
      tpu.enqueue_indirect_dma source(%dma_start3A_48 : memref<8192x128xf32, #tpu.memory_space<hbm>>) target(%arg6 : memref<128x128xf32, #tpu.memory_space<vmem>>) offsets(%dma_start3A_45 : memref<128xi32, #tpu.memory_space<vmem>>) semaphore(%arg8 : memref<!tpu.dma_semaphore, #tpu.memory_space<semaphore_mem>>)
      %dma_wait3A_49 = arith.constant 0 : i32
      %dma_wait3A_50 = tpu.memref_slice %arg5[%dma_wait3A_49] : memref<4096xi32, #tpu.memory_space<vmem>> -> memref<128xi32, #tpu.memory_space<vmem>>
      %dma_wait3A_51 = arith.constant 0 : i32
      %dma_wait3A_52 = arith.constant 0 : i32
      %dma_wait3A_53 = tpu.memref_slice %arg2[%dma_wait3A_51, %dma_wait3A_52] : memref<8192x128xf32, #tpu.memory_space<hbm>> -> memref<8192x128xf32, #tpu.memory_space<hbm>>
      tpu.wait_indirect_dma semaphore(%arg9 : memref<!tpu.dma_semaphore, #tpu.memory_space<semaphore_mem>>) src(%dma_wait3A_53 : memref<8192x128xf32, #tpu.memory_space<hbm>>) dst(%arg7 : memref<128x128xf32, #tpu.memory_space<vmem>>)
      %add3A_54 = arith.constant 1 : i32
      %add3A_55 = arith.addi %mul3A_32, %add3A_54 : i32
      %mul3A_56 = arith.constant 128 : i32
      %mul3A_57 = arith.muli %add3A_55, %mul3A_56 : i32
      %add3A_58 = arith.addi %mul3A_2, %mul3A_57 : i32
      "tpu.region"() ({
        %run_scoped3A = tpu.sem_alloc : memref<!tpu.dma_semaphore, #tpu.memory_space<semaphore_mem>>
        %dma_start3A_67 = arith.constant 0 : i32
        %dma_start3A_68 = tpu.memref_slice %arg4[%add3A_58, %dma_start3A_67] : memref<131072x128xf32, #tpu.memory_space<hbm>> -> memref<128x128xf32, #tpu.memory_space<hbm>>
        %dma_start3A_69 = arith.constant 0 : i32
        %dma_start3A_70 = tpu.memref_slice %arg4[%add3A_58, %dma_start3A_69] : memref<131072x128xf32, #tpu.memory_space<hbm>> -> memref<128x128xf32, #tpu.memory_space<hbm>>
        tpu.enqueue_dma source(%arg7 : memref<128x128xf32, #tpu.memory_space<vmem>>) target(%dma_start3A_70 : memref<128x128xf32, #tpu.memory_space<hbm>>) target_semaphore(%run_scoped3A : memref<!tpu.dma_semaphore, #tpu.memory_space<semaphore_mem>>)
        %dma_wait3A_71 = arith.constant 0 : i32
        %dma_wait3A_72 = tpu.memref_slice %arg4[%add3A_58, %dma_wait3A_71] : memref<131072x128xf32, #tpu.memory_space<hbm>> -> memref<128x128xf32, #tpu.memory_space<hbm>>
        %dma_wait3A_73 = arith.constant 0 : i32
        %dma_wait3A_74 = tpu.memref_slice %arg4[%add3A_58, %dma_wait3A_73] : memref<131072x128xf32, #tpu.memory_space<hbm>> -> memref<128x128xf32, #tpu.memory_space<hbm>>
        tpu.wait_dma2 semaphore(%run_scoped3A : memref<!tpu.dma_semaphore, #tpu.memory_space<semaphore_mem>>) src(%arg7 : memref<128x128xf32, #tpu.memory_space<vmem>>) dst(%dma_wait3A_74 : memref<128x128xf32, #tpu.memory_space<hbm>>)
        tpu.yield
      }) : () -> ()
      %add3A_59 = arith.constant 3 : i32
      %add3A_60 = arith.addi %mul3A_32, %add3A_59 : i32
      %mul3A_61 = arith.constant 128 : i32
      %mul3A_62 = arith.muli %add3A_60, %mul3A_61 : i32
      %dma_start3A_63 = tpu.memref_slice %arg5[%mul3A_62] : memref<4096xi32, #tpu.memory_space<vmem>> -> memref<128xi32, #tpu.memory_space<vmem>>
      %dma_start3A_64 = arith.constant 0 : i32
      %dma_start3A_65 = arith.constant 0 : i32
      %dma_start3A_66 = tpu.memref_slice %arg2[%dma_start3A_64, %dma_start3A_65] : memref<8192x128xf32, #tpu.memory_space<hbm>> -> memref<8192x128xf32, #tpu.memory_space<hbm>>
      tpu.enqueue_indirect_dma source(%dma_start3A_66 : memref<8192x128xf32, #tpu.memory_space<hbm>>) target(%arg7 : memref<128x128xf32, #tpu.memory_space<vmem>>) offsets(%dma_start3A_63 : memref<128xi32, #tpu.memory_space<vmem>>) semaphore(%arg9 : memref<!tpu.dma_semaphore, #tpu.memory_space<semaphore_mem>>)
    }
    %scan3A_16 = arith.constant 15 : i32
    %dma_wait3A = arith.constant 0 : i32
    %dma_wait3A_17 = tpu.memref_slice %arg5[%dma_wait3A] : memref<4096xi32, #tpu.memory_space<vmem>> -> memref<128xi32, #tpu.memory_space<vmem>>
    %dma_wait3A_18 = arith.constant 0 : i32
    %dma_wait3A_19 = arith.constant 0 : i32
    %dma_wait3A_20 = tpu.memref_slice %arg2[%dma_wait3A_18, %dma_wait3A_19] : memref<8192x128xf32, #tpu.memory_space<hbm>> -> memref<8192x128xf32, #tpu.memory_space<hbm>>
    tpu.wait_indirect_dma semaphore(%arg8 : memref<!tpu.dma_semaphore, #tpu.memory_space<semaphore_mem>>) src(%dma_wait3A_20 : memref<8192x128xf32, #tpu.memory_space<hbm>>) dst(%arg6 : memref<128x128xf32, #tpu.memory_space<vmem>>)
    %add3A_21 = arith.constant 3840 : i32
    %add3A_22 = arith.addi %mul3A_2, %add3A_21 : i32
    "tpu.region"() ({
      %run_scoped3A = tpu.sem_alloc : memref<!tpu.dma_semaphore, #tpu.memory_space<semaphore_mem>>
      %dma_start3A_30 = arith.constant 0 : i32
      %dma_start3A_31 = tpu.memref_slice %arg4[%add3A_22, %dma_start3A_30] : memref<131072x128xf32, #tpu.memory_space<hbm>> -> memref<128x128xf32, #tpu.memory_space<hbm>>
      %dma_start3A_32 = arith.constant 0 : i32
      %dma_start3A_33 = tpu.memref_slice %arg4[%add3A_22, %dma_start3A_32] : memref<131072x128xf32, #tpu.memory_space<hbm>> -> memref<128x128xf32, #tpu.memory_space<hbm>>
      tpu.enqueue_dma source(%arg6 : memref<128x128xf32, #tpu.memory_space<vmem>>) target(%dma_start3A_33 : memref<128x128xf32, #tpu.memory_space<hbm>>) target_semaphore(%run_scoped3A : memref<!tpu.dma_semaphore, #tpu.memory_space<semaphore_mem>>)
      %dma_wait3A_34 = arith.constant 0 : i32
      %dma_wait3A_35 = tpu.memref_slice %arg4[%add3A_22, %dma_wait3A_34] : memref<131072x128xf32, #tpu.memory_space<hbm>> -> memref<128x128xf32, #tpu.memory_space<hbm>>
      %dma_wait3A_36 = arith.constant 0 : i32
      %dma_wait3A_37 = tpu.memref_slice %arg4[%add3A_22, %dma_wait3A_36] : memref<131072x128xf32, #tpu.memory_space<hbm>> -> memref<128x128xf32, #tpu.memory_space<hbm>>
      tpu.wait_dma2 semaphore(%run_scoped3A : memref<!tpu.dma_semaphore, #tpu.memory_space<semaphore_mem>>) src(%arg6 : memref<128x128xf32, #tpu.memory_space<vmem>>) dst(%dma_wait3A_37 : memref<128x128xf32, #tpu.memory_space<hbm>>)
      tpu.yield
    }) : () -> ()
    %dma_wait3A_23 = arith.constant 0 : i32
    %dma_wait3A_24 = tpu.memref_slice %arg5[%dma_wait3A_23] : memref<4096xi32, #tpu.memory_space<vmem>> -> memref<128xi32, #tpu.memory_space<vmem>>
    %dma_wait3A_25 = arith.constant 0 : i32
    %dma_wait3A_26 = arith.constant 0 : i32
    %dma_wait3A_27 = tpu.memref_slice %arg2[%dma_wait3A_25, %dma_wait3A_26] : memref<8192x128xf32, #tpu.memory_space<hbm>> -> memref<8192x128xf32, #tpu.memory_space<hbm>>
    tpu.wait_indirect_dma semaphore(%arg9 : memref<!tpu.dma_semaphore, #tpu.memory_space<semaphore_mem>>) src(%dma_wait3A_27 : memref<8192x128xf32, #tpu.memory_space<hbm>>) dst(%arg7 : memref<128x128xf32, #tpu.memory_space<vmem>>)
    %add3A_28 = arith.constant 3968 : i32
    %add3A_29 = arith.addi %mul3A_2, %add3A_28 : i32
    "tpu.region"() ({
      %run_scoped3A = tpu.sem_alloc : memref<!tpu.dma_semaphore, #tpu.memory_space<semaphore_mem>>
      %dma_start3A_30 = arith.constant 0 : i32
      %dma_start3A_31 = tpu.memref_slice %arg4[%add3A_29, %dma_start3A_30] : memref<131072x128xf32, #tpu.memory_space<hbm>> -> memref<128x128xf32, #tpu.memory_space<hbm>>
      %dma_start3A_32 = arith.constant 0 : i32
      %dma_start3A_33 = tpu.memref_slice %arg4[%add3A_29, %dma_start3A_32] : memref<131072x128xf32, #tpu.memory_space<hbm>> -> memref<128x128xf32, #tpu.memory_space<hbm>>
      tpu.enqueue_dma source(%arg7 : memref<128x128xf32, #tpu.memory_space<vmem>>) target(%dma_start3A_33 : memref<128x128xf32, #tpu.memory_space<hbm>>) target_semaphore(%run_scoped3A : memref<!tpu.dma_semaphore, #tpu.memory_space<semaphore_mem>>)
      %dma_wait3A_34 = arith.constant 0 : i32
      %dma_wait3A_35 = tpu.memref_slice %arg4[%add3A_29, %dma_wait3A_34] : memref<131072x128xf32, #tpu.memory_space<hbm>> -> memref<128x128xf32, #tpu.memory_space<hbm>>
      %dma_wait3A_36 = arith.constant 0 : i32
      %dma_wait3A_37 = tpu.memref_slice %arg4[%add3A_29, %dma_wait3A_36] : memref<131072x128xf32, #tpu.memory_space<hbm>> -> memref<128x128xf32, #tpu.memory_space<hbm>>
      tpu.wait_dma2 semaphore(%run_scoped3A : memref<!tpu.dma_semaphore, #tpu.memory_space<semaphore_mem>>) src(%arg7 : memref<128x128xf32, #tpu.memory_space<vmem>>) dst(%dma_wait3A_37 : memref<128x128xf32, #tpu.memory_space<hbm>>)
      tpu.yield
    }) : () -> ()
    return
  }
}

#map = affine_map<(d0, d1) -> (0, 0)>
#map1 = affine_map<(d0, d1) -> (0)>
module attributes {stable_mosaic.version = 14 : i64} {
  func.func @gather(%arg0: i32, %arg1: i32, %arg2: memref<8192x128xf32, #tpu.memory_space<hbm>>, %arg3: memref<131072xi32, #tpu.memory_space<hbm>>, %arg4: memref<131072x128xf32, #tpu.memory_space<hbm>>, %arg5: memref<4096xi32, #tpu.memory_space<vmem>>, %arg6: memref<128x128xf32, #tpu.memory_space<vmem>>, %arg7: memref<128x128xf32, #tpu.memory_space<vmem>>, %arg8: memref<!tpu.dma_semaphore, #tpu.memory_space<semaphore_mem>>, %arg9: memref<!tpu.dma_semaphore, #tpu.memory_space<semaphore_mem>>) attributes {dimension_semantics = [#tpu.dimension_semantics<core_parallel>, #tpu.dimension_semantics<subcore_parallel>], iteration_bounds = array<i64: 2, 16>, scalar_prefetch = 0 : i64, scratch_operands = 5 : i64, tpu.core_type = #tpu.core_type<sc_vector_subcore>, window_params = [{transform_indices = #map}, {transform_indices = #map1}, {transform_indices = #map}]} {
    %mul3A = arith.constant 2 : i32
    %mul3A_0 = arith.muli %arg1, %mul3A : i32
    %add3A = arith.addi %mul3A_0, %arg0 : i32
    %mul3A_1 = arith.constant 4096 : i32
    %mul3A_2 = arith.muli %add3A, %mul3A_1 : i32
    "tpu.region"() ({
      %run_scoped3A = tpu.sem_alloc : memref<!tpu.dma_semaphore, #tpu.memory_space<semaphore_mem>>
      %dma_start3A_30 = tpu.memref_slice %arg3[%mul3A_2] : memref<131072xi32, #tpu.memory_space<hbm>> -> memref<4096xi32, #tpu.memory_space<hbm>>
      %dma_start3A_31 = tpu.memref_slice %arg3[%mul3A_2] : memref<131072xi32, #tpu.memory_space<hbm>> -> memref<4096xi32, #tpu.memory_space<hbm>>
      tpu.enqueue_dma source(%dma_start3A_31 : memref<4096xi32, #tpu.memory_space<hbm>>) target(%arg5 : memref<4096xi32, #tpu.memory_space<vmem>>) target_semaphore(%run_scoped3A : memref<!tpu.dma_semaphore, #tpu.memory_space<semaphore_mem>>)
      %dma_wait3A_32 = tpu.memref_slice %arg3[%mul3A_2] : memref<131072xi32, #tpu.memory_space<hbm>> -> memref<4096xi32, #tpu.memory_space<hbm>>
      %dma_wait3A_33 = tpu.memref_slice %arg3[%mul3A_2] : memref<131072xi32, #tpu.memory_space<hbm>> -> memref<4096xi32, #tpu.memory_space<hbm>>
      tpu.wait_dma2 semaphore(%run_scoped3A : memref<!tpu.dma_semaphore, #tpu.memory_space<semaphore_mem>>) src(%dma_wait3A_33 : memref<4096xi32, #tpu.memory_space<hbm>>) dst(%arg5 : memref<4096xi32, #tpu.memory_space<vmem>>)
      tpu.yield
    }) : () -> ()
    %dma_start3A = arith.constant 0 : i32
    %dma_start3A_3 = tpu.memref_slice %arg5[%dma_start3A] : memref<4096xi32, #tpu.memory_space<vmem>> -> memref<128xi32, #tpu.memory_space<vmem>>
    %dma_start3A_4 = arith.constant 0 : i32
    %dma_start3A_5 = arith.constant 0 : i32
    %dma_start3A_6 = tpu.memref_slice %arg2[%dma_start3A_4, %dma_start3A_5] : memref<8192x128xf32, #tpu.memory_space<hbm>> -> memref<8192x128xf32, #tpu.memory_space<hbm>>
    tpu.enqueue_indirect_dma source(%dma_start3A_6 : memref<8192x128xf32, #tpu.memory_space<hbm>>) target(%arg6 : memref<128x128xf32, #tpu.memory_space<vmem>>) offsets(%dma_start3A_3 : memref<128xi32, #tpu.memory_space<vmem>>) semaphore(%arg8 : memref<!tpu.dma_semaphore, #tpu.memory_space<semaphore_mem>>)
    %dma_start3A_7 = arith.constant 128 : i32
    %dma_start3A_8 = tpu.memref_slice %arg5[%dma_start3A_7] : memref<4096xi32, #tpu.memory_space<vmem>> -> memref<128xi32, #tpu.memory_space<vmem>>
    %dma_start3A_9 = arith.constant 0 : i32
    %dma_start3A_10 = arith.constant 0 : i32
    %dma_start3A_11 = tpu.memref_slice %arg2[%dma_start3A_9, %dma_start3A_10] : memref<8192x128xf32, #tpu.memory_space<hbm>> -> memref<8192x128xf32, #tpu.memory_space<hbm>>
    tpu.enqueue_indirect_dma source(%dma_start3A_11 : memref<8192x128xf32, #tpu.memory_space<hbm>>) target(%arg7 : memref<128x128xf32, #tpu.memory_space<vmem>>) offsets(%dma_start3A_8 : memref<128xi32, #tpu.memory_space<vmem>>) semaphore(%arg9 : memref<!tpu.dma_semaphore, #tpu.memory_space<semaphore_mem>>)
    %scan3A = arith.constant 0 : i32
    %scan3A_12 = arith.constant 0 : i32
    %scan3A_13 = arith.constant 15 : i32
    %scan3A_14 = arith.addi %scan3A_12, %scan3A_13 : i32
    %scan3A_15 = arith.constant 1 : i32
    scf.for %scan3A_30 = %scan3A_12 to %scan3A_14 step %scan3A_15  : i32 {
      %mul3A_31 = arith.constant 2 : i32
      %mul3A_32 = arith.muli %mul3A_31, %scan3A_30 : i32
      %dma_wait3A_33 = arith.constant 0 : i32
      %dma_wait3A_34 = tpu.memref_slice %arg5[%dma_wait3A_33] : memref<4096xi32, #tpu.memory_space<vmem>> -> memref<128xi32, #tpu.memory_space<vmem>>
      %dma_wait3A_35 = arith.constant 0 : i32
      %dma_wait3A_36 = arith.constant 0 : i32
      %dma_wait3A_37 = tpu.memref_slice %arg2[%dma_wait3A_35, %dma_wait3A_36] : memref<8192x128xf32, #tpu.memory_space<hbm>> -> memref<8192x128xf32, #tpu.memory_space<hbm>>
      tpu.wait_indirect_dma semaphore(%arg8 : memref<!tpu.dma_semaphore, #tpu.memory_space<semaphore_mem>>) src(%dma_wait3A_37 : memref<8192x128xf32, #tpu.memory_space<hbm>>) dst(%arg6 : memref<128x128xf32, #tpu.memory_space<vmem>>)
      %mul3A_38 = arith.constant 128 : i32
      %mul3A_39 = arith.muli %mul3A_32, %mul3A_38 : i32
      %add3A_40 = arith.addi %mul3A_2, %mul3A_39 : i32
      "tpu.region"() ({
        %run_scoped3A = tpu.sem_alloc : memref<!tpu.dma_semaphore, #tpu.memory_space<semaphore_mem>>
        %dma_start3A_67 = arith.constant 0 : i32
        %dma_start3A_68 = tpu.memref_slice %arg4[%add3A_40, %dma_start3A_67] : memref<131072x128xf32, #tpu.memory_space<hbm>> -> memref<128x128xf32, #tpu.memory_space<hbm>>
        %dma_start3A_69 = arith.constant 0 : i32
        %dma_start3A_70 = tpu.memref_slice %arg4[%add3A_40, %dma_start3A_69] : memref<131072x128xf32, #tpu.memory_space<hbm>> -> memref<128x128xf32, #tpu.memory_space<hbm>>
        tpu.enqueue_dma source(%arg6 : memref<128x128xf32, #tpu.memory_space<vmem>>) target(%dma_start3A_70 : memref<128x128xf32, #tpu.memory_space<hbm>>) target_semaphore(%run_scoped3A : memref<!tpu.dma_semaphore, #tpu.memory_space<semaphore_mem>>)
        %dma_wait3A_71 = arith.constant 0 : i32
        %dma_wait3A_72 = tpu.memref_slice %arg4[%add3A_40, %dma_wait3A_71] : memref<131072x128xf32, #tpu.memory_space<hbm>> -> memref<128x128xf32, #tpu.memory_space<hbm>>
        %dma_wait3A_73 = arith.constant 0 : i32
        %dma_wait3A_74 = tpu.memref_slice %arg4[%add3A_40, %dma_wait3A_73] : memref<131072x128xf32, #tpu.memory_space<hbm>> -> memref<128x128xf32, #tpu.memory_space<hbm>>
        tpu.wait_dma2 semaphore(%run_scoped3A : memref<!tpu.dma_semaphore, #tpu.memory_space<semaphore_mem>>) src(%arg6 : memref<128x128xf32, #tpu.memory_space<vmem>>) dst(%dma_wait3A_74 : memref<128x128xf32, #tpu.memory_space<hbm>>)
        tpu.yield
      }) : () -> ()
      %add3A_41 = arith.constant 2 : i32
      %add3A_42 = arith.addi %mul3A_32, %add3A_41 : i32
      %mul3A_43 = arith.constant 128 : i32
      %mul3A_44 = arith.muli %add3A_42, %mul3A_43 : i32
      %dma_start3A_45 = tpu.memref_slice %arg5[%mul3A_44] : memref<4096xi32, #tpu.memory_space<vmem>> -> memref<128xi32, #tpu.memory_space<vmem>>
      %dma_start3A_46 = arith.constant 0 : i32
      %dma_start3A_47 = arith.constant 0 : i32
      %dma_start3A_48 = tpu.memref_slice %arg2[%dma_start3A_46, %dma_start3A_47] : memref<8192x128xf32, #tpu.memory_space<hbm>> -> memref<8192x128xf32, #tpu.memory_space<hbm>>
      tpu.enqueue_indirect_dma source(%dma_start3A_48 : memref<8192x128xf32, #tpu.memory_space<hbm>>) target(%arg6 : memref<128x128xf32, #tpu.memory_space<vmem>>) offsets(%dma_start3A_45 : memref<128xi32, #tpu.memory_space<vmem>>) semaphore(%arg8 : memref<!tpu.dma_semaphore, #tpu.memory_space<semaphore_mem>>)
      %dma_wait3A_49 = arith.constant 0 : i32
      %dma_wait3A_50 = tpu.memref_slice %arg5[%dma_wait3A_49] : memref<4096xi32, #tpu.memory_space<vmem>> -> memref<128xi32, #tpu.memory_space<vmem>>
      %dma_wait3A_51 = arith.constant 0 : i32
      %dma_wait3A_52 = arith.constant 0 : i32
      %dma_wait3A_53 = tpu.memref_slice %arg2[%dma_wait3A_51, %dma_wait3A_52] : memref<8192x128xf32, #tpu.memory_space<hbm>> -> memref<8192x128xf32, #tpu.memory_space<hbm>>
      tpu.wait_indirect_dma semaphore(%arg9 : memref<!tpu.dma_semaphore, #tpu.memory_space<semaphore_mem>>) src(%dma_wait3A_53 : memref<8192x128xf32, #tpu.memory_space<hbm>>) dst(%arg7 : memref<128x128xf32, #tpu.memory_space<vmem>>)
      %add3A_54 = arith.constant 1 : i32
      %add3A_55 = arith.addi %mul3A_32, %add3A_54 : i32
      %mul3A_56 = arith.constant 128 : i32
      %mul3A_57 = arith.muli %add3A_55, %mul3A_56 : i32
      %add3A_58 = arith.addi %mul3A_2, %mul3A_57 : i32
      "tpu.region"() ({
        %run_scoped3A = tpu.sem_alloc : memref<!tpu.dma_semaphore, #tpu.memory_space<semaphore_mem>>
        %dma_start3A_67 = arith.constant 0 : i32
        %dma_start3A_68 = tpu.memref_slice %arg4[%add3A_58, %dma_start3A_67] : memref<131072x128xf32, #tpu.memory_space<hbm>> -> memref<128x128xf32, #tpu.memory_space<hbm>>
        %dma_start3A_69 = arith.constant 0 : i32
        %dma_start3A_70 = tpu.memref_slice %arg4[%add3A_58, %dma_start3A_69] : memref<131072x128xf32, #tpu.memory_space<hbm>> -> memref<128x128xf32, #tpu.memory_space<hbm>>
        tpu.enqueue_dma source(%arg7 : memref<128x128xf32, #tpu.memory_space<vmem>>) target(%dma_start3A_70 : memref<128x128xf32, #tpu.memory_space<hbm>>) target_semaphore(%run_scoped3A : memref<!tpu.dma_semaphore, #tpu.memory_space<semaphore_mem>>)
        %dma_wait3A_71 = arith.constant 0 : i32
        %dma_wait3A_72 = tpu.memref_slice %arg4[%add3A_58, %dma_wait3A_71] : memref<131072x128xf32, #tpu.memory_space<hbm>> -> memref<128x128xf32, #tpu.memory_space<hbm>>
        %dma_wait3A_73 = arith.constant 0 : i32
        %dma_wait3A_74 = tpu.memref_slice %arg4[%add3A_58, %dma_wait3A_73] : memref<131072x128xf32, #tpu.memory_space<hbm>> -> memref<128x128xf32, #tpu.memory_space<hbm>>
        tpu.wait_dma2 semaphore(%run_scoped3A : memref<!tpu.dma_semaphore, #tpu.memory_space<semaphore_mem>>) src(%arg7 : memref<128x128xf32, #tpu.memory_space<vmem>>) dst(%dma_wait3A_74 : memref<128x128xf32, #tpu.memory_space<hbm>>)
        tpu.yield
      }) : () -> ()
      %add3A_59 = arith.constant 3 : i32
      %add3A_60 = arith.addi %mul3A_32, %add3A_59 : i32
      %mul3A_61 = arith.constant 128 : i32
      %mul3A_62 = arith.muli %add3A_60, %mul3A_61 : i32
      %dma_start3A_63 = tpu.memref_slice %arg5[%mul3A_62] : memref<4096xi32, #tpu.memory_space<vmem>> -> memref<128xi32, #tpu.memory_space<vmem>>
      %dma_start3A_64 = arith.constant 0 : i32
      %dma_start3A_65 = arith.constant 0 : i32
      %dma_start3A_66 = tpu.memref_slice %arg2[%dma_start3A_64, %dma_start3A_65] : memref<8192x128xf32, #tpu.memory_space<hbm>> -> memref<8192x128xf32, #tpu.memory_space<hbm>>
      tpu.enqueue_indirect_dma source(%dma_start3A_66 : memref<8192x128xf32, #tpu.memory_space<hbm>>) target(%arg7 : memref<128x128xf32, #tpu.memory_space<vmem>>) offsets(%dma_start3A_63 : memref<128xi32, #tpu.memory_space<vmem>>) semaphore(%arg9 : memref<!tpu.dma_semaphore, #tpu.memory_space<semaphore_mem>>)
    }
    %scan3A_16 = arith.constant 15 : i32
    %dma_wait3A = arith.constant 0 : i32
    %dma_wait3A_17 = tpu.memref_slice %arg5[%dma_wait3A] : memref<4096xi32, #tpu.memory_space<vmem>> -> memref<128xi32, #tpu.memory_space<vmem>>
    %dma_wait3A_18 = arith.constant 0 : i32
    %dma_wait3A_19 = arith.constant 0 : i32
    %dma_wait3A_20 = tpu.memref_slice %arg2[%dma_wait3A_18, %dma_wait3A_19] : memref<8192x128xf32, #tpu.memory_space<hbm>> -> memref<8192x128xf32, #tpu.memory_space<hbm>>
    tpu.wait_indirect_dma semaphore(%arg8 : memref<!tpu.dma_semaphore, #tpu.memory_space<semaphore_mem>>) src(%dma_wait3A_20 : memref<8192x128xf32, #tpu.memory_space<hbm>>) dst(%arg6 : memref<128x128xf32, #tpu.memory_space<vmem>>)
    %add3A_21 = arith.constant 3840 : i32
    %add3A_22 = arith.addi %mul3A_2, %add3A_21 : i32
    "tpu.region"() ({
      %run_scoped3A = tpu.sem_alloc : memref<!tpu.dma_semaphore, #tpu.memory_space<semaphore_mem>>
      %dma_start3A_30 = arith.constant 0 : i32
      %dma_start3A_31 = tpu.memref_slice %arg4[%add3A_22, %dma_start3A_30] : memref<131072x128xf32, #tpu.memory_space<hbm>> -> memref<128x128xf32, #tpu.memory_space<hbm>>
      %dma_start3A_32 = arith.constant 0 : i32
      %dma_start3A_33 = tpu.memref_slice %arg4[%add3A_22, %dma_start3A_32] : memref<131072x128xf32, #tpu.memory_space<hbm>> -> memref<128x128xf32, #tpu.memory_space<hbm>>
      tpu.enqueue_dma source(%arg6 : memref<128x128xf32, #tpu.memory_space<vmem>>) target(%dma_start3A_33 : memref<128x128xf32, #tpu.memory_space<hbm>>) target_semaphore(%run_scoped3A : memref<!tpu.dma_semaphore, #tpu.memory_space<semaphore_mem>>)
      %dma_wait3A_34 = arith.constant 0 : i32
      %dma_wait3A_35 = tpu.memref_slice %arg4[%add3A_22, %dma_wait3A_34] : memref<131072x128xf32, #tpu.memory_space<hbm>> -> memref<128x128xf32, #tpu.memory_space<hbm>>
      %dma_wait3A_36 = arith.constant 0 : i32
      %dma_wait3A_37 = tpu.memref_slice %arg4[%add3A_22, %dma_wait3A_36] : memref<131072x128xf32, #tpu.memory_space<hbm>> -> memref<128x128xf32, #tpu.memory_space<hbm>>
      tpu.wait_dma2 semaphore(%run_scoped3A : memref<!tpu.dma_semaphore, #tpu.memory_space<semaphore_mem>>) src(%arg6 : memref<128x128xf32, #tpu.memory_space<vmem>>) dst(%dma_wait3A_37 : memref<128x128xf32, #tpu.memory_space<hbm>>)
      tpu.yield
    }) : () -> ()
    %dma_wait3A_23 = arith.constant 0 : i32
    %dma_wait3A_24 = tpu.memref_slice %arg5[%dma_wait3A_23] : memref<4096xi32, #tpu.memory_space<vmem>> -> memref<128xi32, #tpu.memory_space<vmem>>
    %dma_wait3A_25 = arith.constant 0 : i32
    %dma_wait3A_26 = arith.constant 0 : i32
    %dma_wait3A_27 = tpu.memref_slice %arg2[%dma_wait3A_25, %dma_wait3A_26] : memref<8192x128xf32, #tpu.memory_space<hbm>> -> memref<8192x128xf32, #tpu.memory_space<hbm>>
    tpu.wait_indirect_dma semaphore(%arg9 : memref<!tpu.dma_semaphore, #tpu.memory_space<semaphore_mem>>) src(%dma_wait3A_27 : memref<8192x128xf32, #tpu.memory_space<hbm>>) dst(%arg7 : memref<128x128xf32, #tpu.memory_space<vmem>>)
    %add3A_28 = arith.constant 3968 : i32
    %add3A_29 = arith.addi %mul3A_2, %add3A_28 : i32
    "tpu.region"() ({
      %run_scoped3A = tpu.sem_alloc : memref<!tpu.dma_semaphore, #tpu.memory_space<semaphore_mem>>
      %dma_start3A_30 = arith.constant 0 : i32
      %dma_start3A_31 = tpu.memref_slice %arg4[%add3A_29, %dma_start3A_30] : memref<131072x128xf32, #tpu.memory_space<hbm>> -> memref<128x128xf32, #tpu.memory_space<hbm>>
      %dma_start3A_32 = arith.constant 0 : i32
      %dma_start3A_33 = tpu.memref_slice %arg4[%add3A_29, %dma_start3A_32] : memref<131072x128xf32, #tpu.memory_space<hbm>> -> memref<128x128xf32, #tpu.memory_space<hbm>>
      tpu.enqueue_dma source(%arg7 : memref<128x128xf32, #tpu.memory_space<vmem>>) target(%dma_start3A_33 : memref<128x128xf32, #tpu.memory_space<hbm>>) target_semaphore(%run_scoped3A : memref<!tpu.dma_semaphore, #tpu.memory_space<semaphore_mem>>)
      %dma_wait3A_34 = arith.constant 0 : i32
      %dma_wait3A_35 = tpu.memref_slice %arg4[%add3A_29, %dma_wait3A_34] : memref<131072x128xf32, #tpu.memory_space<hbm>> -> memref<128x128xf32, #tpu.memory_space<hbm>>
      %dma_wait3A_36 = arith.constant 0 : i32
      %dma_wait3A_37 = tpu.memref_slice %arg4[%add3A_29, %dma_wait3A_36] : memref<131072x128xf32, #tpu.memory_space<hbm>> -> memref<128x128xf32, #tpu.memory_space<hbm>>
      tpu.wait_dma2 semaphore(%run_scoped3A : memref<!tpu.dma_semaphore, #tpu.memory_space<semaphore_mem>>) src(%arg7 : memref<128x128xf32, #tpu.memory_space<vmem>>) dst(%dma_wait3A_37 : memref<128x128xf32, #tpu.memory_space<hbm>>)
      tpu.yield
    }) : () -> ()
    return
  }
}

module attributes {stable_mosaic.version = 14 : i64} {
  func.func @_ptm0_body(%arg0: memref<8192x128xf32, #tpu.memory_space<vmem>>, %arg1: memref<128x32xf32, #tpu.memory_space<vmem>>, %arg2: memref<8x32xf32, #tpu.memory_space<vmem>>) attributes {dimension_semantics = [], scalar_prefetch = 0 : i64, scratch_operands = 0 : i64, tpu.core_type = #tpu.core_type<tc>} {
    %get3A = arith.constant 0 : index
    %get3A_0 = arith.constant 0 : index
    %get3A_1 = vector.load %arg0[%get3A, %get3A_0] : memref<8192x128xf32, #tpu.memory_space<vmem>>, vector<8192x128xf32>
    %get3A_2 = arith.constant 0 : index
    %get3A_3 = arith.constant 0 : index
    %get3A_4 = vector.load %arg1[%get3A_2, %get3A_3] : memref<128x32xf32, #tpu.memory_space<vmem>>, vector<128x32xf32>
    %dot_general3A = arith.constant dense<0.000000e+00> : vector<8192x32xf32>
    %dot_general3A_5 = tpu.matmul %get3A_1, %get3A_4, %dot_general3A {dimension_numbers = #tpu.dot_dimension_numbers<[1], [0], [0], [1], [0, 0, 1, 1], [], []>, transpose_lhs_hint = false} : vector<8192x128xf32>, vector<128x32xf32>, vector<8192x32xf32> -> vector<8192x32xf32>
    %reduce_sum3A = arith.constant dense<0.000000e+00> : vector<32xf32>
    %reduce_sum3A_6 = vector.multi_reduction <add>, %dot_general3A_5, %reduce_sum3A [0] : vector<8192x32xf32> to vector<32xf32>
    %broadcast_in_dim3A = vector.shape_cast %reduce_sum3A_6 : vector<32xf32> to vector<1x32xf32>
    %mul3A = arith.mulf %dot_general3A_5, %dot_general3A_5 : vector<8192x32xf32>
    %reduce_sum3A_7 = arith.constant dense<0.000000e+00> : vector<32xf32>
    %reduce_sum3A_8 = vector.multi_reduction <add>, %mul3A, %reduce_sum3A_7 [0] : vector<8192x32xf32> to vector<32xf32>
    %broadcast_in_dim3A_9 = vector.shape_cast %reduce_sum3A_8 : vector<32xf32> to vector<1x32xf32>
    %broadcast_in_dim3A_10 = arith.constant 0.000000e+00 : f32
    %broadcast_in_dim3A_11 = vector.broadcast %broadcast_in_dim3A_10 : f32 to vector<6x32xf32>
    %concatenate3A = tpu.concatenate %broadcast_in_dim3A, %broadcast_in_dim3A_9, %broadcast_in_dim3A_11 in 0 : vector<1x32xf32>, vector<1x32xf32>, vector<6x32xf32> -> vector<8x32xf32>
    %swap3A = arith.constant 0 : index
    %swap3A_12 = arith.constant 0 : index
    %swap3A_13 = vector.load %arg2[%swap3A, %swap3A_12] : memref<8x32xf32, #tpu.memory_space<vmem>>, vector<8x32xf32>
    tpu.vector_store %arg2[%swap3A, %swap3A_12], %concatenate3A {strides = array<i32>} : memref<8x32xf32, #tpu.memory_space<vmem>>, vector<8x32xf32>,
    return
  }
}

module attributes {stable_mosaic.version = 14 : i64} {
  func.func @_body0_body(%arg0: i32, %arg1: memref<16x512x256xf32, #tpu.memory_space<vmem>>, %arg2: memref<512x16xf32, #tpu.memory_space<vmem>>, %arg3: memref<16x32xf32, #tpu.memory_space<vmem>>, %arg4: memref<1x32xf32, #tpu.memory_space<vmem>>, %arg5: memref<640x128xf32, #tpu.memory_space<vmem>>, %arg6: memref<512x128xf32, #tpu.memory_space<vmem>>, %arg7: memref<8x128xf32, #tpu.memory_space<vmem>>, %arg8: memref<16x512x32xbf16, #tpu.memory_space<vmem>>) attributes {dimension_semantics = [#tpu.dimension_semantics<arbitrary>], iteration_bounds = array<i64: 16>, scalar_prefetch = 0 : i64, scratch_operands = 0 : i64, tpu.core_type = #tpu.core_type<tc>, window_params = [{transform_indices = @transform_0, window_bounds = array<i64: 16, 512, 256>}, {transform_indices = @transform_1, window_bounds = array<i64: 512, 16>}, {pipeline_mode = #tpu.pipeline_mode<synchronous>, transform_indices = @transform_2, window_bounds = array<i64: 16, 32>}, {pipeline_mode = #tpu.pipeline_mode<synchronous>, transform_indices = @transform_3, window_bounds = array<i64: 1, 32>}, {pipeline_mode = #tpu.pipeline_mode<synchronous>, transform_indices = @transform_4, window_bounds = array<i64: 640, 128>}, {transform_indices = @transform_5, window_bounds = array<i64: 512, 128>}, {pipeline_mode = #tpu.pipeline_mode<synchronous>, transform_indices = @transform_6, window_bounds = array<i64: 8, 128>}, {transform_indices = @transform_7, window_bounds = array<i64: 16, 512, 32>}]} {
    %get3A = arith.constant 0 : index
    %get3A_0 = arith.constant 0 : index
    %get3A_1 = arith.constant 128 : index
    %get3A_2 = vector.load %arg1[%get3A, %get3A_0, %get3A_1] : memref<16x512x256xf32, #tpu.memory_space<vmem>>, vector<16x512x16xf32>
    %get3A_3 = arith.constant 0 : index
    %get3A_4 = arith.constant 0 : index
    %get3A_5 = vector.load %arg2[%get3A_3, %get3A_4] : memref<512x16xf32, #tpu.memory_space<vmem>>, vector<512x16xf32>
    %reshape3A = vector.shape_cast %get3A_5 : vector<512x16xf32> to vector<1x512x16xf32>
    %sub3A = vector.broadcast %reshape3A : vector<1x512x16xf32> to vector<16x512x16xf32>
    %sub3A_6 = arith.subf %get3A_2, %sub3A : vector<16x512x16xf32>
    %mul3A = arith.constant 1.000000e+00 : f32
    %mul3A_7 = vector.broadcast %mul3A : f32 to vector<16x512x16xf32>
    %mul3A_8 = arith.mulf %sub3A_6, %mul3A_7 : vector<16x512x16xf32>
    %reshape3A_9 = vector.shape_cast %mul3A_8 : vector<16x512x16xf32> to vector<8192x16xf32>
    %broadcast_in_dim3A = arith.constant 1.000000e+00 : f32
    %broadcast_in_dim3A_10 = vector.broadcast %broadcast_in_dim3A : f32 to vector<16x32xf32>
    %mul3A_11 = arith.mulf %reshape3A_9, %reshape3A_9 : vector<8192x16xf32>
    %dot_general3A = arith.constant dense<0.000000e+00> : vector<8192x32xf32>
    %dot_general3A_12 = tpu.matmul %mul3A_11, %broadcast_in_dim3A_10, %dot_general3A {dimension_numbers = #tpu.dot_dimension_numbers<[1], [0], [0], [1], [0, 0, 1, 1], [], []>, transpose_lhs_hint = false} : vector<8192x16xf32>, vector<16x32xf32>, vector<8192x32xf32> -> vector<8192x32xf32>
    %get3A_13 = arith.constant 0 : index
    %get3A_14 = arith.constant 0 : index
    %get3A_15 = vector.load %arg3[%get3A_13, %get3A_14] : memref<16x32xf32, #tpu.memory_space<vmem>>, vector<16x32xf32>
    %dot_general3A_16 = arith.constant dense<0.000000e+00> : vector<8192x32xf32>
    %dot_general3A_17 = tpu.matmul %reshape3A_9, %get3A_15, %dot_general3A_16 {dimension_numbers = #tpu.dot_dimension_numbers<[1], [0], [0], [1], [0, 0, 1, 1], [], []>, transpose_lhs_hint = false} : vector<8192x16xf32>, vector<16x32xf32>, vector<8192x32xf32> -> vector<8192x32xf32>
    %mul3A_18 = arith.constant 2.000000e+00 : f32
    %mul3A_19 = vector.broadcast %mul3A_18 : f32 to vector<8192x32xf32>
    %mul3A_20 = arith.mulf %mul3A_19, %dot_general3A_17 : vector<8192x32xf32>
    %sub3A_21 = arith.subf %dot_general3A_12, %mul3A_20 : vector<8192x32xf32>
    %get3A_22 = arith.constant 0 : index
    %get3A_23 = arith.constant 0 : index
    %get3A_24 = vector.load %arg4[%get3A_22, %get3A_23] : memref<1x32xf32, #tpu.memory_space<vmem>>, vector<1x32xf32>
    %add3A = vector.broadcast %get3A_24 : vector<1x32xf32> to vector<8192x32xf32>
    %add3A_25 = arith.addf %sub3A_21, %add3A : vector<8192x32xf32>
    %add3A_26 = arith.constant 9.99999996E-13 : f32
    %add3A_27 = vector.broadcast %add3A_26 : f32 to vector<8192x32xf32>
    %add3A_28 = arith.addf %add3A_25, %add3A_27 : vector<8192x32xf32>
    %sqrt3A = math.sqrt %add3A_28 : vector<8192x32xf32>
    %sub3A_29 = arith.constant 1.000000e+00 : f32
    %sub3A_30 = vector.broadcast %sub3A_29 : f32 to vector<8192x32xf32>
    %sub3A_31 = arith.subf %sub3A_30, %sqrt3A : vector<8192x32xf32>
    %max3A = arith.constant 0.000000e+00 : f32
    %max3A_32 = vector.broadcast %max3A : f32 to vector<8192x32xf32>
    %max3A_33 = arith.maximumf %sub3A_31, %max3A_32 : vector<8192x32xf32>
    %reshape3A_34 = vector.shape_cast %max3A_33 : vector<8192x32xf32> to vector<16x512x32xf32>
    %convert_element_type3A = arith.truncf %reshape3A_34 : vector<16x512x32xf32> to vector<16x512x32xbf16>
    %swap3A = arith.constant 0 : index
    %swap3A_35 = arith.constant 0 : index
    %swap3A_36 = arith.constant 0 : index
    %swap3A_37 = vector.load %arg8[%swap3A, %swap3A_35, %swap3A_36] : memref<16x512x32xbf16, #tpu.memory_space<vmem>>, vector<16x512x32xbf16>
    tpu.vector_store %arg8[%swap3A, %swap3A_35, %swap3A_36], %convert_element_type3A {strides = array<i32>} : memref<16x512x32xbf16, #tpu.memory_space<vmem>>, vector<16x512x32xbf16>,
    %get3A_38 = arith.constant 0 : index
    %get3A_39 = arith.constant 0 : index
    %get3A_40 = arith.constant 0 : index
    %get3A_41 = vector.load %arg1[%get3A_38, %get3A_39, %get3A_40] : memref<16x512x256xf32, #tpu.memory_space<vmem>>, vector<16x512x256xf32>
    %slice3A = vector.extract_strided_slice %get3A_41 {offsets = [0, 0, 0], sizes = [1, 512, 128], strides = [1, 1, 1]} : vector<16x512x256xf32> to vector<1x512x128xf32>
    %squeeze3A = vector.shape_cast %slice3A : vector<1x512x128xf32> to vector<512x128xf32>
    %slice3A_42 = vector.extract_strided_slice %get3A_41 {offsets = [1, 0, 0], sizes = [1, 512, 128], strides = [1, 1, 1]} : vector<16x512x256xf32> to vector<1x512x128xf32>
    %squeeze3A_43 = vector.shape_cast %slice3A_42 : vector<1x512x128xf32> to vector<512x128xf32>
    %slice3A_44 = vector.extract_strided_slice %get3A_41 {offsets = [2, 0, 0], sizes = [1, 512, 128], strides = [1, 1, 1]} : vector<16x512x256xf32> to vector<1x512x128xf32>
    %squeeze3A_45 = vector.shape_cast %slice3A_44 : vector<1x512x128xf32> to vector<512x128xf32>
    %slice3A_46 = vector.extract_strided_slice %get3A_41 {offsets = [3, 0, 0], sizes = [1, 512, 128], strides = [1, 1, 1]} : vector<16x512x256xf32> to vector<1x512x128xf32>
    %squeeze3A_47 = vector.shape_cast %slice3A_46 : vector<1x512x128xf32> to vector<512x128xf32>
    %slice3A_48 = vector.extract_strided_slice %get3A_41 {offsets = [4, 0, 0], sizes = [1, 512, 128], strides = [1, 1, 1]} : vector<16x512x256xf32> to vector<1x512x128xf32>
    %squeeze3A_49 = vector.shape_cast %slice3A_48 : vector<1x512x128xf32> to vector<512x128xf32>
    %slice3A_50 = vector.extract_strided_slice %get3A_41 {offsets = [5, 0, 0], sizes = [1, 512, 128], strides = [1, 1, 1]} : vector<16x512x256xf32> to vector<1x512x128xf32>
    %squeeze3A_51 = vector.shape_cast %slice3A_50 : vector<1x512x128xf32> to vector<512x128xf32>
    %slice3A_52 = vector.extract_strided_slice %get3A_41 {offsets = [6, 0, 0], sizes = [1, 512, 128], strides = [1, 1, 1]} : vector<16x512x256xf32> to vector<1x512x128xf32>
    %squeeze3A_53 = vector.shape_cast %slice3A_52 : vector<1x512x128xf32> to vector<512x128xf32>
    %slice3A_54 = vector.extract_strided_slice %get3A_41 {offsets = [7, 0, 0], sizes = [1, 512, 128], strides = [1, 1, 1]} : vector<16x512x256xf32> to vector<1x512x128xf32>
    %squeeze3A_55 = vector.shape_cast %slice3A_54 : vector<1x512x128xf32> to vector<512x128xf32>
    %slice3A_56 = vector.extract_strided_slice %get3A_41 {offsets = [8, 0, 0], sizes = [1, 512, 128], strides = [1, 1, 1]} : vector<16x512x256xf32> to vector<1x512x128xf32>
    %squeeze3A_57 = vector.shape_cast %slice3A_56 : vector<1x512x128xf32> to vector<512x128xf32>
    %slice3A_58 = vector.extract_strided_slice %get3A_41 {offsets = [9, 0, 0], sizes = [1, 512, 128], strides = [1, 1, 1]} : vector<16x512x256xf32> to vector<1x512x128xf32>
    %squeeze3A_59 = vector.shape_cast %slice3A_58 : vector<1x512x128xf32> to vector<512x128xf32>
    %slice3A_60 = vector.extract_strided_slice %get3A_41 {offsets = [10, 0, 0], sizes = [1, 512, 128], strides = [1, 1, 1]} : vector<16x512x256xf32> to vector<1x512x128xf32>
    %squeeze3A_61 = vector.shape_cast %slice3A_60 : vector<1x512x128xf32> to vector<512x128xf32>
    %slice3A_62 = vector.extract_strided_slice %get3A_41 {offsets = [11, 0, 0], sizes = [1, 512, 128], strides = [1, 1, 1]} : vector<16x512x256xf32> to vector<1x512x128xf32>
    %squeeze3A_63 = vector.shape_cast %slice3A_62 : vector<1x512x128xf32> to vector<512x128xf32>
    %slice3A_64 = vector.extract_strided_slice %get3A_41 {offsets = [12, 0, 0], sizes = [1, 512, 128], strides = [1, 1, 1]} : vector<16x512x256xf32> to vector<1x512x128xf32>
    %squeeze3A_65 = vector.shape_cast %slice3A_64 : vector<1x512x128xf32> to vector<512x128xf32>
    %slice3A_66 = vector.extract_strided_slice %get3A_41 {offsets = [13, 0, 0], sizes = [1, 512, 128], strides = [1, 1, 1]} : vector<16x512x256xf32> to vector<1x512x128xf32>
    %squeeze3A_67 = vector.shape_cast %slice3A_66 : vector<1x512x128xf32> to vector<512x128xf32>
    %slice3A_68 = vector.extract_strided_slice %get3A_41 {offsets = [14, 0, 0], sizes = [1, 512, 128], strides = [1, 1, 1]} : vector<16x512x256xf32> to vector<1x512x128xf32>
    %squeeze3A_69 = vector.shape_cast %slice3A_68 : vector<1x512x128xf32> to vector<512x128xf32>
    %slice3A_70 = vector.extract_strided_slice %get3A_41 {offsets = [15, 0, 0], sizes = [1, 512, 128], strides = [1, 1, 1]} : vector<16x512x256xf32> to vector<1x512x128xf32>
    %squeeze3A_71 = vector.shape_cast %slice3A_70 : vector<1x512x128xf32> to vector<512x128xf32>
    %slice3A_72 = vector.extract_strided_slice %reshape3A_34 {offsets = [0, 0, 16], sizes = [1, 512, 1], strides = [1, 1, 1]} : vector<16x512x32xf32> to vector<1x512x1xf32>
    %squeeze3A_73 = vector.shape_cast %slice3A_72 : vector<1x512x1xf32> to vector<512x1xf32>
    %mul3A_74 = vector.broadcast %squeeze3A_73 : vector<512x1xf32> to vector<512x128xf32>
    %mul3A_75 = arith.mulf %mul3A_74, %squeeze3A : vector<512x128xf32>
    %slice3A_76 = vector.extract_strided_slice %reshape3A_34 {offsets = [1, 0, 16], sizes = [1, 512, 1], strides = [1, 1, 1]} : vector<16x512x32xf32> to vector<1x512x1xf32>
    %squeeze3A_77 = vector.shape_cast %slice3A_76 : vector<1x512x1xf32> to vector<512x1xf32>
    %mul3A_78 = vector.broadcast %squeeze3A_77 : vector<512x1xf32> to vector<512x128xf32>
    %mul3A_79 = arith.mulf %mul3A_78, %squeeze3A_43 : vector<512x128xf32>
    %add3A_80 = arith.addf %mul3A_75, %mul3A_79 : vector<512x128xf32>
    %slice3A_81 = vector.extract_strided_slice %reshape3A_34 {offsets = [2, 0, 16], sizes = [1, 512, 1], strides = [1, 1, 1]} : vector<16x512x32xf32> to vector<1x512x1xf32>
    %squeeze3A_82 = vector.shape_cast %slice3A_81 : vector<1x512x1xf32> to vector<512x1xf32>
    %mul3A_83 = vector.broadcast %squeeze3A_82 : vector<512x1xf32> to vector<512x128xf32>
    %mul3A_84 = arith.mulf %mul3A_83, %squeeze3A_45 : vector<512x128xf32>
    %add3A_85 = arith.addf %add3A_80, %mul3A_84 : vector<512x128xf32>
    %slice3A_86 = vector.extract_strided_slice %reshape3A_34 {offsets = [3, 0, 16], sizes = [1, 512, 1], strides = [1, 1, 1]} : vector<16x512x32xf32> to vector<1x512x1xf32>
    %squeeze3A_87 = vector.shape_cast %slice3A_86 : vector<1x512x1xf32> to vector<512x1xf32>
    %mul3A_88 = vector.broadcast %squeeze3A_87 : vector<512x1xf32> to vector<512x128xf32>
    %mul3A_89 = arith.mulf %mul3A_88, %squeeze3A_47 : vector<512x128xf32>
    %add3A_90 = arith.addf %add3A_85, %mul3A_89 : vector<512x128xf32>
    %slice3A_91 = vector.extract_strided_slice %reshape3A_34 {offsets = [4, 0, 16], sizes = [1, 512, 1], strides = [1, 1, 1]} : vector<16x512x32xf32> to vector<1x512x1xf32>
    %squeeze3A_92 = vector.shape_cast %slice3A_91 : vector<1x512x1xf32> to vector<512x1xf32>
    %mul3A_93 = vector.broadcast %squeeze3A_92 : vector<512x1xf32> to vector<512x128xf32>
    %mul3A_94 = arith.mulf %mul3A_93, %squeeze3A_49 : vector<512x128xf32>
    %add3A_95 = arith.addf %add3A_90, %mul3A_94 : vector<512x128xf32>
    %slice3A_96 = vector.extract_strided_slice %reshape3A_34 {offsets = [5, 0, 16], sizes = [1, 512, 1], strides = [1, 1, 1]} : vector<16x512x32xf32> to vector<1x512x1xf32>
    %squeeze3A_97 = vector.shape_cast %slice3A_96 : vector<1x512x1xf32> to vector<512x1xf32>
    %mul3A_98 = vector.broadcast %squeeze3A_97 : vector<512x1xf32> to vector<512x128xf32>
    %mul3A_99 = arith.mulf %mul3A_98, %squeeze3A_51 : vector<512x128xf32>
    %add3A_100 = arith.addf %add3A_95, %mul3A_99 : vector<512x128xf32>
    %slice3A_101 = vector.extract_strided_slice %reshape3A_34 {offsets = [6, 0, 16], sizes = [1, 512, 1], strides = [1, 1, 1]} : vector<16x512x32xf32> to vector<1x512x1xf32>
    %squeeze3A_102 = vector.shape_cast %slice3A_101 : vector<1x512x1xf32> to vector<512x1xf32>
    %mul3A_103 = vector.broadcast %squeeze3A_102 : vector<512x1xf32> to vector<512x128xf32>
    %mul3A_104 = arith.mulf %mul3A_103, %squeeze3A_53 : vector<512x128xf32>
    %add3A_105 = arith.addf %add3A_100, %mul3A_104 : vector<512x128xf32>
    %slice3A_106 = vector.extract_strided_slice %reshape3A_34 {offsets = [7, 0, 16], sizes = [1, 512, 1], strides = [1, 1, 1]} : vector<16x512x32xf32> to vector<1x512x1xf32>
    %squeeze3A_107 = vector.shape_cast %slice3A_106 : vector<1x512x1xf32> to vector<512x1xf32>
    %mul3A_108 = vector.broadcast %squeeze3A_107 : vector<512x1xf32> to vector<512x128xf32>
    %mul3A_109 = arith.mulf %mul3A_108, %squeeze3A_55 : vector<512x128xf32>
    %add3A_110 = arith.addf %add3A_105, %mul3A_109 : vector<512x128xf32>
    %slice3A_111 = vector.extract_strided_slice %reshape3A_34 {offsets = [8, 0, 16], sizes = [1, 512, 1], strides = [1, 1, 1]} : vector<16x512x32xf32> to vector<1x512x1xf32>
    %squeeze3A_112 = vector.shape_cast %slice3A_111 : vector<1x512x1xf32> to vector<512x1xf32>
    %mul3A_113 = vector.broadcast %squeeze3A_112 : vector<512x1xf32> to vector<512x128xf32>
    %mul3A_114 = arith.mulf %mul3A_113, %squeeze3A_57 : vector<512x128xf32>
    %add3A_115 = arith.addf %add3A_110, %mul3A_114 : vector<512x128xf32>
    %slice3A_116 = vector.extract_strided_slice %reshape3A_34 {offsets = [9, 0, 16], sizes = [1, 512, 1], strides = [1, 1, 1]} : vector<16x512x32xf32> to vector<1x512x1xf32>
    %squeeze3A_117 = vector.shape_cast %slice3A_116 : vector<1x512x1xf32> to vector<512x1xf32>
    %mul3A_118 = vector.broadcast %squeeze3A_117 : vector<512x1xf32> to vector<512x128xf32>
    %mul3A_119 = arith.mulf %mul3A_118, %squeeze3A_59 : vector<512x128xf32>
    %add3A_120 = arith.addf %add3A_115, %mul3A_119 : vector<512x128xf32>
    %slice3A_121 = vector.extract_strided_slice %reshape3A_34 {offsets = [10, 0, 16], sizes = [1, 512, 1], strides = [1, 1, 1]} : vector<16x512x32xf32> to vector<1x512x1xf32>
    %squeeze3A_122 = vector.shape_cast %slice3A_121 : vector<1x512x1xf32> to vector<512x1xf32>
    %mul3A_123 = vector.broadcast %squeeze3A_122 : vector<512x1xf32> to vector<512x128xf32>
    %mul3A_124 = arith.mulf %mul3A_123, %squeeze3A_61 : vector<512x128xf32>
    %add3A_125 = arith.addf %add3A_120, %mul3A_124 : vector<512x128xf32>
    %slice3A_126 = vector.extract_strided_slice %reshape3A_34 {offsets = [11, 0, 16], sizes = [1, 512, 1], strides = [1, 1, 1]} : vector<16x512x32xf32> to vector<1x512x1xf32>
    %squeeze3A_127 = vector.shape_cast %slice3A_126 : vector<1x512x1xf32> to vector<512x1xf32>
    %mul3A_128 = vector.broadcast %squeeze3A_127 : vector<512x1xf32> to vector<512x128xf32>
    %mul3A_129 = arith.mulf %mul3A_128, %squeeze3A_63 : vector<512x128xf32>
    %add3A_130 = arith.addf %add3A_125, %mul3A_129 : vector<512x128xf32>
    %slice3A_131 = vector.extract_strided_slice %reshape3A_34 {offsets = [12, 0, 16], sizes = [1, 512, 1], strides = [1, 1, 1]} : vector<16x512x32xf32> to vector<1x512x1xf32>
    %squeeze3A_132 = vector.shape_cast %slice3A_131 : vector<1x512x1xf32> to vector<512x1xf32>
    %mul3A_133 = vector.broadcast %squeeze3A_132 : vector<512x1xf32> to vector<512x128xf32>
    %mul3A_134 = arith.mulf %mul3A_133, %squeeze3A_65 : vector<512x128xf32>
    %add3A_135 = arith.addf %add3A_130, %mul3A_134 : vector<512x128xf32>
    %slice3A_136 = vector.extract_strided_slice %reshape3A_34 {offsets = [13, 0, 16], sizes = [1, 512, 1], strides = [1, 1, 1]} : vector<16x512x32xf32> to vector<1x512x1xf32>
    %squeeze3A_137 = vector.shape_cast %slice3A_136 : vector<1x512x1xf32> to vector<512x1xf32>
    %mul3A_138 = vector.broadcast %squeeze3A_137 : vector<512x1xf32> to vector<512x128xf32>
    %mul3A_139 = arith.mulf %mul3A_138, %squeeze3A_67 : vector<512x128xf32>
    %add3A_140 = arith.addf %add3A_135, %mul3A_139 : vector<512x128xf32>
    %slice3A_141 = vector.extract_strided_slice %reshape3A_34 {offsets = [14, 0, 16], sizes = [1, 512, 1], strides = [1, 1, 1]} : vector<16x512x32xf32> to vector<1x512x1xf32>
    %squeeze3A_142 = vector.shape_cast %slice3A_141 : vector<1x512x1xf32> to vector<512x1xf32>
    %mul3A_143 = vector.broadcast %squeeze3A_142 : vector<512x1xf32> to vector<512x128xf32>
    %mul3A_144 = arith.mulf %mul3A_143, %squeeze3A_69 : vector<512x128xf32>
    %add3A_145 = arith.addf %add3A_140, %mul3A_144 : vector<512x128xf32>
    %slice3A_146 = vector.extract_strided_slice %reshape3A_34 {offsets = [15, 0, 16], sizes = [1, 512, 1], strides = [1, 1, 1]} : vector<16x512x32xf32> to vector<1x512x1xf32>
    %squeeze3A_147 = vector.shape_cast %slice3A_146 : vector<1x512x1xf32> to vector<512x1xf32>
    %mul3A_148 = vector.broadcast %squeeze3A_147 : vector<512x1xf32> to vector<512x128xf32>
    %mul3A_149 = arith.mulf %mul3A_148, %squeeze3A_71 : vector<512x128xf32>
    %add3A_150 = arith.addf %add3A_145, %mul3A_149 : vector<512x128xf32>
    %slice3A_151 = vector.extract_strided_slice %reshape3A_34 {offsets = [0, 0, 17], sizes = [1, 512, 1], strides = [1, 1, 1]} : vector<16x512x32xf32> to vector<1x512x1xf32>
    %squeeze3A_152 = vector.shape_cast %slice3A_151 : vector<1x512x1xf32> to vector<512x1xf32>
    %mul3A_153 = vector.broadcast %squeeze3A_152 : vector<512x1xf32> to vector<512x128xf32>
    %mul3A_154 = arith.mulf %mul3A_153, %squeeze3A : vector<512x128xf32>
    %slice3A_155 = vector.extract_strided_slice %reshape3A_34 {offsets = [1, 0, 17], sizes = [1, 512, 1], strides = [1, 1, 1]} : vector<16x512x32xf32> to vector<1x512x1xf32>
    %squeeze3A_156 = vector.shape_cast %slice3A_155 : vector<1x512x1xf32> to vector<512x1xf32>
    %mul3A_157 = vector.broadcast %squeeze3A_156 : vector<512x1xf32> to vector<512x128xf32>
    %mul3A_158 = arith.mulf %mul3A_157, %squeeze3A_43 : vector<512x128xf32>
    %add3A_159 = arith.addf %mul3A_154, %mul3A_158 : vector<512x128xf32>
    %slice3A_160 = vector.extract_strided_slice %reshape3A_34 {offsets = [2, 0, 17], sizes = [1, 512, 1], strides = [1, 1, 1]} : vector<16x512x32xf32> to vector<1x512x1xf32>
    %squeeze3A_161 = vector.shape_cast %slice3A_160 : vector<1x512x1xf32> to vector<512x1xf32>
    %mul3A_162 = vector.broadcast %squeeze3A_161 : vector<512x1xf32> to vector<512x128xf32>
    %mul3A_163 = arith.mulf %mul3A_162, %squeeze3A_45 : vector<512x128xf32>
    %add3A_164 = arith.addf %add3A_159, %mul3A_163 : vector<512x128xf32>
    %slice3A_165 = vector.extract_strided_slice %reshape3A_34 {offsets = [3, 0, 17], sizes = [1, 512, 1], strides = [1, 1, 1]} : vector<16x512x32xf32> to vector<1x512x1xf32>
    %squeeze3A_166 = vector.shape_cast %slice3A_165 : vector<1x512x1xf32> to vector<512x1xf32>
    %mul3A_167 = vector.broadcast %squeeze3A_166 : vector<512x1xf32> to vector<512x128xf32>
    %mul3A_168 = arith.mulf %mul3A_167, %squeeze3A_47 : vector<512x128xf32>
    %add3A_169 = arith.addf %add3A_164, %mul3A_168 : vector<512x128xf32>
    %slice3A_170 = vector.extract_strided_slice %reshape3A_34 {offsets = [4, 0, 17], sizes = [1, 512, 1], strides = [1, 1, 1]} : vector<16x512x32xf32> to vector<1x512x1xf32>
    %squeeze3A_171 = vector.shape_cast %slice3A_170 : vector<1x512x1xf32> to vector<512x1xf32>
    %mul3A_172 = vector.broadcast %squeeze3A_171 : vector<512x1xf32> to vector<512x128xf32>
    %mul3A_173 = arith.mulf %mul3A_172, %squeeze3A_49 : vector<512x128xf32>
    %add3A_174 = arith.addf %add3A_169, %mul3A_173 : vector<512x128xf32>
    %slice3A_175 = vector.extract_strided_slice %reshape3A_34 {offsets = [5, 0, 17], sizes = [1, 512, 1], strides = [1, 1, 1]} : vector<16x512x32xf32> to vector<1x512x1xf32>
    %squeeze3A_176 = vector.shape_cast %slice3A_175 : vector<1x512x1xf32> to vector<512x1xf32>
    %mul3A_177 = vector.broadcast %squeeze3A_176 : vector<512x1xf32> to vector<512x128xf32>
    %mul3A_178 = arith.mulf %mul3A_177, %squeeze3A_51 : vector<512x128xf32>
    %add3A_179 = arith.addf %add3A_174, %mul3A_178 : vector<512x128xf32>
    %slice3A_180 = vector.extract_strided_slice %reshape3A_34 {offsets = [6, 0, 17], sizes = [1, 512, 1], strides = [1, 1, 1]} : vector<16x512x32xf32> to vector<1x512x1xf32>
    %squeeze3A_181 = vector.shape_cast %slice3A_180 : vector<1x512x1xf32> to vector<512x1xf32>
    %mul3A_182 = vector.broadcast %squeeze3A_181 : vector<512x1xf32> to vector<512x128xf32>
    %mul3A_183 = arith.mulf %mul3A_182, %squeeze3A_53 : vector<512x128xf32>
    %add3A_184 = arith.addf %add3A_179, %mul3A_183 : vector<512x128xf32>
    %slice3A_185 = vector.extract_strided_slice %reshape3A_34 {offsets = [7, 0, 17], sizes = [1, 512, 1], strides = [1, 1, 1]} : vector<16x512x32xf32> to vector<1x512x1xf32>
    %squeeze3A_186 = vector.shape_cast %slice3A_185 : vector<1x512x1xf32> to vector<512x1xf32>
    %mul3A_187 = vector.broadcast %squeeze3A_186 : vector<512x1xf32> to vector<512x128xf32>
    %mul3A_188 = arith.mulf %mul3A_187, %squeeze3A_55 : vector<512x128xf32>
    %add3A_189 = arith.addf %add3A_184, %mul3A_188 : vector<512x128xf32>
    %slice3A_190 = vector.extract_strided_slice %reshape3A_34 {offsets = [8, 0, 17], sizes = [1, 512, 1], strides = [1, 1, 1]} : vector<16x512x32xf32> to vector<1x512x1xf32>
    %squeeze3A_191 = vector.shape_cast %slice3A_190 : vector<1x512x1xf32> to vector<512x1xf32>
    %mul3A_192 = vector.broadcast %squeeze3A_191 : vector<512x1xf32> to vector<512x128xf32>
    %mul3A_193 = arith.mulf %mul3A_192, %squeeze3A_57 : vector<512x128xf32>
    %add3A_194 = arith.addf %add3A_189, %mul3A_193 : vector<512x128xf32>
    %slice3A_195 = vector.extract_strided_slice %reshape3A_34 {offsets = [9, 0, 17], sizes = [1, 512, 1], strides = [1, 1, 1]} : vector<16x512x32xf32> to vector<1x512x1xf32>
    %squeeze3A_196 = vector.shape_cast %slice3A_195 : vector<1x512x1xf32> to vector<512x1xf32>
    %mul3A_197 = vector.broadcast %squeeze3A_196 : vector<512x1xf32> to vector<512x128xf32>
    %mul3A_198 = arith.mulf %mul3A_197, %squeeze3A_59 : vector<512x128xf32>
    %add3A_199 = arith.addf %add3A_194, %mul3A_198 : vector<512x128xf32>
    %slice3A_200 = vector.extract_strided_slice %reshape3A_34 {offsets = [10, 0, 17], sizes = [1, 512, 1], strides = [1, 1, 1]} : vector<16x512x32xf32> to vector<1x512x1xf32>
    %squeeze3A_201 = vector.shape_cast %slice3A_200 : vector<1x512x1xf32> to vector<512x1xf32>
    %mul3A_202 = vector.broadcast %squeeze3A_201 : vector<512x1xf32> to vector<512x128xf32>
    %mul3A_203 = arith.mulf %mul3A_202, %squeeze3A_61 : vector<512x128xf32>
    %add3A_204 = arith.addf %add3A_199, %mul3A_203 : vector<512x128xf32>
    %slice3A_205 = vector.extract_strided_slice %reshape3A_34 {offsets = [11, 0, 17], sizes = [1, 512, 1], strides = [1, 1, 1]} : vector<16x512x32xf32> to vector<1x512x1xf32>
    %squeeze3A_206 = vector.shape_cast %slice3A_205 : vector<1x512x1xf32> to vector<512x1xf32>
    %mul3A_207 = vector.broadcast %squeeze3A_206 : vector<512x1xf32> to vector<512x128xf32>
    %mul3A_208 = arith.mulf %mul3A_207, %squeeze3A_63 : vector<512x128xf32>
    %add3A_209 = arith.addf %add3A_204, %mul3A_208 : vector<512x128xf32>
    %slice3A_210 = vector.extract_strided_slice %reshape3A_34 {offsets = [12, 0, 17], sizes = [1, 512, 1], strides = [1, 1, 1]} : vector<16x512x32xf32> to vector<1x512x1xf32>
    %squeeze3A_211 = vector.shape_cast %slice3A_210 : vector<1x512x1xf32> to vector<512x1xf32>
    %mul3A_212 = vector.broadcast %squeeze3A_211 : vector<512x1xf32> to vector<512x128xf32>
    %mul3A_213 = arith.mulf %mul3A_212, %squeeze3A_65 : vector<512x128xf32>
    %add3A_214 = arith.addf %add3A_209, %mul3A_213 : vector<512x128xf32>
    %slice3A_215 = vector.extract_strided_slice %reshape3A_34 {offsets = [13, 0, 17], sizes = [1, 512, 1], strides = [1, 1, 1]} : vector<16x512x32xf32> to vector<1x512x1xf32>
    %squeeze3A_216 = vector.shape_cast %slice3A_215 : vector<1x512x1xf32> to vector<512x1xf32>
    %mul3A_217 = vector.broadcast %squeeze3A_216 : vector<512x1xf32> to vector<512x128xf32>
    %mul3A_218 = arith.mulf %mul3A_217, %squeeze3A_67 : vector<512x128xf32>
    %add3A_219 = arith.addf %add3A_214, %mul3A_218 : vector<512x128xf32>
    %slice3A_220 = vector.extract_strided_slice %reshape3A_34 {offsets = [14, 0, 17], sizes = [1, 512, 1], strides = [1, 1, 1]} : vector<16x512x32xf32> to vector<1x512x1xf32>
    %squeeze3A_221 = vector.shape_cast %slice3A_220 : vector<1x512x1xf32> to vector<512x1xf32>
    %mul3A_222 = vector.broadcast %squeeze3A_221 : vector<512x1xf32> to vector<512x128xf32>
    %mul3A_223 = arith.mulf %mul3A_222, %squeeze3A_69 : vector<512x128xf32>
    %add3A_224 = arith.addf %add3A_219, %mul3A_223 : vector<512x128xf32>
    %slice3A_225 = vector.extract_strided_slice %reshape3A_34 {offsets = [15, 0, 17], sizes = [1, 512, 1], strides = [1, 1, 1]} : vector<16x512x32xf32> to vector<1x512x1xf32>
    %squeeze3A_226 = vector.shape_cast %slice3A_225 : vector<1x512x1xf32> to vector<512x1xf32>
    %mul3A_227 = vector.broadcast %squeeze3A_226 : vector<512x1xf32> to vector<512x128xf32>
    %mul3A_228 = arith.mulf %mul3A_227, %squeeze3A_71 : vector<512x128xf32>
    %add3A_229 = arith.addf %add3A_224, %mul3A_228 : vector<512x128xf32>
    %slice3A_230 = vector.extract_strided_slice %reshape3A_34 {offsets = [0, 0, 18], sizes = [1, 512, 1], strides = [1, 1, 1]} : vector<16x512x32xf32> to vector<1x512x1xf32>
    %squeeze3A_231 = vector.shape_cast %slice3A_230 : vector<1x512x1xf32> to vector<512x1xf32>
    %mul3A_232 = vector.broadcast %squeeze3A_231 : vector<512x1xf32> to vector<512x128xf32>
    %mul3A_233 = arith.mulf %mul3A_232, %squeeze3A : vector<512x128xf32>
    %slice3A_234 = vector.extract_strided_slice %reshape3A_34 {offsets = [1, 0, 18], sizes = [1, 512, 1], strides = [1, 1, 1]} : vector<16x512x32xf32> to vector<1x512x1xf32>
    %squeeze3A_235 = vector.shape_cast %slice3A_234 : vector<1x512x1xf32> to vector<512x1xf32>
    %mul3A_236 = vector.broadcast %squeeze3A_235 : vector<512x1xf32> to vector<512x128xf32>
    %mul3A_237 = arith.mulf %mul3A_236, %squeeze3A_43 : vector<512x128xf32>
    %add3A_238 = arith.addf %mul3A_233, %mul3A_237 : vector<512x128xf32>
    %slice3A_239 = vector.extract_strided_slice %reshape3A_34 {offsets = [2, 0, 18], sizes = [1, 512, 1], strides = [1, 1, 1]} : vector<16x512x32xf32> to vector<1x512x1xf32>
    %squeeze3A_240 = vector.shape_cast %slice3A_239 : vector<1x512x1xf32> to vector<512x1xf32>
    %mul3A_241 = vector.broadcast %squeeze3A_240 : vector<512x1xf32> to vector<512x128xf32>
    %mul3A_242 = arith.mulf %mul3A_241, %squeeze3A_45 : vector<512x128xf32>
    %add3A_243 = arith.addf %add3A_238, %mul3A_242 : vector<512x128xf32>
    %slice3A_244 = vector.extract_strided_slice %reshape3A_34 {offsets = [3, 0, 18], sizes = [1, 512, 1], strides = [1, 1, 1]} : vector<16x512x32xf32> to vector<1x512x1xf32>
    %squeeze3A_245 = vector.shape_cast %slice3A_244 : vector<1x512x1xf32> to vector<512x1xf32>
    %mul3A_246 = vector.broadcast %squeeze3A_245 : vector<512x1xf32> to vector<512x128xf32>
    %mul3A_247 = arith.mulf %mul3A_246, %squeeze3A_47 : vector<512x128xf32>
    %add3A_248 = arith.addf %add3A_243, %mul3A_247 : vector<512x128xf32>
    %slice3A_249 = vector.extract_strided_slice %reshape3A_34 {offsets = [4, 0, 18], sizes = [1, 512, 1], strides = [1, 1, 1]} : vector<16x512x32xf32> to vector<1x512x1xf32>
    %squeeze3A_250 = vector.shape_cast %slice3A_249 : vector<1x512x1xf32> to vector<512x1xf32>
    %mul3A_251 = vector.broadcast %squeeze3A_250 : vector<512x1xf32> to vector<512x128xf32>
    %mul3A_252 = arith.mulf %mul3A_251, %squeeze3A_49 : vector<512x128xf32>
    %add3A_253 = arith.addf %add3A_248, %mul3A_252 : vector<512x128xf32>
    %slice3A_254 = vector.extract_strided_slice %reshape3A_34 {offsets = [5, 0, 18], sizes = [1, 512, 1], strides = [1, 1, 1]} : vector<16x512x32xf32> to vector<1x512x1xf32>
    %squeeze3A_255 = vector.shape_cast %slice3A_254 : vector<1x512x1xf32> to vector<512x1xf32>
    %mul3A_256 = vector.broadcast %squeeze3A_255 : vector<512x1xf32> to vector<512x128xf32>
    %mul3A_257 = arith.mulf %mul3A_256, %squeeze3A_51 : vector<512x128xf32>
    %add3A_258 = arith.addf %add3A_253, %mul3A_257 : vector<512x128xf32>
    %slice3A_259 = vector.extract_strided_slice %reshape3A_34 {offsets = [6, 0, 18], sizes = [1, 512, 1], strides = [1, 1, 1]} : vector<16x512x32xf32> to vector<1x512x1xf32>
    %squeeze3A_260 = vector.shape_cast %slice3A_259 : vector<1x512x1xf32> to vector<512x1xf32>
    %mul3A_261 = vector.broadcast %squeeze3A_260 : vector<512x1xf32> to vector<512x128xf32>
    %mul3A_262 = arith.mulf %mul3A_261, %squeeze3A_53 : vector<512x128xf32>
    %add3A_263 = arith.addf %add3A_258, %mul3A_262 : vector<512x128xf32>
    %slice3A_264 = vector.extract_strided_slice %reshape3A_34 {offsets = [7, 0, 18], sizes = [1, 512, 1], strides = [1, 1, 1]} : vector<16x512x32xf32> to vector<1x512x1xf32>
    %squeeze3A_265 = vector.shape_cast %slice3A_264 : vector<1x512x1xf32> to vector<512x1xf32>
    %mul3A_266 = vector.broadcast %squeeze3A_265 : vector<512x1xf32> to vector<512x128xf32>
    %mul3A_267 = arith.mulf %mul3A_266, %squeeze3A_55 : vector<512x128xf32>
    %add3A_268 = arith.addf %add3A_263, %mul3A_267 : vector<512x128xf32>
    %slice3A_269 = vector.extract_strided_slice %reshape3A_34 {offsets = [8, 0, 18], sizes = [1, 512, 1], strides = [1, 1, 1]} : vector<16x512x32xf32> to vector<1x512x1xf32>
    %squeeze3A_270 = vector.shape_cast %slice3A_269 : vector<1x512x1xf32> to vector<512x1xf32>
    %mul3A_271 = vector.broadcast %squeeze3A_270 : vector<512x1xf32> to vector<512x128xf32>
    %mul3A_272 = arith.mulf %mul3A_271, %squeeze3A_57 : vector<512x128xf32>
    %add3A_273 = arith.addf %add3A_268, %mul3A_272 : vector<512x128xf32>
    %slice3A_274 = vector.extract_strided_slice %reshape3A_34 {offsets = [9, 0, 18], sizes = [1, 512, 1], strides = [1, 1, 1]} : vector<16x512x32xf32> to vector<1x512x1xf32>
    %squeeze3A_275 = vector.shape_cast %slice3A_274 : vector<1x512x1xf32> to vector<512x1xf32>
    %mul3A_276 = vector.broadcast %squeeze3A_275 : vector<512x1xf32> to vector<512x128xf32>
    %mul3A_277 = arith.mulf %mul3A_276, %squeeze3A_59 : vector<512x128xf32>
    %add3A_278 = arith.addf %add3A_273, %mul3A_277 : vector<512x128xf32>
    %slice3A_279 = vector.extract_strided_slice %reshape3A_34 {offsets = [10, 0, 18], sizes = [1, 512, 1], strides = [1, 1, 1]} : vector<16x512x32xf32> to vector<1x512x1xf32>
    %squeeze3A_280 = vector.shape_cast %slice3A_279 : vector<1x512x1xf32> to vector<512x1xf32>
    %mul3A_281 = vector.broadcast %squeeze3A_280 : vector<512x1xf32> to vector<512x128xf32>
    %mul3A_282 = arith.mulf %mul3A_281, %squeeze3A_61 : vector<512x128xf32>
    %add3A_283 = arith.addf %add3A_278, %mul3A_282 : vector<512x128xf32>
    %slice3A_284 = vector.extract_strided_slice %reshape3A_34 {offsets = [11, 0, 18], sizes = [1, 512, 1], strides = [1, 1, 1]} : vector<16x512x32xf32> to vector<1x512x1xf32>
    %squeeze3A_285 = vector.shape_cast %slice3A_284 : vector<1x512x1xf32> to vector<512x1xf32>
    %mul3A_286 = vector.broadcast %squeeze3A_285 : vector<512x1xf32> to vector<512x128xf32>
    %mul3A_287 = arith.mulf %mul3A_286, %squeeze3A_63 : vector<512x128xf32>
    %add3A_288 = arith.addf %add3A_283, %mul3A_287 : vector<512x128xf32>
    %slice3A_289 = vector.extract_strided_slice %reshape3A_34 {offsets = [12, 0, 18], sizes = [1, 512, 1], strides = [1, 1, 1]} : vector<16x512x32xf32> to vector<1x512x1xf32>
    %squeeze3A_290 = vector.shape_cast %slice3A_289 : vector<1x512x1xf32> to vector<512x1xf32>
    %mul3A_291 = vector.broadcast %squeeze3A_290 : vector<512x1xf32> to vector<512x128xf32>
    %mul3A_292 = arith.mulf %mul3A_291, %squeeze3A_65 : vector<512x128xf32>
    %add3A_293 = arith.addf %add3A_288, %mul3A_292 : vector<512x128xf32>
    %slice3A_294 = vector.extract_strided_slice %reshape3A_34 {offsets = [13, 0, 18], sizes = [1, 512, 1], strides = [1, 1, 1]} : vector<16x512x32xf32> to vector<1x512x1xf32>
    %squeeze3A_295 = vector.shape_cast %slice3A_294 : vector<1x512x1xf32> to vector<512x1xf32>
    %mul3A_296 = vector.broadcast %squeeze3A_295 : vector<512x1xf32> to vector<512x128xf32>
    %mul3A_297 = arith.mulf %mul3A_296, %squeeze3A_67 : vector<512x128xf32>
    %add3A_298 = arith.addf %add3A_293, %mul3A_297 : vector<512x128xf32>
    %slice3A_299 = vector.extract_strided_slice %reshape3A_34 {offsets = [14, 0, 18], sizes = [1, 512, 1], strides = [1, 1, 1]} : vector<16x512x32xf32> to vector<1x512x1xf32>
    %squeeze3A_300 = vector.shape_cast %slice3A_299 : vector<1x512x1xf32> to vector<512x1xf32>
    %mul3A_301 = vector.broadcast %squeeze3A_300 : vector<512x1xf32> to vector<512x128xf32>
    %mul3A_302 = arith.mulf %mul3A_301, %squeeze3A_69 : vector<512x128xf32>
    %add3A_303 = arith.addf %add3A_298, %mul3A_302 : vector<512x128xf32>
    %slice3A_304 = vector.extract_strided_slice %reshape3A_34 {offsets = [15, 0, 18], sizes = [1, 512, 1], strides = [1, 1, 1]} : vector<16x512x32xf32> to vector<1x512x1xf32>
    %squeeze3A_305 = vector.shape_cast %slice3A_304 : vector<1x512x1xf32> to vector<512x1xf32>
    %mul3A_306 = vector.broadcast %squeeze3A_305 : vector<512x1xf32> to vector<512x128xf32>
    %mul3A_307 = arith.mulf %mul3A_306, %squeeze3A_71 : vector<512x128xf32>
    %add3A_308 = arith.addf %add3A_303, %mul3A_307 : vector<512x128xf32>
    %slice3A_309 = vector.extract_strided_slice %reshape3A_34 {offsets = [0, 0, 19], sizes = [1, 512, 1], strides = [1, 1, 1]} : vector<16x512x32xf32> to vector<1x512x1xf32>
    %squeeze3A_310 = vector.shape_cast %slice3A_309 : vector<1x512x1xf32> to vector<512x1xf32>
    %mul3A_311 = vector.broadcast %squeeze3A_310 : vector<512x1xf32> to vector<512x128xf32>
    %mul3A_312 = arith.mulf %mul3A_311, %squeeze3A : vector<512x128xf32>
    %slice3A_313 = vector.extract_strided_slice %reshape3A_34 {offsets = [1, 0, 19], sizes = [1, 512, 1], strides = [1, 1, 1]} : vector<16x512x32xf32> to vector<1x512x1xf32>
    %squeeze3A_314 = vector.shape_cast %slice3A_313 : vector<1x512x1xf32> to vector<512x1xf32>
    %mul3A_315 = vector.broadcast %squeeze3A_314 : vector<512x1xf32> to vector<512x128xf32>
    %mul3A_316 = arith.mulf %mul3A_315, %squeeze3A_43 : vector<512x128xf32>
    %add3A_317 = arith.addf %mul3A_312, %mul3A_316 : vector<512x128xf32>
    %slice3A_318 = vector.extract_strided_slice %reshape3A_34 {offsets = [2, 0, 19], sizes = [1, 512, 1], strides = [1, 1, 1]} : vector<16x512x32xf32> to vector<1x512x1xf32>
    %squeeze3A_319 = vector.shape_cast %slice3A_318 : vector<1x512x1xf32> to vector<512x1xf32>
    %mul3A_320 = vector.broadcast %squeeze3A_319 : vector<512x1xf32> to vector<512x128xf32>
    %mul3A_321 = arith.mulf %mul3A_320, %squeeze3A_45 : vector<512x128xf32>
    %add3A_322 = arith.addf %add3A_317, %mul3A_321 : vector<512x128xf32>
    %slice3A_323 = vector.extract_strided_slice %reshape3A_34 {offsets = [3, 0, 19], sizes = [1, 512, 1], strides = [1, 1, 1]} : vector<16x512x32xf32> to vector<1x512x1xf32>
    %squeeze3A_324 = vector.shape_cast %slice3A_323 : vector<1x512x1xf32> to vector<512x1xf32>
    %mul3A_325 = vector.broadcast %squeeze3A_324 : vector<512x1xf32> to vector<512x128xf32>
    %mul3A_326 = arith.mulf %mul3A_325, %squeeze3A_47 : vector<512x128xf32>
    %add3A_327 = arith.addf %add3A_322, %mul3A_326 : vector<512x128xf32>
    %slice3A_328 = vector.extract_strided_slice %reshape3A_34 {offsets = [4, 0, 19], sizes = [1, 512, 1], strides = [1, 1, 1]} : vector<16x512x32xf32> to vector<1x512x1xf32>
    %squeeze3A_329 = vector.shape_cast %slice3A_328 : vector<1x512x1xf32> to vector<512x1xf32>
    %mul3A_330 = vector.broadcast %squeeze3A_329 : vector<512x1xf32> to vector<512x128xf32>
    %mul3A_331 = arith.mulf %mul3A_330, %squeeze3A_49 : vector<512x128xf32>
    %add3A_332 = arith.addf %add3A_327, %mul3A_331 : vector<512x128xf32>
    %slice3A_333 = vector.extract_strided_slice %reshape3A_34 {offsets = [5, 0, 19], sizes = [1, 512, 1], strides = [1, 1, 1]} : vector<16x512x32xf32> to vector<1x512x1xf32>
    %squeeze3A_334 = vector.shape_cast %slice3A_333 : vector<1x512x1xf32> to vector<512x1xf32>
    %mul3A_335 = vector.broadcast %squeeze3A_334 : vector<512x1xf32> to vector<512x128xf32>
    %mul3A_336 = arith.mulf %mul3A_335, %squeeze3A_51 : vector<512x128xf32>
    %add3A_337 = arith.addf %add3A_332, %mul3A_336 : vector<512x128xf32>
    %slice3A_338 = vector.extract_strided_slice %reshape3A_34 {offsets = [6, 0, 19], sizes = [1, 512, 1], strides = [1, 1, 1]} : vector<16x512x32xf32> to vector<1x512x1xf32>
    %squeeze3A_339 = vector.shape_cast %slice3A_338 : vector<1x512x1xf32> to vector<512x1xf32>
    %mul3A_340 = vector.broadcast %squeeze3A_339 : vector<512x1xf32> to vector<512x128xf32>
    %mul3A_341 = arith.mulf %mul3A_340, %squeeze3A_53 : vector<512x128xf32>
    %add3A_342 = arith.addf %add3A_337, %mul3A_341 : vector<512x128xf32>
    %slice3A_343 = vector.extract_strided_slice %reshape3A_34 {offsets = [7, 0, 19], sizes = [1, 512, 1], strides = [1, 1, 1]} : vector<16x512x32xf32> to vector<1x512x1xf32>
    %squeeze3A_344 = vector.shape_cast %slice3A_343 : vector<1x512x1xf32> to vector<512x1xf32>
    %mul3A_345 = vector.broadcast %squeeze3A_344 : vector<512x1xf32> to vector<512x128xf32>
    %mul3A_346 = arith.mulf %mul3A_345, %squeeze3A_55 : vector<512x128xf32>
    %add3A_347 = arith.addf %add3A_342, %mul3A_346 : vector<512x128xf32>
    %slice3A_348 = vector.extract_strided_slice %reshape3A_34 {offsets = [8, 0, 19], sizes = [1, 512, 1], strides = [1, 1, 1]} : vector<16x512x32xf32> to vector<1x512x1xf32>
    %squeeze3A_349 = vector.shape_cast %slice3A_348 : vector<1x512x1xf32> to vector<512x1xf32>
    %mul3A_350 = vector.broadcast %squeeze3A_349 : vector<512x1xf32> to vector<512x128xf32>
    %mul3A_351 = arith.mulf %mul3A_350, %squeeze3A_57 : vector<512x128xf32>
    %add3A_352 = arith.addf %add3A_347, %mul3A_351 : vector<512x128xf32>
    %slice3A_353 = vector.extract_strided_slice %reshape3A_34 {offsets = [9, 0, 19], sizes = [1, 512, 1], strides = [1, 1, 1]} : vector<16x512x32xf32> to vector<1x512x1xf32>
    %squeeze3A_354 = vector.shape_cast %slice3A_353 : vector<1x512x1xf32> to vector<512x1xf32>
    %mul3A_355 = vector.broadcast %squeeze3A_354 : vector<512x1xf32> to vector<512x128xf32>
    %mul3A_356 = arith.mulf %mul3A_355, %squeeze3A_59 : vector<512x128xf32>
    %add3A_357 = arith.addf %add3A_352, %mul3A_356 : vector<512x128xf32>
    %slice3A_358 = vector.extract_strided_slice %reshape3A_34 {offsets = [10, 0, 19], sizes = [1, 512, 1], strides = [1, 1, 1]} : vector<16x512x32xf32> to vector<1x512x1xf32>
    %squeeze3A_359 = vector.shape_cast %slice3A_358 : vector<1x512x1xf32> to vector<512x1xf32>
    %mul3A_360 = vector.broadcast %squeeze3A_359 : vector<512x1xf32> to vector<512x128xf32>
    %mul3A_361 = arith.mulf %mul3A_360, %squeeze3A_61 : vector<512x128xf32>
    %add3A_362 = arith.addf %add3A_357, %mul3A_361 : vector<512x128xf32>
    %slice3A_363 = vector.extract_strided_slice %reshape3A_34 {offsets = [11, 0, 19], sizes = [1, 512, 1], strides = [1, 1, 1]} : vector<16x512x32xf32> to vector<1x512x1xf32>
    %squeeze3A_364 = vector.shape_cast %slice3A_363 : vector<1x512x1xf32> to vector<512x1xf32>
    %mul3A_365 = vector.broadcast %squeeze3A_364 : vector<512x1xf32> to vector<512x128xf32>
    %mul3A_366 = arith.mulf %mul3A_365, %squeeze3A_63 : vector<512x128xf32>
    %add3A_367 = arith.addf %add3A_362, %mul3A_366 : vector<512x128xf32>
    %slice3A_368 = vector.extract_strided_slice %reshape3A_34 {offsets = [12, 0, 19], sizes = [1, 512, 1], strides = [1, 1, 1]} : vector<16x512x32xf32> to vector<1x512x1xf32>
    %squeeze3A_369 = vector.shape_cast %slice3A_368 : vector<1x512x1xf32> to vector<512x1xf32>
    %mul3A_370 = vector.broadcast %squeeze3A_369 : vector<512x1xf32> to vector<512x128xf32>
    %mul3A_371 = arith.mulf %mul3A_370, %squeeze3A_65 : vector<512x128xf32>
    %add3A_372 = arith.addf %add3A_367, %mul3A_371 : vector<512x128xf32>
    %slice3A_373 = vector.extract_strided_slice %reshape3A_34 {offsets = [13, 0, 19], sizes = [1, 512, 1], strides = [1, 1, 1]} : vector<16x512x32xf32> to vector<1x512x1xf32>
    %squeeze3A_374 = vector.shape_cast %slice3A_373 : vector<1x512x1xf32> to vector<512x1xf32>
    %mul3A_375 = vector.broadcast %squeeze3A_374 : vector<512x1xf32> to vector<512x128xf32>
    %mul3A_376 = arith.mulf %mul3A_375, %squeeze3A_67 : vector<512x128xf32>
    %add3A_377 = arith.addf %add3A_372, %mul3A_376 : vector<512x128xf32>
    %slice3A_378 = vector.extract_strided_slice %reshape3A_34 {offsets = [14, 0, 19], sizes = [1, 512, 1], strides = [1, 1, 1]} : vector<16x512x32xf32> to vector<1x512x1xf32>
    %squeeze3A_379 = vector.shape_cast %slice3A_378 : vector<1x512x1xf32> to vector<512x1xf32>
    %mul3A_380 = vector.broadcast %squeeze3A_379 : vector<512x1xf32> to vector<512x128xf32>
    %mul3A_381 = arith.mulf %mul3A_380, %squeeze3A_69 : vector<512x128xf32>
    %add3A_382 = arith.addf %add3A_377, %mul3A_381 : vector<512x128xf32>
    %slice3A_383 = vector.extract_strided_slice %reshape3A_34 {offsets = [15, 0, 19], sizes = [1, 512, 1], strides = [1, 1, 1]} : vector<16x512x32xf32> to vector<1x512x1xf32>
    %squeeze3A_384 = vector.shape_cast %slice3A_383 : vector<1x512x1xf32> to vector<512x1xf32>
    %mul3A_385 = vector.broadcast %squeeze3A_384 : vector<512x1xf32> to vector<512x128xf32>
    %mul3A_386 = arith.mulf %mul3A_385, %squeeze3A_71 : vector<512x128xf32>
    %add3A_387 = arith.addf %add3A_382, %mul3A_386 : vector<512x128xf32>
    %slice3A_388 = vector.extract_strided_slice %reshape3A_34 {offsets = [0, 0, 20], sizes = [1, 512, 1], strides = [1, 1, 1]} : vector<16x512x32xf32> to vector<1x512x1xf32>
    %squeeze3A_389 = vector.shape_cast %slice3A_388 : vector<1x512x1xf32> to vector<512x1xf32>
    %mul3A_390 = vector.broadcast %squeeze3A_389 : vector<512x1xf32> to vector<512x128xf32>
    %mul3A_391 = arith.mulf %mul3A_390, %squeeze3A : vector<512x128xf32>
    %slice3A_392 = vector.extract_strided_slice %reshape3A_34 {offsets = [1, 0, 20], sizes = [1, 512, 1], strides = [1, 1, 1]} : vector<16x512x32xf32> to vector<1x512x1xf32>
    %squeeze3A_393 = vector.shape_cast %slice3A_392 : vector<1x512x1xf32> to vector<512x1xf32>
    %mul3A_394 = vector.broadcast %squeeze3A_393 : vector<512x1xf32> to vector<512x128xf32>
    %mul3A_395 = arith.mulf %mul3A_394, %squeeze3A_43 : vector<512x128xf32>
    %add3A_396 = arith.addf %mul3A_391, %mul3A_395 : vector<512x128xf32>
    %slice3A_397 = vector.extract_strided_slice %reshape3A_34 {offsets = [2, 0, 20], sizes = [1, 512, 1], strides = [1, 1, 1]} : vector<16x512x32xf32> to vector<1x512x1xf32>
    %squeeze3A_398 = vector.shape_cast %slice3A_397 : vector<1x512x1xf32> to vector<512x1xf32>
    %mul3A_399 = vector.broadcast %squeeze3A_398 : vector<512x1xf32> to vector<512x128xf32>
    %mul3A_400 = arith.mulf %mul3A_399, %squeeze3A_45 : vector<512x128xf32>
    %add3A_401 = arith.addf %add3A_396, %mul3A_400 : vector<512x128xf32>
    %slice3A_402 = vector.extract_strided_slice %reshape3A_34 {offsets = [3, 0, 20], sizes = [1, 512, 1], strides = [1, 1, 1]} : vector<16x512x32xf32> to vector<1x512x1xf32>
    %squeeze3A_403 = vector.shape_cast %slice3A_402 : vector<1x512x1xf32> to vector<512x1xf32>
    %mul3A_404 = vector.broadcast %squeeze3A_403 : vector<512x1xf32> to vector<512x128xf32>
    %mul3A_405 = arith.mulf %mul3A_404, %squeeze3A_47 : vector<512x128xf32>
    %add3A_406 = arith.addf %add3A_401, %mul3A_405 : vector<512x128xf32>
    %slice3A_407 = vector.extract_strided_slice %reshape3A_34 {offsets = [4, 0, 20], sizes = [1, 512, 1], strides = [1, 1, 1]} : vector<16x512x32xf32> to vector<1x512x1xf32>
    %squeeze3A_408 = vector.shape_cast %slice3A_407 : vector<1x512x1xf32> to vector<512x1xf32>
    %mul3A_409 = vector.broadcast %squeeze3A_408 : vector<512x1xf32> to vector<512x128xf32>
    %mul3A_410 = arith.mulf %mul3A_409, %squeeze3A_49 : vector<512x128xf32>
    %add3A_411 = arith.addf %add3A_406, %mul3A_410 : vector<512x128xf32>
    %slice3A_412 = vector.extract_strided_slice %reshape3A_34 {offsets = [5, 0, 20], sizes = [1, 512, 1], strides = [1, 1, 1]} : vector<16x512x32xf32> to vector<1x512x1xf32>
    %squeeze3A_413 = vector.shape_cast %slice3A_412 : vector<1x512x1xf32> to vector<512x1xf32>
    %mul3A_414 = vector.broadcast %squeeze3A_413 : vector<512x1xf32> to vector<512x128xf32>
    %mul3A_415 = arith.mulf %mul3A_414, %squeeze3A_51 : vector<512x128xf32>
    %add3A_416 = arith.addf %add3A_411, %mul3A_415 : vector<512x128xf32>
    %slice3A_417 = vector.extract_strided_slice %reshape3A_34 {offsets = [6, 0, 20], sizes = [1, 512, 1], strides = [1, 1, 1]} : vector<16x512x32xf32> to vector<1x512x1xf32>
    %squeeze3A_418 = vector.shape_cast %slice3A_417 : vector<1x512x1xf32> to vector<512x1xf32>
    %mul3A_419 = vector.broadcast %squeeze3A_418 : vector<512x1xf32> to vector<512x128xf32>
    %mul3A_420 = arith.mulf %mul3A_419, %squeeze3A_53 : vector<512x128xf32>
    %add3A_421 = arith.addf %add3A_416, %mul3A_420 : vector<512x128xf32>
    %slice3A_422 = vector.extract_strided_slice %reshape3A_34 {offsets = [7, 0, 20], sizes = [1, 512, 1], strides = [1, 1, 1]} : vector<16x512x32xf32> to vector<1x512x1xf32>
    %squeeze3A_423 = vector.shape_cast %slice3A_422 : vector<1x512x1xf32> to vector<512x1xf32>
    %mul3A_424 = vector.broadcast %squeeze3A_423 : vector<512x1xf32> to vector<512x128xf32>
    %mul3A_425 = arith.mulf %mul3A_424, %squeeze3A_55 : vector<512x128xf32>
    %add3A_426 = arith.addf %add3A_421, %mul3A_425 : vector<512x128xf32>
    %slice3A_427 = vector.extract_strided_slice %reshape3A_34 {offsets = [8, 0, 20], sizes = [1, 512, 1], strides = [1, 1, 1]} : vector<16x512x32xf32> to vector<1x512x1xf32>
    %squeeze3A_428 = vector.shape_cast %slice3A_427 : vector<1x512x1xf32> to vector<512x1xf32>
    %mul3A_429 = vector.broadcast %squeeze3A_428 : vector<512x1xf32> to vector<512x128xf32>
    %mul3A_430 = arith.mulf %mul3A_429, %squeeze3A_57 : vector<512x128xf32>
    %add3A_431 = arith.addf %add3A_426, %mul3A_430 : vector<512x128xf32>
    %slice3A_432 = vector.extract_strided_slice %reshape3A_34 {offsets = [9, 0, 20], sizes = [1, 512, 1], strides = [1, 1, 1]} : vector<16x512x32xf32> to vector<1x512x1xf32>
    %squeeze3A_433 = vector.shape_cast %slice3A_432 : vector<1x512x1xf32> to vector<512x1xf32>
    %mul3A_434 = vector.broadcast %squeeze3A_433 : vector<512x1xf32> to vector<512x128xf32>
    %mul3A_435 = arith.mulf %mul3A_434, %squeeze3A_59 : vector<512x128xf32>
    %add3A_436 = arith.addf %add3A_431, %mul3A_435 : vector<512x128xf32>
    %slice3A_437 = vector.extract_strided_slice %reshape3A_34 {offsets = [10, 0, 20], sizes = [1, 512, 1], strides = [1, 1, 1]} : vector<16x512x32xf32> to vector<1x512x1xf32>
    %squeeze3A_438 = vector.shape_cast %slice3A_437 : vector<1x512x1xf32> to vector<512x1xf32>
    %mul3A_439 = vector.broadcast %squeeze3A_438 : vector<512x1xf32> to vector<512x128xf32>
    %mul3A_440 = arith.mulf %mul3A_439, %squeeze3A_61 : vector<512x128xf32>
    %add3A_441 = arith.addf %add3A_436, %mul3A_440 : vector<512x128xf32>
    %slice3A_442 = vector.extract_strided_slice %reshape3A_34 {offsets = [11, 0, 20], sizes = [1, 512, 1], strides = [1, 1, 1]} : vector<16x512x32xf32> to vector<1x512x1xf32>
    %squeeze3A_443 = vector.shape_cast %slice3A_442 : vector<1x512x1xf32> to vector<512x1xf32>
    %mul3A_444 = vector.broadcast %squeeze3A_443 : vector<512x1xf32> to vector<512x128xf32>
    %mul3A_445 = arith.mulf %mul3A_444, %squeeze3A_63 : vector<512x128xf32>
    %add3A_446 = arith.addf %add3A_441, %mul3A_445 : vector<512x128xf32>
    %slice3A_447 = vector.extract_strided_slice %reshape3A_34 {offsets = [12, 0, 20], sizes = [1, 512, 1], strides = [1, 1, 1]} : vector<16x512x32xf32> to vector<1x512x1xf32>
    %squeeze3A_448 = vector.shape_cast %slice3A_447 : vector<1x512x1xf32> to vector<512x1xf32>
    %mul3A_449 = vector.broadcast %squeeze3A_448 : vector<512x1xf32> to vector<512x128xf32>
    %mul3A_450 = arith.mulf %mul3A_449, %squeeze3A_65 : vector<512x128xf32>
    %add3A_451 = arith.addf %add3A_446, %mul3A_450 : vector<512x128xf32>
    %slice3A_452 = vector.extract_strided_slice %reshape3A_34 {offsets = [13, 0, 20], sizes = [1, 512, 1], strides = [1, 1, 1]} : vector<16x512x32xf32> to vector<1x512x1xf32>
    %squeeze3A_453 = vector.shape_cast %slice3A_452 : vector<1x512x1xf32> to vector<512x1xf32>
    %mul3A_454 = vector.broadcast %squeeze3A_453 : vector<512x1xf32> to vector<512x128xf32>
    %mul3A_455 = arith.mulf %mul3A_454, %squeeze3A_67 : vector<512x128xf32>
    %add3A_456 = arith.addf %add3A_451, %mul3A_455 : vector<512x128xf32>
    %slice3A_457 = vector.extract_strided_slice %reshape3A_34 {offsets = [14, 0, 20], sizes = [1, 512, 1], strides = [1, 1, 1]} : vector<16x512x32xf32> to vector<1x512x1xf32>
    %squeeze3A_458 = vector.shape_cast %slice3A_457 : vector<1x512x1xf32> to vector<512x1xf32>
    %mul3A_459 = vector.broadcast %squeeze3A_458 : vector<512x1xf32> to vector<512x128xf32>
    %mul3A_460 = arith.mulf %mul3A_459, %squeeze3A_69 : vector<512x128xf32>
    %add3A_461 = arith.addf %add3A_456, %mul3A_460 : vector<512x128xf32>
    %slice3A_462 = vector.extract_strided_slice %reshape3A_34 {offsets = [15, 0, 20], sizes = [1, 512, 1], strides = [1, 1, 1]} : vector<16x512x32xf32> to vector<1x512x1xf32>
    %squeeze3A_463 = vector.shape_cast %slice3A_462 : vector<1x512x1xf32> to vector<512x1xf32>
    %mul3A_464 = vector.broadcast %squeeze3A_463 : vector<512x1xf32> to vector<512x128xf32>
    %mul3A_465 = arith.mulf %mul3A_464, %squeeze3A_71 : vector<512x128xf32>
    %add3A_466 = arith.addf %add3A_461, %mul3A_465 : vector<512x128xf32>
    %concatenate3A = tpu.concatenate %add3A_150, %add3A_229, %add3A_308, %add3A_387, %add3A_466 in 1 : vector<512x128xf32>, vector<512x128xf32>, vector<512x128xf32>, vector<512x128xf32>, vector<512x128xf32> -> vector<512x640xf32>
    %get3A_467 = arith.constant 0 : index
    %get3A_468 = arith.constant 0 : index
    %get3A_469 = vector.load %arg5[%get3A_467, %get3A_468] : memref<640x128xf32, #tpu.memory_space<vmem>>, vector<640x128xf32>
    %dot_general3A_470 = arith.constant dense<0.000000e+00> : vector<512x128xf32>
    %dot_general3A_471 = tpu.matmul %concatenate3A, %get3A_469, %dot_general3A_470 {dimension_numbers = #tpu.dot_dimension_numbers<[1], [0], [0], [1], [0, 0, 1, 1], [], []>, transpose_lhs_hint = false} : vector<512x640xf32>, vector<640x128xf32>, vector<512x128xf32> -> vector<512x128xf32>
    %swap3A_472 = arith.constant 0 : index
    %swap3A_473 = arith.constant 0 : index
    %swap3A_474 = vector.load %arg6[%swap3A_472, %swap3A_473] : memref<512x128xf32, #tpu.memory_space<vmem>>, vector<512x128xf32>
    tpu.vector_store %arg6[%swap3A_472, %swap3A_473], %dot_general3A_471 {strides = array<i32>} : memref<512x128xf32, #tpu.memory_space<vmem>>, vector<512x128xf32>,
    %eq3A = arith.constant 0 : i32
    %eq3A_475 = arith.cmpi eq, %arg0, %eq3A : i32
    %convert_element_type3A_476 = arith.extui %eq3A_475 : i1 to i32
    %cond3A = arith.constant 0 : i32
    %cond3A_477 = arith.cmpi ne, %convert_element_type3A_476, %cond3A : i32
    scf.if %cond3A_477 {
      %broadcast_in_dim3A_494 = arith.constant 0.000000e+00 : f32
      %broadcast_in_dim3A_495 = vector.broadcast %broadcast_in_dim3A_494 : f32 to vector<8x128xf32>
      %swap3A_496 = arith.constant 0 : index
      %swap3A_497 = arith.constant 0 : index
      %swap3A_498 = vector.load %arg7[%swap3A_496, %swap3A_497] : memref<8x128xf32, #tpu.memory_space<vmem>>, vector<8x128xf32>
      tpu.vector_store %arg7[%swap3A_496, %swap3A_497], %broadcast_in_dim3A_495 {strides = array<i32>} : memref<8x128xf32, #tpu.memory_space<vmem>>, vector<8x128xf32>,
    } else {
    }
    %reduce_sum3A = arith.constant dense<0.000000e+00> : vector<128xf32>
    %reduce_sum3A_478 = vector.multi_reduction <add>, %dot_general3A_471, %reduce_sum3A [0] : vector<512x128xf32> to vector<128xf32>
    %broadcast_in_dim3A_479 = vector.shape_cast %reduce_sum3A_478 : vector<128xf32> to vector<1x128xf32>
    %mul3A_480 = arith.mulf %dot_general3A_471, %dot_general3A_471 : vector<512x128xf32>
    %reduce_sum3A_481 = arith.constant dense<0.000000e+00> : vector<128xf32>
    %reduce_sum3A_482 = vector.multi_reduction <add>, %mul3A_480, %reduce_sum3A_481 [0] : vector<512x128xf32> to vector<128xf32>
    %broadcast_in_dim3A_483 = vector.shape_cast %reduce_sum3A_482 : vector<128xf32> to vector<1x128xf32>
    %get3A_484 = arith.constant 0 : index
    %get3A_485 = arith.constant 0 : index
    %get3A_486 = vector.load %arg7[%get3A_484, %get3A_485] : memref<8x128xf32, #tpu.memory_space<vmem>>, vector<8x128xf32>
    %broadcast_in_dim3A_487 = arith.constant 0.000000e+00 : f32
    %broadcast_in_dim3A_488 = vector.broadcast %broadcast_in_dim3A_487 : f32 to vector<6x128xf32>
    %concatenate3A_489 = tpu.concatenate %broadcast_in_dim3A_479, %broadcast_in_dim3A_483, %broadcast_in_dim3A_488 in 0 : vector<1x128xf32>, vector<1x128xf32>, vector<6x128xf32> -> vector<8x128xf32>
    %add3A_490 = arith.addf %get3A_486, %concatenate3A_489 : vector<8x128xf32>
    %swap3A_491 = arith.constant 0 : index
    %swap3A_492 = arith.constant 0 : index
    %swap3A_493 = vector.load %arg7[%swap3A_491, %swap3A_492] : memref<8x128xf32, #tpu.memory_space<vmem>>, vector<8x128xf32>
    tpu.vector_store %arg7[%swap3A_491, %swap3A_492], %add3A_490 {strides = array<i32>} : memref<8x128xf32, #tpu.memory_space<vmem>>, vector<8x128xf32>,
    return
  }
  func.func @transform_0(%arg0: i32) -> (i32, i32, i32) {
    %c0_i32 = arith.constant 0 : i32
    %c0_i32_0 = arith.constant 0 : i32
    %c0_i32_1 = arith.constant 0 : i32
    return %c0_i32, %arg0, %c0_i32_0 : i32, i32, i32
  }
  func.func @transform_1(%arg0: i32) -> (i32, i32) {
    %c0_i32 = arith.constant 0 : i32
    %c0_i32_0 = arith.constant 0 : i32
    return %arg0, %c0_i32 : i32, i32
  }
  func.func @transform_2(%arg0: i32) -> (i32, i32) {
    %c0_i32 = arith.constant 0 : i32
    %c0_i32_0 = arith.constant 0 : i32
    %c0_i32_1 = arith.constant 0 : i32
    return %c0_i32, %c0_i32_0 : i32, i32
  }
  func.func @transform_3(%arg0: i32) -> (i32, i32) {
    %c0_i32 = arith.constant 0 : i32
    %c0_i32_0 = arith.constant 0 : i32
    %c0_i32_1 = arith.constant 0 : i32
    return %c0_i32, %c0_i32_0 : i32, i32
  }
  func.func @transform_4(%arg0: i32) -> (i32, i32) {
    %c0_i32 = arith.constant 0 : i32
    %c0_i32_0 = arith.constant 0 : i32
    %c0_i32_1 = arith.constant 0 : i32
    return %c0_i32, %c0_i32_0 : i32, i32
  }
  func.func @transform_5(%arg0: i32) -> (i32, i32) {
    %c0_i32 = arith.constant 0 : i32
    %c0_i32_0 = arith.constant 0 : i32
    return %arg0, %c0_i32 : i32, i32
  }
  func.func @transform_6(%arg0: i32) -> (i32, i32) {
    %c0_i32 = arith.constant 0 : i32
    %c0_i32_0 = arith.constant 0 : i32
    %c0_i32_1 = arith.constant 0 : i32
    return %c0_i32, %c0_i32_0 : i32, i32
  }
  func.func @transform_7(%arg0: i32) -> (i32, i32, i32) {
    %c0_i32 = arith.constant 0 : i32
    %c0_i32_0 = arith.constant 0 : i32
    %c0_i32_1 = arith.constant 0 : i32
    return %c0_i32, %arg0, %c0_i32_0 : i32, i32, i32
  }
}

module attributes {stable_mosaic.version = 14 : i64} {
  func.func @_ptm1_body(%arg0: i32, %arg1: memref<16x512x256xf32, #tpu.memory_space<vmem>>, %arg2: memref<16x512x32xbf16, #tpu.memory_space<vmem>>, %arg3: memref<128x32xf32, #tpu.memory_space<vmem>>, %arg4: memref<8x32xf32, #tpu.memory_space<vmem>>, %arg5: memref<1x32xf32, #tpu.memory_space<vmem>>, %arg6: memref<1x32xf32, #tpu.memory_space<vmem>>, %arg7: memref<160x32xf32, #tpu.memory_space<vmem>>, %arg8: memref<512x32xf32, #tpu.memory_space<vmem>>, %arg9: memref<8x32xf32, #tpu.memory_space<vmem>>) attributes {dimension_semantics = [#tpu.dimension_semantics<arbitrary>], iteration_bounds = array<i64: 16>, scalar_prefetch = 0 : i64, scratch_operands = 0 : i64, tpu.core_type = #tpu.core_type<tc>, window_params = [{transform_indices = @transform_0, window_bounds = array<i64: 16, 512, 256>}, {transform_indices = @transform_1, window_bounds = array<i64: 16, 512, 32>}, {pipeline_mode = #tpu.pipeline_mode<synchronous>, transform_indices = @transform_2, window_bounds = array<i64: 128, 32>}, {pipeline_mode = #tpu.pipeline_mode<synchronous>, transform_indices = @transform_3, window_bounds = array<i64: 8, 32>}, {pipeline_mode = #tpu.pipeline_mode<synchronous>, transform_indices = @transform_4, window_bounds = array<i64: 1, 32>}, {pipeline_mode = #tpu.pipeline_mode<synchronous>, transform_indices = @transform_5, window_bounds = array<i64: 1, 32>}, {pipeline_mode = #tpu.pipeline_mode<synchronous>, transform_indices = @transform_6, window_bounds = array<i64: 160, 32>}, {transform_indices = @transform_7, window_bounds = array<i64: 512, 32>}, {pipeline_mode = #tpu.pipeline_mode<synchronous>, transform_indices = @transform_8, window_bounds = array<i64: 8, 32>}]} {
    %get3A = arith.constant 0 : index
    %get3A_0 = arith.constant 0 : index
    %get3A_1 = vector.load %arg4[%get3A, %get3A_0] : memref<8x32xf32, #tpu.memory_space<vmem>>, vector<8x32xf32>
    %slice3A = vector.extract_strided_slice %get3A_1 {offsets = [0, 0], sizes = [1, 32], strides = [1, 1]} : vector<8x32xf32> to vector<1x32xf32>
    %div3A = arith.constant 8.192000e+03 : f32
    %div3A_2 = vector.broadcast %div3A : f32 to vector<1x32xf32>
    %div3A_3 = arith.divf %slice3A, %div3A_2 : vector<1x32xf32>
    %slice3A_4 = vector.extract_strided_slice %get3A_1 {offsets = [1, 0], sizes = [1, 32], strides = [1, 1]} : vector<8x32xf32> to vector<1x32xf32>
    %div3A_5 = arith.constant 8.192000e+03 : f32
    %div3A_6 = vector.broadcast %div3A_5 : f32 to vector<1x32xf32>
    %div3A_7 = arith.divf %slice3A_4, %div3A_6 : vector<1x32xf32>
    %mul3A = arith.mulf %div3A_3, %div3A_3 : vector<1x32xf32>
    %sub3A = arith.subf %div3A_7, %mul3A : vector<1x32xf32>
    %add3A = arith.constant 9.99999974E-6 : f32
    %add3A_8 = vector.broadcast %add3A : f32 to vector<1x32xf32>
    %add3A_9 = arith.addf %sub3A, %add3A_8 : vector<1x32xf32>
    %rsqrt3A = math.rsqrt %add3A_9 : vector<1x32xf32>
    %get3A_10 = arith.constant 0 : index
    %get3A_11 = arith.constant 0 : index
    %get3A_12 = vector.load %arg5[%get3A_10, %get3A_11] : memref<1x32xf32, #tpu.memory_space<vmem>>, vector<1x32xf32>
    %mul3A_13 = arith.mulf %rsqrt3A, %get3A_12 : vector<1x32xf32>
    %get3A_14 = arith.constant 0 : index
    %get3A_15 = arith.constant 0 : index
    %get3A_16 = vector.load %arg6[%get3A_14, %get3A_15] : memref<1x32xf32, #tpu.memory_space<vmem>>, vector<1x32xf32>
    %mul3A_17 = arith.mulf %div3A_3, %mul3A_13 : vector<1x32xf32>
    %sub3A_18 = arith.subf %get3A_16, %mul3A_17 : vector<1x32xf32>
    %get3A_19 = arith.constant 0 : index
    %get3A_20 = arith.constant 0 : index
    %get3A_21 = arith.constant 0 : index
    %get3A_22 = vector.load %arg2[%get3A_19, %get3A_20, %get3A_21] : memref<16x512x32xbf16, #tpu.memory_space<vmem>>, vector<16x512x32xbf16>
    %convert_element_type3A = arith.extf %get3A_22 : vector<16x512x32xbf16> to vector<16x512x32xf32>
    %get3A_23 = arith.constant 0 : index
    %get3A_24 = arith.constant 0 : index
    %get3A_25 = arith.constant 0 : index
    %get3A_26 = vector.load %arg1[%get3A_23, %get3A_24, %get3A_25] : memref<16x512x256xf32, #tpu.memory_space<vmem>>, vector<1x512x128xf32>
    %get3A_27 = vector.shape_cast %get3A_26 : vector<1x512x128xf32> to vector<512x128xf32>
    %get3A_28 = arith.constant 0 : index
    %get3A_29 = arith.constant 0 : index
    %get3A_30 = vector.load %arg3[%get3A_28, %get3A_29] : memref<128x32xf32, #tpu.memory_space<vmem>>, vector<128x32xf32>
    %dot_general3A = arith.constant dense<0.000000e+00> : vector<512x32xf32>
    %dot_general3A_31 = tpu.matmul %get3A_27, %get3A_30, %dot_general3A {dimension_numbers = #tpu.dot_dimension_numbers<[1], [0], [0], [1], [0, 0, 1, 1], [], []>, transpose_lhs_hint = false} : vector<512x128xf32>, vector<128x32xf32>, vector<512x32xf32> -> vector<512x32xf32>
    %mul3A_32 = vector.broadcast %mul3A_13 : vector<1x32xf32> to vector<512x32xf32>
    %mul3A_33 = arith.mulf %dot_general3A_31, %mul3A_32 : vector<512x32xf32>
    %add3A_34 = vector.broadcast %sub3A_18 : vector<1x32xf32> to vector<512x32xf32>
    %add3A_35 = arith.addf %mul3A_33, %add3A_34 : vector<512x32xf32>
    %max3A = arith.constant 0.000000e+00 : f32
    %max3A_36 = vector.broadcast %max3A : f32 to vector<512x32xf32>
    %max3A_37 = arith.maximumf %add3A_35, %max3A_36 : vector<512x32xf32>
    %get3A_38 = arith.constant 1 : index
    %get3A_39 = arith.constant 0 : index
    %get3A_40 = arith.constant 0 : index
    %get3A_41 = vector.load %arg1[%get3A_38, %get3A_39, %get3A_40] : memref<16x512x256xf32, #tpu.memory_space<vmem>>, vector<1x512x128xf32>
    %get3A_42 = vector.shape_cast %get3A_41 : vector<1x512x128xf32> to vector<512x128xf32>
    %get3A_43 = arith.constant 0 : index
    %get3A_44 = arith.constant 0 : index
    %get3A_45 = vector.load %arg3[%get3A_43, %get3A_44] : memref<128x32xf32, #tpu.memory_space<vmem>>, vector<128x32xf32>
    %dot_general3A_46 = arith.constant dense<0.000000e+00> : vector<512x32xf32>
    %dot_general3A_47 = tpu.matmul %get3A_42, %get3A_45, %dot_general3A_46 {dimension_numbers = #tpu.dot_dimension_numbers<[1], [0], [0], [1], [0, 0, 1, 1], [], []>, transpose_lhs_hint = false} : vector<512x128xf32>, vector<128x32xf32>, vector<512x32xf32> -> vector<512x32xf32>
    %mul3A_48 = vector.broadcast %mul3A_13 : vector<1x32xf32> to vector<512x32xf32>
    %mul3A_49 = arith.mulf %dot_general3A_47, %mul3A_48 : vector<512x32xf32>
    %add3A_50 = vector.broadcast %sub3A_18 : vector<1x32xf32> to vector<512x32xf32>
    %add3A_51 = arith.addf %mul3A_49, %add3A_50 : vector<512x32xf32>
    %max3A_52 = arith.constant 0.000000e+00 : f32
    %max3A_53 = vector.broadcast %max3A_52 : f32 to vector<512x32xf32>
    %max3A_54 = arith.maximumf %add3A_51, %max3A_53 : vector<512x32xf32>
    %get3A_55 = arith.constant 2 : index
    %get3A_56 = arith.constant 0 : index
    %get3A_57 = arith.constant 0 : index
    %get3A_58 = vector.load %arg1[%get3A_55, %get3A_56, %get3A_57] : memref<16x512x256xf32, #tpu.memory_space<vmem>>, vector<1x512x128xf32>
    %get3A_59 = vector.shape_cast %get3A_58 : vector<1x512x128xf32> to vector<512x128xf32>
    %get3A_60 = arith.constant 0 : index
    %get3A_61 = arith.constant 0 : index
    %get3A_62 = vector.load %arg3[%get3A_60, %get3A_61] : memref<128x32xf32, #tpu.memory_space<vmem>>, vector<128x32xf32>
    %dot_general3A_63 = arith.constant dense<0.000000e+00> : vector<512x32xf32>
    %dot_general3A_64 = tpu.matmul %get3A_59, %get3A_62, %dot_general3A_63 {dimension_numbers = #tpu.dot_dimension_numbers<[1], [0], [0], [1], [0, 0, 1, 1], [], []>, transpose_lhs_hint = false} : vector<512x128xf32>, vector<128x32xf32>, vector<512x32xf32> -> vector<512x32xf32>
    %mul3A_65 = vector.broadcast %mul3A_13 : vector<1x32xf32> to vector<512x32xf32>
    %mul3A_66 = arith.mulf %dot_general3A_64, %mul3A_65 : vector<512x32xf32>
    %add3A_67 = vector.broadcast %sub3A_18 : vector<1x32xf32> to vector<512x32xf32>
    %add3A_68 = arith.addf %mul3A_66, %add3A_67 : vector<512x32xf32>
    %max3A_69 = arith.constant 0.000000e+00 : f32
    %max3A_70 = vector.broadcast %max3A_69 : f32 to vector<512x32xf32>
    %max3A_71 = arith.maximumf %add3A_68, %max3A_70 : vector<512x32xf32>
    %get3A_72 = arith.constant 3 : index
    %get3A_73 = arith.constant 0 : index
    %get3A_74 = arith.constant 0 : index
    %get3A_75 = vector.load %arg1[%get3A_72, %get3A_73, %get3A_74] : memref<16x512x256xf32, #tpu.memory_space<vmem>>, vector<1x512x128xf32>
    %get3A_76 = vector.shape_cast %get3A_75 : vector<1x512x128xf32> to vector<512x128xf32>
    %get3A_77 = arith.constant 0 : index
    %get3A_78 = arith.constant 0 : index
    %get3A_79 = vector.load %arg3[%get3A_77, %get3A_78] : memref<128x32xf32, #tpu.memory_space<vmem>>, vector<128x32xf32>
    %dot_general3A_80 = arith.constant dense<0.000000e+00> : vector<512x32xf32>
    %dot_general3A_81 = tpu.matmul %get3A_76, %get3A_79, %dot_general3A_80 {dimension_numbers = #tpu.dot_dimension_numbers<[1], [0], [0], [1], [0, 0, 1, 1], [], []>, transpose_lhs_hint = false} : vector<512x128xf32>, vector<128x32xf32>, vector<512x32xf32> -> vector<512x32xf32>
    %mul3A_82 = vector.broadcast %mul3A_13 : vector<1x32xf32> to vector<512x32xf32>
    %mul3A_83 = arith.mulf %dot_general3A_81, %mul3A_82 : vector<512x32xf32>
    %add3A_84 = vector.broadcast %sub3A_18 : vector<1x32xf32> to vector<512x32xf32>
    %add3A_85 = arith.addf %mul3A_83, %add3A_84 : vector<512x32xf32>
    %max3A_86 = arith.constant 0.000000e+00 : f32
    %max3A_87 = vector.broadcast %max3A_86 : f32 to vector<512x32xf32>
    %max3A_88 = arith.maximumf %add3A_85, %max3A_87 : vector<512x32xf32>
    %get3A_89 = arith.constant 4 : index
    %get3A_90 = arith.constant 0 : index
    %get3A_91 = arith.constant 0 : index
    %get3A_92 = vector.load %arg1[%get3A_89, %get3A_90, %get3A_91] : memref<16x512x256xf32, #tpu.memory_space<vmem>>, vector<1x512x128xf32>
    %get3A_93 = vector.shape_cast %get3A_92 : vector<1x512x128xf32> to vector<512x128xf32>
    %get3A_94 = arith.constant 0 : index
    %get3A_95 = arith.constant 0 : index
    %get3A_96 = vector.load %arg3[%get3A_94, %get3A_95] : memref<128x32xf32, #tpu.memory_space<vmem>>, vector<128x32xf32>
    %dot_general3A_97 = arith.constant dense<0.000000e+00> : vector<512x32xf32>
    %dot_general3A_98 = tpu.matmul %get3A_93, %get3A_96, %dot_general3A_97 {dimension_numbers = #tpu.dot_dimension_numbers<[1], [0], [0], [1], [0, 0, 1, 1], [], []>, transpose_lhs_hint = false} : vector<512x128xf32>, vector<128x32xf32>, vector<512x32xf32> -> vector<512x32xf32>
    %mul3A_99 = vector.broadcast %mul3A_13 : vector<1x32xf32> to vector<512x32xf32>
    %mul3A_100 = arith.mulf %dot_general3A_98, %mul3A_99 : vector<512x32xf32>
    %add3A_101 = vector.broadcast %sub3A_18 : vector<1x32xf32> to vector<512x32xf32>
    %add3A_102 = arith.addf %mul3A_100, %add3A_101 : vector<512x32xf32>
    %max3A_103 = arith.constant 0.000000e+00 : f32
    %max3A_104 = vector.broadcast %max3A_103 : f32 to vector<512x32xf32>
    %max3A_105 = arith.maximumf %add3A_102, %max3A_104 : vector<512x32xf32>
    %get3A_106 = arith.constant 5 : index
    %get3A_107 = arith.constant 0 : index
    %get3A_108 = arith.constant 0 : index
    %get3A_109 = vector.load %arg1[%get3A_106, %get3A_107, %get3A_108] : memref<16x512x256xf32, #tpu.memory_space<vmem>>, vector<1x512x128xf32>
    %get3A_110 = vector.shape_cast %get3A_109 : vector<1x512x128xf32> to vector<512x128xf32>
    %get3A_111 = arith.constant 0 : index
    %get3A_112 = arith.constant 0 : index
    %get3A_113 = vector.load %arg3[%get3A_111, %get3A_112] : memref<128x32xf32, #tpu.memory_space<vmem>>, vector<128x32xf32>
    %dot_general3A_114 = arith.constant dense<0.000000e+00> : vector<512x32xf32>
    %dot_general3A_115 = tpu.matmul %get3A_110, %get3A_113, %dot_general3A_114 {dimension_numbers = #tpu.dot_dimension_numbers<[1], [0], [0], [1], [0, 0, 1, 1], [], []>, transpose_lhs_hint = false} : vector<512x128xf32>, vector<128x32xf32>, vector<512x32xf32> -> vector<512x32xf32>
    %mul3A_116 = vector.broadcast %mul3A_13 : vector<1x32xf32> to vector<512x32xf32>
    %mul3A_117 = arith.mulf %dot_general3A_115, %mul3A_116 : vector<512x32xf32>
    %add3A_118 = vector.broadcast %sub3A_18 : vector<1x32xf32> to vector<512x32xf32>
    %add3A_119 = arith.addf %mul3A_117, %add3A_118 : vector<512x32xf32>
    %max3A_120 = arith.constant 0.000000e+00 : f32
    %max3A_121 = vector.broadcast %max3A_120 : f32 to vector<512x32xf32>
    %max3A_122 = arith.maximumf %add3A_119, %max3A_121 : vector<512x32xf32>
    %get3A_123 = arith.constant 6 : index
    %get3A_124 = arith.constant 0 : index
    %get3A_125 = arith.constant 0 : index
    %get3A_126 = vector.load %arg1[%get3A_123, %get3A_124, %get3A_125] : memref<16x512x256xf32, #tpu.memory_space<vmem>>, vector<1x512x128xf32>
    %get3A_127 = vector.shape_cast %get3A_126 : vector<1x512x128xf32> to vector<512x128xf32>
    %get3A_128 = arith.constant 0 : index
    %get3A_129 = arith.constant 0 : index
    %get3A_130 = vector.load %arg3[%get3A_128, %get3A_129] : memref<128x32xf32, #tpu.memory_space<vmem>>, vector<128x32xf32>
    %dot_general3A_131 = arith.constant dense<0.000000e+00> : vector<512x32xf32>
    %dot_general3A_132 = tpu.matmul %get3A_127, %get3A_130, %dot_general3A_131 {dimension_numbers = #tpu.dot_dimension_numbers<[1], [0], [0], [1], [0, 0, 1, 1], [], []>, transpose_lhs_hint = false} : vector<512x128xf32>, vector<128x32xf32>, vector<512x32xf32> -> vector<512x32xf32>
    %mul3A_133 = vector.broadcast %mul3A_13 : vector<1x32xf32> to vector<512x32xf32>
    %mul3A_134 = arith.mulf %dot_general3A_132, %mul3A_133 : vector<512x32xf32>
    %add3A_135 = vector.broadcast %sub3A_18 : vector<1x32xf32> to vector<512x32xf32>
    %add3A_136 = arith.addf %mul3A_134, %add3A_135 : vector<512x32xf32>
    %max3A_137 = arith.constant 0.000000e+00 : f32
    %max3A_138 = vector.broadcast %max3A_137 : f32 to vector<512x32xf32>
    %max3A_139 = arith.maximumf %add3A_136, %max3A_138 : vector<512x32xf32>
    %get3A_140 = arith.constant 7 : index
    %get3A_141 = arith.constant 0 : index
    %get3A_142 = arith.constant 0 : index
    %get3A_143 = vector.load %arg1[%get3A_140, %get3A_141, %get3A_142] : memref<16x512x256xf32, #tpu.memory_space<vmem>>, vector<1x512x128xf32>
    %get3A_144 = vector.shape_cast %get3A_143 : vector<1x512x128xf32> to vector<512x128xf32>
    %get3A_145 = arith.constant 0 : index
    %get3A_146 = arith.constant 0 : index
    %get3A_147 = vector.load %arg3[%get3A_145, %get3A_146] : memref<128x32xf32, #tpu.memory_space<vmem>>, vector<128x32xf32>
    %dot_general3A_148 = arith.constant dense<0.000000e+00> : vector<512x32xf32>
    %dot_general3A_149 = tpu.matmul %get3A_144, %get3A_147, %dot_general3A_148 {dimension_numbers = #tpu.dot_dimension_numbers<[1], [0], [0], [1], [0, 0, 1, 1], [], []>, transpose_lhs_hint = false} : vector<512x128xf32>, vector<128x32xf32>, vector<512x32xf32> -> vector<512x32xf32>
    %mul3A_150 = vector.broadcast %mul3A_13 : vector<1x32xf32> to vector<512x32xf32>
    %mul3A_151 = arith.mulf %dot_general3A_149, %mul3A_150 : vector<512x32xf32>
    %add3A_152 = vector.broadcast %sub3A_18 : vector<1x32xf32> to vector<512x32xf32>
    %add3A_153 = arith.addf %mul3A_151, %add3A_152 : vector<512x32xf32>
    %max3A_154 = arith.constant 0.000000e+00 : f32
    %max3A_155 = vector.broadcast %max3A_154 : f32 to vector<512x32xf32>
    %max3A_156 = arith.maximumf %add3A_153, %max3A_155 : vector<512x32xf32>
    %get3A_157 = arith.constant 8 : index
    %get3A_158 = arith.constant 0 : index
    %get3A_159 = arith.constant 0 : index
    %get3A_160 = vector.load %arg1[%get3A_157, %get3A_158, %get3A_159] : memref<16x512x256xf32, #tpu.memory_space<vmem>>, vector<1x512x128xf32>
    %get3A_161 = vector.shape_cast %get3A_160 : vector<1x512x128xf32> to vector<512x128xf32>
    %get3A_162 = arith.constant 0 : index
    %get3A_163 = arith.constant 0 : index
    %get3A_164 = vector.load %arg3[%get3A_162, %get3A_163] : memref<128x32xf32, #tpu.memory_space<vmem>>, vector<128x32xf32>
    %dot_general3A_165 = arith.constant dense<0.000000e+00> : vector<512x32xf32>
    %dot_general3A_166 = tpu.matmul %get3A_161, %get3A_164, %dot_general3A_165 {dimension_numbers = #tpu.dot_dimension_numbers<[1], [0], [0], [1], [0, 0, 1, 1], [], []>, transpose_lhs_hint = false} : vector<512x128xf32>, vector<128x32xf32>, vector<512x32xf32> -> vector<512x32xf32>
    %mul3A_167 = vector.broadcast %mul3A_13 : vector<1x32xf32> to vector<512x32xf32>
    %mul3A_168 = arith.mulf %dot_general3A_166, %mul3A_167 : vector<512x32xf32>
    %add3A_169 = vector.broadcast %sub3A_18 : vector<1x32xf32> to vector<512x32xf32>
    %add3A_170 = arith.addf %mul3A_168, %add3A_169 : vector<512x32xf32>
    %max3A_171 = arith.constant 0.000000e+00 : f32
    %max3A_172 = vector.broadcast %max3A_171 : f32 to vector<512x32xf32>
    %max3A_173 = arith.maximumf %add3A_170, %max3A_172 : vector<512x32xf32>
    %get3A_174 = arith.constant 9 : index
    %get3A_175 = arith.constant 0 : index
    %get3A_176 = arith.constant 0 : index
    %get3A_177 = vector.load %arg1[%get3A_174, %get3A_175, %get3A_176] : memref<16x512x256xf32, #tpu.memory_space<vmem>>, vector<1x512x128xf32>
    %get3A_178 = vector.shape_cast %get3A_177 : vector<1x512x128xf32> to vector<512x128xf32>
    %get3A_179 = arith.constant 0 : index
    %get3A_180 = arith.constant 0 : index
    %get3A_181 = vector.load %arg3[%get3A_179, %get3A_180] : memref<128x32xf32, #tpu.memory_space<vmem>>, vector<128x32xf32>
    %dot_general3A_182 = arith.constant dense<0.000000e+00> : vector<512x32xf32>
    %dot_general3A_183 = tpu.matmul %get3A_178, %get3A_181, %dot_general3A_182 {dimension_numbers = #tpu.dot_dimension_numbers<[1], [0], [0], [1], [0, 0, 1, 1], [], []>, transpose_lhs_hint = false} : vector<512x128xf32>, vector<128x32xf32>, vector<512x32xf32> -> vector<512x32xf32>
    %mul3A_184 = vector.broadcast %mul3A_13 : vector<1x32xf32> to vector<512x32xf32>
    %mul3A_185 = arith.mulf %dot_general3A_183, %mul3A_184 : vector<512x32xf32>
    %add3A_186 = vector.broadcast %sub3A_18 : vector<1x32xf32> to vector<512x32xf32>
    %add3A_187 = arith.addf %mul3A_185, %add3A_186 : vector<512x32xf32>
    %max3A_188 = arith.constant 0.000000e+00 : f32
    %max3A_189 = vector.broadcast %max3A_188 : f32 to vector<512x32xf32>
    %max3A_190 = arith.maximumf %add3A_187, %max3A_189 : vector<512x32xf32>
    %get3A_191 = arith.constant 10 : index
    %get3A_192 = arith.constant 0 : index
    %get3A_193 = arith.constant 0 : index
    %get3A_194 = vector.load %arg1[%get3A_191, %get3A_192, %get3A_193] : memref<16x512x256xf32, #tpu.memory_space<vmem>>, vector<1x512x128xf32>
    %get3A_195 = vector.shape_cast %get3A_194 : vector<1x512x128xf32> to vector<512x128xf32>
    %get3A_196 = arith.constant 0 : index
    %get3A_197 = arith.constant 0 : index
    %get3A_198 = vector.load %arg3[%get3A_196, %get3A_197] : memref<128x32xf32, #tpu.memory_space<vmem>>, vector<128x32xf32>
    %dot_general3A_199 = arith.constant dense<0.000000e+00> : vector<512x32xf32>
    %dot_general3A_200 = tpu.matmul %get3A_195, %get3A_198, %dot_general3A_199 {dimension_numbers = #tpu.dot_dimension_numbers<[1], [0], [0], [1], [0, 0, 1, 1], [], []>, transpose_lhs_hint = false} : vector<512x128xf32>, vector<128x32xf32>, vector<512x32xf32> -> vector<512x32xf32>
    %mul3A_201 = vector.broadcast %mul3A_13 : vector<1x32xf32> to vector<512x32xf32>
    %mul3A_202 = arith.mulf %dot_general3A_200, %mul3A_201 : vector<512x32xf32>
    %add3A_203 = vector.broadcast %sub3A_18 : vector<1x32xf32> to vector<512x32xf32>
    %add3A_204 = arith.addf %mul3A_202, %add3A_203 : vector<512x32xf32>
    %max3A_205 = arith.constant 0.000000e+00 : f32
    %max3A_206 = vector.broadcast %max3A_205 : f32 to vector<512x32xf32>
    %max3A_207 = arith.maximumf %add3A_204, %max3A_206 : vector<512x32xf32>
    %get3A_208 = arith.constant 11 : index
    %get3A_209 = arith.constant 0 : index
    %get3A_210 = arith.constant 0 : index
    %get3A_211 = vector.load %arg1[%get3A_208, %get3A_209, %get3A_210] : memref<16x512x256xf32, #tpu.memory_space<vmem>>, vector<1x512x128xf32>
    %get3A_212 = vector.shape_cast %get3A_211 : vector<1x512x128xf32> to vector<512x128xf32>
    %get3A_213 = arith.constant 0 : index
    %get3A_214 = arith.constant 0 : index
    %get3A_215 = vector.load %arg3[%get3A_213, %get3A_214] : memref<128x32xf32, #tpu.memory_space<vmem>>, vector<128x32xf32>
    %dot_general3A_216 = arith.constant dense<0.000000e+00> : vector<512x32xf32>
    %dot_general3A_217 = tpu.matmul %get3A_212, %get3A_215, %dot_general3A_216 {dimension_numbers = #tpu.dot_dimension_numbers<[1], [0], [0], [1], [0, 0, 1, 1], [], []>, transpose_lhs_hint = false} : vector<512x128xf32>, vector<128x32xf32>, vector<512x32xf32> -> vector<512x32xf32>
    %mul3A_218 = vector.broadcast %mul3A_13 : vector<1x32xf32> to vector<512x32xf32>
    %mul3A_219 = arith.mulf %dot_general3A_217, %mul3A_218 : vector<512x32xf32>
    %add3A_220 = vector.broadcast %sub3A_18 : vector<1x32xf32> to vector<512x32xf32>
    %add3A_221 = arith.addf %mul3A_219, %add3A_220 : vector<512x32xf32>
    %max3A_222 = arith.constant 0.000000e+00 : f32
    %max3A_223 = vector.broadcast %max3A_222 : f32 to vector<512x32xf32>
    %max3A_224 = arith.maximumf %add3A_221, %max3A_223 : vector<512x32xf32>
    %get3A_225 = arith.constant 12 : index
    %get3A_226 = arith.constant 0 : index
    %get3A_227 = arith.constant 0 : index
    %get3A_228 = vector.load %arg1[%get3A_225, %get3A_226, %get3A_227] : memref<16x512x256xf32, #tpu.memory_space<vmem>>, vector<1x512x128xf32>
    %get3A_229 = vector.shape_cast %get3A_228 : vector<1x512x128xf32> to vector<512x128xf32>
    %get3A_230 = arith.constant 0 : index
    %get3A_231 = arith.constant 0 : index
    %get3A_232 = vector.load %arg3[%get3A_230, %get3A_231] : memref<128x32xf32, #tpu.memory_space<vmem>>, vector<128x32xf32>
    %dot_general3A_233 = arith.constant dense<0.000000e+00> : vector<512x32xf32>
    %dot_general3A_234 = tpu.matmul %get3A_229, %get3A_232, %dot_general3A_233 {dimension_numbers = #tpu.dot_dimension_numbers<[1], [0], [0], [1], [0, 0, 1, 1], [], []>, transpose_lhs_hint = false} : vector<512x128xf32>, vector<128x32xf32>, vector<512x32xf32> -> vector<512x32xf32>
    %mul3A_235 = vector.broadcast %mul3A_13 : vector<1x32xf32> to vector<512x32xf32>
    %mul3A_236 = arith.mulf %dot_general3A_234, %mul3A_235 : vector<512x32xf32>
    %add3A_237 = vector.broadcast %sub3A_18 : vector<1x32xf32> to vector<512x32xf32>
    %add3A_238 = arith.addf %mul3A_236, %add3A_237 : vector<512x32xf32>
    %max3A_239 = arith.constant 0.000000e+00 : f32
    %max3A_240 = vector.broadcast %max3A_239 : f32 to vector<512x32xf32>
    %max3A_241 = arith.maximumf %add3A_238, %max3A_240 : vector<512x32xf32>
    %get3A_242 = arith.constant 13 : index
    %get3A_243 = arith.constant 0 : index
    %get3A_244 = arith.constant 0 : index
    %get3A_245 = vector.load %arg1[%get3A_242, %get3A_243, %get3A_244] : memref<16x512x256xf32, #tpu.memory_space<vmem>>, vector<1x512x128xf32>
    %get3A_246 = vector.shape_cast %get3A_245 : vector<1x512x128xf32> to vector<512x128xf32>
    %get3A_247 = arith.constant 0 : index
    %get3A_248 = arith.constant 0 : index
    %get3A_249 = vector.load %arg3[%get3A_247, %get3A_248] : memref<128x32xf32, #tpu.memory_space<vmem>>, vector<128x32xf32>
    %dot_general3A_250 = arith.constant dense<0.000000e+00> : vector<512x32xf32>
    %dot_general3A_251 = tpu.matmul %get3A_246, %get3A_249, %dot_general3A_250 {dimension_numbers = #tpu.dot_dimension_numbers<[1], [0], [0], [1], [0, 0, 1, 1], [], []>, transpose_lhs_hint = false} : vector<512x128xf32>, vector<128x32xf32>, vector<512x32xf32> -> vector<512x32xf32>
    %mul3A_252 = vector.broadcast %mul3A_13 : vector<1x32xf32> to vector<512x32xf32>
    %mul3A_253 = arith.mulf %dot_general3A_251, %mul3A_252 : vector<512x32xf32>
    %add3A_254 = vector.broadcast %sub3A_18 : vector<1x32xf32> to vector<512x32xf32>
    %add3A_255 = arith.addf %mul3A_253, %add3A_254 : vector<512x32xf32>
    %max3A_256 = arith.constant 0.000000e+00 : f32
    %max3A_257 = vector.broadcast %max3A_256 : f32 to vector<512x32xf32>
    %max3A_258 = arith.maximumf %add3A_255, %max3A_257 : vector<512x32xf32>
    %get3A_259 = arith.constant 14 : index
    %get3A_260 = arith.constant 0 : index
    %get3A_261 = arith.constant 0 : index
    %get3A_262 = vector.load %arg1[%get3A_259, %get3A_260, %get3A_261] : memref<16x512x256xf32, #tpu.memory_space<vmem>>, vector<1x512x128xf32>
    %get3A_263 = vector.shape_cast %get3A_262 : vector<1x512x128xf32> to vector<512x128xf32>
    %get3A_264 = arith.constant 0 : index
    %get3A_265 = arith.constant 0 : index
    %get3A_266 = vector.load %arg3[%get3A_264, %get3A_265] : memref<128x32xf32, #tpu.memory_space<vmem>>, vector<128x32xf32>
    %dot_general3A_267 = arith.constant dense<0.000000e+00> : vector<512x32xf32>
    %dot_general3A_268 = tpu.matmul %get3A_263, %get3A_266, %dot_general3A_267 {dimension_numbers = #tpu.dot_dimension_numbers<[1], [0], [0], [1], [0, 0, 1, 1], [], []>, transpose_lhs_hint = false} : vector<512x128xf32>, vector<128x32xf32>, vector<512x32xf32> -> vector<512x32xf32>
    %mul3A_269 = vector.broadcast %mul3A_13 : vector<1x32xf32> to vector<512x32xf32>
    %mul3A_270 = arith.mulf %dot_general3A_268, %mul3A_269 : vector<512x32xf32>
    %add3A_271 = vector.broadcast %sub3A_18 : vector<1x32xf32> to vector<512x32xf32>
    %add3A_272 = arith.addf %mul3A_270, %add3A_271 : vector<512x32xf32>
    %max3A_273 = arith.constant 0.000000e+00 : f32
    %max3A_274 = vector.broadcast %max3A_273 : f32 to vector<512x32xf32>
    %max3A_275 = arith.maximumf %add3A_272, %max3A_274 : vector<512x32xf32>
    %get3A_276 = arith.constant 15 : index
    %get3A_277 = arith.constant 0 : index
    %get3A_278 = arith.constant 0 : index
    %get3A_279 = vector.load %arg1[%get3A_276, %get3A_277, %get3A_278] : memref<16x512x256xf32, #tpu.memory_space<vmem>>, vector<1x512x128xf32>
    %get3A_280 = vector.shape_cast %get3A_279 : vector<1x512x128xf32> to vector<512x128xf32>
    %get3A_281 = arith.constant 0 : index
    %get3A_282 = arith.constant 0 : index
    %get3A_283 = vector.load %arg3[%get3A_281, %get3A_282] : memref<128x32xf32, #tpu.memory_space<vmem>>, vector<128x32xf32>
    %dot_general3A_284 = arith.constant dense<0.000000e+00> : vector<512x32xf32>
    %dot_general3A_285 = tpu.matmul %get3A_280, %get3A_283, %dot_general3A_284 {dimension_numbers = #tpu.dot_dimension_numbers<[1], [0], [0], [1], [0, 0, 1, 1], [], []>, transpose_lhs_hint = false} : vector<512x128xf32>, vector<128x32xf32>, vector<512x32xf32> -> vector<512x32xf32>
    %mul3A_286 = vector.broadcast %mul3A_13 : vector<1x32xf32> to vector<512x32xf32>
    %mul3A_287 = arith.mulf %dot_general3A_285, %mul3A_286 : vector<512x32xf32>
    %add3A_288 = vector.broadcast %sub3A_18 : vector<1x32xf32> to vector<512x32xf32>
    %add3A_289 = arith.addf %mul3A_287, %add3A_288 : vector<512x32xf32>
    %max3A_290 = arith.constant 0.000000e+00 : f32
    %max3A_291 = vector.broadcast %max3A_290 : f32 to vector<512x32xf32>
    %max3A_292 = arith.maximumf %add3A_289, %max3A_291 : vector<512x32xf32>
    %slice3A_293 = vector.extract_strided_slice %convert_element_type3A {offsets = [0, 0, 0], sizes = [1, 512, 1], strides = [1, 1, 1]} : vector<16x512x32xf32> to vector<1x512x1xf32>
    %squeeze3A = vector.shape_cast %slice3A_293 : vector<1x512x1xf32> to vector<512x1xf32>
    %mul3A_294 = vector.broadcast %squeeze3A : vector<512x1xf32> to vector<512x32xf32>
    %mul3A_295 = arith.mulf %mul3A_294, %max3A_37 : vector<512x32xf32>
    %slice3A_296 = vector.extract_strided_slice %convert_element_type3A {offsets = [1, 0, 0], sizes = [1, 512, 1], strides = [1, 1, 1]} : vector<16x512x32xf32> to vector<1x512x1xf32>
    %squeeze3A_297 = vector.shape_cast %slice3A_296 : vector<1x512x1xf32> to vector<512x1xf32>
    %mul3A_298 = vector.broadcast %squeeze3A_297 : vector<512x1xf32> to vector<512x32xf32>
    %mul3A_299 = arith.mulf %mul3A_298, %max3A_54 : vector<512x32xf32>
    %add3A_300 = arith.addf %mul3A_295, %mul3A_299 : vector<512x32xf32>
    %slice3A_301 = vector.extract_strided_slice %convert_element_type3A {offsets = [2, 0, 0], sizes = [1, 512, 1], strides = [1, 1, 1]} : vector<16x512x32xf32> to vector<1x512x1xf32>
    %squeeze3A_302 = vector.shape_cast %slice3A_301 : vector<1x512x1xf32> to vector<512x1xf32>
    %mul3A_303 = vector.broadcast %squeeze3A_302 : vector<512x1xf32> to vector<512x32xf32>
    %mul3A_304 = arith.mulf %mul3A_303, %max3A_71 : vector<512x32xf32>
    %add3A_305 = arith.addf %add3A_300, %mul3A_304 : vector<512x32xf32>
    %slice3A_306 = vector.extract_strided_slice %convert_element_type3A {offsets = [3, 0, 0], sizes = [1, 512, 1], strides = [1, 1, 1]} : vector<16x512x32xf32> to vector<1x512x1xf32>
    %squeeze3A_307 = vector.shape_cast %slice3A_306 : vector<1x512x1xf32> to vector<512x1xf32>
    %mul3A_308 = vector.broadcast %squeeze3A_307 : vector<512x1xf32> to vector<512x32xf32>
    %mul3A_309 = arith.mulf %mul3A_308, %max3A_88 : vector<512x32xf32>
    %add3A_310 = arith.addf %add3A_305, %mul3A_309 : vector<512x32xf32>
    %slice3A_311 = vector.extract_strided_slice %convert_element_type3A {offsets = [4, 0, 0], sizes = [1, 512, 1], strides = [1, 1, 1]} : vector<16x512x32xf32> to vector<1x512x1xf32>
    %squeeze3A_312 = vector.shape_cast %slice3A_311 : vector<1x512x1xf32> to vector<512x1xf32>
    %mul3A_313 = vector.broadcast %squeeze3A_312 : vector<512x1xf32> to vector<512x32xf32>
    %mul3A_314 = arith.mulf %mul3A_313, %max3A_105 : vector<512x32xf32>
    %add3A_315 = arith.addf %add3A_310, %mul3A_314 : vector<512x32xf32>
    %slice3A_316 = vector.extract_strided_slice %convert_element_type3A {offsets = [5, 0, 0], sizes = [1, 512, 1], strides = [1, 1, 1]} : vector<16x512x32xf32> to vector<1x512x1xf32>
    %squeeze3A_317 = vector.shape_cast %slice3A_316 : vector<1x512x1xf32> to vector<512x1xf32>
    %mul3A_318 = vector.broadcast %squeeze3A_317 : vector<512x1xf32> to vector<512x32xf32>
    %mul3A_319 = arith.mulf %mul3A_318, %max3A_122 : vector<512x32xf32>
    %add3A_320 = arith.addf %add3A_315, %mul3A_319 : vector<512x32xf32>
    %slice3A_321 = vector.extract_strided_slice %convert_element_type3A {offsets = [6, 0, 0], sizes = [1, 512, 1], strides = [1, 1, 1]} : vector<16x512x32xf32> to vector<1x512x1xf32>
    %squeeze3A_322 = vector.shape_cast %slice3A_321 : vector<1x512x1xf32> to vector<512x1xf32>
    %mul3A_323 = vector.broadcast %squeeze3A_322 : vector<512x1xf32> to vector<512x32xf32>
    %mul3A_324 = arith.mulf %mul3A_323, %max3A_139 : vector<512x32xf32>
    %add3A_325 = arith.addf %add3A_320, %mul3A_324 : vector<512x32xf32>
    %slice3A_326 = vector.extract_strided_slice %convert_element_type3A {offsets = [7, 0, 0], sizes = [1, 512, 1], strides = [1, 1, 1]} : vector<16x512x32xf32> to vector<1x512x1xf32>
    %squeeze3A_327 = vector.shape_cast %slice3A_326 : vector<1x512x1xf32> to vector<512x1xf32>
    %mul3A_328 = vector.broadcast %squeeze3A_327 : vector<512x1xf32> to vector<512x32xf32>
    %mul3A_329 = arith.mulf %mul3A_328, %max3A_156 : vector<512x32xf32>
    %add3A_330 = arith.addf %add3A_325, %mul3A_329 : vector<512x32xf32>
    %slice3A_331 = vector.extract_strided_slice %convert_element_type3A {offsets = [8, 0, 0], sizes = [1, 512, 1], strides = [1, 1, 1]} : vector<16x512x32xf32> to vector<1x512x1xf32>
    %squeeze3A_332 = vector.shape_cast %slice3A_331 : vector<1x512x1xf32> to vector<512x1xf32>
    %mul3A_333 = vector.broadcast %squeeze3A_332 : vector<512x1xf32> to vector<512x32xf32>
    %mul3A_334 = arith.mulf %mul3A_333, %max3A_173 : vector<512x32xf32>
    %add3A_335 = arith.addf %add3A_330, %mul3A_334 : vector<512x32xf32>
    %slice3A_336 = vector.extract_strided_slice %convert_element_type3A {offsets = [9, 0, 0], sizes = [1, 512, 1], strides = [1, 1, 1]} : vector<16x512x32xf32> to vector<1x512x1xf32>
    %squeeze3A_337 = vector.shape_cast %slice3A_336 : vector<1x512x1xf32> to vector<512x1xf32>
    %mul3A_338 = vector.broadcast %squeeze3A_337 : vector<512x1xf32> to vector<512x32xf32>
    %mul3A_339 = arith.mulf %mul3A_338, %max3A_190 : vector<512x32xf32>
    %add3A_340 = arith.addf %add3A_335, %mul3A_339 : vector<512x32xf32>
    %slice3A_341 = vector.extract_strided_slice %convert_element_type3A {offsets = [10, 0, 0], sizes = [1, 512, 1], strides = [1, 1, 1]} : vector<16x512x32xf32> to vector<1x512x1xf32>
    %squeeze3A_342 = vector.shape_cast %slice3A_341 : vector<1x512x1xf32> to vector<512x1xf32>
    %mul3A_343 = vector.broadcast %squeeze3A_342 : vector<512x1xf32> to vector<512x32xf32>
    %mul3A_344 = arith.mulf %mul3A_343, %max3A_207 : vector<512x32xf32>
    %add3A_345 = arith.addf %add3A_340, %mul3A_344 : vector<512x32xf32>
    %slice3A_346 = vector.extract_strided_slice %convert_element_type3A {offsets = [11, 0, 0], sizes = [1, 512, 1], strides = [1, 1, 1]} : vector<16x512x32xf32> to vector<1x512x1xf32>
    %squeeze3A_347 = vector.shape_cast %slice3A_346 : vector<1x512x1xf32> to vector<512x1xf32>
    %mul3A_348 = vector.broadcast %squeeze3A_347 : vector<512x1xf32> to vector<512x32xf32>
    %mul3A_349 = arith.mulf %mul3A_348, %max3A_224 : vector<512x32xf32>
    %add3A_350 = arith.addf %add3A_345, %mul3A_349 : vector<512x32xf32>
    %slice3A_351 = vector.extract_strided_slice %convert_element_type3A {offsets = [12, 0, 0], sizes = [1, 512, 1], strides = [1, 1, 1]} : vector<16x512x32xf32> to vector<1x512x1xf32>
    %squeeze3A_352 = vector.shape_cast %slice3A_351 : vector<1x512x1xf32> to vector<512x1xf32>
    %mul3A_353 = vector.broadcast %squeeze3A_352 : vector<512x1xf32> to vector<512x32xf32>
    %mul3A_354 = arith.mulf %mul3A_353, %max3A_241 : vector<512x32xf32>
    %add3A_355 = arith.addf %add3A_350, %mul3A_354 : vector<512x32xf32>
    %slice3A_356 = vector.extract_strided_slice %convert_element_type3A {offsets = [13, 0, 0], sizes = [1, 512, 1], strides = [1, 1, 1]} : vector<16x512x32xf32> to vector<1x512x1xf32>
    %squeeze3A_357 = vector.shape_cast %slice3A_356 : vector<1x512x1xf32> to vector<512x1xf32>
    %mul3A_358 = vector.broadcast %squeeze3A_357 : vector<512x1xf32> to vector<512x32xf32>
    %mul3A_359 = arith.mulf %mul3A_358, %max3A_258 : vector<512x32xf32>
    %add3A_360 = arith.addf %add3A_355, %mul3A_359 : vector<512x32xf32>
    %slice3A_361 = vector.extract_strided_slice %convert_element_type3A {offsets = [14, 0, 0], sizes = [1, 512, 1], strides = [1, 1, 1]} : vector<16x512x32xf32> to vector<1x512x1xf32>
    %squeeze3A_362 = vector.shape_cast %slice3A_361 : vector<1x512x1xf32> to vector<512x1xf32>
    %mul3A_363 = vector.broadcast %squeeze3A_362 : vector<512x1xf32> to vector<512x32xf32>
    %mul3A_364 = arith.mulf %mul3A_363, %max3A_275 : vector<512x32xf32>
    %add3A_365 = arith.addf %add3A_360, %mul3A_364 : vector<512x32xf32>
    %slice3A_366 = vector.extract_strided_slice %convert_element_type3A {offsets = [15, 0, 0], sizes = [1, 512, 1], strides = [1, 1, 1]} : vector<16x512x32xf32> to vector<1x512x1xf32>
    %squeeze3A_367 = vector.shape_cast %slice3A_366 : vector<1x512x1xf32> to vector<512x1xf32>
    %mul3A_368 = vector.broadcast %squeeze3A_367 : vector<512x1xf32> to vector<512x32xf32>
    %mul3A_369 = arith.mulf %mul3A_368, %max3A_292 : vector<512x32xf32>
    %add3A_370 = arith.addf %add3A_365, %mul3A_369 : vector<512x32xf32>
    %slice3A_371 = vector.extract_strided_slice %convert_element_type3A {offsets = [0, 0, 1], sizes = [1, 512, 1], strides = [1, 1, 1]} : vector<16x512x32xf32> to vector<1x512x1xf32>
    %squeeze3A_372 = vector.shape_cast %slice3A_371 : vector<1x512x1xf32> to vector<512x1xf32>
    %mul3A_373 = vector.broadcast %squeeze3A_372 : vector<512x1xf32> to vector<512x32xf32>
    %mul3A_374 = arith.mulf %mul3A_373, %max3A_37 : vector<512x32xf32>
    %slice3A_375 = vector.extract_strided_slice %convert_element_type3A {offsets = [1, 0, 1], sizes = [1, 512, 1], strides = [1, 1, 1]} : vector<16x512x32xf32> to vector<1x512x1xf32>
    %squeeze3A_376 = vector.shape_cast %slice3A_375 : vector<1x512x1xf32> to vector<512x1xf32>
    %mul3A_377 = vector.broadcast %squeeze3A_376 : vector<512x1xf32> to vector<512x32xf32>
    %mul3A_378 = arith.mulf %mul3A_377, %max3A_54 : vector<512x32xf32>
    %add3A_379 = arith.addf %mul3A_374, %mul3A_378 : vector<512x32xf32>
    %slice3A_380 = vector.extract_strided_slice %convert_element_type3A {offsets = [2, 0, 1], sizes = [1, 512, 1], strides = [1, 1, 1]} : vector<16x512x32xf32> to vector<1x512x1xf32>
    %squeeze3A_381 = vector.shape_cast %slice3A_380 : vector<1x512x1xf32> to vector<512x1xf32>
    %mul3A_382 = vector.broadcast %squeeze3A_381 : vector<512x1xf32> to vector<512x32xf32>
    %mul3A_383 = arith.mulf %mul3A_382, %max3A_71 : vector<512x32xf32>
    %add3A_384 = arith.addf %add3A_379, %mul3A_383 : vector<512x32xf32>
    %slice3A_385 = vector.extract_strided_slice %convert_element_type3A {offsets = [3, 0, 1], sizes = [1, 512, 1], strides = [1, 1, 1]} : vector<16x512x32xf32> to vector<1x512x1xf32>
    %squeeze3A_386 = vector.shape_cast %slice3A_385 : vector<1x512x1xf32> to vector<512x1xf32>
    %mul3A_387 = vector.broadcast %squeeze3A_386 : vector<512x1xf32> to vector<512x32xf32>
    %mul3A_388 = arith.mulf %mul3A_387, %max3A_88 : vector<512x32xf32>
    %add3A_389 = arith.addf %add3A_384, %mul3A_388 : vector<512x32xf32>
    %slice3A_390 = vector.extract_strided_slice %convert_element_type3A {offsets = [4, 0, 1], sizes = [1, 512, 1], strides = [1, 1, 1]} : vector<16x512x32xf32> to vector<1x512x1xf32>
    %squeeze3A_391 = vector.shape_cast %slice3A_390 : vector<1x512x1xf32> to vector<512x1xf32>
    %mul3A_392 = vector.broadcast %squeeze3A_391 : vector<512x1xf32> to vector<512x32xf32>
    %mul3A_393 = arith.mulf %mul3A_392, %max3A_105 : vector<512x32xf32>
    %add3A_394 = arith.addf %add3A_389, %mul3A_393 : vector<512x32xf32>
    %slice3A_395 = vector.extract_strided_slice %convert_element_type3A {offsets = [5, 0, 1], sizes = [1, 512, 1], strides = [1, 1, 1]} : vector<16x512x32xf32> to vector<1x512x1xf32>
    %squeeze3A_396 = vector.shape_cast %slice3A_395 : vector<1x512x1xf32> to vector<512x1xf32>
    %mul3A_397 = vector.broadcast %squeeze3A_396 : vector<512x1xf32> to vector<512x32xf32>
    %mul3A_398 = arith.mulf %mul3A_397, %max3A_122 : vector<512x32xf32>
    %add3A_399 = arith.addf %add3A_394, %mul3A_398 : vector<512x32xf32>
    %slice3A_400 = vector.extract_strided_slice %convert_element_type3A {offsets = [6, 0, 1], sizes = [1, 512, 1], strides = [1, 1, 1]} : vector<16x512x32xf32> to vector<1x512x1xf32>
    %squeeze3A_401 = vector.shape_cast %slice3A_400 : vector<1x512x1xf32> to vector<512x1xf32>
    %mul3A_402 = vector.broadcast %squeeze3A_401 : vector<512x1xf32> to vector<512x32xf32>
    %mul3A_403 = arith.mulf %mul3A_402, %max3A_139 : vector<512x32xf32>
    %add3A_404 = arith.addf %add3A_399, %mul3A_403 : vector<512x32xf32>
    %slice3A_405 = vector.extract_strided_slice %convert_element_type3A {offsets = [7, 0, 1], sizes = [1, 512, 1], strides = [1, 1, 1]} : vector<16x512x32xf32> to vector<1x512x1xf32>
    %squeeze3A_406 = vector.shape_cast %slice3A_405 : vector<1x512x1xf32> to vector<512x1xf32>
    %mul3A_407 = vector.broadcast %squeeze3A_406 : vector<512x1xf32> to vector<512x32xf32>
    %mul3A_408 = arith.mulf %mul3A_407, %max3A_156 : vector<512x32xf32>
    %add3A_409 = arith.addf %add3A_404, %mul3A_408 : vector<512x32xf32>
    %slice3A_410 = vector.extract_strided_slice %convert_element_type3A {offsets = [8, 0, 1], sizes = [1, 512, 1], strides = [1, 1, 1]} : vector<16x512x32xf32> to vector<1x512x1xf32>
    %squeeze3A_411 = vector.shape_cast %slice3A_410 : vector<1x512x1xf32> to vector<512x1xf32>
    %mul3A_412 = vector.broadcast %squeeze3A_411 : vector<512x1xf32> to vector<512x32xf32>
    %mul3A_413 = arith.mulf %mul3A_412, %max3A_173 : vector<512x32xf32>
    %add3A_414 = arith.addf %add3A_409, %mul3A_413 : vector<512x32xf32>
    %slice3A_415 = vector.extract_strided_slice %convert_element_type3A {offsets = [9, 0, 1], sizes = [1, 512, 1], strides = [1, 1, 1]} : vector<16x512x32xf32> to vector<1x512x1xf32>
    %squeeze3A_416 = vector.shape_cast %slice3A_415 : vector<1x512x1xf32> to vector<512x1xf32>
    %mul3A_417 = vector.broadcast %squeeze3A_416 : vector<512x1xf32> to vector<512x32xf32>
    %mul3A_418 = arith.mulf %mul3A_417, %max3A_190 : vector<512x32xf32>
    %add3A_419 = arith.addf %add3A_414, %mul3A_418 : vector<512x32xf32>
    %slice3A_420 = vector.extract_strided_slice %convert_element_type3A {offsets = [10, 0, 1], sizes = [1, 512, 1], strides = [1, 1, 1]} : vector<16x512x32xf32> to vector<1x512x1xf32>
    %squeeze3A_421 = vector.shape_cast %slice3A_420 : vector<1x512x1xf32> to vector<512x1xf32>
    %mul3A_422 = vector.broadcast %squeeze3A_421 : vector<512x1xf32> to vector<512x32xf32>
    %mul3A_423 = arith.mulf %mul3A_422, %max3A_207 : vector<512x32xf32>
    %add3A_424 = arith.addf %add3A_419, %mul3A_423 : vector<512x32xf32>
    %slice3A_425 = vector.extract_strided_slice %convert_element_type3A {offsets = [11, 0, 1], sizes = [1, 512, 1], strides = [1, 1, 1]} : vector<16x512x32xf32> to vector<1x512x1xf32>
    %squeeze3A_426 = vector.shape_cast %slice3A_425 : vector<1x512x1xf32> to vector<512x1xf32>
    %mul3A_427 = vector.broadcast %squeeze3A_426 : vector<512x1xf32> to vector<512x32xf32>
    %mul3A_428 = arith.mulf %mul3A_427, %max3A_224 : vector<512x32xf32>
    %add3A_429 = arith.addf %add3A_424, %mul3A_428 : vector<512x32xf32>
    %slice3A_430 = vector.extract_strided_slice %convert_element_type3A {offsets = [12, 0, 1], sizes = [1, 512, 1], strides = [1, 1, 1]} : vector<16x512x32xf32> to vector<1x512x1xf32>
    %squeeze3A_431 = vector.shape_cast %slice3A_430 : vector<1x512x1xf32> to vector<512x1xf32>
    %mul3A_432 = vector.broadcast %squeeze3A_431 : vector<512x1xf32> to vector<512x32xf32>
    %mul3A_433 = arith.mulf %mul3A_432, %max3A_241 : vector<512x32xf32>
    %add3A_434 = arith.addf %add3A_429, %mul3A_433 : vector<512x32xf32>
    %slice3A_435 = vector.extract_strided_slice %convert_element_type3A {offsets = [13, 0, 1], sizes = [1, 512, 1], strides = [1, 1, 1]} : vector<16x512x32xf32> to vector<1x512x1xf32>
    %squeeze3A_436 = vector.shape_cast %slice3A_435 : vector<1x512x1xf32> to vector<512x1xf32>
    %mul3A_437 = vector.broadcast %squeeze3A_436 : vector<512x1xf32> to vector<512x32xf32>
    %mul3A_438 = arith.mulf %mul3A_437, %max3A_258 : vector<512x32xf32>
    %add3A_439 = arith.addf %add3A_434, %mul3A_438 : vector<512x32xf32>
    %slice3A_440 = vector.extract_strided_slice %convert_element_type3A {offsets = [14, 0, 1], sizes = [1, 512, 1], strides = [1, 1, 1]} : vector<16x512x32xf32> to vector<1x512x1xf32>
    %squeeze3A_441 = vector.shape_cast %slice3A_440 : vector<1x512x1xf32> to vector<512x1xf32>
    %mul3A_442 = vector.broadcast %squeeze3A_441 : vector<512x1xf32> to vector<512x32xf32>
    %mul3A_443 = arith.mulf %mul3A_442, %max3A_275 : vector<512x32xf32>
    %add3A_444 = arith.addf %add3A_439, %mul3A_443 : vector<512x32xf32>
    %slice3A_445 = vector.extract_strided_slice %convert_element_type3A {offsets = [15, 0, 1], sizes = [1, 512, 1], strides = [1, 1, 1]} : vector<16x512x32xf32> to vector<1x512x1xf32>
    %squeeze3A_446 = vector.shape_cast %slice3A_445 : vector<1x512x1xf32> to vector<512x1xf32>
    %mul3A_447 = vector.broadcast %squeeze3A_446 : vector<512x1xf32> to vector<512x32xf32>
    %mul3A_448 = arith.mulf %mul3A_447, %max3A_292 : vector<512x32xf32>
    %add3A_449 = arith.addf %add3A_444, %mul3A_448 : vector<512x32xf32>
    %slice3A_450 = vector.extract_strided_slice %convert_element_type3A {offsets = [0, 0, 2], sizes = [1, 512, 1], strides = [1, 1, 1]} : vector<16x512x32xf32> to vector<1x512x1xf32>
    %squeeze3A_451 = vector.shape_cast %slice3A_450 : vector<1x512x1xf32> to vector<512x1xf32>
    %mul3A_452 = vector.broadcast %squeeze3A_451 : vector<512x1xf32> to vector<512x32xf32>
    %mul3A_453 = arith.mulf %mul3A_452, %max3A_37 : vector<512x32xf32>
    %slice3A_454 = vector.extract_strided_slice %convert_element_type3A {offsets = [1, 0, 2], sizes = [1, 512, 1], strides = [1, 1, 1]} : vector<16x512x32xf32> to vector<1x512x1xf32>
    %squeeze3A_455 = vector.shape_cast %slice3A_454 : vector<1x512x1xf32> to vector<512x1xf32>
    %mul3A_456 = vector.broadcast %squeeze3A_455 : vector<512x1xf32> to vector<512x32xf32>
    %mul3A_457 = arith.mulf %mul3A_456, %max3A_54 : vector<512x32xf32>
    %add3A_458 = arith.addf %mul3A_453, %mul3A_457 : vector<512x32xf32>
    %slice3A_459 = vector.extract_strided_slice %convert_element_type3A {offsets = [2, 0, 2], sizes = [1, 512, 1], strides = [1, 1, 1]} : vector<16x512x32xf32> to vector<1x512x1xf32>
    %squeeze3A_460 = vector.shape_cast %slice3A_459 : vector<1x512x1xf32> to vector<512x1xf32>
    %mul3A_461 = vector.broadcast %squeeze3A_460 : vector<512x1xf32> to vector<512x32xf32>
    %mul3A_462 = arith.mulf %mul3A_461, %max3A_71 : vector<512x32xf32>
    %add3A_463 = arith.addf %add3A_458, %mul3A_462 : vector<512x32xf32>
    %slice3A_464 = vector.extract_strided_slice %convert_element_type3A {offsets = [3, 0, 2], sizes = [1, 512, 1], strides = [1, 1, 1]} : vector<16x512x32xf32> to vector<1x512x1xf32>
    %squeeze3A_465 = vector.shape_cast %slice3A_464 : vector<1x512x1xf32> to vector<512x1xf32>
    %mul3A_466 = vector.broadcast %squeeze3A_465 : vector<512x1xf32> to vector<512x32xf32>
    %mul3A_467 = arith.mulf %mul3A_466, %max3A_88 : vector<512x32xf32>
    %add3A_468 = arith.addf %add3A_463, %mul3A_467 : vector<512x32xf32>
    %slice3A_469 = vector.extract_strided_slice %convert_element_type3A {offsets = [4, 0, 2], sizes = [1, 512, 1], strides = [1, 1, 1]} : vector<16x512x32xf32> to vector<1x512x1xf32>
    %squeeze3A_470 = vector.shape_cast %slice3A_469 : vector<1x512x1xf32> to vector<512x1xf32>
    %mul3A_471 = vector.broadcast %squeeze3A_470 : vector<512x1xf32> to vector<512x32xf32>
    %mul3A_472 = arith.mulf %mul3A_471, %max3A_105 : vector<512x32xf32>
    %add3A_473 = arith.addf %add3A_468, %mul3A_472 : vector<512x32xf32>
    %slice3A_474 = vector.extract_strided_slice %convert_element_type3A {offsets = [5, 0, 2], sizes = [1, 512, 1], strides = [1, 1, 1]} : vector<16x512x32xf32> to vector<1x512x1xf32>
    %squeeze3A_475 = vector.shape_cast %slice3A_474 : vector<1x512x1xf32> to vector<512x1xf32>
    %mul3A_476 = vector.broadcast %squeeze3A_475 : vector<512x1xf32> to vector<512x32xf32>
    %mul3A_477 = arith.mulf %mul3A_476, %max3A_122 : vector<512x32xf32>
    %add3A_478 = arith.addf %add3A_473, %mul3A_477 : vector<512x32xf32>
    %slice3A_479 = vector.extract_strided_slice %convert_element_type3A {offsets = [6, 0, 2], sizes = [1, 512, 1], strides = [1, 1, 1]} : vector<16x512x32xf32> to vector<1x512x1xf32>
    %squeeze3A_480 = vector.shape_cast %slice3A_479 : vector<1x512x1xf32> to vector<512x1xf32>
    %mul3A_481 = vector.broadcast %squeeze3A_480 : vector<512x1xf32> to vector<512x32xf32>
    %mul3A_482 = arith.mulf %mul3A_481, %max3A_139 : vector<512x32xf32>
    %add3A_483 = arith.addf %add3A_478, %mul3A_482 : vector<512x32xf32>
    %slice3A_484 = vector.extract_strided_slice %convert_element_type3A {offsets = [7, 0, 2], sizes = [1, 512, 1], strides = [1, 1, 1]} : vector<16x512x32xf32> to vector<1x512x1xf32>
    %squeeze3A_485 = vector.shape_cast %slice3A_484 : vector<1x512x1xf32> to vector<512x1xf32>
    %mul3A_486 = vector.broadcast %squeeze3A_485 : vector<512x1xf32> to vector<512x32xf32>
    %mul3A_487 = arith.mulf %mul3A_486, %max3A_156 : vector<512x32xf32>
    %add3A_488 = arith.addf %add3A_483, %mul3A_487 : vector<512x32xf32>
    %slice3A_489 = vector.extract_strided_slice %convert_element_type3A {offsets = [8, 0, 2], sizes = [1, 512, 1], strides = [1, 1, 1]} : vector<16x512x32xf32> to vector<1x512x1xf32>
    %squeeze3A_490 = vector.shape_cast %slice3A_489 : vector<1x512x1xf32> to vector<512x1xf32>
    %mul3A_491 = vector.broadcast %squeeze3A_490 : vector<512x1xf32> to vector<512x32xf32>
    %mul3A_492 = arith.mulf %mul3A_491, %max3A_173 : vector<512x32xf32>
    %add3A_493 = arith.addf %add3A_488, %mul3A_492 : vector<512x32xf32>
    %slice3A_494 = vector.extract_strided_slice %convert_element_type3A {offsets = [9, 0, 2], sizes = [1, 512, 1], strides = [1, 1, 1]} : vector<16x512x32xf32> to vector<1x512x1xf32>
    %squeeze3A_495 = vector.shape_cast %slice3A_494 : vector<1x512x1xf32> to vector<512x1xf32>
    %mul3A_496 = vector.broadcast %squeeze3A_495 : vector<512x1xf32> to vector<512x32xf32>
    %mul3A_497 = arith.mulf %mul3A_496, %max3A_190 : vector<512x32xf32>
    %add3A_498 = arith.addf %add3A_493, %mul3A_497 : vector<512x32xf32>
    %slice3A_499 = vector.extract_strided_slice %convert_element_type3A {offsets = [10, 0, 2], sizes = [1, 512, 1], strides = [1, 1, 1]} : vector<16x512x32xf32> to vector<1x512x1xf32>
    %squeeze3A_500 = vector.shape_cast %slice3A_499 : vector<1x512x1xf32> to vector<512x1xf32>
    %mul3A_501 = vector.broadcast %squeeze3A_500 : vector<512x1xf32> to vector<512x32xf32>
    %mul3A_502 = arith.mulf %mul3A_501, %max3A_207 : vector<512x32xf32>
    %add3A_503 = arith.addf %add3A_498, %mul3A_502 : vector<512x32xf32>
    %slice3A_504 = vector.extract_strided_slice %convert_element_type3A {offsets = [11, 0, 2], sizes = [1, 512, 1], strides = [1, 1, 1]} : vector<16x512x32xf32> to vector<1x512x1xf32>
    %squeeze3A_505 = vector.shape_cast %slice3A_504 : vector<1x512x1xf32> to vector<512x1xf32>
    %mul3A_506 = vector.broadcast %squeeze3A_505 : vector<512x1xf32> to vector<512x32xf32>
    %mul3A_507 = arith.mulf %mul3A_506, %max3A_224 : vector<512x32xf32>
    %add3A_508 = arith.addf %add3A_503, %mul3A_507 : vector<512x32xf32>
    %slice3A_509 = vector.extract_strided_slice %convert_element_type3A {offsets = [12, 0, 2], sizes = [1, 512, 1], strides = [1, 1, 1]} : vector<16x512x32xf32> to vector<1x512x1xf32>
    %squeeze3A_510 = vector.shape_cast %slice3A_509 : vector<1x512x1xf32> to vector<512x1xf32>
    %mul3A_511 = vector.broadcast %squeeze3A_510 : vector<512x1xf32> to vector<512x32xf32>
    %mul3A_512 = arith.mulf %mul3A_511, %max3A_241 : vector<512x32xf32>
    %add3A_513 = arith.addf %add3A_508, %mul3A_512 : vector<512x32xf32>
    %slice3A_514 = vector.extract_strided_slice %convert_element_type3A {offsets = [13, 0, 2], sizes = [1, 512, 1], strides = [1, 1, 1]} : vector<16x512x32xf32> to vector<1x512x1xf32>
    %squeeze3A_515 = vector.shape_cast %slice3A_514 : vector<1x512x1xf32> to vector<512x1xf32>
    %mul3A_516 = vector.broadcast %squeeze3A_515 : vector<512x1xf32> to vector<512x32xf32>
    %mul3A_517 = arith.mulf %mul3A_516, %max3A_258 : vector<512x32xf32>
    %add3A_518 = arith.addf %add3A_513, %mul3A_517 : vector<512x32xf32>
    %slice3A_519 = vector.extract_strided_slice %convert_element_type3A {offsets = [14, 0, 2], sizes = [1, 512, 1], strides = [1, 1, 1]} : vector<16x512x32xf32> to vector<1x512x1xf32>
    %squeeze3A_520 = vector.shape_cast %slice3A_519 : vector<1x512x1xf32> to vector<512x1xf32>
    %mul3A_521 = vector.broadcast %squeeze3A_520 : vector<512x1xf32> to vector<512x32xf32>
    %mul3A_522 = arith.mulf %mul3A_521, %max3A_275 : vector<512x32xf32>
    %add3A_523 = arith.addf %add3A_518, %mul3A_522 : vector<512x32xf32>
    %slice3A_524 = vector.extract_strided_slice %convert_element_type3A {offsets = [15, 0, 2], sizes = [1, 512, 1], strides = [1, 1, 1]} : vector<16x512x32xf32> to vector<1x512x1xf32>
    %squeeze3A_525 = vector.shape_cast %slice3A_524 : vector<1x512x1xf32> to vector<512x1xf32>
    %mul3A_526 = vector.broadcast %squeeze3A_525 : vector<512x1xf32> to vector<512x32xf32>
    %mul3A_527 = arith.mulf %mul3A_526, %max3A_292 : vector<512x32xf32>
    %add3A_528 = arith.addf %add3A_523, %mul3A_527 : vector<512x32xf32>
    %slice3A_529 = vector.extract_strided_slice %convert_element_type3A {offsets = [0, 0, 3], sizes = [1, 512, 1], strides = [1, 1, 1]} : vector<16x512x32xf32> to vector<1x512x1xf32>
    %squeeze3A_530 = vector.shape_cast %slice3A_529 : vector<1x512x1xf32> to vector<512x1xf32>
    %mul3A_531 = vector.broadcast %squeeze3A_530 : vector<512x1xf32> to vector<512x32xf32>
    %mul3A_532 = arith.mulf %mul3A_531, %max3A_37 : vector<512x32xf32>
    %slice3A_533 = vector.extract_strided_slice %convert_element_type3A {offsets = [1, 0, 3], sizes = [1, 512, 1], strides = [1, 1, 1]} : vector<16x512x32xf32> to vector<1x512x1xf32>
    %squeeze3A_534 = vector.shape_cast %slice3A_533 : vector<1x512x1xf32> to vector<512x1xf32>
    %mul3A_535 = vector.broadcast %squeeze3A_534 : vector<512x1xf32> to vector<512x32xf32>
    %mul3A_536 = arith.mulf %mul3A_535, %max3A_54 : vector<512x32xf32>
    %add3A_537 = arith.addf %mul3A_532, %mul3A_536 : vector<512x32xf32>
    %slice3A_538 = vector.extract_strided_slice %convert_element_type3A {offsets = [2, 0, 3], sizes = [1, 512, 1], strides = [1, 1, 1]} : vector<16x512x32xf32> to vector<1x512x1xf32>
    %squeeze3A_539 = vector.shape_cast %slice3A_538 : vector<1x512x1xf32> to vector<512x1xf32>
    %mul3A_540 = vector.broadcast %squeeze3A_539 : vector<512x1xf32> to vector<512x32xf32>
    %mul3A_541 = arith.mulf %mul3A_540, %max3A_71 : vector<512x32xf32>
    %add3A_542 = arith.addf %add3A_537, %mul3A_541 : vector<512x32xf32>
    %slice3A_543 = vector.extract_strided_slice %convert_element_type3A {offsets = [3, 0, 3], sizes = [1, 512, 1], strides = [1, 1, 1]} : vector<16x512x32xf32> to vector<1x512x1xf32>
    %squeeze3A_544 = vector.shape_cast %slice3A_543 : vector<1x512x1xf32> to vector<512x1xf32>
    %mul3A_545 = vector.broadcast %squeeze3A_544 : vector<512x1xf32> to vector<512x32xf32>
    %mul3A_546 = arith.mulf %mul3A_545, %max3A_88 : vector<512x32xf32>
    %add3A_547 = arith.addf %add3A_542, %mul3A_546 : vector<512x32xf32>
    %slice3A_548 = vector.extract_strided_slice %convert_element_type3A {offsets = [4, 0, 3], sizes = [1, 512, 1], strides = [1, 1, 1]} : vector<16x512x32xf32> to vector<1x512x1xf32>
    %squeeze3A_549 = vector.shape_cast %slice3A_548 : vector<1x512x1xf32> to vector<512x1xf32>
    %mul3A_550 = vector.broadcast %squeeze3A_549 : vector<512x1xf32> to vector<512x32xf32>
    %mul3A_551 = arith.mulf %mul3A_550, %max3A_105 : vector<512x32xf32>
    %add3A_552 = arith.addf %add3A_547, %mul3A_551 : vector<512x32xf32>
    %slice3A_553 = vector.extract_strided_slice %convert_element_type3A {offsets = [5, 0, 3], sizes = [1, 512, 1], strides = [1, 1, 1]} : vector<16x512x32xf32> to vector<1x512x1xf32>
    %squeeze3A_554 = vector.shape_cast %slice3A_553 : vector<1x512x1xf32> to vector<512x1xf32>
    %mul3A_555 = vector.broadcast %squeeze3A_554 : vector<512x1xf32> to vector<512x32xf32>
    %mul3A_556 = arith.mulf %mul3A_555, %max3A_122 : vector<512x32xf32>
    %add3A_557 = arith.addf %add3A_552, %mul3A_556 : vector<512x32xf32>
    %slice3A_558 = vector.extract_strided_slice %convert_element_type3A {offsets = [6, 0, 3], sizes = [1, 512, 1], strides = [1, 1, 1]} : vector<16x512x32xf32> to vector<1x512x1xf32>
    %squeeze3A_559 = vector.shape_cast %slice3A_558 : vector<1x512x1xf32> to vector<512x1xf32>
    %mul3A_560 = vector.broadcast %squeeze3A_559 : vector<512x1xf32> to vector<512x32xf32>
    %mul3A_561 = arith.mulf %mul3A_560, %max3A_139 : vector<512x32xf32>
    %add3A_562 = arith.addf %add3A_557, %mul3A_561 : vector<512x32xf32>
    %slice3A_563 = vector.extract_strided_slice %convert_element_type3A {offsets = [7, 0, 3], sizes = [1, 512, 1], strides = [1, 1, 1]} : vector<16x512x32xf32> to vector<1x512x1xf32>
    %squeeze3A_564 = vector.shape_cast %slice3A_563 : vector<1x512x1xf32> to vector<512x1xf32>
    %mul3A_565 = vector.broadcast %squeeze3A_564 : vector<512x1xf32> to vector<512x32xf32>
    %mul3A_566 = arith.mulf %mul3A_565, %max3A_156 : vector<512x32xf32>
    %add3A_567 = arith.addf %add3A_562, %mul3A_566 : vector<512x32xf32>
    %slice3A_568 = vector.extract_strided_slice %convert_element_type3A {offsets = [8, 0, 3], sizes = [1, 512, 1], strides = [1, 1, 1]} : vector<16x512x32xf32> to vector<1x512x1xf32>
    %squeeze3A_569 = vector.shape_cast %slice3A_568 : vector<1x512x1xf32> to vector<512x1xf32>
    %mul3A_570 = vector.broadcast %squeeze3A_569 : vector<512x1xf32> to vector<512x32xf32>
    %mul3A_571 = arith.mulf %mul3A_570, %max3A_173 : vector<512x32xf32>
    %add3A_572 = arith.addf %add3A_567, %mul3A_571 : vector<512x32xf32>
    %slice3A_573 = vector.extract_strided_slice %convert_element_type3A {offsets = [9, 0, 3], sizes = [1, 512, 1], strides = [1, 1, 1]} : vector<16x512x32xf32> to vector<1x512x1xf32>
    %squeeze3A_574 = vector.shape_cast %slice3A_573 : vector<1x512x1xf32> to vector<512x1xf32>
    %mul3A_575 = vector.broadcast %squeeze3A_574 : vector<512x1xf32> to vector<512x32xf32>
    %mul3A_576 = arith.mulf %mul3A_575, %max3A_190 : vector<512x32xf32>
    %add3A_577 = arith.addf %add3A_572, %mul3A_576 : vector<512x32xf32>
    %slice3A_578 = vector.extract_strided_slice %convert_element_type3A {offsets = [10, 0, 3], sizes = [1, 512, 1], strides = [1, 1, 1]} : vector<16x512x32xf32> to vector<1x512x1xf32>
    %squeeze3A_579 = vector.shape_cast %slice3A_578 : vector<1x512x1xf32> to vector<512x1xf32>
    %mul3A_580 = vector.broadcast %squeeze3A_579 : vector<512x1xf32> to vector<512x32xf32>
    %mul3A_581 = arith.mulf %mul3A_580, %max3A_207 : vector<512x32xf32>
    %add3A_582 = arith.addf %add3A_577, %mul3A_581 : vector<512x32xf32>
    %slice3A_583 = vector.extract_strided_slice %convert_element_type3A {offsets = [11, 0, 3], sizes = [1, 512, 1], strides = [1, 1, 1]} : vector<16x512x32xf32> to vector<1x512x1xf32>
    %squeeze3A_584 = vector.shape_cast %slice3A_583 : vector<1x512x1xf32> to vector<512x1xf32>
    %mul3A_585 = vector.broadcast %squeeze3A_584 : vector<512x1xf32> to vector<512x32xf32>
    %mul3A_586 = arith.mulf %mul3A_585, %max3A_224 : vector<512x32xf32>
    %add3A_587 = arith.addf %add3A_582, %mul3A_586 : vector<512x32xf32>
    %slice3A_588 = vector.extract_strided_slice %convert_element_type3A {offsets = [12, 0, 3], sizes = [1, 512, 1], strides = [1, 1, 1]} : vector<16x512x32xf32> to vector<1x512x1xf32>
    %squeeze3A_589 = vector.shape_cast %slice3A_588 : vector<1x512x1xf32> to vector<512x1xf32>
    %mul3A_590 = vector.broadcast %squeeze3A_589 : vector<512x1xf32> to vector<512x32xf32>
    %mul3A_591 = arith.mulf %mul3A_590, %max3A_241 : vector<512x32xf32>
    %add3A_592 = arith.addf %add3A_587, %mul3A_591 : vector<512x32xf32>
    %slice3A_593 = vector.extract_strided_slice %convert_element_type3A {offsets = [13, 0, 3], sizes = [1, 512, 1], strides = [1, 1, 1]} : vector<16x512x32xf32> to vector<1x512x1xf32>
    %squeeze3A_594 = vector.shape_cast %slice3A_593 : vector<1x512x1xf32> to vector<512x1xf32>
    %mul3A_595 = vector.broadcast %squeeze3A_594 : vector<512x1xf32> to vector<512x32xf32>
    %mul3A_596 = arith.mulf %mul3A_595, %max3A_258 : vector<512x32xf32>
    %add3A_597 = arith.addf %add3A_592, %mul3A_596 : vector<512x32xf32>
    %slice3A_598 = vector.extract_strided_slice %convert_element_type3A {offsets = [14, 0, 3], sizes = [1, 512, 1], strides = [1, 1, 1]} : vector<16x512x32xf32> to vector<1x512x1xf32>
    %squeeze3A_599 = vector.shape_cast %slice3A_598 : vector<1x512x1xf32> to vector<512x1xf32>
    %mul3A_600 = vector.broadcast %squeeze3A_599 : vector<512x1xf32> to vector<512x32xf32>
    %mul3A_601 = arith.mulf %mul3A_600, %max3A_275 : vector<512x32xf32>
    %add3A_602 = arith.addf %add3A_597, %mul3A_601 : vector<512x32xf32>
    %slice3A_603 = vector.extract_strided_slice %convert_element_type3A {offsets = [15, 0, 3], sizes = [1, 512, 1], strides = [1, 1, 1]} : vector<16x512x32xf32> to vector<1x512x1xf32>
    %squeeze3A_604 = vector.shape_cast %slice3A_603 : vector<1x512x1xf32> to vector<512x1xf32>
    %mul3A_605 = vector.broadcast %squeeze3A_604 : vector<512x1xf32> to vector<512x32xf32>
    %mul3A_606 = arith.mulf %mul3A_605, %max3A_292 : vector<512x32xf32>
    %add3A_607 = arith.addf %add3A_602, %mul3A_606 : vector<512x32xf32>
    %slice3A_608 = vector.extract_strided_slice %convert_element_type3A {offsets = [0, 0, 4], sizes = [1, 512, 1], strides = [1, 1, 1]} : vector<16x512x32xf32> to vector<1x512x1xf32>
    %squeeze3A_609 = vector.shape_cast %slice3A_608 : vector<1x512x1xf32> to vector<512x1xf32>
    %mul3A_610 = vector.broadcast %squeeze3A_609 : vector<512x1xf32> to vector<512x32xf32>
    %mul3A_611 = arith.mulf %mul3A_610, %max3A_37 : vector<512x32xf32>
    %slice3A_612 = vector.extract_strided_slice %convert_element_type3A {offsets = [1, 0, 4], sizes = [1, 512, 1], strides = [1, 1, 1]} : vector<16x512x32xf32> to vector<1x512x1xf32>
    %squeeze3A_613 = vector.shape_cast %slice3A_612 : vector<1x512x1xf32> to vector<512x1xf32>
    %mul3A_614 = vector.broadcast %squeeze3A_613 : vector<512x1xf32> to vector<512x32xf32>
    %mul3A_615 = arith.mulf %mul3A_614, %max3A_54 : vector<512x32xf32>
    %add3A_616 = arith.addf %mul3A_611, %mul3A_615 : vector<512x32xf32>
    %slice3A_617 = vector.extract_strided_slice %convert_element_type3A {offsets = [2, 0, 4], sizes = [1, 512, 1], strides = [1, 1, 1]} : vector<16x512x32xf32> to vector<1x512x1xf32>
    %squeeze3A_618 = vector.shape_cast %slice3A_617 : vector<1x512x1xf32> to vector<512x1xf32>
    %mul3A_619 = vector.broadcast %squeeze3A_618 : vector<512x1xf32> to vector<512x32xf32>
    %mul3A_620 = arith.mulf %mul3A_619, %max3A_71 : vector<512x32xf32>
    %add3A_621 = arith.addf %add3A_616, %mul3A_620 : vector<512x32xf32>
    %slice3A_622 = vector.extract_strided_slice %convert_element_type3A {offsets = [3, 0, 4], sizes = [1, 512, 1], strides = [1, 1, 1]} : vector<16x512x32xf32> to vector<1x512x1xf32>
    %squeeze3A_623 = vector.shape_cast %slice3A_622 : vector<1x512x1xf32> to vector<512x1xf32>
    %mul3A_624 = vector.broadcast %squeeze3A_623 : vector<512x1xf32> to vector<512x32xf32>
    %mul3A_625 = arith.mulf %mul3A_624, %max3A_88 : vector<512x32xf32>
    %add3A_626 = arith.addf %add3A_621, %mul3A_625 : vector<512x32xf32>
    %slice3A_627 = vector.extract_strided_slice %convert_element_type3A {offsets = [4, 0, 4], sizes = [1, 512, 1], strides = [1, 1, 1]} : vector<16x512x32xf32> to vector<1x512x1xf32>
    %squeeze3A_628 = vector.shape_cast %slice3A_627 : vector<1x512x1xf32> to vector<512x1xf32>
    %mul3A_629 = vector.broadcast %squeeze3A_628 : vector<512x1xf32> to vector<512x32xf32>
    %mul3A_630 = arith.mulf %mul3A_629, %max3A_105 : vector<512x32xf32>
    %add3A_631 = arith.addf %add3A_626, %mul3A_630 : vector<512x32xf32>
    %slice3A_632 = vector.extract_strided_slice %convert_element_type3A {offsets = [5, 0, 4], sizes = [1, 512, 1], strides = [1, 1, 1]} : vector<16x512x32xf32> to vector<1x512x1xf32>
    %squeeze3A_633 = vector.shape_cast %slice3A_632 : vector<1x512x1xf32> to vector<512x1xf32>
    %mul3A_634 = vector.broadcast %squeeze3A_633 : vector<512x1xf32> to vector<512x32xf32>
    %mul3A_635 = arith.mulf %mul3A_634, %max3A_122 : vector<512x32xf32>
    %add3A_636 = arith.addf %add3A_631, %mul3A_635 : vector<512x32xf32>
    %slice3A_637 = vector.extract_strided_slice %convert_element_type3A {offsets = [6, 0, 4], sizes = [1, 512, 1], strides = [1, 1, 1]} : vector<16x512x32xf32> to vector<1x512x1xf32>
    %squeeze3A_638 = vector.shape_cast %slice3A_637 : vector<1x512x1xf32> to vector<512x1xf32>
    %mul3A_639 = vector.broadcast %squeeze3A_638 : vector<512x1xf32> to vector<512x32xf32>
    %mul3A_640 = arith.mulf %mul3A_639, %max3A_139 : vector<512x32xf32>
    %add3A_641 = arith.addf %add3A_636, %mul3A_640 : vector<512x32xf32>
    %slice3A_642 = vector.extract_strided_slice %convert_element_type3A {offsets = [7, 0, 4], sizes = [1, 512, 1], strides = [1, 1, 1]} : vector<16x512x32xf32> to vector<1x512x1xf32>
    %squeeze3A_643 = vector.shape_cast %slice3A_642 : vector<1x512x1xf32> to vector<512x1xf32>
    %mul3A_644 = vector.broadcast %squeeze3A_643 : vector<512x1xf32> to vector<512x32xf32>
    %mul3A_645 = arith.mulf %mul3A_644, %max3A_156 : vector<512x32xf32>
    %add3A_646 = arith.addf %add3A_641, %mul3A_645 : vector<512x32xf32>
    %slice3A_647 = vector.extract_strided_slice %convert_element_type3A {offsets = [8, 0, 4], sizes = [1, 512, 1], strides = [1, 1, 1]} : vector<16x512x32xf32> to vector<1x512x1xf32>
    %squeeze3A_648 = vector.shape_cast %slice3A_647 : vector<1x512x1xf32> to vector<512x1xf32>
    %mul3A_649 = vector.broadcast %squeeze3A_648 : vector<512x1xf32> to vector<512x32xf32>
    %mul3A_650 = arith.mulf %mul3A_649, %max3A_173 : vector<512x32xf32>
    %add3A_651 = arith.addf %add3A_646, %mul3A_650 : vector<512x32xf32>
    %slice3A_652 = vector.extract_strided_slice %convert_element_type3A {offsets = [9, 0, 4], sizes = [1, 512, 1], strides = [1, 1, 1]} : vector<16x512x32xf32> to vector<1x512x1xf32>
    %squeeze3A_653 = vector.shape_cast %slice3A_652 : vector<1x512x1xf32> to vector<512x1xf32>
    %mul3A_654 = vector.broadcast %squeeze3A_653 : vector<512x1xf32> to vector<512x32xf32>
    %mul3A_655 = arith.mulf %mul3A_654, %max3A_190 : vector<512x32xf32>
    %add3A_656 = arith.addf %add3A_651, %mul3A_655 : vector<512x32xf32>
    %slice3A_657 = vector.extract_strided_slice %convert_element_type3A {offsets = [10, 0, 4], sizes = [1, 512, 1], strides = [1, 1, 1]} : vector<16x512x32xf32> to vector<1x512x1xf32>
    %squeeze3A_658 = vector.shape_cast %slice3A_657 : vector<1x512x1xf32> to vector<512x1xf32>
    %mul3A_659 = vector.broadcast %squeeze3A_658 : vector<512x1xf32> to vector<512x32xf32>
    %mul3A_660 = arith.mulf %mul3A_659, %max3A_207 : vector<512x32xf32>
    %add3A_661 = arith.addf %add3A_656, %mul3A_660 : vector<512x32xf32>
    %slice3A_662 = vector.extract_strided_slice %convert_element_type3A {offsets = [11, 0, 4], sizes = [1, 512, 1], strides = [1, 1, 1]} : vector<16x512x32xf32> to vector<1x512x1xf32>
    %squeeze3A_663 = vector.shape_cast %slice3A_662 : vector<1x512x1xf32> to vector<512x1xf32>
    %mul3A_664 = vector.broadcast %squeeze3A_663 : vector<512x1xf32> to vector<512x32xf32>
    %mul3A_665 = arith.mulf %mul3A_664, %max3A_224 : vector<512x32xf32>
    %add3A_666 = arith.addf %add3A_661, %mul3A_665 : vector<512x32xf32>
    %slice3A_667 = vector.extract_strided_slice %convert_element_type3A {offsets = [12, 0, 4], sizes = [1, 512, 1], strides = [1, 1, 1]} : vector<16x512x32xf32> to vector<1x512x1xf32>
    %squeeze3A_668 = vector.shape_cast %slice3A_667 : vector<1x512x1xf32> to vector<512x1xf32>
    %mul3A_669 = vector.broadcast %squeeze3A_668 : vector<512x1xf32> to vector<512x32xf32>
    %mul3A_670 = arith.mulf %mul3A_669, %max3A_241 : vector<512x32xf32>
    %add3A_671 = arith.addf %add3A_666, %mul3A_670 : vector<512x32xf32>
    %slice3A_672 = vector.extract_strided_slice %convert_element_type3A {offsets = [13, 0, 4], sizes = [1, 512, 1], strides = [1, 1, 1]} : vector<16x512x32xf32> to vector<1x512x1xf32>
    %squeeze3A_673 = vector.shape_cast %slice3A_672 : vector<1x512x1xf32> to vector<512x1xf32>
    %mul3A_674 = vector.broadcast %squeeze3A_673 : vector<512x1xf32> to vector<512x32xf32>
    %mul3A_675 = arith.mulf %mul3A_674, %max3A_258 : vector<512x32xf32>
    %add3A_676 = arith.addf %add3A_671, %mul3A_675 : vector<512x32xf32>
    %slice3A_677 = vector.extract_strided_slice %convert_element_type3A {offsets = [14, 0, 4], sizes = [1, 512, 1], strides = [1, 1, 1]} : vector<16x512x32xf32> to vector<1x512x1xf32>
    %squeeze3A_678 = vector.shape_cast %slice3A_677 : vector<1x512x1xf32> to vector<512x1xf32>
    %mul3A_679 = vector.broadcast %squeeze3A_678 : vector<512x1xf32> to vector<512x32xf32>
    %mul3A_680 = arith.mulf %mul3A_679, %max3A_275 : vector<512x32xf32>
    %add3A_681 = arith.addf %add3A_676, %mul3A_680 : vector<512x32xf32>
    %slice3A_682 = vector.extract_strided_slice %convert_element_type3A {offsets = [15, 0, 4], sizes = [1, 512, 1], strides = [1, 1, 1]} : vector<16x512x32xf32> to vector<1x512x1xf32>
    %squeeze3A_683 = vector.shape_cast %slice3A_682 : vector<1x512x1xf32> to vector<512x1xf32>
    %mul3A_684 = vector.broadcast %squeeze3A_683 : vector<512x1xf32> to vector<512x32xf32>
    %mul3A_685 = arith.mulf %mul3A_684, %max3A_292 : vector<512x32xf32>
    %add3A_686 = arith.addf %add3A_681, %mul3A_685 : vector<512x32xf32>
    %concatenate3A = tpu.concatenate %add3A_370, %add3A_449, %add3A_528, %add3A_607, %add3A_686 in 1 : vector<512x32xf32>, vector<512x32xf32>, vector<512x32xf32>, vector<512x32xf32>, vector<512x32xf32> -> vector<512x160xf32>
    %get3A_687 = arith.constant 0 : index
    %get3A_688 = arith.constant 0 : index
    %get3A_689 = vector.load %arg7[%get3A_687, %get3A_688] : memref<160x32xf32, #tpu.memory_space<vmem>>, vector<160x32xf32>
    %dot_general3A_690 = arith.constant dense<0.000000e+00> : vector<512x32xf32>
    %dot_general3A_691 = tpu.matmul %concatenate3A, %get3A_689, %dot_general3A_690 {dimension_numbers = #tpu.dot_dimension_numbers<[1], [0], [0], [1], [0, 0, 1, 1], [], []>, transpose_lhs_hint = false} : vector<512x160xf32>, vector<160x32xf32>, vector<512x32xf32> -> vector<512x32xf32>
    %swap3A = arith.constant 0 : index
    %swap3A_692 = arith.constant 0 : index
    %swap3A_693 = vector.load %arg8[%swap3A, %swap3A_692] : memref<512x32xf32, #tpu.memory_space<vmem>>, vector<512x32xf32>
    tpu.vector_store %arg8[%swap3A, %swap3A_692], %dot_general3A_691 {strides = array<i32>} : memref<512x32xf32, #tpu.memory_space<vmem>>, vector<512x32xf32>,
    %eq3A = arith.constant 0 : i32
    %eq3A_694 = arith.cmpi eq, %arg0, %eq3A : i32
    %convert_element_type3A_695 = arith.extui %eq3A_694 : i1 to i32
    %cond3A = arith.constant 0 : i32
    %cond3A_696 = arith.cmpi ne, %convert_element_type3A_695, %cond3A : i32
    scf.if %cond3A_696 {
      %broadcast_in_dim3A_712 = arith.constant 0.000000e+00 : f32
      %broadcast_in_dim3A_713 = vector.broadcast %broadcast_in_dim3A_712 : f32 to vector<8x32xf32>
      %swap3A_714 = arith.constant 0 : index
      %swap3A_715 = arith.constant 0 : index
      %swap3A_716 = vector.load %arg9[%swap3A_714, %swap3A_715] : memref<8x32xf32, #tpu.memory_space<vmem>>, vector<8x32xf32>
      tpu.vector_store %arg9[%swap3A_714, %swap3A_715], %broadcast_in_dim3A_713 {strides = array<i32>} : memref<8x32xf32, #tpu.memory_space<vmem>>, vector<8x32xf32>,
    } else {
    }
    %reduce_sum3A = arith.constant dense<0.000000e+00> : vector<32xf32>
    %reduce_sum3A_697 = vector.multi_reduction <add>, %dot_general3A_691, %reduce_sum3A [0] : vector<512x32xf32> to vector<32xf32>
    %broadcast_in_dim3A = vector.shape_cast %reduce_sum3A_697 : vector<32xf32> to vector<1x32xf32>
    %mul3A_698 = arith.mulf %dot_general3A_691, %dot_general3A_691 : vector<512x32xf32>
    %reduce_sum3A_699 = arith.constant dense<0.000000e+00> : vector<32xf32>
    %reduce_sum3A_700 = vector.multi_reduction <add>, %mul3A_698, %reduce_sum3A_699 [0] : vector<512x32xf32> to vector<32xf32>
    %broadcast_in_dim3A_701 = vector.shape_cast %reduce_sum3A_700 : vector<32xf32> to vector<1x32xf32>
    %get3A_702 = arith.constant 0 : index
    %get3A_703 = arith.constant 0 : index
    %get3A_704 = vector.load %arg9[%get3A_702, %get3A_703] : memref<8x32xf32, #tpu.memory_space<vmem>>, vector<8x32xf32>
    %broadcast_in_dim3A_705 = arith.constant 0.000000e+00 : f32
    %broadcast_in_dim3A_706 = vector.broadcast %broadcast_in_dim3A_705 : f32 to vector<6x32xf32>
    %concatenate3A_707 = tpu.concatenate %broadcast_in_dim3A, %broadcast_in_dim3A_701, %broadcast_in_dim3A_706 in 0 : vector<1x32xf32>, vector<1x32xf32>, vector<6x32xf32> -> vector<8x32xf32>
    %add3A_708 = arith.addf %get3A_704, %concatenate3A_707 : vector<8x32xf32>
    %swap3A_709 = arith.constant 0 : index
    %swap3A_710 = arith.constant 0 : index
    %swap3A_711 = vector.load %arg9[%swap3A_709, %swap3A_710] : memref<8x32xf32, #tpu.memory_space<vmem>>, vector<8x32xf32>
    tpu.vector_store %arg9[%swap3A_709, %swap3A_710], %add3A_708 {strides = array<i32>} : memref<8x32xf32, #tpu.memory_space<vmem>>, vector<8x32xf32>,
    return
  }
  func.func @transform_0(%arg0: i32) -> (i32, i32, i32) {
    %c0_i32 = arith.constant 0 : i32
    %c0_i32_0 = arith.constant 0 : i32
    %c0_i32_1 = arith.constant 0 : i32
    return %c0_i32, %arg0, %c0_i32_0 : i32, i32, i32
  }
  func.func @transform_1(%arg0: i32) -> (i32, i32, i32) {
    %c0_i32 = arith.constant 0 : i32
    %c0_i32_0 = arith.constant 0 : i32
    %c0_i32_1 = arith.constant 0 : i32
    return %c0_i32, %arg0, %c0_i32_0 : i32, i32, i32
  }
  func.func @transform_2(%arg0: i32) -> (i32, i32) {
    %c0_i32 = arith.constant 0 : i32
    %c0_i32_0 = arith.constant 0 : i32
    %c0_i32_1 = arith.constant 0 : i32
    return %c0_i32, %c0_i32_0 : i32, i32
  }
  func.func @transform_3(%arg0: i32) -> (i32, i32) {
    %c0_i32 = arith.constant 0 : i32
    %c0_i32_0 = arith.constant 0 : i32
    %c0_i32_1 = arith.constant 0 : i32
    return %c0_i32, %c0_i32_0 : i32, i32
  }
  func.func @transform_4(%arg0: i32) -> (i32, i32) {
    %c0_i32 = arith.constant 0 : i32
    %c0_i32_0 = arith.constant 0 : i32
    %c0_i32_1 = arith.constant 0 : i32
    return %c0_i32, %c0_i32_0 : i32, i32
  }
  func.func @transform_5(%arg0: i32) -> (i32, i32) {
    %c0_i32 = arith.constant 0 : i32
    %c0_i32_0 = arith.constant 0 : i32
    %c0_i32_1 = arith.constant 0 : i32
    return %c0_i32, %c0_i32_0 : i32, i32
  }
  func.func @transform_6(%arg0: i32) -> (i32, i32) {
    %c0_i32 = arith.constant 0 : i32
    %c0_i32_0 = arith.constant 0 : i32
    %c0_i32_1 = arith.constant 0 : i32
    return %c0_i32, %c0_i32_0 : i32, i32
  }
  func.func @transform_7(%arg0: i32) -> (i32, i32) {
    %c0_i32 = arith.constant 0 : i32
    %c0_i32_0 = arith.constant 0 : i32
    return %arg0, %c0_i32 : i32, i32
  }
  func.func @transform_8(%arg0: i32) -> (i32, i32) {
    %c0_i32 = arith.constant 0 : i32
    %c0_i32_0 = arith.constant 0 : i32
    %c0_i32_1 = arith.constant 0 : i32
    return %c0_i32, %c0_i32_0 : i32, i32
  }
}

module attributes {stable_mosaic.version = 14 : i64} {
  func.func @_fin_p1_body(%arg0: memref<8192x32xf32, #tpu.memory_space<vmem>>, %arg1: memref<8x32xf32, #tpu.memory_space<vmem>>, %arg2: memref<1x32xf32, #tpu.memory_space<vmem>>, %arg3: memref<1x32xf32, #tpu.memory_space<vmem>>, %arg4: memref<8192x128xf32, #tpu.memory_space<vmem>>) attributes {dimension_semantics = [], scalar_prefetch = 0 : i64, scratch_operands = 0 : i64, tpu.core_type = #tpu.core_type<tc>} {
    %get3A = arith.constant 0 : index
    %get3A_0 = arith.constant 0 : index
    %get3A_1 = vector.load %arg1[%get3A, %get3A_0] : memref<8x32xf32, #tpu.memory_space<vmem>>, vector<8x32xf32>
    %get3A_2 = arith.constant 0 : index
    %get3A_3 = arith.constant 0 : index
    %get3A_4 = vector.load %arg2[%get3A_2, %get3A_3] : memref<1x32xf32, #tpu.memory_space<vmem>>, vector<1x32xf32>
    %get3A_5 = arith.constant 0 : index
    %get3A_6 = arith.constant 0 : index
    %get3A_7 = vector.load %arg3[%get3A_5, %get3A_6] : memref<1x32xf32, #tpu.memory_space<vmem>>, vector<1x32xf32>
    %slice3A = vector.extract_strided_slice %get3A_1 {offsets = [0, 0], sizes = [1, 32], strides = [1, 1]} : vector<8x32xf32> to vector<1x32xf32>
    %div3A = arith.constant 8.192000e+03 : f32
    %div3A_8 = vector.broadcast %div3A : f32 to vector<1x32xf32>
    %div3A_9 = arith.divf %slice3A, %div3A_8 : vector<1x32xf32>
    %slice3A_10 = vector.extract_strided_slice %get3A_1 {offsets = [1, 0], sizes = [1, 32], strides = [1, 1]} : vector<8x32xf32> to vector<1x32xf32>
    %div3A_11 = arith.constant 8.192000e+03 : f32
    %div3A_12 = vector.broadcast %div3A_11 : f32 to vector<1x32xf32>
    %div3A_13 = arith.divf %slice3A_10, %div3A_12 : vector<1x32xf32>
    %mul3A = arith.mulf %div3A_9, %div3A_9 : vector<1x32xf32>
    %sub3A = arith.subf %div3A_13, %mul3A : vector<1x32xf32>
    %add3A = arith.constant 9.99999974E-6 : f32
    %add3A_14 = vector.broadcast %add3A : f32 to vector<1x32xf32>
    %add3A_15 = arith.addf %sub3A, %add3A_14 : vector<1x32xf32>
    %rsqrt3A = math.rsqrt %add3A_15 : vector<1x32xf32>
    %mul3A_16 = arith.mulf %rsqrt3A, %get3A_4 : vector<1x32xf32>
    %mul3A_17 = arith.mulf %div3A_9, %mul3A_16 : vector<1x32xf32>
    %sub3A_18 = arith.subf %get3A_7, %mul3A_17 : vector<1x32xf32>
    %get3A_19 = arith.constant 0 : index
    %get3A_20 = arith.constant 0 : index
    %get3A_21 = vector.load %arg0[%get3A_19, %get3A_20] : memref<8192x32xf32, #tpu.memory_space<vmem>>, vector<8192x32xf32>
    %mul3A_22 = vector.broadcast %mul3A_16 : vector<1x32xf32> to vector<8192x32xf32>
    %mul3A_23 = arith.mulf %get3A_21, %mul3A_22 : vector<8192x32xf32>
    %add3A_24 = vector.broadcast %sub3A_18 : vector<1x32xf32> to vector<8192x32xf32>
    %add3A_25 = arith.addf %mul3A_23, %add3A_24 : vector<8192x32xf32>
    %max3A = arith.constant 0.000000e+00 : f32
    %max3A_26 = vector.broadcast %max3A : f32 to vector<8192x32xf32>
    %max3A_27 = arith.maximumf %add3A_25, %max3A_26 : vector<8192x32xf32>
    %broadcast_in_dim3A = arith.constant 0.000000e+00 : f32
    %broadcast_in_dim3A_28 = vector.broadcast %broadcast_in_dim3A : f32 to vector<8192x96xf32>
    %concatenate3A = tpu.concatenate %max3A_27, %broadcast_in_dim3A_28 in 1 : vector<8192x32xf32>, vector<8192x96xf32> -> vector<8192x128xf32>
    %swap3A = arith.constant 0 : index
    %swap3A_29 = arith.constant 0 : index
    %swap3A_30 = vector.load %arg4[%swap3A, %swap3A_29] : memref<8192x128xf32, #tpu.memory_space<vmem>>, vector<8192x128xf32>
    tpu.vector_store %arg4[%swap3A, %swap3A_29], %concatenate3A {strides = array<i32>} : memref<8192x128xf32, #tpu.memory_space<vmem>>, vector<8192x128xf32>,
    return
  }
}

module attributes {stable_mosaic.version = 14 : i64} {
  func.func @_ptm2_body(%arg0: i32, %arg1: memref<16x512x128xf32, #tpu.memory_space<vmem>>, %arg2: memref<16x512x32xbf16, #tpu.memory_space<vmem>>, %arg3: memref<160x8xf32, #tpu.memory_space<vmem>>, %arg4: memref<512x128xf32, #tpu.memory_space<vmem>>) attributes {dimension_semantics = [#tpu.dimension_semantics<arbitrary>], iteration_bounds = array<i64: 16>, scalar_prefetch = 0 : i64, scratch_operands = 0 : i64, tpu.core_type = #tpu.core_type<tc>, window_params = [{transform_indices = @transform_0, window_bounds = array<i64: 16, 512, 128>}, {transform_indices = @transform_1, window_bounds = array<i64: 16, 512, 32>}, {pipeline_mode = #tpu.pipeline_mode<synchronous>, transform_indices = @transform_2, window_bounds = array<i64: 160, 8>}, {transform_indices = @transform_3, window_bounds = array<i64: 512, 128>}]} {
    %get3A = arith.constant 0 : index
    %get3A_0 = arith.constant 0 : index
    %get3A_1 = arith.constant 0 : index
    %get3A_2 = vector.load %arg2[%get3A, %get3A_0, %get3A_1] : memref<16x512x32xbf16, #tpu.memory_space<vmem>>, vector<16x512x32xbf16>
    %convert_element_type3A = arith.extf %get3A_2 : vector<16x512x32xbf16> to vector<16x512x32xf32>
    %get3A_3 = arith.constant 0 : index
    %get3A_4 = arith.constant 0 : index
    %get3A_5 = arith.constant 0 : index
    %get3A_6 = vector.load %arg1[%get3A_3, %get3A_4, %get3A_5] : memref<16x512x128xf32, #tpu.memory_space<vmem>>, vector<16x512x128xf32>
    %slice3A = vector.extract_strided_slice %get3A_6 {offsets = [0, 0, 0], sizes = [1, 512, 32], strides = [1, 1, 1]} : vector<16x512x128xf32> to vector<1x512x32xf32>
    %squeeze3A = vector.shape_cast %slice3A : vector<1x512x32xf32> to vector<512x32xf32>
    %slice3A_7 = vector.extract_strided_slice %get3A_6 {offsets = [1, 0, 0], sizes = [1, 512, 32], strides = [1, 1, 1]} : vector<16x512x128xf32> to vector<1x512x32xf32>
    %squeeze3A_8 = vector.shape_cast %slice3A_7 : vector<1x512x32xf32> to vector<512x32xf32>
    %slice3A_9 = vector.extract_strided_slice %get3A_6 {offsets = [2, 0, 0], sizes = [1, 512, 32], strides = [1, 1, 1]} : vector<16x512x128xf32> to vector<1x512x32xf32>
    %squeeze3A_10 = vector.shape_cast %slice3A_9 : vector<1x512x32xf32> to vector<512x32xf32>
    %slice3A_11 = vector.extract_strided_slice %get3A_6 {offsets = [3, 0, 0], sizes = [1, 512, 32], strides = [1, 1, 1]} : vector<16x512x128xf32> to vector<1x512x32xf32>
    %squeeze3A_12 = vector.shape_cast %slice3A_11 : vector<1x512x32xf32> to vector<512x32xf32>
    %slice3A_13 = vector.extract_strided_slice %get3A_6 {offsets = [4, 0, 0], sizes = [1, 512, 32], strides = [1, 1, 1]} : vector<16x512x128xf32> to vector<1x512x32xf32>
    %squeeze3A_14 = vector.shape_cast %slice3A_13 : vector<1x512x32xf32> to vector<512x32xf32>
    %slice3A_15 = vector.extract_strided_slice %get3A_6 {offsets = [5, 0, 0], sizes = [1, 512, 32], strides = [1, 1, 1]} : vector<16x512x128xf32> to vector<1x512x32xf32>
    %squeeze3A_16 = vector.shape_cast %slice3A_15 : vector<1x512x32xf32> to vector<512x32xf32>
    %slice3A_17 = vector.extract_strided_slice %get3A_6 {offsets = [6, 0, 0], sizes = [1, 512, 32], strides = [1, 1, 1]} : vector<16x512x128xf32> to vector<1x512x32xf32>
    %squeeze3A_18 = vector.shape_cast %slice3A_17 : vector<1x512x32xf32> to vector<512x32xf32>
    %slice3A_19 = vector.extract_strided_slice %get3A_6 {offsets = [7, 0, 0], sizes = [1, 512, 32], strides = [1, 1, 1]} : vector<16x512x128xf32> to vector<1x512x32xf32>
    %squeeze3A_20 = vector.shape_cast %slice3A_19 : vector<1x512x32xf32> to vector<512x32xf32>
    %slice3A_21 = vector.extract_strided_slice %get3A_6 {offsets = [8, 0, 0], sizes = [1, 512, 32], strides = [1, 1, 1]} : vector<16x512x128xf32> to vector<1x512x32xf32>
    %squeeze3A_22 = vector.shape_cast %slice3A_21 : vector<1x512x32xf32> to vector<512x32xf32>
    %slice3A_23 = vector.extract_strided_slice %get3A_6 {offsets = [9, 0, 0], sizes = [1, 512, 32], strides = [1, 1, 1]} : vector<16x512x128xf32> to vector<1x512x32xf32>
    %squeeze3A_24 = vector.shape_cast %slice3A_23 : vector<1x512x32xf32> to vector<512x32xf32>
    %slice3A_25 = vector.extract_strided_slice %get3A_6 {offsets = [10, 0, 0], sizes = [1, 512, 32], strides = [1, 1, 1]} : vector<16x512x128xf32> to vector<1x512x32xf32>
    %squeeze3A_26 = vector.shape_cast %slice3A_25 : vector<1x512x32xf32> to vector<512x32xf32>
    %slice3A_27 = vector.extract_strided_slice %get3A_6 {offsets = [11, 0, 0], sizes = [1, 512, 32], strides = [1, 1, 1]} : vector<16x512x128xf32> to vector<1x512x32xf32>
    %squeeze3A_28 = vector.shape_cast %slice3A_27 : vector<1x512x32xf32> to vector<512x32xf32>
    %slice3A_29 = vector.extract_strided_slice %get3A_6 {offsets = [12, 0, 0], sizes = [1, 512, 32], strides = [1, 1, 1]} : vector<16x512x128xf32> to vector<1x512x32xf32>
    %squeeze3A_30 = vector.shape_cast %slice3A_29 : vector<1x512x32xf32> to vector<512x32xf32>
    %slice3A_31 = vector.extract_strided_slice %get3A_6 {offsets = [13, 0, 0], sizes = [1, 512, 32], strides = [1, 1, 1]} : vector<16x512x128xf32> to vector<1x512x32xf32>
    %squeeze3A_32 = vector.shape_cast %slice3A_31 : vector<1x512x32xf32> to vector<512x32xf32>
    %slice3A_33 = vector.extract_strided_slice %get3A_6 {offsets = [14, 0, 0], sizes = [1, 512, 32], strides = [1, 1, 1]} : vector<16x512x128xf32> to vector<1x512x32xf32>
    %squeeze3A_34 = vector.shape_cast %slice3A_33 : vector<1x512x32xf32> to vector<512x32xf32>
    %slice3A_35 = vector.extract_strided_slice %get3A_6 {offsets = [15, 0, 0], sizes = [1, 512, 32], strides = [1, 1, 1]} : vector<16x512x128xf32> to vector<1x512x32xf32>
    %squeeze3A_36 = vector.shape_cast %slice3A_35 : vector<1x512x32xf32> to vector<512x32xf32>
    %slice3A_37 = vector.extract_strided_slice %convert_element_type3A {offsets = [0, 0, 8], sizes = [1, 512, 1], strides = [1, 1, 1]} : vector<16x512x32xf32> to vector<1x512x1xf32>
    %squeeze3A_38 = vector.shape_cast %slice3A_37 : vector<1x512x1xf32> to vector<512x1xf32>
    %mul3A = vector.broadcast %squeeze3A_38 : vector<512x1xf32> to vector<512x32xf32>
    %mul3A_39 = arith.mulf %mul3A, %squeeze3A : vector<512x32xf32>
    %slice3A_40 = vector.extract_strided_slice %convert_element_type3A {offsets = [1, 0, 8], sizes = [1, 512, 1], strides = [1, 1, 1]} : vector<16x512x32xf32> to vector<1x512x1xf32>
    %squeeze3A_41 = vector.shape_cast %slice3A_40 : vector<1x512x1xf32> to vector<512x1xf32>
    %mul3A_42 = vector.broadcast %squeeze3A_41 : vector<512x1xf32> to vector<512x32xf32>
    %mul3A_43 = arith.mulf %mul3A_42, %squeeze3A_8 : vector<512x32xf32>
    %add3A = arith.addf %mul3A_39, %mul3A_43 : vector<512x32xf32>
    %slice3A_44 = vector.extract_strided_slice %convert_element_type3A {offsets = [2, 0, 8], sizes = [1, 512, 1], strides = [1, 1, 1]} : vector<16x512x32xf32> to vector<1x512x1xf32>
    %squeeze3A_45 = vector.shape_cast %slice3A_44 : vector<1x512x1xf32> to vector<512x1xf32>
    %mul3A_46 = vector.broadcast %squeeze3A_45 : vector<512x1xf32> to vector<512x32xf32>
    %mul3A_47 = arith.mulf %mul3A_46, %squeeze3A_10 : vector<512x32xf32>
    %add3A_48 = arith.addf %add3A, %mul3A_47 : vector<512x32xf32>
    %slice3A_49 = vector.extract_strided_slice %convert_element_type3A {offsets = [3, 0, 8], sizes = [1, 512, 1], strides = [1, 1, 1]} : vector<16x512x32xf32> to vector<1x512x1xf32>
    %squeeze3A_50 = vector.shape_cast %slice3A_49 : vector<1x512x1xf32> to vector<512x1xf32>
    %mul3A_51 = vector.broadcast %squeeze3A_50 : vector<512x1xf32> to vector<512x32xf32>
    %mul3A_52 = arith.mulf %mul3A_51, %squeeze3A_12 : vector<512x32xf32>
    %add3A_53 = arith.addf %add3A_48, %mul3A_52 : vector<512x32xf32>
    %slice3A_54 = vector.extract_strided_slice %convert_element_type3A {offsets = [4, 0, 8], sizes = [1, 512, 1], strides = [1, 1, 1]} : vector<16x512x32xf32> to vector<1x512x1xf32>
    %squeeze3A_55 = vector.shape_cast %slice3A_54 : vector<1x512x1xf32> to vector<512x1xf32>
    %mul3A_56 = vector.broadcast %squeeze3A_55 : vector<512x1xf32> to vector<512x32xf32>
    %mul3A_57 = arith.mulf %mul3A_56, %squeeze3A_14 : vector<512x32xf32>
    %add3A_58 = arith.addf %add3A_53, %mul3A_57 : vector<512x32xf32>
    %slice3A_59 = vector.extract_strided_slice %convert_element_type3A {offsets = [5, 0, 8], sizes = [1, 512, 1], strides = [1, 1, 1]} : vector<16x512x32xf32> to vector<1x512x1xf32>
    %squeeze3A_60 = vector.shape_cast %slice3A_59 : vector<1x512x1xf32> to vector<512x1xf32>
    %mul3A_61 = vector.broadcast %squeeze3A_60 : vector<512x1xf32> to vector<512x32xf32>
    %mul3A_62 = arith.mulf %mul3A_61, %squeeze3A_16 : vector<512x32xf32>
    %add3A_63 = arith.addf %add3A_58, %mul3A_62 : vector<512x32xf32>
    %slice3A_64 = vector.extract_strided_slice %convert_element_type3A {offsets = [6, 0, 8], sizes = [1, 512, 1], strides = [1, 1, 1]} : vector<16x512x32xf32> to vector<1x512x1xf32>
    %squeeze3A_65 = vector.shape_cast %slice3A_64 : vector<1x512x1xf32> to vector<512x1xf32>
    %mul3A_66 = vector.broadcast %squeeze3A_65 : vector<512x1xf32> to vector<512x32xf32>
    %mul3A_67 = arith.mulf %mul3A_66, %squeeze3A_18 : vector<512x32xf32>
    %add3A_68 = arith.addf %add3A_63, %mul3A_67 : vector<512x32xf32>
    %slice3A_69 = vector.extract_strided_slice %convert_element_type3A {offsets = [7, 0, 8], sizes = [1, 512, 1], strides = [1, 1, 1]} : vector<16x512x32xf32> to vector<1x512x1xf32>
    %squeeze3A_70 = vector.shape_cast %slice3A_69 : vector<1x512x1xf32> to vector<512x1xf32>
    %mul3A_71 = vector.broadcast %squeeze3A_70 : vector<512x1xf32> to vector<512x32xf32>
    %mul3A_72 = arith.mulf %mul3A_71, %squeeze3A_20 : vector<512x32xf32>
    %add3A_73 = arith.addf %add3A_68, %mul3A_72 : vector<512x32xf32>
    %slice3A_74 = vector.extract_strided_slice %convert_element_type3A {offsets = [8, 0, 8], sizes = [1, 512, 1], strides = [1, 1, 1]} : vector<16x512x32xf32> to vector<1x512x1xf32>
    %squeeze3A_75 = vector.shape_cast %slice3A_74 : vector<1x512x1xf32> to vector<512x1xf32>
    %mul3A_76 = vector.broadcast %squeeze3A_75 : vector<512x1xf32> to vector<512x32xf32>
    %mul3A_77 = arith.mulf %mul3A_76, %squeeze3A_22 : vector<512x32xf32>
    %add3A_78 = arith.addf %add3A_73, %mul3A_77 : vector<512x32xf32>
    %slice3A_79 = vector.extract_strided_slice %convert_element_type3A {offsets = [9, 0, 8], sizes = [1, 512, 1], strides = [1, 1, 1]} : vector<16x512x32xf32> to vector<1x512x1xf32>
    %squeeze3A_80 = vector.shape_cast %slice3A_79 : vector<1x512x1xf32> to vector<512x1xf32>
    %mul3A_81 = vector.broadcast %squeeze3A_80 : vector<512x1xf32> to vector<512x32xf32>
    %mul3A_82 = arith.mulf %mul3A_81, %squeeze3A_24 : vector<512x32xf32>
    %add3A_83 = arith.addf %add3A_78, %mul3A_82 : vector<512x32xf32>
    %slice3A_84 = vector.extract_strided_slice %convert_element_type3A {offsets = [10, 0, 8], sizes = [1, 512, 1], strides = [1, 1, 1]} : vector<16x512x32xf32> to vector<1x512x1xf32>
    %squeeze3A_85 = vector.shape_cast %slice3A_84 : vector<1x512x1xf32> to vector<512x1xf32>
    %mul3A_86 = vector.broadcast %squeeze3A_85 : vector<512x1xf32> to vector<512x32xf32>
    %mul3A_87 = arith.mulf %mul3A_86, %squeeze3A_26 : vector<512x32xf32>
    %add3A_88 = arith.addf %add3A_83, %mul3A_87 : vector<512x32xf32>
    %slice3A_89 = vector.extract_strided_slice %convert_element_type3A {offsets = [11, 0, 8], sizes = [1, 512, 1], strides = [1, 1, 1]} : vector<16x512x32xf32> to vector<1x512x1xf32>
    %squeeze3A_90 = vector.shape_cast %slice3A_89 : vector<1x512x1xf32> to vector<512x1xf32>
    %mul3A_91 = vector.broadcast %squeeze3A_90 : vector<512x1xf32> to vector<512x32xf32>
    %mul3A_92 = arith.mulf %mul3A_91, %squeeze3A_28 : vector<512x32xf32>
    %add3A_93 = arith.addf %add3A_88, %mul3A_92 : vector<512x32xf32>
    %slice3A_94 = vector.extract_strided_slice %convert_element_type3A {offsets = [12, 0, 8], sizes = [1, 512, 1], strides = [1, 1, 1]} : vector<16x512x32xf32> to vector<1x512x1xf32>
    %squeeze3A_95 = vector.shape_cast %slice3A_94 : vector<1x512x1xf32> to vector<512x1xf32>
    %mul3A_96 = vector.broadcast %squeeze3A_95 : vector<512x1xf32> to vector<512x32xf32>
    %mul3A_97 = arith.mulf %mul3A_96, %squeeze3A_30 : vector<512x32xf32>
    %add3A_98 = arith.addf %add3A_93, %mul3A_97 : vector<512x32xf32>
    %slice3A_99 = vector.extract_strided_slice %convert_element_type3A {offsets = [13, 0, 8], sizes = [1, 512, 1], strides = [1, 1, 1]} : vector<16x512x32xf32> to vector<1x512x1xf32>
    %squeeze3A_100 = vector.shape_cast %slice3A_99 : vector<1x512x1xf32> to vector<512x1xf32>
    %mul3A_101 = vector.broadcast %squeeze3A_100 : vector<512x1xf32> to vector<512x32xf32>
    %mul3A_102 = arith.mulf %mul3A_101, %squeeze3A_32 : vector<512x32xf32>
    %add3A_103 = arith.addf %add3A_98, %mul3A_102 : vector<512x32xf32>
    %slice3A_104 = vector.extract_strided_slice %convert_element_type3A {offsets = [14, 0, 8], sizes = [1, 512, 1], strides = [1, 1, 1]} : vector<16x512x32xf32> to vector<1x512x1xf32>
    %squeeze3A_105 = vector.shape_cast %slice3A_104 : vector<1x512x1xf32> to vector<512x1xf32>
    %mul3A_106 = vector.broadcast %squeeze3A_105 : vector<512x1xf32> to vector<512x32xf32>
    %mul3A_107 = arith.mulf %mul3A_106, %squeeze3A_34 : vector<512x32xf32>
    %add3A_108 = arith.addf %add3A_103, %mul3A_107 : vector<512x32xf32>
    %slice3A_109 = vector.extract_strided_slice %convert_element_type3A {offsets = [15, 0, 8], sizes = [1, 512, 1], strides = [1, 1, 1]} : vector<16x512x32xf32> to vector<1x512x1xf32>
    %squeeze3A_110 = vector.shape_cast %slice3A_109 : vector<1x512x1xf32> to vector<512x1xf32>
    %mul3A_111 = vector.broadcast %squeeze3A_110 : vector<512x1xf32> to vector<512x32xf32>
    %mul3A_112 = arith.mulf %mul3A_111, %squeeze3A_36 : vector<512x32xf32>
    %add3A_113 = arith.addf %add3A_108, %mul3A_112 : vector<512x32xf32>
    %slice3A_114 = vector.extract_strided_slice %convert_element_type3A {offsets = [0, 0, 9], sizes = [1, 512, 1], strides = [1, 1, 1]} : vector<16x512x32xf32> to vector<1x512x1xf32>
    %squeeze3A_115 = vector.shape_cast %slice3A_114 : vector<1x512x1xf32> to vector<512x1xf32>
    %mul3A_116 = vector.broadcast %squeeze3A_115 : vector<512x1xf32> to vector<512x32xf32>
    %mul3A_117 = arith.mulf %mul3A_116, %squeeze3A : vector<512x32xf32>
    %slice3A_118 = vector.extract_strided_slice %convert_element_type3A {offsets = [1, 0, 9], sizes = [1, 512, 1], strides = [1, 1, 1]} : vector<16x512x32xf32> to vector<1x512x1xf32>
    %squeeze3A_119 = vector.shape_cast %slice3A_118 : vector<1x512x1xf32> to vector<512x1xf32>
    %mul3A_120 = vector.broadcast %squeeze3A_119 : vector<512x1xf32> to vector<512x32xf32>
    %mul3A_121 = arith.mulf %mul3A_120, %squeeze3A_8 : vector<512x32xf32>
    %add3A_122 = arith.addf %mul3A_117, %mul3A_121 : vector<512x32xf32>
    %slice3A_123 = vector.extract_strided_slice %convert_element_type3A {offsets = [2, 0, 9], sizes = [1, 512, 1], strides = [1, 1, 1]} : vector<16x512x32xf32> to vector<1x512x1xf32>
    %squeeze3A_124 = vector.shape_cast %slice3A_123 : vector<1x512x1xf32> to vector<512x1xf32>
    %mul3A_125 = vector.broadcast %squeeze3A_124 : vector<512x1xf32> to vector<512x32xf32>
    %mul3A_126 = arith.mulf %mul3A_125, %squeeze3A_10 : vector<512x32xf32>
    %add3A_127 = arith.addf %add3A_122, %mul3A_126 : vector<512x32xf32>
    %slice3A_128 = vector.extract_strided_slice %convert_element_type3A {offsets = [3, 0, 9], sizes = [1, 512, 1], strides = [1, 1, 1]} : vector<16x512x32xf32> to vector<1x512x1xf32>
    %squeeze3A_129 = vector.shape_cast %slice3A_128 : vector<1x512x1xf32> to vector<512x1xf32>
    %mul3A_130 = vector.broadcast %squeeze3A_129 : vector<512x1xf32> to vector<512x32xf32>
    %mul3A_131 = arith.mulf %mul3A_130, %squeeze3A_12 : vector<512x32xf32>
    %add3A_132 = arith.addf %add3A_127, %mul3A_131 : vector<512x32xf32>
    %slice3A_133 = vector.extract_strided_slice %convert_element_type3A {offsets = [4, 0, 9], sizes = [1, 512, 1], strides = [1, 1, 1]} : vector<16x512x32xf32> to vector<1x512x1xf32>
    %squeeze3A_134 = vector.shape_cast %slice3A_133 : vector<1x512x1xf32> to vector<512x1xf32>
    %mul3A_135 = vector.broadcast %squeeze3A_134 : vector<512x1xf32> to vector<512x32xf32>
    %mul3A_136 = arith.mulf %mul3A_135, %squeeze3A_14 : vector<512x32xf32>
    %add3A_137 = arith.addf %add3A_132, %mul3A_136 : vector<512x32xf32>
    %slice3A_138 = vector.extract_strided_slice %convert_element_type3A {offsets = [5, 0, 9], sizes = [1, 512, 1], strides = [1, 1, 1]} : vector<16x512x32xf32> to vector<1x512x1xf32>
    %squeeze3A_139 = vector.shape_cast %slice3A_138 : vector<1x512x1xf32> to vector<512x1xf32>
    %mul3A_140 = vector.broadcast %squeeze3A_139 : vector<512x1xf32> to vector<512x32xf32>
    %mul3A_141 = arith.mulf %mul3A_140, %squeeze3A_16 : vector<512x32xf32>
    %add3A_142 = arith.addf %add3A_137, %mul3A_141 : vector<512x32xf32>
    %slice3A_143 = vector.extract_strided_slice %convert_element_type3A {offsets = [6, 0, 9], sizes = [1, 512, 1], strides = [1, 1, 1]} : vector<16x512x32xf32> to vector<1x512x1xf32>
    %squeeze3A_144 = vector.shape_cast %slice3A_143 : vector<1x512x1xf32> to vector<512x1xf32>
    %mul3A_145 = vector.broadcast %squeeze3A_144 : vector<512x1xf32> to vector<512x32xf32>
    %mul3A_146 = arith.mulf %mul3A_145, %squeeze3A_18 : vector<512x32xf32>
    %add3A_147 = arith.addf %add3A_142, %mul3A_146 : vector<512x32xf32>
    %slice3A_148 = vector.extract_strided_slice %convert_element_type3A {offsets = [7, 0, 9], sizes = [1, 512, 1], strides = [1, 1, 1]} : vector<16x512x32xf32> to vector<1x512x1xf32>
    %squeeze3A_149 = vector.shape_cast %slice3A_148 : vector<1x512x1xf32> to vector<512x1xf32>
    %mul3A_150 = vector.broadcast %squeeze3A_149 : vector<512x1xf32> to vector<512x32xf32>
    %mul3A_151 = arith.mulf %mul3A_150, %squeeze3A_20 : vector<512x32xf32>
    %add3A_152 = arith.addf %add3A_147, %mul3A_151 : vector<512x32xf32>
    %slice3A_153 = vector.extract_strided_slice %convert_element_type3A {offsets = [8, 0, 9], sizes = [1, 512, 1], strides = [1, 1, 1]} : vector<16x512x32xf32> to vector<1x512x1xf32>
    %squeeze3A_154 = vector.shape_cast %slice3A_153 : vector<1x512x1xf32> to vector<512x1xf32>
    %mul3A_155 = vector.broadcast %squeeze3A_154 : vector<512x1xf32> to vector<512x32xf32>
    %mul3A_156 = arith.mulf %mul3A_155, %squeeze3A_22 : vector<512x32xf32>
    %add3A_157 = arith.addf %add3A_152, %mul3A_156 : vector<512x32xf32>
    %slice3A_158 = vector.extract_strided_slice %convert_element_type3A {offsets = [9, 0, 9], sizes = [1, 512, 1], strides = [1, 1, 1]} : vector<16x512x32xf32> to vector<1x512x1xf32>
    %squeeze3A_159 = vector.shape_cast %slice3A_158 : vector<1x512x1xf32> to vector<512x1xf32>
    %mul3A_160 = vector.broadcast %squeeze3A_159 : vector<512x1xf32> to vector<512x32xf32>
    %mul3A_161 = arith.mulf %mul3A_160, %squeeze3A_24 : vector<512x32xf32>
    %add3A_162 = arith.addf %add3A_157, %mul3A_161 : vector<512x32xf32>
    %slice3A_163 = vector.extract_strided_slice %convert_element_type3A {offsets = [10, 0, 9], sizes = [1, 512, 1], strides = [1, 1, 1]} : vector<16x512x32xf32> to vector<1x512x1xf32>
    %squeeze3A_164 = vector.shape_cast %slice3A_163 : vector<1x512x1xf32> to vector<512x1xf32>
    %mul3A_165 = vector.broadcast %squeeze3A_164 : vector<512x1xf32> to vector<512x32xf32>
    %mul3A_166 = arith.mulf %mul3A_165, %squeeze3A_26 : vector<512x32xf32>
    %add3A_167 = arith.addf %add3A_162, %mul3A_166 : vector<512x32xf32>
    %slice3A_168 = vector.extract_strided_slice %convert_element_type3A {offsets = [11, 0, 9], sizes = [1, 512, 1], strides = [1, 1, 1]} : vector<16x512x32xf32> to vector<1x512x1xf32>
    %squeeze3A_169 = vector.shape_cast %slice3A_168 : vector<1x512x1xf32> to vector<512x1xf32>
    %mul3A_170 = vector.broadcast %squeeze3A_169 : vector<512x1xf32> to vector<512x32xf32>
    %mul3A_171 = arith.mulf %mul3A_170, %squeeze3A_28 : vector<512x32xf32>
    %add3A_172 = arith.addf %add3A_167, %mul3A_171 : vector<512x32xf32>
    %slice3A_173 = vector.extract_strided_slice %convert_element_type3A {offsets = [12, 0, 9], sizes = [1, 512, 1], strides = [1, 1, 1]} : vector<16x512x32xf32> to vector<1x512x1xf32>
    %squeeze3A_174 = vector.shape_cast %slice3A_173 : vector<1x512x1xf32> to vector<512x1xf32>
    %mul3A_175 = vector.broadcast %squeeze3A_174 : vector<512x1xf32> to vector<512x32xf32>
    %mul3A_176 = arith.mulf %mul3A_175, %squeeze3A_30 : vector<512x32xf32>
    %add3A_177 = arith.addf %add3A_172, %mul3A_176 : vector<512x32xf32>
    %slice3A_178 = vector.extract_strided_slice %convert_element_type3A {offsets = [13, 0, 9], sizes = [1, 512, 1], strides = [1, 1, 1]} : vector<16x512x32xf32> to vector<1x512x1xf32>
    %squeeze3A_179 = vector.shape_cast %slice3A_178 : vector<1x512x1xf32> to vector<512x1xf32>
    %mul3A_180 = vector.broadcast %squeeze3A_179 : vector<512x1xf32> to vector<512x32xf32>
    %mul3A_181 = arith.mulf %mul3A_180, %squeeze3A_32 : vector<512x32xf32>
    %add3A_182 = arith.addf %add3A_177, %mul3A_181 : vector<512x32xf32>
    %slice3A_183 = vector.extract_strided_slice %convert_element_type3A {offsets = [14, 0, 9], sizes = [1, 512, 1], strides = [1, 1, 1]} : vector<16x512x32xf32> to vector<1x512x1xf32>
    %squeeze3A_184 = vector.shape_cast %slice3A_183 : vector<1x512x1xf32> to vector<512x1xf32>
    %mul3A_185 = vector.broadcast %squeeze3A_184 : vector<512x1xf32> to vector<512x32xf32>
    %mul3A_186 = arith.mulf %mul3A_185, %squeeze3A_34 : vector<512x32xf32>
    %add3A_187 = arith.addf %add3A_182, %mul3A_186 : vector<512x32xf32>
    %slice3A_188 = vector.extract_strided_slice %convert_element_type3A {offsets = [15, 0, 9], sizes = [1, 512, 1], strides = [1, 1, 1]} : vector<16x512x32xf32> to vector<1x512x1xf32>
    %squeeze3A_189 = vector.shape_cast %slice3A_188 : vector<1x512x1xf32> to vector<512x1xf32>
    %mul3A_190 = vector.broadcast %squeeze3A_189 : vector<512x1xf32> to vector<512x32xf32>
    %mul3A_191 = arith.mulf %mul3A_190, %squeeze3A_36 : vector<512x32xf32>
    %add3A_192 = arith.addf %add3A_187, %mul3A_191 : vector<512x32xf32>
    %slice3A_193 = vector.extract_strided_slice %convert_element_type3A {offsets = [0, 0, 10], sizes = [1, 512, 1], strides = [1, 1, 1]} : vector<16x512x32xf32> to vector<1x512x1xf32>
    %squeeze3A_194 = vector.shape_cast %slice3A_193 : vector<1x512x1xf32> to vector<512x1xf32>
    %mul3A_195 = vector.broadcast %squeeze3A_194 : vector<512x1xf32> to vector<512x32xf32>
    %mul3A_196 = arith.mulf %mul3A_195, %squeeze3A : vector<512x32xf32>
    %slice3A_197 = vector.extract_strided_slice %convert_element_type3A {offsets = [1, 0, 10], sizes = [1, 512, 1], strides = [1, 1, 1]} : vector<16x512x32xf32> to vector<1x512x1xf32>
    %squeeze3A_198 = vector.shape_cast %slice3A_197 : vector<1x512x1xf32> to vector<512x1xf32>
    %mul3A_199 = vector.broadcast %squeeze3A_198 : vector<512x1xf32> to vector<512x32xf32>
    %mul3A_200 = arith.mulf %mul3A_199, %squeeze3A_8 : vector<512x32xf32>
    %add3A_201 = arith.addf %mul3A_196, %mul3A_200 : vector<512x32xf32>
    %slice3A_202 = vector.extract_strided_slice %convert_element_type3A {offsets = [2, 0, 10], sizes = [1, 512, 1], strides = [1, 1, 1]} : vector<16x512x32xf32> to vector<1x512x1xf32>
    %squeeze3A_203 = vector.shape_cast %slice3A_202 : vector<1x512x1xf32> to vector<512x1xf32>
    %mul3A_204 = vector.broadcast %squeeze3A_203 : vector<512x1xf32> to vector<512x32xf32>
    %mul3A_205 = arith.mulf %mul3A_204, %squeeze3A_10 : vector<512x32xf32>
    %add3A_206 = arith.addf %add3A_201, %mul3A_205 : vector<512x32xf32>
    %slice3A_207 = vector.extract_strided_slice %convert_element_type3A {offsets = [3, 0, 10], sizes = [1, 512, 1], strides = [1, 1, 1]} : vector<16x512x32xf32> to vector<1x512x1xf32>
    %squeeze3A_208 = vector.shape_cast %slice3A_207 : vector<1x512x1xf32> to vector<512x1xf32>
    %mul3A_209 = vector.broadcast %squeeze3A_208 : vector<512x1xf32> to vector<512x32xf32>
    %mul3A_210 = arith.mulf %mul3A_209, %squeeze3A_12 : vector<512x32xf32>
    %add3A_211 = arith.addf %add3A_206, %mul3A_210 : vector<512x32xf32>
    %slice3A_212 = vector.extract_strided_slice %convert_element_type3A {offsets = [4, 0, 10], sizes = [1, 512, 1], strides = [1, 1, 1]} : vector<16x512x32xf32> to vector<1x512x1xf32>
    %squeeze3A_213 = vector.shape_cast %slice3A_212 : vector<1x512x1xf32> to vector<512x1xf32>
    %mul3A_214 = vector.broadcast %squeeze3A_213 : vector<512x1xf32> to vector<512x32xf32>
    %mul3A_215 = arith.mulf %mul3A_214, %squeeze3A_14 : vector<512x32xf32>
    %add3A_216 = arith.addf %add3A_211, %mul3A_215 : vector<512x32xf32>
    %slice3A_217 = vector.extract_strided_slice %convert_element_type3A {offsets = [5, 0, 10], sizes = [1, 512, 1], strides = [1, 1, 1]} : vector<16x512x32xf32> to vector<1x512x1xf32>
    %squeeze3A_218 = vector.shape_cast %slice3A_217 : vector<1x512x1xf32> to vector<512x1xf32>
    %mul3A_219 = vector.broadcast %squeeze3A_218 : vector<512x1xf32> to vector<512x32xf32>
    %mul3A_220 = arith.mulf %mul3A_219, %squeeze3A_16 : vector<512x32xf32>
    %add3A_221 = arith.addf %add3A_216, %mul3A_220 : vector<512x32xf32>
    %slice3A_222 = vector.extract_strided_slice %convert_element_type3A {offsets = [6, 0, 10], sizes = [1, 512, 1], strides = [1, 1, 1]} : vector<16x512x32xf32> to vector<1x512x1xf32>
    %squeeze3A_223 = vector.shape_cast %slice3A_222 : vector<1x512x1xf32> to vector<512x1xf32>
    %mul3A_224 = vector.broadcast %squeeze3A_223 : vector<512x1xf32> to vector<512x32xf32>
    %mul3A_225 = arith.mulf %mul3A_224, %squeeze3A_18 : vector<512x32xf32>
    %add3A_226 = arith.addf %add3A_221, %mul3A_225 : vector<512x32xf32>
    %slice3A_227 = vector.extract_strided_slice %convert_element_type3A {offsets = [7, 0, 10], sizes = [1, 512, 1], strides = [1, 1, 1]} : vector<16x512x32xf32> to vector<1x512x1xf32>
    %squeeze3A_228 = vector.shape_cast %slice3A_227 : vector<1x512x1xf32> to vector<512x1xf32>
    %mul3A_229 = vector.broadcast %squeeze3A_228 : vector<512x1xf32> to vector<512x32xf32>
    %mul3A_230 = arith.mulf %mul3A_229, %squeeze3A_20 : vector<512x32xf32>
    %add3A_231 = arith.addf %add3A_226, %mul3A_230 : vector<512x32xf32>
    %slice3A_232 = vector.extract_strided_slice %convert_element_type3A {offsets = [8, 0, 10], sizes = [1, 512, 1], strides = [1, 1, 1]} : vector<16x512x32xf32> to vector<1x512x1xf32>
    %squeeze3A_233 = vector.shape_cast %slice3A_232 : vector<1x512x1xf32> to vector<512x1xf32>
    %mul3A_234 = vector.broadcast %squeeze3A_233 : vector<512x1xf32> to vector<512x32xf32>
    %mul3A_235 = arith.mulf %mul3A_234, %squeeze3A_22 : vector<512x32xf32>
    %add3A_236 = arith.addf %add3A_231, %mul3A_235 : vector<512x32xf32>
    %slice3A_237 = vector.extract_strided_slice %convert_element_type3A {offsets = [9, 0, 10], sizes = [1, 512, 1], strides = [1, 1, 1]} : vector<16x512x32xf32> to vector<1x512x1xf32>
    %squeeze3A_238 = vector.shape_cast %slice3A_237 : vector<1x512x1xf32> to vector<512x1xf32>
    %mul3A_239 = vector.broadcast %squeeze3A_238 : vector<512x1xf32> to vector<512x32xf32>
    %mul3A_240 = arith.mulf %mul3A_239, %squeeze3A_24 : vector<512x32xf32>
    %add3A_241 = arith.addf %add3A_236, %mul3A_240 : vector<512x32xf32>
    %slice3A_242 = vector.extract_strided_slice %convert_element_type3A {offsets = [10, 0, 10], sizes = [1, 512, 1], strides = [1, 1, 1]} : vector<16x512x32xf32> to vector<1x512x1xf32>
    %squeeze3A_243 = vector.shape_cast %slice3A_242 : vector<1x512x1xf32> to vector<512x1xf32>
    %mul3A_244 = vector.broadcast %squeeze3A_243 : vector<512x1xf32> to vector<512x32xf32>
    %mul3A_245 = arith.mulf %mul3A_244, %squeeze3A_26 : vector<512x32xf32>
    %add3A_246 = arith.addf %add3A_241, %mul3A_245 : vector<512x32xf32>
    %slice3A_247 = vector.extract_strided_slice %convert_element_type3A {offsets = [11, 0, 10], sizes = [1, 512, 1], strides = [1, 1, 1]} : vector<16x512x32xf32> to vector<1x512x1xf32>
    %squeeze3A_248 = vector.shape_cast %slice3A_247 : vector<1x512x1xf32> to vector<512x1xf32>
    %mul3A_249 = vector.broadcast %squeeze3A_248 : vector<512x1xf32> to vector<512x32xf32>
    %mul3A_250 = arith.mulf %mul3A_249, %squeeze3A_28 : vector<512x32xf32>
    %add3A_251 = arith.addf %add3A_246, %mul3A_250 : vector<512x32xf32>
    %slice3A_252 = vector.extract_strided_slice %convert_element_type3A {offsets = [12, 0, 10], sizes = [1, 512, 1], strides = [1, 1, 1]} : vector<16x512x32xf32> to vector<1x512x1xf32>
    %squeeze3A_253 = vector.shape_cast %slice3A_252 : vector<1x512x1xf32> to vector<512x1xf32>
    %mul3A_254 = vector.broadcast %squeeze3A_253 : vector<512x1xf32> to vector<512x32xf32>
    %mul3A_255 = arith.mulf %mul3A_254, %squeeze3A_30 : vector<512x32xf32>
    %add3A_256 = arith.addf %add3A_251, %mul3A_255 : vector<512x32xf32>
    %slice3A_257 = vector.extract_strided_slice %convert_element_type3A {offsets = [13, 0, 10], sizes = [1, 512, 1], strides = [1, 1, 1]} : vector<16x512x32xf32> to vector<1x512x1xf32>
    %squeeze3A_258 = vector.shape_cast %slice3A_257 : vector<1x512x1xf32> to vector<512x1xf32>
    %mul3A_259 = vector.broadcast %squeeze3A_258 : vector<512x1xf32> to vector<512x32xf32>
    %mul3A_260 = arith.mulf %mul3A_259, %squeeze3A_32 : vector<512x32xf32>
    %add3A_261 = arith.addf %add3A_256, %mul3A_260 : vector<512x32xf32>
    %slice3A_262 = vector.extract_strided_slice %convert_element_type3A {offsets = [14, 0, 10], sizes = [1, 512, 1], strides = [1, 1, 1]} : vector<16x512x32xf32> to vector<1x512x1xf32>
    %squeeze3A_263 = vector.shape_cast %slice3A_262 : vector<1x512x1xf32> to vector<512x1xf32>
    %mul3A_264 = vector.broadcast %squeeze3A_263 : vector<512x1xf32> to vector<512x32xf32>
    %mul3A_265 = arith.mulf %mul3A_264, %squeeze3A_34 : vector<512x32xf32>
    %add3A_266 = arith.addf %add3A_261, %mul3A_265 : vector<512x32xf32>
    %slice3A_267 = vector.extract_strided_slice %convert_element_type3A {offsets = [15, 0, 10], sizes = [1, 512, 1], strides = [1, 1, 1]} : vector<16x512x32xf32> to vector<1x512x1xf32>
    %squeeze3A_268 = vector.shape_cast %slice3A_267 : vector<1x512x1xf32> to vector<512x1xf32>
    %mul3A_269 = vector.broadcast %squeeze3A_268 : vector<512x1xf32> to vector<512x32xf32>
    %mul3A_270 = arith.mulf %mul3A_269, %squeeze3A_36 : vector<512x32xf32>
    %add3A_271 = arith.addf %add3A_266, %mul3A_270 : vector<512x32xf32>
    %slice3A_272 = vector.extract_strided_slice %convert_element_type3A {offsets = [0, 0, 11], sizes = [1, 512, 1], strides = [1, 1, 1]} : vector<16x512x32xf32> to vector<1x512x1xf32>
    %squeeze3A_273 = vector.shape_cast %slice3A_272 : vector<1x512x1xf32> to vector<512x1xf32>
    %mul3A_274 = vector.broadcast %squeeze3A_273 : vector<512x1xf32> to vector<512x32xf32>
    %mul3A_275 = arith.mulf %mul3A_274, %squeeze3A : vector<512x32xf32>
    %slice3A_276 = vector.extract_strided_slice %convert_element_type3A {offsets = [1, 0, 11], sizes = [1, 512, 1], strides = [1, 1, 1]} : vector<16x512x32xf32> to vector<1x512x1xf32>
    %squeeze3A_277 = vector.shape_cast %slice3A_276 : vector<1x512x1xf32> to vector<512x1xf32>
    %mul3A_278 = vector.broadcast %squeeze3A_277 : vector<512x1xf32> to vector<512x32xf32>
    %mul3A_279 = arith.mulf %mul3A_278, %squeeze3A_8 : vector<512x32xf32>
    %add3A_280 = arith.addf %mul3A_275, %mul3A_279 : vector<512x32xf32>
    %slice3A_281 = vector.extract_strided_slice %convert_element_type3A {offsets = [2, 0, 11], sizes = [1, 512, 1], strides = [1, 1, 1]} : vector<16x512x32xf32> to vector<1x512x1xf32>
    %squeeze3A_282 = vector.shape_cast %slice3A_281 : vector<1x512x1xf32> to vector<512x1xf32>
    %mul3A_283 = vector.broadcast %squeeze3A_282 : vector<512x1xf32> to vector<512x32xf32>
    %mul3A_284 = arith.mulf %mul3A_283, %squeeze3A_10 : vector<512x32xf32>
    %add3A_285 = arith.addf %add3A_280, %mul3A_284 : vector<512x32xf32>
    %slice3A_286 = vector.extract_strided_slice %convert_element_type3A {offsets = [3, 0, 11], sizes = [1, 512, 1], strides = [1, 1, 1]} : vector<16x512x32xf32> to vector<1x512x1xf32>
    %squeeze3A_287 = vector.shape_cast %slice3A_286 : vector<1x512x1xf32> to vector<512x1xf32>
    %mul3A_288 = vector.broadcast %squeeze3A_287 : vector<512x1xf32> to vector<512x32xf32>
    %mul3A_289 = arith.mulf %mul3A_288, %squeeze3A_12 : vector<512x32xf32>
    %add3A_290 = arith.addf %add3A_285, %mul3A_289 : vector<512x32xf32>
    %slice3A_291 = vector.extract_strided_slice %convert_element_type3A {offsets = [4, 0, 11], sizes = [1, 512, 1], strides = [1, 1, 1]} : vector<16x512x32xf32> to vector<1x512x1xf32>
    %squeeze3A_292 = vector.shape_cast %slice3A_291 : vector<1x512x1xf32> to vector<512x1xf32>
    %mul3A_293 = vector.broadcast %squeeze3A_292 : vector<512x1xf32> to vector<512x32xf32>
    %mul3A_294 = arith.mulf %mul3A_293, %squeeze3A_14 : vector<512x32xf32>
    %add3A_295 = arith.addf %add3A_290, %mul3A_294 : vector<512x32xf32>
    %slice3A_296 = vector.extract_strided_slice %convert_element_type3A {offsets = [5, 0, 11], sizes = [1, 512, 1], strides = [1, 1, 1]} : vector<16x512x32xf32> to vector<1x512x1xf32>
    %squeeze3A_297 = vector.shape_cast %slice3A_296 : vector<1x512x1xf32> to vector<512x1xf32>
    %mul3A_298 = vector.broadcast %squeeze3A_297 : vector<512x1xf32> to vector<512x32xf32>
    %mul3A_299 = arith.mulf %mul3A_298, %squeeze3A_16 : vector<512x32xf32>
    %add3A_300 = arith.addf %add3A_295, %mul3A_299 : vector<512x32xf32>
    %slice3A_301 = vector.extract_strided_slice %convert_element_type3A {offsets = [6, 0, 11], sizes = [1, 512, 1], strides = [1, 1, 1]} : vector<16x512x32xf32> to vector<1x512x1xf32>
    %squeeze3A_302 = vector.shape_cast %slice3A_301 : vector<1x512x1xf32> to vector<512x1xf32>
    %mul3A_303 = vector.broadcast %squeeze3A_302 : vector<512x1xf32> to vector<512x32xf32>
    %mul3A_304 = arith.mulf %mul3A_303, %squeeze3A_18 : vector<512x32xf32>
    %add3A_305 = arith.addf %add3A_300, %mul3A_304 : vector<512x32xf32>
    %slice3A_306 = vector.extract_strided_slice %convert_element_type3A {offsets = [7, 0, 11], sizes = [1, 512, 1], strides = [1, 1, 1]} : vector<16x512x32xf32> to vector<1x512x1xf32>
    %squeeze3A_307 = vector.shape_cast %slice3A_306 : vector<1x512x1xf32> to vector<512x1xf32>
    %mul3A_308 = vector.broadcast %squeeze3A_307 : vector<512x1xf32> to vector<512x32xf32>
    %mul3A_309 = arith.mulf %mul3A_308, %squeeze3A_20 : vector<512x32xf32>
    %add3A_310 = arith.addf %add3A_305, %mul3A_309 : vector<512x32xf32>
    %slice3A_311 = vector.extract_strided_slice %convert_element_type3A {offsets = [8, 0, 11], sizes = [1, 512, 1], strides = [1, 1, 1]} : vector<16x512x32xf32> to vector<1x512x1xf32>
    %squeeze3A_312 = vector.shape_cast %slice3A_311 : vector<1x512x1xf32> to vector<512x1xf32>
    %mul3A_313 = vector.broadcast %squeeze3A_312 : vector<512x1xf32> to vector<512x32xf32>
    %mul3A_314 = arith.mulf %mul3A_313, %squeeze3A_22 : vector<512x32xf32>
    %add3A_315 = arith.addf %add3A_310, %mul3A_314 : vector<512x32xf32>
    %slice3A_316 = vector.extract_strided_slice %convert_element_type3A {offsets = [9, 0, 11], sizes = [1, 512, 1], strides = [1, 1, 1]} : vector<16x512x32xf32> to vector<1x512x1xf32>
    %squeeze3A_317 = vector.shape_cast %slice3A_316 : vector<1x512x1xf32> to vector<512x1xf32>
    %mul3A_318 = vector.broadcast %squeeze3A_317 : vector<512x1xf32> to vector<512x32xf32>
    %mul3A_319 = arith.mulf %mul3A_318, %squeeze3A_24 : vector<512x32xf32>
    %add3A_320 = arith.addf %add3A_315, %mul3A_319 : vector<512x32xf32>
    %slice3A_321 = vector.extract_strided_slice %convert_element_type3A {offsets = [10, 0, 11], sizes = [1, 512, 1], strides = [1, 1, 1]} : vector<16x512x32xf32> to vector<1x512x1xf32>
    %squeeze3A_322 = vector.shape_cast %slice3A_321 : vector<1x512x1xf32> to vector<512x1xf32>
    %mul3A_323 = vector.broadcast %squeeze3A_322 : vector<512x1xf32> to vector<512x32xf32>
    %mul3A_324 = arith.mulf %mul3A_323, %squeeze3A_26 : vector<512x32xf32>
    %add3A_325 = arith.addf %add3A_320, %mul3A_324 : vector<512x32xf32>
    %slice3A_326 = vector.extract_strided_slice %convert_element_type3A {offsets = [11, 0, 11], sizes = [1, 512, 1], strides = [1, 1, 1]} : vector<16x512x32xf32> to vector<1x512x1xf32>
    %squeeze3A_327 = vector.shape_cast %slice3A_326 : vector<1x512x1xf32> to vector<512x1xf32>
    %mul3A_328 = vector.broadcast %squeeze3A_327 : vector<512x1xf32> to vector<512x32xf32>
    %mul3A_329 = arith.mulf %mul3A_328, %squeeze3A_28 : vector<512x32xf32>
    %add3A_330 = arith.addf %add3A_325, %mul3A_329 : vector<512x32xf32>
    %slice3A_331 = vector.extract_strided_slice %convert_element_type3A {offsets = [12, 0, 11], sizes = [1, 512, 1], strides = [1, 1, 1]} : vector<16x512x32xf32> to vector<1x512x1xf32>
    %squeeze3A_332 = vector.shape_cast %slice3A_331 : vector<1x512x1xf32> to vector<512x1xf32>
    %mul3A_333 = vector.broadcast %squeeze3A_332 : vector<512x1xf32> to vector<512x32xf32>
    %mul3A_334 = arith.mulf %mul3A_333, %squeeze3A_30 : vector<512x32xf32>
    %add3A_335 = arith.addf %add3A_330, %mul3A_334 : vector<512x32xf32>
    %slice3A_336 = vector.extract_strided_slice %convert_element_type3A {offsets = [13, 0, 11], sizes = [1, 512, 1], strides = [1, 1, 1]} : vector<16x512x32xf32> to vector<1x512x1xf32>
    %squeeze3A_337 = vector.shape_cast %slice3A_336 : vector<1x512x1xf32> to vector<512x1xf32>
    %mul3A_338 = vector.broadcast %squeeze3A_337 : vector<512x1xf32> to vector<512x32xf32>
    %mul3A_339 = arith.mulf %mul3A_338, %squeeze3A_32 : vector<512x32xf32>
    %add3A_340 = arith.addf %add3A_335, %mul3A_339 : vector<512x32xf32>
    %slice3A_341 = vector.extract_strided_slice %convert_element_type3A {offsets = [14, 0, 11], sizes = [1, 512, 1], strides = [1, 1, 1]} : vector<16x512x32xf32> to vector<1x512x1xf32>
    %squeeze3A_342 = vector.shape_cast %slice3A_341 : vector<1x512x1xf32> to vector<512x1xf32>
    %mul3A_343 = vector.broadcast %squeeze3A_342 : vector<512x1xf32> to vector<512x32xf32>
    %mul3A_344 = arith.mulf %mul3A_343, %squeeze3A_34 : vector<512x32xf32>
    %add3A_345 = arith.addf %add3A_340, %mul3A_344 : vector<512x32xf32>
    %slice3A_346 = vector.extract_strided_slice %convert_element_type3A {offsets = [15, 0, 11], sizes = [1, 512, 1], strides = [1, 1, 1]} : vector<16x512x32xf32> to vector<1x512x1xf32>
    %squeeze3A_347 = vector.shape_cast %slice3A_346 : vector<1x512x1xf32> to vector<512x1xf32>
    %mul3A_348 = vector.broadcast %squeeze3A_347 : vector<512x1xf32> to vector<512x32xf32>
    %mul3A_349 = arith.mulf %mul3A_348, %squeeze3A_36 : vector<512x32xf32>
    %add3A_350 = arith.addf %add3A_345, %mul3A_349 : vector<512x32xf32>
    %slice3A_351 = vector.extract_strided_slice %convert_element_type3A {offsets = [0, 0, 12], sizes = [1, 512, 1], strides = [1, 1, 1]} : vector<16x512x32xf32> to vector<1x512x1xf32>
    %squeeze3A_352 = vector.shape_cast %slice3A_351 : vector<1x512x1xf32> to vector<512x1xf32>
    %mul3A_353 = vector.broadcast %squeeze3A_352 : vector<512x1xf32> to vector<512x32xf32>
    %mul3A_354 = arith.mulf %mul3A_353, %squeeze3A : vector<512x32xf32>
    %slice3A_355 = vector.extract_strided_slice %convert_element_type3A {offsets = [1, 0, 12], sizes = [1, 512, 1], strides = [1, 1, 1]} : vector<16x512x32xf32> to vector<1x512x1xf32>
    %squeeze3A_356 = vector.shape_cast %slice3A_355 : vector<1x512x1xf32> to vector<512x1xf32>
    %mul3A_357 = vector.broadcast %squeeze3A_356 : vector<512x1xf32> to vector<512x32xf32>
    %mul3A_358 = arith.mulf %mul3A_357, %squeeze3A_8 : vector<512x32xf32>
    %add3A_359 = arith.addf %mul3A_354, %mul3A_358 : vector<512x32xf32>
    %slice3A_360 = vector.extract_strided_slice %convert_element_type3A {offsets = [2, 0, 12], sizes = [1, 512, 1], strides = [1, 1, 1]} : vector<16x512x32xf32> to vector<1x512x1xf32>
    %squeeze3A_361 = vector.shape_cast %slice3A_360 : vector<1x512x1xf32> to vector<512x1xf32>
    %mul3A_362 = vector.broadcast %squeeze3A_361 : vector<512x1xf32> to vector<512x32xf32>
    %mul3A_363 = arith.mulf %mul3A_362, %squeeze3A_10 : vector<512x32xf32>
    %add3A_364 = arith.addf %add3A_359, %mul3A_363 : vector<512x32xf32>
    %slice3A_365 = vector.extract_strided_slice %convert_element_type3A {offsets = [3, 0, 12], sizes = [1, 512, 1], strides = [1, 1, 1]} : vector<16x512x32xf32> to vector<1x512x1xf32>
    %squeeze3A_366 = vector.shape_cast %slice3A_365 : vector<1x512x1xf32> to vector<512x1xf32>
    %mul3A_367 = vector.broadcast %squeeze3A_366 : vector<512x1xf32> to vector<512x32xf32>
    %mul3A_368 = arith.mulf %mul3A_367, %squeeze3A_12 : vector<512x32xf32>
    %add3A_369 = arith.addf %add3A_364, %mul3A_368 : vector<512x32xf32>
    %slice3A_370 = vector.extract_strided_slice %convert_element_type3A {offsets = [4, 0, 12], sizes = [1, 512, 1], strides = [1, 1, 1]} : vector<16x512x32xf32> to vector<1x512x1xf32>
    %squeeze3A_371 = vector.shape_cast %slice3A_370 : vector<1x512x1xf32> to vector<512x1xf32>
    %mul3A_372 = vector.broadcast %squeeze3A_371 : vector<512x1xf32> to vector<512x32xf32>
    %mul3A_373 = arith.mulf %mul3A_372, %squeeze3A_14 : vector<512x32xf32>
    %add3A_374 = arith.addf %add3A_369, %mul3A_373 : vector<512x32xf32>
    %slice3A_375 = vector.extract_strided_slice %convert_element_type3A {offsets = [5, 0, 12], sizes = [1, 512, 1], strides = [1, 1, 1]} : vector<16x512x32xf32> to vector<1x512x1xf32>
    %squeeze3A_376 = vector.shape_cast %slice3A_375 : vector<1x512x1xf32> to vector<512x1xf32>
    %mul3A_377 = vector.broadcast %squeeze3A_376 : vector<512x1xf32> to vector<512x32xf32>
    %mul3A_378 = arith.mulf %mul3A_377, %squeeze3A_16 : vector<512x32xf32>
    %add3A_379 = arith.addf %add3A_374, %mul3A_378 : vector<512x32xf32>
    %slice3A_380 = vector.extract_strided_slice %convert_element_type3A {offsets = [6, 0, 12], sizes = [1, 512, 1], strides = [1, 1, 1]} : vector<16x512x32xf32> to vector<1x512x1xf32>
    %squeeze3A_381 = vector.shape_cast %slice3A_380 : vector<1x512x1xf32> to vector<512x1xf32>
    %mul3A_382 = vector.broadcast %squeeze3A_381 : vector<512x1xf32> to vector<512x32xf32>
    %mul3A_383 = arith.mulf %mul3A_382, %squeeze3A_18 : vector<512x32xf32>
    %add3A_384 = arith.addf %add3A_379, %mul3A_383 : vector<512x32xf32>
    %slice3A_385 = vector.extract_strided_slice %convert_element_type3A {offsets = [7, 0, 12], sizes = [1, 512, 1], strides = [1, 1, 1]} : vector<16x512x32xf32> to vector<1x512x1xf32>
    %squeeze3A_386 = vector.shape_cast %slice3A_385 : vector<1x512x1xf32> to vector<512x1xf32>
    %mul3A_387 = vector.broadcast %squeeze3A_386 : vector<512x1xf32> to vector<512x32xf32>
    %mul3A_388 = arith.mulf %mul3A_387, %squeeze3A_20 : vector<512x32xf32>
    %add3A_389 = arith.addf %add3A_384, %mul3A_388 : vector<512x32xf32>
    %slice3A_390 = vector.extract_strided_slice %convert_element_type3A {offsets = [8, 0, 12], sizes = [1, 512, 1], strides = [1, 1, 1]} : vector<16x512x32xf32> to vector<1x512x1xf32>
    %squeeze3A_391 = vector.shape_cast %slice3A_390 : vector<1x512x1xf32> to vector<512x1xf32>
    %mul3A_392 = vector.broadcast %squeeze3A_391 : vector<512x1xf32> to vector<512x32xf32>
    %mul3A_393 = arith.mulf %mul3A_392, %squeeze3A_22 : vector<512x32xf32>
    %add3A_394 = arith.addf %add3A_389, %mul3A_393 : vector<512x32xf32>
    %slice3A_395 = vector.extract_strided_slice %convert_element_type3A {offsets = [9, 0, 12], sizes = [1, 512, 1], strides = [1, 1, 1]} : vector<16x512x32xf32> to vector<1x512x1xf32>
    %squeeze3A_396 = vector.shape_cast %slice3A_395 : vector<1x512x1xf32> to vector<512x1xf32>
    %mul3A_397 = vector.broadcast %squeeze3A_396 : vector<512x1xf32> to vector<512x32xf32>
    %mul3A_398 = arith.mulf %mul3A_397, %squeeze3A_24 : vector<512x32xf32>
    %add3A_399 = arith.addf %add3A_394, %mul3A_398 : vector<512x32xf32>
    %slice3A_400 = vector.extract_strided_slice %convert_element_type3A {offsets = [10, 0, 12], sizes = [1, 512, 1], strides = [1, 1, 1]} : vector<16x512x32xf32> to vector<1x512x1xf32>
    %squeeze3A_401 = vector.shape_cast %slice3A_400 : vector<1x512x1xf32> to vector<512x1xf32>
    %mul3A_402 = vector.broadcast %squeeze3A_401 : vector<512x1xf32> to vector<512x32xf32>
    %mul3A_403 = arith.mulf %mul3A_402, %squeeze3A_26 : vector<512x32xf32>
    %add3A_404 = arith.addf %add3A_399, %mul3A_403 : vector<512x32xf32>
    %slice3A_405 = vector.extract_strided_slice %convert_element_type3A {offsets = [11, 0, 12], sizes = [1, 512, 1], strides = [1, 1, 1]} : vector<16x512x32xf32> to vector<1x512x1xf32>
    %squeeze3A_406 = vector.shape_cast %slice3A_405 : vector<1x512x1xf32> to vector<512x1xf32>
    %mul3A_407 = vector.broadcast %squeeze3A_406 : vector<512x1xf32> to vector<512x32xf32>
    %mul3A_408 = arith.mulf %mul3A_407, %squeeze3A_28 : vector<512x32xf32>
    %add3A_409 = arith.addf %add3A_404, %mul3A_408 : vector<512x32xf32>
    %slice3A_410 = vector.extract_strided_slice %convert_element_type3A {offsets = [12, 0, 12], sizes = [1, 512, 1], strides = [1, 1, 1]} : vector<16x512x32xf32> to vector<1x512x1xf32>
    %squeeze3A_411 = vector.shape_cast %slice3A_410 : vector<1x512x1xf32> to vector<512x1xf32>
    %mul3A_412 = vector.broadcast %squeeze3A_411 : vector<512x1xf32> to vector<512x32xf32>
    %mul3A_413 = arith.mulf %mul3A_412, %squeeze3A_30 : vector<512x32xf32>
    %add3A_414 = arith.addf %add3A_409, %mul3A_413 : vector<512x32xf32>
    %slice3A_415 = vector.extract_strided_slice %convert_element_type3A {offsets = [13, 0, 12], sizes = [1, 512, 1], strides = [1, 1, 1]} : vector<16x512x32xf32> to vector<1x512x1xf32>
    %squeeze3A_416 = vector.shape_cast %slice3A_415 : vector<1x512x1xf32> to vector<512x1xf32>
    %mul3A_417 = vector.broadcast %squeeze3A_416 : vector<512x1xf32> to vector<512x32xf32>
    %mul3A_418 = arith.mulf %mul3A_417, %squeeze3A_32 : vector<512x32xf32>
    %add3A_419 = arith.addf %add3A_414, %mul3A_418 : vector<512x32xf32>
    %slice3A_420 = vector.extract_strided_slice %convert_element_type3A {offsets = [14, 0, 12], sizes = [1, 512, 1], strides = [1, 1, 1]} : vector<16x512x32xf32> to vector<1x512x1xf32>
    %squeeze3A_421 = vector.shape_cast %slice3A_420 : vector<1x512x1xf32> to vector<512x1xf32>
    %mul3A_422 = vector.broadcast %squeeze3A_421 : vector<512x1xf32> to vector<512x32xf32>
    %mul3A_423 = arith.mulf %mul3A_422, %squeeze3A_34 : vector<512x32xf32>
    %add3A_424 = arith.addf %add3A_419, %mul3A_423 : vector<512x32xf32>
    %slice3A_425 = vector.extract_strided_slice %convert_element_type3A {offsets = [15, 0, 12], sizes = [1, 512, 1], strides = [1, 1, 1]} : vector<16x512x32xf32> to vector<1x512x1xf32>
    %squeeze3A_426 = vector.shape_cast %slice3A_425 : vector<1x512x1xf32> to vector<512x1xf32>
    %mul3A_427 = vector.broadcast %squeeze3A_426 : vector<512x1xf32> to vector<512x32xf32>
    %mul3A_428 = arith.mulf %mul3A_427, %squeeze3A_36 : vector<512x32xf32>
    %add3A_429 = arith.addf %add3A_424, %mul3A_428 : vector<512x32xf32>
    %concatenate3A = tpu.concatenate %add3A_113, %add3A_192, %add3A_271, %add3A_350, %add3A_429 in 1 : vector<512x32xf32>, vector<512x32xf32>, vector<512x32xf32>, vector<512x32xf32>, vector<512x32xf32> -> vector<512x160xf32>
    %get3A_430 = arith.constant 0 : index
    %get3A_431 = arith.constant 0 : index
    %get3A_432 = vector.load %arg3[%get3A_430, %get3A_431] : memref<160x8xf32, #tpu.memory_space<vmem>>, vector<160x8xf32>
    %dot_general3A = arith.constant dense<0.000000e+00> : vector<512x8xf32>
    %dot_general3A_433 = tpu.matmul %concatenate3A, %get3A_432, %dot_general3A {dimension_numbers = #tpu.dot_dimension_numbers<[1], [0], [0], [1], [0, 0, 1, 1], [], []>, transpose_lhs_hint = false} : vector<512x160xf32>, vector<160x8xf32>, vector<512x8xf32> -> vector<512x8xf32>
    %slice3A_434 = vector.extract_strided_slice %dot_general3A_433 {offsets = [0, 0], sizes = [512, 1], strides = [1, 1]} : vector<512x8xf32> to vector<512x1xf32>
    %div3A = arith.constant 1.000000e+00 : f32
    %div3A_435 = vector.broadcast %div3A : f32 to vector<512x1xf32>
    %div3A_436 = arith.divf %slice3A_434, %div3A_435 : vector<512x1xf32>
    %slice3A_437 = vector.extract_strided_slice %dot_general3A_433 {offsets = [0, 1], sizes = [512, 1], strides = [1, 1]} : vector<512x8xf32> to vector<512x1xf32>
    %div3A_438 = arith.constant 1.000000e+00 : f32
    %div3A_439 = vector.broadcast %div3A_438 : f32 to vector<512x1xf32>
    %div3A_440 = arith.divf %slice3A_437, %div3A_439 : vector<512x1xf32>
    %max3A = arith.maximumf %div3A_436, %div3A_440 : vector<512x1xf32>
    %sub3A = arith.subf %div3A_436, %max3A : vector<512x1xf32>
    %exp3A = math.exp %sub3A : vector<512x1xf32>
    %sub3A_441 = arith.subf %div3A_440, %max3A : vector<512x1xf32>
    %exp3A_442 = math.exp %sub3A_441 : vector<512x1xf32>
    %add3A_443 = arith.addf %exp3A, %exp3A_442 : vector<512x1xf32>
    %div3A_444 = arith.divf %exp3A_442, %add3A_443 : vector<512x1xf32>
    %broadcast_in_dim3A = vector.shape_cast %div3A_444 : vector<512x1xf32> to vector<512x1xf32>
    %broadcast_in_dim3A_445 = vector.broadcast %broadcast_in_dim3A : vector<512x1xf32> to vector<512x128xf32>
    %swap3A = arith.constant 0 : index
    %swap3A_446 = arith.constant 0 : index
    %swap3A_447 = vector.load %arg4[%swap3A, %swap3A_446] : memref<512x128xf32, #tpu.memory_space<vmem>>, vector<512x128xf32>
    tpu.vector_store %arg4[%swap3A, %swap3A_446], %broadcast_in_dim3A_445 {strides = array<i32>} : memref<512x128xf32, #tpu.memory_space<vmem>>, vector<512x128xf32>,
    return
  }
  func.func @transform_0(%arg0: i32) -> (i32, i32, i32) {
    %c0_i32 = arith.constant 0 : i32
    %c0_i32_0 = arith.constant 0 : i32
    %c0_i32_1 = arith.constant 0 : i32
    return %c0_i32, %arg0, %c0_i32_0 : i32, i32, i32
  }
  func.func @transform_1(%arg0: i32) -> (i32, i32, i32) {
    %c0_i32 = arith.constant 0 : i32
    %c0_i32_0 = arith.constant 0 : i32
    %c0_i32_1 = arith.constant 0 : i32
    return %c0_i32, %arg0, %c0_i32_0 : i32, i32, i32
  }
  func.func @transform_2(%arg0: i32) -> (i32, i32) {
    %c0_i32 = arith.constant 0 : i32
    %c0_i32_0 = arith.constant 0 : i32
    %c0_i32_1 = arith.constant 0 : i32
    return %c0_i32, %c0_i32_0 : i32, i32
  }
  func.func @transform_3(%arg0: i32) -> (i32, i32) {
    %c0_i32 = arith.constant 0 : i32
    %c0_i32_0 = arith.constant 0 : i32
    return %arg0, %c0_i32 : i32, i32
  }
}

module attributes {stable_mosaic.version = 14 : i64} {
  func.func @_fin_o0_body(%arg0: memref<8192x128xf32, #tpu.memory_space<vmem>>, %arg1: memref<8x128xf32, #tpu.memory_space<vmem>>, %arg2: memref<1x128xf32, #tpu.memory_space<vmem>>, %arg3: memref<1x128xf32, #tpu.memory_space<vmem>>, %arg4: memref<8192x128xf32, #tpu.memory_space<vmem>>, %arg5: memref<1x128xf32, #tpu.memory_space<vmem>>, %arg6: memref<1x128xf32, #tpu.memory_space<vmem>>, %arg7: memref<8192x128xf32, #tpu.memory_space<vmem>>) attributes {dimension_semantics = [], scalar_prefetch = 0 : i64, scratch_operands = 0 : i64, tpu.core_type = #tpu.core_type<tc>} {
    %get3A = arith.constant 0 : index
    %get3A_0 = arith.constant 0 : index
    %get3A_1 = vector.load %arg1[%get3A, %get3A_0] : memref<8x128xf32, #tpu.memory_space<vmem>>, vector<8x128xf32>
    %get3A_2 = arith.constant 0 : index
    %get3A_3 = arith.constant 0 : index
    %get3A_4 = vector.load %arg2[%get3A_2, %get3A_3] : memref<1x128xf32, #tpu.memory_space<vmem>>, vector<1x128xf32>
    %get3A_5 = arith.constant 0 : index
    %get3A_6 = arith.constant 0 : index
    %get3A_7 = vector.load %arg3[%get3A_5, %get3A_6] : memref<1x128xf32, #tpu.memory_space<vmem>>, vector<1x128xf32>
    %slice3A = vector.extract_strided_slice %get3A_1 {offsets = [0, 0], sizes = [1, 128], strides = [1, 1]} : vector<8x128xf32> to vector<1x128xf32>
    %div3A = arith.constant 8.192000e+03 : f32
    %div3A_8 = vector.broadcast %div3A : f32 to vector<1x128xf32>
    %div3A_9 = arith.divf %slice3A, %div3A_8 : vector<1x128xf32>
    %slice3A_10 = vector.extract_strided_slice %get3A_1 {offsets = [1, 0], sizes = [1, 128], strides = [1, 1]} : vector<8x128xf32> to vector<1x128xf32>
    %div3A_11 = arith.constant 8.192000e+03 : f32
    %div3A_12 = vector.broadcast %div3A_11 : f32 to vector<1x128xf32>
    %div3A_13 = arith.divf %slice3A_10, %div3A_12 : vector<1x128xf32>
    %mul3A = arith.mulf %div3A_9, %div3A_9 : vector<1x128xf32>
    %sub3A = arith.subf %div3A_13, %mul3A : vector<1x128xf32>
    %add3A = arith.constant 9.99999974E-6 : f32
    %add3A_14 = vector.broadcast %add3A : f32 to vector<1x128xf32>
    %add3A_15 = arith.addf %sub3A, %add3A_14 : vector<1x128xf32>
    %rsqrt3A = math.rsqrt %add3A_15 : vector<1x128xf32>
    %mul3A_16 = arith.mulf %rsqrt3A, %get3A_4 : vector<1x128xf32>
    %mul3A_17 = arith.mulf %div3A_9, %mul3A_16 : vector<1x128xf32>
    %sub3A_18 = arith.subf %get3A_7, %mul3A_17 : vector<1x128xf32>
    %get3A_19 = arith.constant 0 : index
    %get3A_20 = arith.constant 0 : index
    %get3A_21 = vector.load %arg5[%get3A_19, %get3A_20] : memref<1x128xf32, #tpu.memory_space<vmem>>, vector<1x128xf32>
    %get3A_22 = arith.constant 0 : index
    %get3A_23 = arith.constant 0 : index
    %get3A_24 = vector.load %arg6[%get3A_22, %get3A_23] : memref<1x128xf32, #tpu.memory_space<vmem>>, vector<1x128xf32>
    %div3A_25 = arith.constant 1.000000e+00 : f32
    %div3A_26 = vector.broadcast %div3A_25 : f32 to vector<1x128xf32>
    %div3A_27 = arith.divf %get3A_21, %div3A_26 : vector<1x128xf32>
    %div3A_28 = arith.constant 1.000000e+00 : f32
    %div3A_29 = vector.broadcast %div3A_28 : f32 to vector<1x128xf32>
    %div3A_30 = arith.divf %get3A_24, %div3A_29 : vector<1x128xf32>
    %max3A = arith.maximumf %div3A_27, %div3A_30 : vector<1x128xf32>
    %sub3A_31 = arith.subf %div3A_27, %max3A : vector<1x128xf32>
    %exp3A = math.exp %sub3A_31 : vector<1x128xf32>
    %sub3A_32 = arith.subf %div3A_30, %max3A : vector<1x128xf32>
    %exp3A_33 = math.exp %sub3A_32 : vector<1x128xf32>
    %add3A_34 = arith.addf %exp3A, %exp3A_33 : vector<1x128xf32>
    %div3A_35 = arith.divf %exp3A, %add3A_34 : vector<1x128xf32>
    %div3A_36 = arith.divf %exp3A_33, %add3A_34 : vector<1x128xf32>
    %get3A_37 = arith.constant 0 : index
    %get3A_38 = arith.constant 0 : index
    %get3A_39 = vector.load %arg0[%get3A_37, %get3A_38] : memref<8192x128xf32, #tpu.memory_space<vmem>>, vector<8192x128xf32>
    %mul3A_40 = vector.broadcast %mul3A_16 : vector<1x128xf32> to vector<8192x128xf32>
    %mul3A_41 = arith.mulf %get3A_39, %mul3A_40 : vector<8192x128xf32>
    %add3A_42 = vector.broadcast %sub3A_18 : vector<1x128xf32> to vector<8192x128xf32>
    %add3A_43 = arith.addf %mul3A_41, %add3A_42 : vector<8192x128xf32>
    %max3A_44 = arith.constant 0.000000e+00 : f32
    %max3A_45 = vector.broadcast %max3A_44 : f32 to vector<8192x128xf32>
    %max3A_46 = arith.maximumf %add3A_43, %max3A_45 : vector<8192x128xf32>
    %get3A_47 = arith.constant 0 : index
    %get3A_48 = arith.constant 0 : index
    %get3A_49 = vector.load %arg4[%get3A_47, %get3A_48] : memref<8192x128xf32, #tpu.memory_space<vmem>>, vector<8192x128xf32>
    %mul3A_50 = vector.broadcast %div3A_36 : vector<1x128xf32> to vector<8192x128xf32>
    %mul3A_51 = arith.mulf %get3A_49, %mul3A_50 : vector<8192x128xf32>
    %add3A_52 = vector.broadcast %div3A_35 : vector<1x128xf32> to vector<8192x128xf32>
    %add3A_53 = arith.addf %mul3A_51, %add3A_52 : vector<8192x128xf32>
    %mul3A_54 = arith.mulf %max3A_46, %add3A_53 : vector<8192x128xf32>
    %swap3A = arith.constant 0 : index
    %swap3A_55 = arith.constant 0 : index
    %swap3A_56 = vector.load %arg7[%swap3A, %swap3A_55] : memref<8192x128xf32, #tpu.memory_space<vmem>>, vector<8192x128xf32>
    tpu.vector_store %arg7[%swap3A, %swap3A_55], %mul3A_54 {strides = array<i32>} : memref<8192x128xf32, #tpu.memory_space<vmem>>, vector<8192x128xf32>,
    return
  }
}

module attributes {stable_mosaic.version = 14 : i64} {
  func.func @_kpconv_body(%arg0: i32, %arg1: memref<16x512x128xf32, #tpu.memory_space<vmem>>, %arg2: memref<16x512x32xbf16, #tpu.memory_space<vmem>>, %arg3: memref<640x128xf32, #tpu.memory_space<vmem>>, %arg4: memref<512x128xf32, #tpu.memory_space<vmem>>, %arg5: memref<8x128xf32, #tpu.memory_space<vmem>>) attributes {dimension_semantics = [#tpu.dimension_semantics<arbitrary>], iteration_bounds = array<i64: 16>, scalar_prefetch = 0 : i64, scratch_operands = 0 : i64, tpu.core_type = #tpu.core_type<tc>, window_params = [{transform_indices = @transform_0, window_bounds = array<i64: 16, 512, 128>}, {transform_indices = @transform_1, window_bounds = array<i64: 16, 512, 32>}, {pipeline_mode = #tpu.pipeline_mode<synchronous>, transform_indices = @transform_2, window_bounds = array<i64: 640, 128>}, {transform_indices = @transform_3, window_bounds = array<i64: 512, 128>}, {pipeline_mode = #tpu.pipeline_mode<synchronous>, transform_indices = @transform_4, window_bounds = array<i64: 8, 128>}]} {
    %get3A = arith.constant 0 : index
    %get3A_0 = arith.constant 0 : index
    %get3A_1 = arith.constant 0 : index
    %get3A_2 = vector.load %arg2[%get3A, %get3A_0, %get3A_1] : memref<16x512x32xbf16, #tpu.memory_space<vmem>>, vector<16x512x32xbf16>
    %convert_element_type3A = arith.extf %get3A_2 : vector<16x512x32xbf16> to vector<16x512x32xf32>
    %get3A_3 = arith.constant 0 : index
    %get3A_4 = arith.constant 0 : index
    %get3A_5 = arith.constant 0 : index
    %get3A_6 = vector.load %arg1[%get3A_3, %get3A_4, %get3A_5] : memref<16x512x128xf32, #tpu.memory_space<vmem>>, vector<16x512x128xf32>
    %slice3A = vector.extract_strided_slice %get3A_6 {offsets = [0, 0, 0], sizes = [1, 512, 128], strides = [1, 1, 1]} : vector<16x512x128xf32> to vector<1x512x128xf32>
    %squeeze3A = vector.shape_cast %slice3A : vector<1x512x128xf32> to vector<512x128xf32>
    %slice3A_7 = vector.extract_strided_slice %get3A_6 {offsets = [1, 0, 0], sizes = [1, 512, 128], strides = [1, 1, 1]} : vector<16x512x128xf32> to vector<1x512x128xf32>
    %squeeze3A_8 = vector.shape_cast %slice3A_7 : vector<1x512x128xf32> to vector<512x128xf32>
    %slice3A_9 = vector.extract_strided_slice %get3A_6 {offsets = [2, 0, 0], sizes = [1, 512, 128], strides = [1, 1, 1]} : vector<16x512x128xf32> to vector<1x512x128xf32>
    %squeeze3A_10 = vector.shape_cast %slice3A_9 : vector<1x512x128xf32> to vector<512x128xf32>
    %slice3A_11 = vector.extract_strided_slice %get3A_6 {offsets = [3, 0, 0], sizes = [1, 512, 128], strides = [1, 1, 1]} : vector<16x512x128xf32> to vector<1x512x128xf32>
    %squeeze3A_12 = vector.shape_cast %slice3A_11 : vector<1x512x128xf32> to vector<512x128xf32>
    %slice3A_13 = vector.extract_strided_slice %get3A_6 {offsets = [4, 0, 0], sizes = [1, 512, 128], strides = [1, 1, 1]} : vector<16x512x128xf32> to vector<1x512x128xf32>
    %squeeze3A_14 = vector.shape_cast %slice3A_13 : vector<1x512x128xf32> to vector<512x128xf32>
    %slice3A_15 = vector.extract_strided_slice %get3A_6 {offsets = [5, 0, 0], sizes = [1, 512, 128], strides = [1, 1, 1]} : vector<16x512x128xf32> to vector<1x512x128xf32>
    %squeeze3A_16 = vector.shape_cast %slice3A_15 : vector<1x512x128xf32> to vector<512x128xf32>
    %slice3A_17 = vector.extract_strided_slice %get3A_6 {offsets = [6, 0, 0], sizes = [1, 512, 128], strides = [1, 1, 1]} : vector<16x512x128xf32> to vector<1x512x128xf32>
    %squeeze3A_18 = vector.shape_cast %slice3A_17 : vector<1x512x128xf32> to vector<512x128xf32>
    %slice3A_19 = vector.extract_strided_slice %get3A_6 {offsets = [7, 0, 0], sizes = [1, 512, 128], strides = [1, 1, 1]} : vector<16x512x128xf32> to vector<1x512x128xf32>
    %squeeze3A_20 = vector.shape_cast %slice3A_19 : vector<1x512x128xf32> to vector<512x128xf32>
    %slice3A_21 = vector.extract_strided_slice %get3A_6 {offsets = [8, 0, 0], sizes = [1, 512, 128], strides = [1, 1, 1]} : vector<16x512x128xf32> to vector<1x512x128xf32>
    %squeeze3A_22 = vector.shape_cast %slice3A_21 : vector<1x512x128xf32> to vector<512x128xf32>
    %slice3A_23 = vector.extract_strided_slice %get3A_6 {offsets = [9, 0, 0], sizes = [1, 512, 128], strides = [1, 1, 1]} : vector<16x512x128xf32> to vector<1x512x128xf32>
    %squeeze3A_24 = vector.shape_cast %slice3A_23 : vector<1x512x128xf32> to vector<512x128xf32>
    %slice3A_25 = vector.extract_strided_slice %get3A_6 {offsets = [10, 0, 0], sizes = [1, 512, 128], strides = [1, 1, 1]} : vector<16x512x128xf32> to vector<1x512x128xf32>
    %squeeze3A_26 = vector.shape_cast %slice3A_25 : vector<1x512x128xf32> to vector<512x128xf32>
    %slice3A_27 = vector.extract_strided_slice %get3A_6 {offsets = [11, 0, 0], sizes = [1, 512, 128], strides = [1, 1, 1]} : vector<16x512x128xf32> to vector<1x512x128xf32>
    %squeeze3A_28 = vector.shape_cast %slice3A_27 : vector<1x512x128xf32> to vector<512x128xf32>
    %slice3A_29 = vector.extract_strided_slice %get3A_6 {offsets = [12, 0, 0], sizes = [1, 512, 128], strides = [1, 1, 1]} : vector<16x512x128xf32> to vector<1x512x128xf32>
    %squeeze3A_30 = vector.shape_cast %slice3A_29 : vector<1x512x128xf32> to vector<512x128xf32>
    %slice3A_31 = vector.extract_strided_slice %get3A_6 {offsets = [13, 0, 0], sizes = [1, 512, 128], strides = [1, 1, 1]} : vector<16x512x128xf32> to vector<1x512x128xf32>
    %squeeze3A_32 = vector.shape_cast %slice3A_31 : vector<1x512x128xf32> to vector<512x128xf32>
    %slice3A_33 = vector.extract_strided_slice %get3A_6 {offsets = [14, 0, 0], sizes = [1, 512, 128], strides = [1, 1, 1]} : vector<16x512x128xf32> to vector<1x512x128xf32>
    %squeeze3A_34 = vector.shape_cast %slice3A_33 : vector<1x512x128xf32> to vector<512x128xf32>
    %slice3A_35 = vector.extract_strided_slice %get3A_6 {offsets = [15, 0, 0], sizes = [1, 512, 128], strides = [1, 1, 1]} : vector<16x512x128xf32> to vector<1x512x128xf32>
    %squeeze3A_36 = vector.shape_cast %slice3A_35 : vector<1x512x128xf32> to vector<512x128xf32>
    %slice3A_37 = vector.extract_strided_slice %convert_element_type3A {offsets = [0, 0, 24], sizes = [1, 512, 1], strides = [1, 1, 1]} : vector<16x512x32xf32> to vector<1x512x1xf32>
    %squeeze3A_38 = vector.shape_cast %slice3A_37 : vector<1x512x1xf32> to vector<512x1xf32>
    %mul3A = vector.broadcast %squeeze3A_38 : vector<512x1xf32> to vector<512x128xf32>
    %mul3A_39 = arith.mulf %mul3A, %squeeze3A : vector<512x128xf32>
    %slice3A_40 = vector.extract_strided_slice %convert_element_type3A {offsets = [1, 0, 24], sizes = [1, 512, 1], strides = [1, 1, 1]} : vector<16x512x32xf32> to vector<1x512x1xf32>
    %squeeze3A_41 = vector.shape_cast %slice3A_40 : vector<1x512x1xf32> to vector<512x1xf32>
    %mul3A_42 = vector.broadcast %squeeze3A_41 : vector<512x1xf32> to vector<512x128xf32>
    %mul3A_43 = arith.mulf %mul3A_42, %squeeze3A_8 : vector<512x128xf32>
    %add3A = arith.addf %mul3A_39, %mul3A_43 : vector<512x128xf32>
    %slice3A_44 = vector.extract_strided_slice %convert_element_type3A {offsets = [2, 0, 24], sizes = [1, 512, 1], strides = [1, 1, 1]} : vector<16x512x32xf32> to vector<1x512x1xf32>
    %squeeze3A_45 = vector.shape_cast %slice3A_44 : vector<1x512x1xf32> to vector<512x1xf32>
    %mul3A_46 = vector.broadcast %squeeze3A_45 : vector<512x1xf32> to vector<512x128xf32>
    %mul3A_47 = arith.mulf %mul3A_46, %squeeze3A_10 : vector<512x128xf32>
    %add3A_48 = arith.addf %add3A, %mul3A_47 : vector<512x128xf32>
    %slice3A_49 = vector.extract_strided_slice %convert_element_type3A {offsets = [3, 0, 24], sizes = [1, 512, 1], strides = [1, 1, 1]} : vector<16x512x32xf32> to vector<1x512x1xf32>
    %squeeze3A_50 = vector.shape_cast %slice3A_49 : vector<1x512x1xf32> to vector<512x1xf32>
    %mul3A_51 = vector.broadcast %squeeze3A_50 : vector<512x1xf32> to vector<512x128xf32>
    %mul3A_52 = arith.mulf %mul3A_51, %squeeze3A_12 : vector<512x128xf32>
    %add3A_53 = arith.addf %add3A_48, %mul3A_52 : vector<512x128xf32>
    %slice3A_54 = vector.extract_strided_slice %convert_element_type3A {offsets = [4, 0, 24], sizes = [1, 512, 1], strides = [1, 1, 1]} : vector<16x512x32xf32> to vector<1x512x1xf32>
    %squeeze3A_55 = vector.shape_cast %slice3A_54 : vector<1x512x1xf32> to vector<512x1xf32>
    %mul3A_56 = vector.broadcast %squeeze3A_55 : vector<512x1xf32> to vector<512x128xf32>
    %mul3A_57 = arith.mulf %mul3A_56, %squeeze3A_14 : vector<512x128xf32>
    %add3A_58 = arith.addf %add3A_53, %mul3A_57 : vector<512x128xf32>
    %slice3A_59 = vector.extract_strided_slice %convert_element_type3A {offsets = [5, 0, 24], sizes = [1, 512, 1], strides = [1, 1, 1]} : vector<16x512x32xf32> to vector<1x512x1xf32>
    %squeeze3A_60 = vector.shape_cast %slice3A_59 : vector<1x512x1xf32> to vector<512x1xf32>
    %mul3A_61 = vector.broadcast %squeeze3A_60 : vector<512x1xf32> to vector<512x128xf32>
    %mul3A_62 = arith.mulf %mul3A_61, %squeeze3A_16 : vector<512x128xf32>
    %add3A_63 = arith.addf %add3A_58, %mul3A_62 : vector<512x128xf32>
    %slice3A_64 = vector.extract_strided_slice %convert_element_type3A {offsets = [6, 0, 24], sizes = [1, 512, 1], strides = [1, 1, 1]} : vector<16x512x32xf32> to vector<1x512x1xf32>
    %squeeze3A_65 = vector.shape_cast %slice3A_64 : vector<1x512x1xf32> to vector<512x1xf32>
    %mul3A_66 = vector.broadcast %squeeze3A_65 : vector<512x1xf32> to vector<512x128xf32>
    %mul3A_67 = arith.mulf %mul3A_66, %squeeze3A_18 : vector<512x128xf32>
    %add3A_68 = arith.addf %add3A_63, %mul3A_67 : vector<512x128xf32>
    %slice3A_69 = vector.extract_strided_slice %convert_element_type3A {offsets = [7, 0, 24], sizes = [1, 512, 1], strides = [1, 1, 1]} : vector<16x512x32xf32> to vector<1x512x1xf32>
    %squeeze3A_70 = vector.shape_cast %slice3A_69 : vector<1x512x1xf32> to vector<512x1xf32>
    %mul3A_71 = vector.broadcast %squeeze3A_70 : vector<512x1xf32> to vector<512x128xf32>
    %mul3A_72 = arith.mulf %mul3A_71, %squeeze3A_20 : vector<512x128xf32>
    %add3A_73 = arith.addf %add3A_68, %mul3A_72 : vector<512x128xf32>
    %slice3A_74 = vector.extract_strided_slice %convert_element_type3A {offsets = [8, 0, 24], sizes = [1, 512, 1], strides = [1, 1, 1]} : vector<16x512x32xf32> to vector<1x512x1xf32>
    %squeeze3A_75 = vector.shape_cast %slice3A_74 : vector<1x512x1xf32> to vector<512x1xf32>
    %mul3A_76 = vector.broadcast %squeeze3A_75 : vector<512x1xf32> to vector<512x128xf32>
    %mul3A_77 = arith.mulf %mul3A_76, %squeeze3A_22 : vector<512x128xf32>
    %add3A_78 = arith.addf %add3A_73, %mul3A_77 : vector<512x128xf32>
    %slice3A_79 = vector.extract_strided_slice %convert_element_type3A {offsets = [9, 0, 24], sizes = [1, 512, 1], strides = [1, 1, 1]} : vector<16x512x32xf32> to vector<1x512x1xf32>
    %squeeze3A_80 = vector.shape_cast %slice3A_79 : vector<1x512x1xf32> to vector<512x1xf32>
    %mul3A_81 = vector.broadcast %squeeze3A_80 : vector<512x1xf32> to vector<512x128xf32>
    %mul3A_82 = arith.mulf %mul3A_81, %squeeze3A_24 : vector<512x128xf32>
    %add3A_83 = arith.addf %add3A_78, %mul3A_82 : vector<512x128xf32>
    %slice3A_84 = vector.extract_strided_slice %convert_element_type3A {offsets = [10, 0, 24], sizes = [1, 512, 1], strides = [1, 1, 1]} : vector<16x512x32xf32> to vector<1x512x1xf32>
    %squeeze3A_85 = vector.shape_cast %slice3A_84 : vector<1x512x1xf32> to vector<512x1xf32>
    %mul3A_86 = vector.broadcast %squeeze3A_85 : vector<512x1xf32> to vector<512x128xf32>
    %mul3A_87 = arith.mulf %mul3A_86, %squeeze3A_26 : vector<512x128xf32>
    %add3A_88 = arith.addf %add3A_83, %mul3A_87 : vector<512x128xf32>
    %slice3A_89 = vector.extract_strided_slice %convert_element_type3A {offsets = [11, 0, 24], sizes = [1, 512, 1], strides = [1, 1, 1]} : vector<16x512x32xf32> to vector<1x512x1xf32>
    %squeeze3A_90 = vector.shape_cast %slice3A_89 : vector<1x512x1xf32> to vector<512x1xf32>
    %mul3A_91 = vector.broadcast %squeeze3A_90 : vector<512x1xf32> to vector<512x128xf32>
    %mul3A_92 = arith.mulf %mul3A_91, %squeeze3A_28 : vector<512x128xf32>
    %add3A_93 = arith.addf %add3A_88, %mul3A_92 : vector<512x128xf32>
    %slice3A_94 = vector.extract_strided_slice %convert_element_type3A {offsets = [12, 0, 24], sizes = [1, 512, 1], strides = [1, 1, 1]} : vector<16x512x32xf32> to vector<1x512x1xf32>
    %squeeze3A_95 = vector.shape_cast %slice3A_94 : vector<1x512x1xf32> to vector<512x1xf32>
    %mul3A_96 = vector.broadcast %squeeze3A_95 : vector<512x1xf32> to vector<512x128xf32>
    %mul3A_97 = arith.mulf %mul3A_96, %squeeze3A_30 : vector<512x128xf32>
    %add3A_98 = arith.addf %add3A_93, %mul3A_97 : vector<512x128xf32>
    %slice3A_99 = vector.extract_strided_slice %convert_element_type3A {offsets = [13, 0, 24], sizes = [1, 512, 1], strides = [1, 1, 1]} : vector<16x512x32xf32> to vector<1x512x1xf32>
    %squeeze3A_100 = vector.shape_cast %slice3A_99 : vector<1x512x1xf32> to vector<512x1xf32>
    %mul3A_101 = vector.broadcast %squeeze3A_100 : vector<512x1xf32> to vector<512x128xf32>
    %mul3A_102 = arith.mulf %mul3A_101, %squeeze3A_32 : vector<512x128xf32>
    %add3A_103 = arith.addf %add3A_98, %mul3A_102 : vector<512x128xf32>
    %slice3A_104 = vector.extract_strided_slice %convert_element_type3A {offsets = [14, 0, 24], sizes = [1, 512, 1], strides = [1, 1, 1]} : vector<16x512x32xf32> to vector<1x512x1xf32>
    %squeeze3A_105 = vector.shape_cast %slice3A_104 : vector<1x512x1xf32> to vector<512x1xf32>
    %mul3A_106 = vector.broadcast %squeeze3A_105 : vector<512x1xf32> to vector<512x128xf32>
    %mul3A_107 = arith.mulf %mul3A_106, %squeeze3A_34 : vector<512x128xf32>
    %add3A_108 = arith.addf %add3A_103, %mul3A_107 : vector<512x128xf32>
    %slice3A_109 = vector.extract_strided_slice %convert_element_type3A {offsets = [15, 0, 24], sizes = [1, 512, 1], strides = [1, 1, 1]} : vector<16x512x32xf32> to vector<1x512x1xf32>
    %squeeze3A_110 = vector.shape_cast %slice3A_109 : vector<1x512x1xf32> to vector<512x1xf32>
    %mul3A_111 = vector.broadcast %squeeze3A_110 : vector<512x1xf32> to vector<512x128xf32>
    %mul3A_112 = arith.mulf %mul3A_111, %squeeze3A_36 : vector<512x128xf32>
    %add3A_113 = arith.addf %add3A_108, %mul3A_112 : vector<512x128xf32>
    %slice3A_114 = vector.extract_strided_slice %convert_element_type3A {offsets = [0, 0, 25], sizes = [1, 512, 1], strides = [1, 1, 1]} : vector<16x512x32xf32> to vector<1x512x1xf32>
    %squeeze3A_115 = vector.shape_cast %slice3A_114 : vector<1x512x1xf32> to vector<512x1xf32>
    %mul3A_116 = vector.broadcast %squeeze3A_115 : vector<512x1xf32> to vector<512x128xf32>
    %mul3A_117 = arith.mulf %mul3A_116, %squeeze3A : vector<512x128xf32>
    %slice3A_118 = vector.extract_strided_slice %convert_element_type3A {offsets = [1, 0, 25], sizes = [1, 512, 1], strides = [1, 1, 1]} : vector<16x512x32xf32> to vector<1x512x1xf32>
    %squeeze3A_119 = vector.shape_cast %slice3A_118 : vector<1x512x1xf32> to vector<512x1xf32>
    %mul3A_120 = vector.broadcast %squeeze3A_119 : vector<512x1xf32> to vector<512x128xf32>
    %mul3A_121 = arith.mulf %mul3A_120, %squeeze3A_8 : vector<512x128xf32>
    %add3A_122 = arith.addf %mul3A_117, %mul3A_121 : vector<512x128xf32>
    %slice3A_123 = vector.extract_strided_slice %convert_element_type3A {offsets = [2, 0, 25], sizes = [1, 512, 1], strides = [1, 1, 1]} : vector<16x512x32xf32> to vector<1x512x1xf32>
    %squeeze3A_124 = vector.shape_cast %slice3A_123 : vector<1x512x1xf32> to vector<512x1xf32>
    %mul3A_125 = vector.broadcast %squeeze3A_124 : vector<512x1xf32> to vector<512x128xf32>
    %mul3A_126 = arith.mulf %mul3A_125, %squeeze3A_10 : vector<512x128xf32>
    %add3A_127 = arith.addf %add3A_122, %mul3A_126 : vector<512x128xf32>
    %slice3A_128 = vector.extract_strided_slice %convert_element_type3A {offsets = [3, 0, 25], sizes = [1, 512, 1], strides = [1, 1, 1]} : vector<16x512x32xf32> to vector<1x512x1xf32>
    %squeeze3A_129 = vector.shape_cast %slice3A_128 : vector<1x512x1xf32> to vector<512x1xf32>
    %mul3A_130 = vector.broadcast %squeeze3A_129 : vector<512x1xf32> to vector<512x128xf32>
    %mul3A_131 = arith.mulf %mul3A_130, %squeeze3A_12 : vector<512x128xf32>
    %add3A_132 = arith.addf %add3A_127, %mul3A_131 : vector<512x128xf32>
    %slice3A_133 = vector.extract_strided_slice %convert_element_type3A {offsets = [4, 0, 25], sizes = [1, 512, 1], strides = [1, 1, 1]} : vector<16x512x32xf32> to vector<1x512x1xf32>
    %squeeze3A_134 = vector.shape_cast %slice3A_133 : vector<1x512x1xf32> to vector<512x1xf32>
    %mul3A_135 = vector.broadcast %squeeze3A_134 : vector<512x1xf32> to vector<512x128xf32>
    %mul3A_136 = arith.mulf %mul3A_135, %squeeze3A_14 : vector<512x128xf32>
    %add3A_137 = arith.addf %add3A_132, %mul3A_136 : vector<512x128xf32>
    %slice3A_138 = vector.extract_strided_slice %convert_element_type3A {offsets = [5, 0, 25], sizes = [1, 512, 1], strides = [1, 1, 1]} : vector<16x512x32xf32> to vector<1x512x1xf32>
    %squeeze3A_139 = vector.shape_cast %slice3A_138 : vector<1x512x1xf32> to vector<512x1xf32>
    %mul3A_140 = vector.broadcast %squeeze3A_139 : vector<512x1xf32> to vector<512x128xf32>
    %mul3A_141 = arith.mulf %mul3A_140, %squeeze3A_16 : vector<512x128xf32>
    %add3A_142 = arith.addf %add3A_137, %mul3A_141 : vector<512x128xf32>
    %slice3A_143 = vector.extract_strided_slice %convert_element_type3A {offsets = [6, 0, 25], sizes = [1, 512, 1], strides = [1, 1, 1]} : vector<16x512x32xf32> to vector<1x512x1xf32>
    %squeeze3A_144 = vector.shape_cast %slice3A_143 : vector<1x512x1xf32> to vector<512x1xf32>
    %mul3A_145 = vector.broadcast %squeeze3A_144 : vector<512x1xf32> to vector<512x128xf32>
    %mul3A_146 = arith.mulf %mul3A_145, %squeeze3A_18 : vector<512x128xf32>
    %add3A_147 = arith.addf %add3A_142, %mul3A_146 : vector<512x128xf32>
    %slice3A_148 = vector.extract_strided_slice %convert_element_type3A {offsets = [7, 0, 25], sizes = [1, 512, 1], strides = [1, 1, 1]} : vector<16x512x32xf32> to vector<1x512x1xf32>
    %squeeze3A_149 = vector.shape_cast %slice3A_148 : vector<1x512x1xf32> to vector<512x1xf32>
    %mul3A_150 = vector.broadcast %squeeze3A_149 : vector<512x1xf32> to vector<512x128xf32>
    %mul3A_151 = arith.mulf %mul3A_150, %squeeze3A_20 : vector<512x128xf32>
    %add3A_152 = arith.addf %add3A_147, %mul3A_151 : vector<512x128xf32>
    %slice3A_153 = vector.extract_strided_slice %convert_element_type3A {offsets = [8, 0, 25], sizes = [1, 512, 1], strides = [1, 1, 1]} : vector<16x512x32xf32> to vector<1x512x1xf32>
    %squeeze3A_154 = vector.shape_cast %slice3A_153 : vector<1x512x1xf32> to vector<512x1xf32>
    %mul3A_155 = vector.broadcast %squeeze3A_154 : vector<512x1xf32> to vector<512x128xf32>
    %mul3A_156 = arith.mulf %mul3A_155, %squeeze3A_22 : vector<512x128xf32>
    %add3A_157 = arith.addf %add3A_152, %mul3A_156 : vector<512x128xf32>
    %slice3A_158 = vector.extract_strided_slice %convert_element_type3A {offsets = [9, 0, 25], sizes = [1, 512, 1], strides = [1, 1, 1]} : vector<16x512x32xf32> to vector<1x512x1xf32>
    %squeeze3A_159 = vector.shape_cast %slice3A_158 : vector<1x512x1xf32> to vector<512x1xf32>
    %mul3A_160 = vector.broadcast %squeeze3A_159 : vector<512x1xf32> to vector<512x128xf32>
    %mul3A_161 = arith.mulf %mul3A_160, %squeeze3A_24 : vector<512x128xf32>
    %add3A_162 = arith.addf %add3A_157, %mul3A_161 : vector<512x128xf32>
    %slice3A_163 = vector.extract_strided_slice %convert_element_type3A {offsets = [10, 0, 25], sizes = [1, 512, 1], strides = [1, 1, 1]} : vector<16x512x32xf32> to vector<1x512x1xf32>
    %squeeze3A_164 = vector.shape_cast %slice3A_163 : vector<1x512x1xf32> to vector<512x1xf32>
    %mul3A_165 = vector.broadcast %squeeze3A_164 : vector<512x1xf32> to vector<512x128xf32>
    %mul3A_166 = arith.mulf %mul3A_165, %squeeze3A_26 : vector<512x128xf32>
    %add3A_167 = arith.addf %add3A_162, %mul3A_166 : vector<512x128xf32>
    %slice3A_168 = vector.extract_strided_slice %convert_element_type3A {offsets = [11, 0, 25], sizes = [1, 512, 1], strides = [1, 1, 1]} : vector<16x512x32xf32> to vector<1x512x1xf32>
    %squeeze3A_169 = vector.shape_cast %slice3A_168 : vector<1x512x1xf32> to vector<512x1xf32>
    %mul3A_170 = vector.broadcast %squeeze3A_169 : vector<512x1xf32> to vector<512x128xf32>
    %mul3A_171 = arith.mulf %mul3A_170, %squeeze3A_28 : vector<512x128xf32>
    %add3A_172 = arith.addf %add3A_167, %mul3A_171 : vector<512x128xf32>
    %slice3A_173 = vector.extract_strided_slice %convert_element_type3A {offsets = [12, 0, 25], sizes = [1, 512, 1], strides = [1, 1, 1]} : vector<16x512x32xf32> to vector<1x512x1xf32>
    %squeeze3A_174 = vector.shape_cast %slice3A_173 : vector<1x512x1xf32> to vector<512x1xf32>
    %mul3A_175 = vector.broadcast %squeeze3A_174 : vector<512x1xf32> to vector<512x128xf32>
    %mul3A_176 = arith.mulf %mul3A_175, %squeeze3A_30 : vector<512x128xf32>
    %add3A_177 = arith.addf %add3A_172, %mul3A_176 : vector<512x128xf32>
    %slice3A_178 = vector.extract_strided_slice %convert_element_type3A {offsets = [13, 0, 25], sizes = [1, 512, 1], strides = [1, 1, 1]} : vector<16x512x32xf32> to vector<1x512x1xf32>
    %squeeze3A_179 = vector.shape_cast %slice3A_178 : vector<1x512x1xf32> to vector<512x1xf32>
    %mul3A_180 = vector.broadcast %squeeze3A_179 : vector<512x1xf32> to vector<512x128xf32>
    %mul3A_181 = arith.mulf %mul3A_180, %squeeze3A_32 : vector<512x128xf32>
    %add3A_182 = arith.addf %add3A_177, %mul3A_181 : vector<512x128xf32>
    %slice3A_183 = vector.extract_strided_slice %convert_element_type3A {offsets = [14, 0, 25], sizes = [1, 512, 1], strides = [1, 1, 1]} : vector<16x512x32xf32> to vector<1x512x1xf32>
    %squeeze3A_184 = vector.shape_cast %slice3A_183 : vector<1x512x1xf32> to vector<512x1xf32>
    %mul3A_185 = vector.broadcast %squeeze3A_184 : vector<512x1xf32> to vector<512x128xf32>
    %mul3A_186 = arith.mulf %mul3A_185, %squeeze3A_34 : vector<512x128xf32>
    %add3A_187 = arith.addf %add3A_182, %mul3A_186 : vector<512x128xf32>
    %slice3A_188 = vector.extract_strided_slice %convert_element_type3A {offsets = [15, 0, 25], sizes = [1, 512, 1], strides = [1, 1, 1]} : vector<16x512x32xf32> to vector<1x512x1xf32>
    %squeeze3A_189 = vector.shape_cast %slice3A_188 : vector<1x512x1xf32> to vector<512x1xf32>
    %mul3A_190 = vector.broadcast %squeeze3A_189 : vector<512x1xf32> to vector<512x128xf32>
    %mul3A_191 = arith.mulf %mul3A_190, %squeeze3A_36 : vector<512x128xf32>
    %add3A_192 = arith.addf %add3A_187, %mul3A_191 : vector<512x128xf32>
    %slice3A_193 = vector.extract_strided_slice %convert_element_type3A {offsets = [0, 0, 26], sizes = [1, 512, 1], strides = [1, 1, 1]} : vector<16x512x32xf32> to vector<1x512x1xf32>
    %squeeze3A_194 = vector.shape_cast %slice3A_193 : vector<1x512x1xf32> to vector<512x1xf32>
    %mul3A_195 = vector.broadcast %squeeze3A_194 : vector<512x1xf32> to vector<512x128xf32>
    %mul3A_196 = arith.mulf %mul3A_195, %squeeze3A : vector<512x128xf32>
    %slice3A_197 = vector.extract_strided_slice %convert_element_type3A {offsets = [1, 0, 26], sizes = [1, 512, 1], strides = [1, 1, 1]} : vector<16x512x32xf32> to vector<1x512x1xf32>
    %squeeze3A_198 = vector.shape_cast %slice3A_197 : vector<1x512x1xf32> to vector<512x1xf32>
    %mul3A_199 = vector.broadcast %squeeze3A_198 : vector<512x1xf32> to vector<512x128xf32>
    %mul3A_200 = arith.mulf %mul3A_199, %squeeze3A_8 : vector<512x128xf32>
    %add3A_201 = arith.addf %mul3A_196, %mul3A_200 : vector<512x128xf32>
    %slice3A_202 = vector.extract_strided_slice %convert_element_type3A {offsets = [2, 0, 26], sizes = [1, 512, 1], strides = [1, 1, 1]} : vector<16x512x32xf32> to vector<1x512x1xf32>
    %squeeze3A_203 = vector.shape_cast %slice3A_202 : vector<1x512x1xf32> to vector<512x1xf32>
    %mul3A_204 = vector.broadcast %squeeze3A_203 : vector<512x1xf32> to vector<512x128xf32>
    %mul3A_205 = arith.mulf %mul3A_204, %squeeze3A_10 : vector<512x128xf32>
    %add3A_206 = arith.addf %add3A_201, %mul3A_205 : vector<512x128xf32>
    %slice3A_207 = vector.extract_strided_slice %convert_element_type3A {offsets = [3, 0, 26], sizes = [1, 512, 1], strides = [1, 1, 1]} : vector<16x512x32xf32> to vector<1x512x1xf32>
    %squeeze3A_208 = vector.shape_cast %slice3A_207 : vector<1x512x1xf32> to vector<512x1xf32>
    %mul3A_209 = vector.broadcast %squeeze3A_208 : vector<512x1xf32> to vector<512x128xf32>
    %mul3A_210 = arith.mulf %mul3A_209, %squeeze3A_12 : vector<512x128xf32>
    %add3A_211 = arith.addf %add3A_206, %mul3A_210 : vector<512x128xf32>
    %slice3A_212 = vector.extract_strided_slice %convert_element_type3A {offsets = [4, 0, 26], sizes = [1, 512, 1], strides = [1, 1, 1]} : vector<16x512x32xf32> to vector<1x512x1xf32>
    %squeeze3A_213 = vector.shape_cast %slice3A_212 : vector<1x512x1xf32> to vector<512x1xf32>
    %mul3A_214 = vector.broadcast %squeeze3A_213 : vector<512x1xf32> to vector<512x128xf32>
    %mul3A_215 = arith.mulf %mul3A_214, %squeeze3A_14 : vector<512x128xf32>
    %add3A_216 = arith.addf %add3A_211, %mul3A_215 : vector<512x128xf32>
    %slice3A_217 = vector.extract_strided_slice %convert_element_type3A {offsets = [5, 0, 26], sizes = [1, 512, 1], strides = [1, 1, 1]} : vector<16x512x32xf32> to vector<1x512x1xf32>
    %squeeze3A_218 = vector.shape_cast %slice3A_217 : vector<1x512x1xf32> to vector<512x1xf32>
    %mul3A_219 = vector.broadcast %squeeze3A_218 : vector<512x1xf32> to vector<512x128xf32>
    %mul3A_220 = arith.mulf %mul3A_219, %squeeze3A_16 : vector<512x128xf32>
    %add3A_221 = arith.addf %add3A_216, %mul3A_220 : vector<512x128xf32>
    %slice3A_222 = vector.extract_strided_slice %convert_element_type3A {offsets = [6, 0, 26], sizes = [1, 512, 1], strides = [1, 1, 1]} : vector<16x512x32xf32> to vector<1x512x1xf32>
    %squeeze3A_223 = vector.shape_cast %slice3A_222 : vector<1x512x1xf32> to vector<512x1xf32>
    %mul3A_224 = vector.broadcast %squeeze3A_223 : vector<512x1xf32> to vector<512x128xf32>
    %mul3A_225 = arith.mulf %mul3A_224, %squeeze3A_18 : vector<512x128xf32>
    %add3A_226 = arith.addf %add3A_221, %mul3A_225 : vector<512x128xf32>
    %slice3A_227 = vector.extract_strided_slice %convert_element_type3A {offsets = [7, 0, 26], sizes = [1, 512, 1], strides = [1, 1, 1]} : vector<16x512x32xf32> to vector<1x512x1xf32>
    %squeeze3A_228 = vector.shape_cast %slice3A_227 : vector<1x512x1xf32> to vector<512x1xf32>
    %mul3A_229 = vector.broadcast %squeeze3A_228 : vector<512x1xf32> to vector<512x128xf32>
    %mul3A_230 = arith.mulf %mul3A_229, %squeeze3A_20 : vector<512x128xf32>
    %add3A_231 = arith.addf %add3A_226, %mul3A_230 : vector<512x128xf32>
    %slice3A_232 = vector.extract_strided_slice %convert_element_type3A {offsets = [8, 0, 26], sizes = [1, 512, 1], strides = [1, 1, 1]} : vector<16x512x32xf32> to vector<1x512x1xf32>
    %squeeze3A_233 = vector.shape_cast %slice3A_232 : vector<1x512x1xf32> to vector<512x1xf32>
    %mul3A_234 = vector.broadcast %squeeze3A_233 : vector<512x1xf32> to vector<512x128xf32>
    %mul3A_235 = arith.mulf %mul3A_234, %squeeze3A_22 : vector<512x128xf32>
    %add3A_236 = arith.addf %add3A_231, %mul3A_235 : vector<512x128xf32>
    %slice3A_237 = vector.extract_strided_slice %convert_element_type3A {offsets = [9, 0, 26], sizes = [1, 512, 1], strides = [1, 1, 1]} : vector<16x512x32xf32> to vector<1x512x1xf32>
    %squeeze3A_238 = vector.shape_cast %slice3A_237 : vector<1x512x1xf32> to vector<512x1xf32>
    %mul3A_239 = vector.broadcast %squeeze3A_238 : vector<512x1xf32> to vector<512x128xf32>
    %mul3A_240 = arith.mulf %mul3A_239, %squeeze3A_24 : vector<512x128xf32>
    %add3A_241 = arith.addf %add3A_236, %mul3A_240 : vector<512x128xf32>
    %slice3A_242 = vector.extract_strided_slice %convert_element_type3A {offsets = [10, 0, 26], sizes = [1, 512, 1], strides = [1, 1, 1]} : vector<16x512x32xf32> to vector<1x512x1xf32>
    %squeeze3A_243 = vector.shape_cast %slice3A_242 : vector<1x512x1xf32> to vector<512x1xf32>
    %mul3A_244 = vector.broadcast %squeeze3A_243 : vector<512x1xf32> to vector<512x128xf32>
    %mul3A_245 = arith.mulf %mul3A_244, %squeeze3A_26 : vector<512x128xf32>
    %add3A_246 = arith.addf %add3A_241, %mul3A_245 : vector<512x128xf32>
    %slice3A_247 = vector.extract_strided_slice %convert_element_type3A {offsets = [11, 0, 26], sizes = [1, 512, 1], strides = [1, 1, 1]} : vector<16x512x32xf32> to vector<1x512x1xf32>
    %squeeze3A_248 = vector.shape_cast %slice3A_247 : vector<1x512x1xf32> to vector<512x1xf32>
    %mul3A_249 = vector.broadcast %squeeze3A_248 : vector<512x1xf32> to vector<512x128xf32>
    %mul3A_250 = arith.mulf %mul3A_249, %squeeze3A_28 : vector<512x128xf32>
    %add3A_251 = arith.addf %add3A_246, %mul3A_250 : vector<512x128xf32>
    %slice3A_252 = vector.extract_strided_slice %convert_element_type3A {offsets = [12, 0, 26], sizes = [1, 512, 1], strides = [1, 1, 1]} : vector<16x512x32xf32> to vector<1x512x1xf32>
    %squeeze3A_253 = vector.shape_cast %slice3A_252 : vector<1x512x1xf32> to vector<512x1xf32>
    %mul3A_254 = vector.broadcast %squeeze3A_253 : vector<512x1xf32> to vector<512x128xf32>
    %mul3A_255 = arith.mulf %mul3A_254, %squeeze3A_30 : vector<512x128xf32>
    %add3A_256 = arith.addf %add3A_251, %mul3A_255 : vector<512x128xf32>
    %slice3A_257 = vector.extract_strided_slice %convert_element_type3A {offsets = [13, 0, 26], sizes = [1, 512, 1], strides = [1, 1, 1]} : vector<16x512x32xf32> to vector<1x512x1xf32>
    %squeeze3A_258 = vector.shape_cast %slice3A_257 : vector<1x512x1xf32> to vector<512x1xf32>
    %mul3A_259 = vector.broadcast %squeeze3A_258 : vector<512x1xf32> to vector<512x128xf32>
    %mul3A_260 = arith.mulf %mul3A_259, %squeeze3A_32 : vector<512x128xf32>
    %add3A_261 = arith.addf %add3A_256, %mul3A_260 : vector<512x128xf32>
    %slice3A_262 = vector.extract_strided_slice %convert_element_type3A {offsets = [14, 0, 26], sizes = [1, 512, 1], strides = [1, 1, 1]} : vector<16x512x32xf32> to vector<1x512x1xf32>
    %squeeze3A_263 = vector.shape_cast %slice3A_262 : vector<1x512x1xf32> to vector<512x1xf32>
    %mul3A_264 = vector.broadcast %squeeze3A_263 : vector<512x1xf32> to vector<512x128xf32>
    %mul3A_265 = arith.mulf %mul3A_264, %squeeze3A_34 : vector<512x128xf32>
    %add3A_266 = arith.addf %add3A_261, %mul3A_265 : vector<512x128xf32>
    %slice3A_267 = vector.extract_strided_slice %convert_element_type3A {offsets = [15, 0, 26], sizes = [1, 512, 1], strides = [1, 1, 1]} : vector<16x512x32xf32> to vector<1x512x1xf32>
    %squeeze3A_268 = vector.shape_cast %slice3A_267 : vector<1x512x1xf32> to vector<512x1xf32>
    %mul3A_269 = vector.broadcast %squeeze3A_268 : vector<512x1xf32> to vector<512x128xf32>
    %mul3A_270 = arith.mulf %mul3A_269, %squeeze3A_36 : vector<512x128xf32>
    %add3A_271 = arith.addf %add3A_266, %mul3A_270 : vector<512x128xf32>
    %slice3A_272 = vector.extract_strided_slice %convert_element_type3A {offsets = [0, 0, 27], sizes = [1, 512, 1], strides = [1, 1, 1]} : vector<16x512x32xf32> to vector<1x512x1xf32>
    %squeeze3A_273 = vector.shape_cast %slice3A_272 : vector<1x512x1xf32> to vector<512x1xf32>
    %mul3A_274 = vector.broadcast %squeeze3A_273 : vector<512x1xf32> to vector<512x128xf32>
    %mul3A_275 = arith.mulf %mul3A_274, %squeeze3A : vector<512x128xf32>
    %slice3A_276 = vector.extract_strided_slice %convert_element_type3A {offsets = [1, 0, 27], sizes = [1, 512, 1], strides = [1, 1, 1]} : vector<16x512x32xf32> to vector<1x512x1xf32>
    %squeeze3A_277 = vector.shape_cast %slice3A_276 : vector<1x512x1xf32> to vector<512x1xf32>
    %mul3A_278 = vector.broadcast %squeeze3A_277 : vector<512x1xf32> to vector<512x128xf32>
    %mul3A_279 = arith.mulf %mul3A_278, %squeeze3A_8 : vector<512x128xf32>
    %add3A_280 = arith.addf %mul3A_275, %mul3A_279 : vector<512x128xf32>
    %slice3A_281 = vector.extract_strided_slice %convert_element_type3A {offsets = [2, 0, 27], sizes = [1, 512, 1], strides = [1, 1, 1]} : vector<16x512x32xf32> to vector<1x512x1xf32>
    %squeeze3A_282 = vector.shape_cast %slice3A_281 : vector<1x512x1xf32> to vector<512x1xf32>
    %mul3A_283 = vector.broadcast %squeeze3A_282 : vector<512x1xf32> to vector<512x128xf32>
    %mul3A_284 = arith.mulf %mul3A_283, %squeeze3A_10 : vector<512x128xf32>
    %add3A_285 = arith.addf %add3A_280, %mul3A_284 : vector<512x128xf32>
    %slice3A_286 = vector.extract_strided_slice %convert_element_type3A {offsets = [3, 0, 27], sizes = [1, 512, 1], strides = [1, 1, 1]} : vector<16x512x32xf32> to vector<1x512x1xf32>
    %squeeze3A_287 = vector.shape_cast %slice3A_286 : vector<1x512x1xf32> to vector<512x1xf32>
    %mul3A_288 = vector.broadcast %squeeze3A_287 : vector<512x1xf32> to vector<512x128xf32>
    %mul3A_289 = arith.mulf %mul3A_288, %squeeze3A_12 : vector<512x128xf32>
    %add3A_290 = arith.addf %add3A_285, %mul3A_289 : vector<512x128xf32>
    %slice3A_291 = vector.extract_strided_slice %convert_element_type3A {offsets = [4, 0, 27], sizes = [1, 512, 1], strides = [1, 1, 1]} : vector<16x512x32xf32> to vector<1x512x1xf32>
    %squeeze3A_292 = vector.shape_cast %slice3A_291 : vector<1x512x1xf32> to vector<512x1xf32>
    %mul3A_293 = vector.broadcast %squeeze3A_292 : vector<512x1xf32> to vector<512x128xf32>
    %mul3A_294 = arith.mulf %mul3A_293, %squeeze3A_14 : vector<512x128xf32>
    %add3A_295 = arith.addf %add3A_290, %mul3A_294 : vector<512x128xf32>
    %slice3A_296 = vector.extract_strided_slice %convert_element_type3A {offsets = [5, 0, 27], sizes = [1, 512, 1], strides = [1, 1, 1]} : vector<16x512x32xf32> to vector<1x512x1xf32>
    %squeeze3A_297 = vector.shape_cast %slice3A_296 : vector<1x512x1xf32> to vector<512x1xf32>
    %mul3A_298 = vector.broadcast %squeeze3A_297 : vector<512x1xf32> to vector<512x128xf32>
    %mul3A_299 = arith.mulf %mul3A_298, %squeeze3A_16 : vector<512x128xf32>
    %add3A_300 = arith.addf %add3A_295, %mul3A_299 : vector<512x128xf32>
    %slice3A_301 = vector.extract_strided_slice %convert_element_type3A {offsets = [6, 0, 27], sizes = [1, 512, 1], strides = [1, 1, 1]} : vector<16x512x32xf32> to vector<1x512x1xf32>
    %squeeze3A_302 = vector.shape_cast %slice3A_301 : vector<1x512x1xf32> to vector<512x1xf32>
    %mul3A_303 = vector.broadcast %squeeze3A_302 : vector<512x1xf32> to vector<512x128xf32>
    %mul3A_304 = arith.mulf %mul3A_303, %squeeze3A_18 : vector<512x128xf32>
    %add3A_305 = arith.addf %add3A_300, %mul3A_304 : vector<512x128xf32>
    %slice3A_306 = vector.extract_strided_slice %convert_element_type3A {offsets = [7, 0, 27], sizes = [1, 512, 1], strides = [1, 1, 1]} : vector<16x512x32xf32> to vector<1x512x1xf32>
    %squeeze3A_307 = vector.shape_cast %slice3A_306 : vector<1x512x1xf32> to vector<512x1xf32>
    %mul3A_308 = vector.broadcast %squeeze3A_307 : vector<512x1xf32> to vector<512x128xf32>
    %mul3A_309 = arith.mulf %mul3A_308, %squeeze3A_20 : vector<512x128xf32>
    %add3A_310 = arith.addf %add3A_305, %mul3A_309 : vector<512x128xf32>
    %slice3A_311 = vector.extract_strided_slice %convert_element_type3A {offsets = [8, 0, 27], sizes = [1, 512, 1], strides = [1, 1, 1]} : vector<16x512x32xf32> to vector<1x512x1xf32>
    %squeeze3A_312 = vector.shape_cast %slice3A_311 : vector<1x512x1xf32> to vector<512x1xf32>
    %mul3A_313 = vector.broadcast %squeeze3A_312 : vector<512x1xf32> to vector<512x128xf32>
    %mul3A_314 = arith.mulf %mul3A_313, %squeeze3A_22 : vector<512x128xf32>
    %add3A_315 = arith.addf %add3A_310, %mul3A_314 : vector<512x128xf32>
    %slice3A_316 = vector.extract_strided_slice %convert_element_type3A {offsets = [9, 0, 27], sizes = [1, 512, 1], strides = [1, 1, 1]} : vector<16x512x32xf32> to vector<1x512x1xf32>
    %squeeze3A_317 = vector.shape_cast %slice3A_316 : vector<1x512x1xf32> to vector<512x1xf32>
    %mul3A_318 = vector.broadcast %squeeze3A_317 : vector<512x1xf32> to vector<512x128xf32>
    %mul3A_319 = arith.mulf %mul3A_318, %squeeze3A_24 : vector<512x128xf32>
    %add3A_320 = arith.addf %add3A_315, %mul3A_319 : vector<512x128xf32>
    %slice3A_321 = vector.extract_strided_slice %convert_element_type3A {offsets = [10, 0, 27], sizes = [1, 512, 1], strides = [1, 1, 1]} : vector<16x512x32xf32> to vector<1x512x1xf32>
    %squeeze3A_322 = vector.shape_cast %slice3A_321 : vector<1x512x1xf32> to vector<512x1xf32>
    %mul3A_323 = vector.broadcast %squeeze3A_322 : vector<512x1xf32> to vector<512x128xf32>
    %mul3A_324 = arith.mulf %mul3A_323, %squeeze3A_26 : vector<512x128xf32>
    %add3A_325 = arith.addf %add3A_320, %mul3A_324 : vector<512x128xf32>
    %slice3A_326 = vector.extract_strided_slice %convert_element_type3A {offsets = [11, 0, 27], sizes = [1, 512, 1], strides = [1, 1, 1]} : vector<16x512x32xf32> to vector<1x512x1xf32>
    %squeeze3A_327 = vector.shape_cast %slice3A_326 : vector<1x512x1xf32> to vector<512x1xf32>
    %mul3A_328 = vector.broadcast %squeeze3A_327 : vector<512x1xf32> to vector<512x128xf32>
    %mul3A_329 = arith.mulf %mul3A_328, %squeeze3A_28 : vector<512x128xf32>
    %add3A_330 = arith.addf %add3A_325, %mul3A_329 : vector<512x128xf32>
    %slice3A_331 = vector.extract_strided_slice %convert_element_type3A {offsets = [12, 0, 27], sizes = [1, 512, 1], strides = [1, 1, 1]} : vector<16x512x32xf32> to vector<1x512x1xf32>
    %squeeze3A_332 = vector.shape_cast %slice3A_331 : vector<1x512x1xf32> to vector<512x1xf32>
    %mul3A_333 = vector.broadcast %squeeze3A_332 : vector<512x1xf32> to vector<512x128xf32>
    %mul3A_334 = arith.mulf %mul3A_333, %squeeze3A_30 : vector<512x128xf32>
    %add3A_335 = arith.addf %add3A_330, %mul3A_334 : vector<512x128xf32>
    %slice3A_336 = vector.extract_strided_slice %convert_element_type3A {offsets = [13, 0, 27], sizes = [1, 512, 1], strides = [1, 1, 1]} : vector<16x512x32xf32> to vector<1x512x1xf32>
    %squeeze3A_337 = vector.shape_cast %slice3A_336 : vector<1x512x1xf32> to vector<512x1xf32>
    %mul3A_338 = vector.broadcast %squeeze3A_337 : vector<512x1xf32> to vector<512x128xf32>
    %mul3A_339 = arith.mulf %mul3A_338, %squeeze3A_32 : vector<512x128xf32>
    %add3A_340 = arith.addf %add3A_335, %mul3A_339 : vector<512x128xf32>
    %slice3A_341 = vector.extract_strided_slice %convert_element_type3A {offsets = [14, 0, 27], sizes = [1, 512, 1], strides = [1, 1, 1]} : vector<16x512x32xf32> to vector<1x512x1xf32>
    %squeeze3A_342 = vector.shape_cast %slice3A_341 : vector<1x512x1xf32> to vector<512x1xf32>
    %mul3A_343 = vector.broadcast %squeeze3A_342 : vector<512x1xf32> to vector<512x128xf32>
    %mul3A_344 = arith.mulf %mul3A_343, %squeeze3A_34 : vector<512x128xf32>
    %add3A_345 = arith.addf %add3A_340, %mul3A_344 : vector<512x128xf32>
    %slice3A_346 = vector.extract_strided_slice %convert_element_type3A {offsets = [15, 0, 27], sizes = [1, 512, 1], strides = [1, 1, 1]} : vector<16x512x32xf32> to vector<1x512x1xf32>
    %squeeze3A_347 = vector.shape_cast %slice3A_346 : vector<1x512x1xf32> to vector<512x1xf32>
    %mul3A_348 = vector.broadcast %squeeze3A_347 : vector<512x1xf32> to vector<512x128xf32>
    %mul3A_349 = arith.mulf %mul3A_348, %squeeze3A_36 : vector<512x128xf32>
    %add3A_350 = arith.addf %add3A_345, %mul3A_349 : vector<512x128xf32>
    %slice3A_351 = vector.extract_strided_slice %convert_element_type3A {offsets = [0, 0, 28], sizes = [1, 512, 1], strides = [1, 1, 1]} : vector<16x512x32xf32> to vector<1x512x1xf32>
    %squeeze3A_352 = vector.shape_cast %slice3A_351 : vector<1x512x1xf32> to vector<512x1xf32>
    %mul3A_353 = vector.broadcast %squeeze3A_352 : vector<512x1xf32> to vector<512x128xf32>
    %mul3A_354 = arith.mulf %mul3A_353, %squeeze3A : vector<512x128xf32>
    %slice3A_355 = vector.extract_strided_slice %convert_element_type3A {offsets = [1, 0, 28], sizes = [1, 512, 1], strides = [1, 1, 1]} : vector<16x512x32xf32> to vector<1x512x1xf32>
    %squeeze3A_356 = vector.shape_cast %slice3A_355 : vector<1x512x1xf32> to vector<512x1xf32>
    %mul3A_357 = vector.broadcast %squeeze3A_356 : vector<512x1xf32> to vector<512x128xf32>
    %mul3A_358 = arith.mulf %mul3A_357, %squeeze3A_8 : vector<512x128xf32>
    %add3A_359 = arith.addf %mul3A_354, %mul3A_358 : vector<512x128xf32>
    %slice3A_360 = vector.extract_strided_slice %convert_element_type3A {offsets = [2, 0, 28], sizes = [1, 512, 1], strides = [1, 1, 1]} : vector<16x512x32xf32> to vector<1x512x1xf32>
    %squeeze3A_361 = vector.shape_cast %slice3A_360 : vector<1x512x1xf32> to vector<512x1xf32>
    %mul3A_362 = vector.broadcast %squeeze3A_361 : vector<512x1xf32> to vector<512x128xf32>
    %mul3A_363 = arith.mulf %mul3A_362, %squeeze3A_10 : vector<512x128xf32>
    %add3A_364 = arith.addf %add3A_359, %mul3A_363 : vector<512x128xf32>
    %slice3A_365 = vector.extract_strided_slice %convert_element_type3A {offsets = [3, 0, 28], sizes = [1, 512, 1], strides = [1, 1, 1]} : vector<16x512x32xf32> to vector<1x512x1xf32>
    %squeeze3A_366 = vector.shape_cast %slice3A_365 : vector<1x512x1xf32> to vector<512x1xf32>
    %mul3A_367 = vector.broadcast %squeeze3A_366 : vector<512x1xf32> to vector<512x128xf32>
    %mul3A_368 = arith.mulf %mul3A_367, %squeeze3A_12 : vector<512x128xf32>
    %add3A_369 = arith.addf %add3A_364, %mul3A_368 : vector<512x128xf32>
    %slice3A_370 = vector.extract_strided_slice %convert_element_type3A {offsets = [4, 0, 28], sizes = [1, 512, 1], strides = [1, 1, 1]} : vector<16x512x32xf32> to vector<1x512x1xf32>
    %squeeze3A_371 = vector.shape_cast %slice3A_370 : vector<1x512x1xf32> to vector<512x1xf32>
    %mul3A_372 = vector.broadcast %squeeze3A_371 : vector<512x1xf32> to vector<512x128xf32>
    %mul3A_373 = arith.mulf %mul3A_372, %squeeze3A_14 : vector<512x128xf32>
    %add3A_374 = arith.addf %add3A_369, %mul3A_373 : vector<512x128xf32>
    %slice3A_375 = vector.extract_strided_slice %convert_element_type3A {offsets = [5, 0, 28], sizes = [1, 512, 1], strides = [1, 1, 1]} : vector<16x512x32xf32> to vector<1x512x1xf32>
    %squeeze3A_376 = vector.shape_cast %slice3A_375 : vector<1x512x1xf32> to vector<512x1xf32>
    %mul3A_377 = vector.broadcast %squeeze3A_376 : vector<512x1xf32> to vector<512x128xf32>
    %mul3A_378 = arith.mulf %mul3A_377, %squeeze3A_16 : vector<512x128xf32>
    %add3A_379 = arith.addf %add3A_374, %mul3A_378 : vector<512x128xf32>
    %slice3A_380 = vector.extract_strided_slice %convert_element_type3A {offsets = [6, 0, 28], sizes = [1, 512, 1], strides = [1, 1, 1]} : vector<16x512x32xf32> to vector<1x512x1xf32>
    %squeeze3A_381 = vector.shape_cast %slice3A_380 : vector<1x512x1xf32> to vector<512x1xf32>
    %mul3A_382 = vector.broadcast %squeeze3A_381 : vector<512x1xf32> to vector<512x128xf32>
    %mul3A_383 = arith.mulf %mul3A_382, %squeeze3A_18 : vector<512x128xf32>
    %add3A_384 = arith.addf %add3A_379, %mul3A_383 : vector<512x128xf32>
    %slice3A_385 = vector.extract_strided_slice %convert_element_type3A {offsets = [7, 0, 28], sizes = [1, 512, 1], strides = [1, 1, 1]} : vector<16x512x32xf32> to vector<1x512x1xf32>
    %squeeze3A_386 = vector.shape_cast %slice3A_385 : vector<1x512x1xf32> to vector<512x1xf32>
    %mul3A_387 = vector.broadcast %squeeze3A_386 : vector<512x1xf32> to vector<512x128xf32>
    %mul3A_388 = arith.mulf %mul3A_387, %squeeze3A_20 : vector<512x128xf32>
    %add3A_389 = arith.addf %add3A_384, %mul3A_388 : vector<512x128xf32>
    %slice3A_390 = vector.extract_strided_slice %convert_element_type3A {offsets = [8, 0, 28], sizes = [1, 512, 1], strides = [1, 1, 1]} : vector<16x512x32xf32> to vector<1x512x1xf32>
    %squeeze3A_391 = vector.shape_cast %slice3A_390 : vector<1x512x1xf32> to vector<512x1xf32>
    %mul3A_392 = vector.broadcast %squeeze3A_391 : vector<512x1xf32> to vector<512x128xf32>
    %mul3A_393 = arith.mulf %mul3A_392, %squeeze3A_22 : vector<512x128xf32>
    %add3A_394 = arith.addf %add3A_389, %mul3A_393 : vector<512x128xf32>
    %slice3A_395 = vector.extract_strided_slice %convert_element_type3A {offsets = [9, 0, 28], sizes = [1, 512, 1], strides = [1, 1, 1]} : vector<16x512x32xf32> to vector<1x512x1xf32>
    %squeeze3A_396 = vector.shape_cast %slice3A_395 : vector<1x512x1xf32> to vector<512x1xf32>
    %mul3A_397 = vector.broadcast %squeeze3A_396 : vector<512x1xf32> to vector<512x128xf32>
    %mul3A_398 = arith.mulf %mul3A_397, %squeeze3A_24 : vector<512x128xf32>
    %add3A_399 = arith.addf %add3A_394, %mul3A_398 : vector<512x128xf32>
    %slice3A_400 = vector.extract_strided_slice %convert_element_type3A {offsets = [10, 0, 28], sizes = [1, 512, 1], strides = [1, 1, 1]} : vector<16x512x32xf32> to vector<1x512x1xf32>
    %squeeze3A_401 = vector.shape_cast %slice3A_400 : vector<1x512x1xf32> to vector<512x1xf32>
    %mul3A_402 = vector.broadcast %squeeze3A_401 : vector<512x1xf32> to vector<512x128xf32>
    %mul3A_403 = arith.mulf %mul3A_402, %squeeze3A_26 : vector<512x128xf32>
    %add3A_404 = arith.addf %add3A_399, %mul3A_403 : vector<512x128xf32>
    %slice3A_405 = vector.extract_strided_slice %convert_element_type3A {offsets = [11, 0, 28], sizes = [1, 512, 1], strides = [1, 1, 1]} : vector<16x512x32xf32> to vector<1x512x1xf32>
    %squeeze3A_406 = vector.shape_cast %slice3A_405 : vector<1x512x1xf32> to vector<512x1xf32>
    %mul3A_407 = vector.broadcast %squeeze3A_406 : vector<512x1xf32> to vector<512x128xf32>
    %mul3A_408 = arith.mulf %mul3A_407, %squeeze3A_28 : vector<512x128xf32>
    %add3A_409 = arith.addf %add3A_404, %mul3A_408 : vector<512x128xf32>
    %slice3A_410 = vector.extract_strided_slice %convert_element_type3A {offsets = [12, 0, 28], sizes = [1, 512, 1], strides = [1, 1, 1]} : vector<16x512x32xf32> to vector<1x512x1xf32>
    %squeeze3A_411 = vector.shape_cast %slice3A_410 : vector<1x512x1xf32> to vector<512x1xf32>
    %mul3A_412 = vector.broadcast %squeeze3A_411 : vector<512x1xf32> to vector<512x128xf32>
    %mul3A_413 = arith.mulf %mul3A_412, %squeeze3A_30 : vector<512x128xf32>
    %add3A_414 = arith.addf %add3A_409, %mul3A_413 : vector<512x128xf32>
    %slice3A_415 = vector.extract_strided_slice %convert_element_type3A {offsets = [13, 0, 28], sizes = [1, 512, 1], strides = [1, 1, 1]} : vector<16x512x32xf32> to vector<1x512x1xf32>
    %squeeze3A_416 = vector.shape_cast %slice3A_415 : vector<1x512x1xf32> to vector<512x1xf32>
    %mul3A_417 = vector.broadcast %squeeze3A_416 : vector<512x1xf32> to vector<512x128xf32>
    %mul3A_418 = arith.mulf %mul3A_417, %squeeze3A_32 : vector<512x128xf32>
    %add3A_419 = arith.addf %add3A_414, %mul3A_418 : vector<512x128xf32>
    %slice3A_420 = vector.extract_strided_slice %convert_element_type3A {offsets = [14, 0, 28], sizes = [1, 512, 1], strides = [1, 1, 1]} : vector<16x512x32xf32> to vector<1x512x1xf32>
    %squeeze3A_421 = vector.shape_cast %slice3A_420 : vector<1x512x1xf32> to vector<512x1xf32>
    %mul3A_422 = vector.broadcast %squeeze3A_421 : vector<512x1xf32> to vector<512x128xf32>
    %mul3A_423 = arith.mulf %mul3A_422, %squeeze3A_34 : vector<512x128xf32>
    %add3A_424 = arith.addf %add3A_419, %mul3A_423 : vector<512x128xf32>
    %slice3A_425 = vector.extract_strided_slice %convert_element_type3A {offsets = [15, 0, 28], sizes = [1, 512, 1], strides = [1, 1, 1]} : vector<16x512x32xf32> to vector<1x512x1xf32>
    %squeeze3A_426 = vector.shape_cast %slice3A_425 : vector<1x512x1xf32> to vector<512x1xf32>
    %mul3A_427 = vector.broadcast %squeeze3A_426 : vector<512x1xf32> to vector<512x128xf32>
    %mul3A_428 = arith.mulf %mul3A_427, %squeeze3A_36 : vector<512x128xf32>
    %add3A_429 = arith.addf %add3A_424, %mul3A_428 : vector<512x128xf32>
    %concatenate3A = tpu.concatenate %add3A_113, %add3A_192, %add3A_271, %add3A_350, %add3A_429 in 1 : vector<512x128xf32>, vector<512x128xf32>, vector<512x128xf32>, vector<512x128xf32>, vector<512x128xf32> -> vector<512x640xf32>
    %get3A_430 = arith.constant 0 : index
    %get3A_431 = arith.constant 0 : index
    %get3A_432 = vector.load %arg3[%get3A_430, %get3A_431] : memref<640x128xf32, #tpu.memory_space<vmem>>, vector<640x128xf32>
    %dot_general3A = arith.constant dense<0.000000e+00> : vector<512x128xf32>
    %dot_general3A_433 = tpu.matmul %concatenate3A, %get3A_432, %dot_general3A {dimension_numbers = #tpu.dot_dimension_numbers<[1], [0], [0], [1], [0, 0, 1, 1], [], []>, transpose_lhs_hint = false} : vector<512x640xf32>, vector<640x128xf32>, vector<512x128xf32> -> vector<512x128xf32>
    %swap3A = arith.constant 0 : index
    %swap3A_434 = arith.constant 0 : index
    %swap3A_435 = vector.load %arg4[%swap3A, %swap3A_434] : memref<512x128xf32, #tpu.memory_space<vmem>>, vector<512x128xf32>
    tpu.vector_store %arg4[%swap3A, %swap3A_434], %dot_general3A_433 {strides = array<i32>} : memref<512x128xf32, #tpu.memory_space<vmem>>, vector<512x128xf32>,
    %eq3A = arith.constant 0 : i32
    %eq3A_436 = arith.cmpi eq, %arg0, %eq3A : i32
    %convert_element_type3A_437 = arith.extui %eq3A_436 : i1 to i32
    %cond3A = arith.constant 0 : i32
    %cond3A_438 = arith.cmpi ne, %convert_element_type3A_437, %cond3A : i32
    scf.if %cond3A_438 {
      %broadcast_in_dim3A_454 = arith.constant 0.000000e+00 : f32
      %broadcast_in_dim3A_455 = vector.broadcast %broadcast_in_dim3A_454 : f32 to vector<8x128xf32>
      %swap3A_456 = arith.constant 0 : index
      %swap3A_457 = arith.constant 0 : index
      %swap3A_458 = vector.load %arg5[%swap3A_456, %swap3A_457] : memref<8x128xf32, #tpu.memory_space<vmem>>, vector<8x128xf32>
      tpu.vector_store %arg5[%swap3A_456, %swap3A_457], %broadcast_in_dim3A_455 {strides = array<i32>} : memref<8x128xf32, #tpu.memory_space<vmem>>, vector<8x128xf32>,
    } else {
    }
    %reduce_sum3A = arith.constant dense<0.000000e+00> : vector<128xf32>
    %reduce_sum3A_439 = vector.multi_reduction <add>, %dot_general3A_433, %reduce_sum3A [0] : vector<512x128xf32> to vector<128xf32>
    %broadcast_in_dim3A = vector.shape_cast %reduce_sum3A_439 : vector<128xf32> to vector<1x128xf32>
    %mul3A_440 = arith.mulf %dot_general3A_433, %dot_general3A_433 : vector<512x128xf32>
    %reduce_sum3A_441 = arith.constant dense<0.000000e+00> : vector<128xf32>
    %reduce_sum3A_442 = vector.multi_reduction <add>, %mul3A_440, %reduce_sum3A_441 [0] : vector<512x128xf32> to vector<128xf32>
    %broadcast_in_dim3A_443 = vector.shape_cast %reduce_sum3A_442 : vector<128xf32> to vector<1x128xf32>
    %get3A_444 = arith.constant 0 : index
    %get3A_445 = arith.constant 0 : index
    %get3A_446 = vector.load %arg5[%get3A_444, %get3A_445] : memref<8x128xf32, #tpu.memory_space<vmem>>, vector<8x128xf32>
    %broadcast_in_dim3A_447 = arith.constant 0.000000e+00 : f32
    %broadcast_in_dim3A_448 = vector.broadcast %broadcast_in_dim3A_447 : f32 to vector<6x128xf32>
    %concatenate3A_449 = tpu.concatenate %broadcast_in_dim3A, %broadcast_in_dim3A_443, %broadcast_in_dim3A_448 in 0 : vector<1x128xf32>, vector<1x128xf32>, vector<6x128xf32> -> vector<8x128xf32>
    %add3A_450 = arith.addf %get3A_446, %concatenate3A_449 : vector<8x128xf32>
    %swap3A_451 = arith.constant 0 : index
    %swap3A_452 = arith.constant 0 : index
    %swap3A_453 = vector.load %arg5[%swap3A_451, %swap3A_452] : memref<8x128xf32, #tpu.memory_space<vmem>>, vector<8x128xf32>
    tpu.vector_store %arg5[%swap3A_451, %swap3A_452], %add3A_450 {strides = array<i32>} : memref<8x128xf32, #tpu.memory_space<vmem>>, vector<8x128xf32>,
    return
  }
  func.func @transform_0(%arg0: i32) -> (i32, i32, i32) {
    %c0_i32 = arith.constant 0 : i32
    %c0_i32_0 = arith.constant 0 : i32
    %c0_i32_1 = arith.constant 0 : i32
    return %c0_i32, %arg0, %c0_i32_0 : i32, i32, i32
  }
  func.func @transform_1(%arg0: i32) -> (i32, i32, i32) {
    %c0_i32 = arith.constant 0 : i32
    %c0_i32_0 = arith.constant 0 : i32
    %c0_i32_1 = arith.constant 0 : i32
    return %c0_i32, %arg0, %c0_i32_0 : i32, i32, i32
  }
  func.func @transform_2(%arg0: i32) -> (i32, i32) {
    %c0_i32 = arith.constant 0 : i32
    %c0_i32_0 = arith.constant 0 : i32
    %c0_i32_1 = arith.constant 0 : i32
    return %c0_i32, %c0_i32_0 : i32, i32
  }
  func.func @transform_3(%arg0: i32) -> (i32, i32) {
    %c0_i32 = arith.constant 0 : i32
    %c0_i32_0 = arith.constant 0 : i32
    return %arg0, %c0_i32 : i32, i32
  }
  func.func @transform_4(%arg0: i32) -> (i32, i32) {
    %c0_i32 = arith.constant 0 : i32
    %c0_i32_0 = arith.constant 0 : i32
    %c0_i32_1 = arith.constant 0 : i32
    return %c0_i32, %c0_i32_0 : i32, i32
  }
}

module attributes {stable_mosaic.version = 14 : i64} {
  func.func @_tail_body(%arg0: memref<8192x128xf32, #tpu.memory_space<vmem>>, %arg1: memref<8192x128xf32, #tpu.memory_space<vmem>>, %arg2: memref<8x128xf32, #tpu.memory_space<vmem>>, %arg3: memref<1x128xf32, #tpu.memory_space<vmem>>, %arg4: memref<1x128xf32, #tpu.memory_space<vmem>>, %arg5: memref<8192x128xf32, #tpu.memory_space<vmem>>, %arg6: memref<1x128xf32, #tpu.memory_space<vmem>>, %arg7: memref<1x128xf32, #tpu.memory_space<vmem>>, %arg8: memref<1x128xf32, #tpu.memory_space<vmem>>, %arg9: memref<1x128xf32, #tpu.memory_space<vmem>>, %arg10: memref<256x128xf32, #tpu.memory_space<vmem>>, %arg11: memref<1x128xf32, #tpu.memory_space<vmem>>, %arg12: memref<1x128xf32, #tpu.memory_space<vmem>>, %arg13: memref<1x128xf32, #tpu.memory_space<vmem>>, %arg14: memref<8192x128xf32, #tpu.memory_space<vmem>>, %arg15: memref<8192x128xf32, #tpu.memory_space<vmem>>, %arg16: memref<8192x128xf32, #tpu.memory_space<vmem>>, %arg17: memref<8192x128xf32, #tpu.memory_space<vmem>>) attributes {dimension_semantics = [], scalar_prefetch = 0 : i64, scratch_operands = 0 : i64, tpu.core_type = #tpu.core_type<tc>} {
    %get3A = arith.constant 0 : index
    %get3A_0 = arith.constant 0 : index
    %get3A_1 = vector.load %arg2[%get3A, %get3A_0] : memref<8x128xf32, #tpu.memory_space<vmem>>, vector<8x128xf32>
    %get3A_2 = arith.constant 0 : index
    %get3A_3 = arith.constant 0 : index
    %get3A_4 = vector.load %arg3[%get3A_2, %get3A_3] : memref<1x128xf32, #tpu.memory_space<vmem>>, vector<1x128xf32>
    %get3A_5 = arith.constant 0 : index
    %get3A_6 = arith.constant 0 : index
    %get3A_7 = vector.load %arg4[%get3A_5, %get3A_6] : memref<1x128xf32, #tpu.memory_space<vmem>>, vector<1x128xf32>
    %slice3A = vector.extract_strided_slice %get3A_1 {offsets = [0, 0], sizes = [1, 128], strides = [1, 1]} : vector<8x128xf32> to vector<1x128xf32>
    %div3A = arith.constant 8.192000e+03 : f32
    %div3A_8 = vector.broadcast %div3A : f32 to vector<1x128xf32>
    %div3A_9 = arith.divf %slice3A, %div3A_8 : vector<1x128xf32>
    %slice3A_10 = vector.extract_strided_slice %get3A_1 {offsets = [1, 0], sizes = [1, 128], strides = [1, 1]} : vector<8x128xf32> to vector<1x128xf32>
    %div3A_11 = arith.constant 8.192000e+03 : f32
    %div3A_12 = vector.broadcast %div3A_11 : f32 to vector<1x128xf32>
    %div3A_13 = arith.divf %slice3A_10, %div3A_12 : vector<1x128xf32>
    %mul3A = arith.mulf %div3A_9, %div3A_9 : vector<1x128xf32>
    %sub3A = arith.subf %div3A_13, %mul3A : vector<1x128xf32>
    %add3A = arith.constant 9.99999974E-6 : f32
    %add3A_14 = vector.broadcast %add3A : f32 to vector<1x128xf32>
    %add3A_15 = arith.addf %sub3A, %add3A_14 : vector<1x128xf32>
    %rsqrt3A = math.rsqrt %add3A_15 : vector<1x128xf32>
    %mul3A_16 = arith.mulf %rsqrt3A, %get3A_4 : vector<1x128xf32>
    %mul3A_17 = arith.mulf %div3A_9, %mul3A_16 : vector<1x128xf32>
    %sub3A_18 = arith.subf %get3A_7, %mul3A_17 : vector<1x128xf32>
    %get3A_19 = arith.constant 0 : index
    %get3A_20 = arith.constant 0 : index
    %get3A_21 = vector.load %arg8[%get3A_19, %get3A_20] : memref<1x128xf32, #tpu.memory_space<vmem>>, vector<1x128xf32>
    %get3A_22 = arith.constant 0 : index
    %get3A_23 = arith.constant 0 : index
    %get3A_24 = vector.load %arg9[%get3A_22, %get3A_23] : memref<1x128xf32, #tpu.memory_space<vmem>>, vector<1x128xf32>
    %div3A_25 = arith.constant 1.000000e+00 : f32
    %div3A_26 = vector.broadcast %div3A_25 : f32 to vector<1x128xf32>
    %div3A_27 = arith.divf %get3A_21, %div3A_26 : vector<1x128xf32>
    %div3A_28 = arith.constant 1.000000e+00 : f32
    %div3A_29 = vector.broadcast %div3A_28 : f32 to vector<1x128xf32>
    %div3A_30 = arith.divf %get3A_24, %div3A_29 : vector<1x128xf32>
    %max3A = arith.maximumf %div3A_27, %div3A_30 : vector<1x128xf32>
    %sub3A_31 = arith.subf %div3A_27, %max3A : vector<1x128xf32>
    %exp3A = math.exp %sub3A_31 : vector<1x128xf32>
    %sub3A_32 = arith.subf %div3A_30, %max3A : vector<1x128xf32>
    %exp3A_33 = math.exp %sub3A_32 : vector<1x128xf32>
    %add3A_34 = arith.addf %exp3A, %exp3A_33 : vector<1x128xf32>
    %div3A_35 = arith.divf %exp3A, %add3A_34 : vector<1x128xf32>
    %div3A_36 = arith.divf %exp3A_33, %add3A_34 : vector<1x128xf32>
    %get3A_37 = arith.constant 0 : index
    %get3A_38 = arith.constant 0 : index
    %get3A_39 = vector.load %arg5[%get3A_37, %get3A_38] : memref<8192x128xf32, #tpu.memory_space<vmem>>, vector<8192x128xf32>
    %get3A_40 = arith.constant 0 : index
    %get3A_41 = arith.constant 0 : index
    %get3A_42 = vector.load %arg1[%get3A_40, %get3A_41] : memref<8192x128xf32, #tpu.memory_space<vmem>>, vector<8192x128xf32>
    %mul3A_43 = vector.broadcast %mul3A_16 : vector<1x128xf32> to vector<8192x128xf32>
    %mul3A_44 = arith.mulf %get3A_42, %mul3A_43 : vector<8192x128xf32>
    %add3A_45 = vector.broadcast %sub3A_18 : vector<1x128xf32> to vector<8192x128xf32>
    %add3A_46 = arith.addf %mul3A_44, %add3A_45 : vector<8192x128xf32>
    %max3A_47 = arith.constant 0.000000e+00 : f32
    %max3A_48 = vector.broadcast %max3A_47 : f32 to vector<8192x128xf32>
    %max3A_49 = arith.maximumf %add3A_46, %max3A_48 : vector<8192x128xf32>
    %mul3A_50 = vector.broadcast %div3A_36 : vector<1x128xf32> to vector<8192x128xf32>
    %mul3A_51 = arith.mulf %get3A_39, %mul3A_50 : vector<8192x128xf32>
    %add3A_52 = vector.broadcast %div3A_35 : vector<1x128xf32> to vector<8192x128xf32>
    %add3A_53 = arith.addf %mul3A_51, %add3A_52 : vector<8192x128xf32>
    %mul3A_54 = arith.mulf %max3A_49, %add3A_53 : vector<8192x128xf32>
    %get3A_55 = arith.constant 0 : index
    %get3A_56 = arith.constant 0 : index
    %get3A_57 = vector.load %arg0[%get3A_55, %get3A_56] : memref<8192x128xf32, #tpu.memory_space<vmem>>, vector<8192x128xf32>
    %concatenate3A = tpu.concatenate %get3A_57, %mul3A_54 in 1 : vector<8192x128xf32>, vector<8192x128xf32> -> vector<8192x256xf32>
    %get3A_58 = arith.constant 0 : index
    %get3A_59 = arith.constant 0 : index
    %get3A_60 = vector.load %arg10[%get3A_58, %get3A_59] : memref<256x128xf32, #tpu.memory_space<vmem>>, vector<256x128xf32>
    %dot_general3A = arith.constant dense<0.000000e+00> : vector<8192x128xf32>
    %dot_general3A_61 = tpu.matmul %concatenate3A, %get3A_60, %dot_general3A {dimension_numbers = #tpu.dot_dimension_numbers<[1], [0], [0], [1], [0, 0, 1, 1], [], []>, transpose_lhs_hint = false} : vector<8192x256xf32>, vector<256x128xf32>, vector<8192x128xf32> -> vector<8192x128xf32>
    %get3A_62 = arith.constant 0 : index
    %get3A_63 = arith.constant 0 : index
    %get3A_64 = vector.load %arg11[%get3A_62, %get3A_63] : memref<1x128xf32, #tpu.memory_space<vmem>>, vector<1x128xf32>
    %add3A_65 = vector.broadcast %get3A_64 : vector<1x128xf32> to vector<8192x128xf32>
    %add3A_66 = arith.addf %dot_general3A_61, %add3A_65 : vector<8192x128xf32>
    %reduce_sum3A = arith.constant dense<0.000000e+00> : vector<128xf32>
    %reduce_sum3A_67 = vector.multi_reduction <add>, %add3A_66, %reduce_sum3A [0] : vector<8192x128xf32> to vector<128xf32>
    %broadcast_in_dim3A = vector.shape_cast %reduce_sum3A_67 : vector<128xf32> to vector<1x128xf32>
    %mul3A_68 = arith.mulf %add3A_66, %add3A_66 : vector<8192x128xf32>
    %reduce_sum3A_69 = arith.constant dense<0.000000e+00> : vector<128xf32>
    %reduce_sum3A_70 = vector.multi_reduction <add>, %mul3A_68, %reduce_sum3A_69 [0] : vector<8192x128xf32> to vector<128xf32>
    %broadcast_in_dim3A_71 = vector.shape_cast %reduce_sum3A_70 : vector<128xf32> to vector<1x128xf32>
    %div3A_72 = arith.constant 8.192000e+03 : f32
    %div3A_73 = vector.broadcast %div3A_72 : f32 to vector<1x128xf32>
    %div3A_74 = arith.divf %broadcast_in_dim3A, %div3A_73 : vector<1x128xf32>
    %div3A_75 = arith.constant 8.192000e+03 : f32
    %div3A_76 = vector.broadcast %div3A_75 : f32 to vector<1x128xf32>
    %div3A_77 = arith.divf %broadcast_in_dim3A_71, %div3A_76 : vector<1x128xf32>
    %mul3A_78 = arith.mulf %div3A_74, %div3A_74 : vector<1x128xf32>
    %sub3A_79 = arith.subf %div3A_77, %mul3A_78 : vector<1x128xf32>
    %add3A_80 = arith.constant 9.99999974E-6 : f32
    %add3A_81 = vector.broadcast %add3A_80 : f32 to vector<1x128xf32>
    %add3A_82 = arith.addf %sub3A_79, %add3A_81 : vector<1x128xf32>
    %rsqrt3A_83 = math.rsqrt %add3A_82 : vector<1x128xf32>
    %sub3A_84 = vector.broadcast %div3A_74 : vector<1x128xf32> to vector<8192x128xf32>
    %sub3A_85 = arith.subf %add3A_66, %sub3A_84 : vector<8192x128xf32>
    %get3A_86 = arith.constant 0 : index
    %get3A_87 = arith.constant 0 : index
    %get3A_88 = vector.load %arg12[%get3A_86, %get3A_87] : memref<1x128xf32, #tpu.memory_space<vmem>>, vector<1x128xf32>
    %mul3A_89 = arith.mulf %rsqrt3A_83, %get3A_88 : vector<1x128xf32>
    %mul3A_90 = vector.broadcast %mul3A_89 : vector<1x128xf32> to vector<8192x128xf32>
    %mul3A_91 = arith.mulf %sub3A_85, %mul3A_90 : vector<8192x128xf32>
    %get3A_92 = arith.constant 0 : index
    %get3A_93 = arith.constant 0 : index
    %get3A_94 = vector.load %arg13[%get3A_92, %get3A_93] : memref<1x128xf32, #tpu.memory_space<vmem>>, vector<1x128xf32>
    %add3A_95 = vector.broadcast %get3A_94 : vector<1x128xf32> to vector<8192x128xf32>
    %add3A_96 = arith.addf %mul3A_91, %add3A_95 : vector<8192x128xf32>
    %get3A_97 = arith.constant 0 : index
    %get3A_98 = arith.constant 0 : index
    %get3A_99 = vector.load %arg14[%get3A_97, %get3A_98] : memref<8192x128xf32, #tpu.memory_space<vmem>>, vector<8192x128xf32>
    %add3A_100 = arith.addf %add3A_96, %get3A_99 : vector<8192x128xf32>
    %max3A_101 = arith.constant 0.000000e+00 : f32
    %max3A_102 = vector.broadcast %max3A_101 : f32 to vector<8192x128xf32>
    %max3A_103 = arith.maximumf %add3A_100, %max3A_102 : vector<8192x128xf32>
    %swap3A = arith.constant 0 : index
    %swap3A_104 = arith.constant 0 : index
    %swap3A_105 = vector.load %arg15[%swap3A, %swap3A_104] : memref<8192x128xf32, #tpu.memory_space<vmem>>, vector<8192x128xf32>
    tpu.vector_store %arg15[%swap3A, %swap3A_104], %max3A_103 {strides = array<i32>} : memref<8192x128xf32, #tpu.memory_space<vmem>>, vector<8192x128xf32>,
    %get3A_106 = arith.constant 0 : index
    %get3A_107 = arith.constant 0 : index
    %get3A_108 = vector.load %arg6[%get3A_106, %get3A_107] : memref<1x128xf32, #tpu.memory_space<vmem>>, vector<1x128xf32>
    %get3A_109 = arith.constant 0 : index
    %get3A_110 = arith.constant 0 : index
    %get3A_111 = vector.load %arg7[%get3A_109, %get3A_110] : memref<1x128xf32, #tpu.memory_space<vmem>>, vector<1x128xf32>
    %div3A_112 = arith.constant 1.000000e+00 : f32
    %div3A_113 = vector.broadcast %div3A_112 : f32 to vector<1x128xf32>
    %div3A_114 = arith.divf %get3A_108, %div3A_113 : vector<1x128xf32>
    %div3A_115 = arith.constant 1.000000e+00 : f32
    %div3A_116 = vector.broadcast %div3A_115 : f32 to vector<1x128xf32>
    %div3A_117 = arith.divf %get3A_111, %div3A_116 : vector<1x128xf32>
    %max3A_118 = arith.maximumf %div3A_114, %div3A_117 : vector<1x128xf32>
    %sub3A_119 = arith.subf %div3A_114, %max3A_118 : vector<1x128xf32>
    %exp3A_120 = math.exp %sub3A_119 : vector<1x128xf32>
    %sub3A_121 = arith.subf %div3A_117, %max3A_118 : vector<1x128xf32>
    %exp3A_122 = math.exp %sub3A_121 : vector<1x128xf32>
    %add3A_123 = arith.addf %exp3A_120, %exp3A_122 : vector<1x128xf32>
    %div3A_124 = arith.divf %exp3A_120, %add3A_123 : vector<1x128xf32>
    %div3A_125 = arith.divf %exp3A_122, %add3A_123 : vector<1x128xf32>
    %mul3A_126 = vector.broadcast %div3A_125 : vector<1x128xf32> to vector<8192x128xf32>
    %mul3A_127 = arith.mulf %get3A_39, %mul3A_126 : vector<8192x128xf32>
    %add3A_128 = vector.broadcast %div3A_124 : vector<1x128xf32> to vector<8192x128xf32>
    %add3A_129 = arith.addf %mul3A_127, %add3A_128 : vector<8192x128xf32>
    %mul3A_130 = arith.constant 2.064000e+03 : f32
    %mul3A_131 = vector.broadcast %mul3A_130 : f32 to vector<8192x128xf32>
    %mul3A_132 = arith.mulf %add3A_129, %mul3A_131 : vector<8192x128xf32>
    %swap3A_133 = arith.constant 0 : index
    %swap3A_134 = arith.constant 0 : index
    %swap3A_135 = vector.load %arg16[%swap3A_133, %swap3A_134] : memref<8192x128xf32, #tpu.memory_space<vmem>>, vector<8192x128xf32>
    tpu.vector_store %arg16[%swap3A_133, %swap3A_134], %mul3A_132 {strides = array<i32>} : memref<8192x128xf32, #tpu.memory_space<vmem>>, vector<8192x128xf32>,
    %mul3A_136 = vector.broadcast %div3A_36 : vector<1x128xf32> to vector<8192x128xf32>
    %mul3A_137 = arith.mulf %get3A_39, %mul3A_136 : vector<8192x128xf32>
    %add3A_138 = vector.broadcast %div3A_35 : vector<1x128xf32> to vector<8192x128xf32>
    %add3A_139 = arith.addf %mul3A_137, %add3A_138 : vector<8192x128xf32>
    %mul3A_140 = arith.constant 2.064000e+03 : f32
    %mul3A_141 = vector.broadcast %mul3A_140 : f32 to vector<8192x128xf32>
    %mul3A_142 = arith.mulf %add3A_139, %mul3A_141 : vector<8192x128xf32>
    %swap3A_143 = arith.constant 0 : index
    %swap3A_144 = arith.constant 0 : index
    %swap3A_145 = vector.load %arg17[%swap3A_143, %swap3A_144] : memref<8192x128xf32, #tpu.memory_space<vmem>>, vector<8192x128xf32>
    tpu.vector_store %arg17[%swap3A_143, %swap3A_144], %mul3A_142 {strides = array<i32>} : memref<8192x128xf32, #tpu.memory_space<vmem>>, vector<8192x128xf32>,
    return
  }
}

</mosaic_0001>

<sc_bundles>
// kernel: kernel.13.cloned.1.call-start
scs
__scs_entry_jumppad:
0x0: {  	(pc) =	sbr.rel $0x88, $3  }
0x1: {  	(tag) =	ssettag $0x0;
	lr =	simm.s32 $0x1  }
0x2: {  	[smem:$0x3F88] =	sst lr;
	_ =	strace $0xD0000000  }
0x3: {  	_ = 	snop  }
0x4: {  	_ = 	snop  }
0x5: {  	_ = 	snop  }
0x6: {  	_ = 	snop  }
0x7: {  	_ = 	snop  }
__scs_overlays_trampoline_lowered:
0x8: {  	[smem:$0x3F97] =	sst s0  }
0x9: {  	[smem:$0x3F98] =	sst s1  }
0xa: {  	[smem:$0x3F99] =	sst s2  }
0xb: {  	[smem:$0x3F9A] =	sst s3  }
0xc: {  	[smem:$0x3F9B] =	sst s4  }
0xd: {  	[smem:$0x3F9C] =	sst s5  }
0xe: {  	[smem:$0x3F9D] =	sst s6  }
0xf: {  	[smem:$0x3F9E] =	sst s7  }
0x10: {  	[smem:$0x3F9F] =	sst s8  }
0x11: {  	[smem:$0x3FA0] =	sst s9;
	s0 =	simm.s32 @!p0 $0x0  }
0x12: {  	s1 =	sld [smem:$0x3F86];
	s0 =	simm.s32 @p0 $0x1  }
0x13: {  	[smem:$0x3FA1] =	sst s0;
	s0 =	simm.s32 @!p1 $0x0  }
0x14: {  	s2 =	sld [smem:$0x3F85];
	s0 =	simm.s32 @p1 $0x1  }
0x15: {  	[smem:$0x3FA2] =	sst s0;
	s0 =	simm.s32 @!p2 $0x0  }
0x16: {  	s3 =	sld [smem:$0x3FDB];
	s0 =	simm.s32 @p2 $0x1  }
0x17: {  	s4 =	simm.s32 $0x1BF5;
	[smem:$0x3FA4] =	sst s0  }
0x18: {  	s0 =	sld [smem:$0x3F87];
	_ =	swait.ge [sflag:s4], $0x0  }
0x19: {  	s7 =	sld [smem:$0x3F88]  }
0x1a: {  	s8 =	sadd.s32 $0xFFFFE003, lr  }
0x1b: {  	s9 =	sadd.s32 $0xFFFFFEF7, lr;
	s5 =	simm.s32 $0xFFFFFFFF;
	p2 =	slt.u32 s8, $0xFFFFF086  }
0x1c: {  	p1 =	slt.u32 s9, $0xF7A;
	s5 =	simm.s32 @!p2 $0x0  }
0x1d: {  	s5 =	simm.s32 @p1 $0x1;
	p0 =	seq.s32 s7, s2  }
0x1e: {  	s7 =	smul.u32 @!p0 $0xF7A, s2;
	p2 =	seq.s32 @!p0 s5, $0x0  }
0x1f: {  	s9 =	smul.u32 $0xF7A, s1;
	s8 =	simm.s32 @!p0 $0x1BF5;
	p2 =	por !p2, p0  }
0x20: {  	[sflag:s8] =	ssyncset.s32 @!p0 $0xFFFFF086;
	s6 =	sadd.s32 @!p0 s3, s7;
	s7 =	simm.s32 @!p0 $0x108  }
0x21: {  	s3 =	sadd.s32 s3, s9;
	s6 =	sadd.s32 @!p0 $0x88, s6;
	s7 =	simm.s32 @p2 $0x1082  }
0x22: {  	[simem:s7], [sflag:s8] =	dma.local @!p0 [hbm:s6], $0xF7A  }
0x23: {  	s9 =	sor.u32 $0xD0000000, s2;
	s6 =	simm.s32 $0x108;
	_ =	swait.ge @!p0 [sflag:s8], $0x0  }
0x24: {  	s3 =	sadd.s32 $0x88, s3;
	s6 =	simm.s32 @!p1 $0x1082;
	[sflag:s4] =	ssyncset.s32 $0xFFFFF086  }
0x25: {  	[simem:s6], [sflag:s4] =	dma.local [hbm:s3], $0xF7A  }
0x26: {  	[smem:$0x3F88] =	sst s1;
	(tag) =	ssettag s2;
	_ =	strace s9  }
0x27: {  	s1 =	sld [smem:$0x3F98]  }
0x28: {  	s2 =	sld [smem:$0x3F99]  }
0x29: {  	s4 =	sld [smem:$0x3F9B]  }
0x2a: {  	p0 =	seq.s32 s5, $0x0;
	s5 =	sld [smem:$0x3F9C]  }
0x2b: {  	s6 =	sld [smem:$0x3F9D]  }
0x2c: {  	s7 =	sld [smem:$0x3F9E]  }
0x2d: {  	s3 =	simm.s32 $0x108;
	s8 =	sld [smem:$0x3F9F]  }
0x2e: {  	s3 =	simm.s32 @!p0 $0x1082;
	s9 =	sld [smem:$0x3FA0]  }
0x2f: {  	lr =	sadd.s32 s0, s3;
	s0 =	sld [smem:$0x3F97]  }
0x30: {  	s3 =	sld [smem:$0x3F9A]  }
0x31: {  	[smem:$0x3FA3] =	sst s10  }
0x32: {  	s10 =	sld [smem:$0x3FA1];
	_ =	sdelay $0x3  }
0x33: {  	p0 =	seq.s32 s10, $0x1;
	s10 =	sld [smem:$0x3FA3];
	_ =	sdelay $0x3  }
0x34: {  	[smem:$0x3FA3] =	sst s10  }
0x35: {  	s10 =	sld [smem:$0x3FA2];
	_ =	sdelay $0x3  }
0x36: {  	p1 =	seq.s32 s10, $0x1;
	s10 =	sld [smem:$0x3FA3];
	_ =	sdelay $0x3  }
0x37: {  	[smem:$0x3FA3] =	sst s10  }
0x38: {  	s10 =	sld [smem:$0x3FA4]  }
0x39: {  	_ = 	snop;
	(pc) =	sbr.ind lr, $3  }
0x3a: {  	_ = 	snop  }
0x3b: {  	_ = 	snop  }
0x3c: {  	p2 =	seq.s32 s10, $0x1;
	s10 =	sld [smem:$0x3FA3]  }
0x3d: {  	_ =	shalt  }
0x3e: {  	_ =	shalt  }
0x3f: {  	_ =	shalt  }
0x40: {  	_ =	shalt  }
0x41: {  	_ =	shalt  }
0x42: {  	_ =	shalt  }
0x43: {  	_ =	shalt  }
0x44: {  	_ =	shalt  }
0x45: {  	_ =	shalt  }
0x46: {  	_ =	shalt  }
0x47: {  	_ =	shalt  }
0x48: {  	_ =	shalt  }
0x49: {  	_ =	shalt  }
0x4a: {  	_ =	shalt  }
0x4b: {  	_ =	shalt  }
0x4c: {  	_ =	shalt  }
0x4d: {  	_ =	shalt  }
0x4e: {  	_ =	shalt  }
0x4f: {  	_ =	shalt  }
0x50: {  	_ =	shalt  }
0x51: {  	_ =	shalt  }
0x52: {  	_ =	shalt  }
0x53: {  	_ =	shalt  }
0x54: {  	_ =	shalt  }
0x55: {  	_ =	shalt  }
0x56: {  	_ =	shalt  }
0x57: {  	_ =	shalt  }
0x58: {  	_ =	shalt  }
0x59: {  	_ =	shalt  }
0x5a: {  	_ =	shalt  }
0x5b: {  	_ =	shalt  }
0x5c: {  	_ =	shalt  }
0x5d: {  	_ =	shalt  }
0x5e: {  	_ =	shalt  }
0x5f: {  	_ =	shalt  }
0x60: {  	_ =	shalt  }
0x61: {  	_ =	shalt  }
0x62: {  	_ =	shalt  }
0x63: {  	_ =	shalt  }
0x64: {  	_ =	shalt  }
0x65: {  	_ =	shalt  }
0x66: {  	_ =	shalt  }
0x67: {  	_ =	shalt  }
0x68: {  	_ =	shalt  }
0x69: {  	_ =	shalt  }
0x6a: {  	_ =	shalt  }
0x6b: {  	_ =	shalt  }
0x6c: {  	_ =	shalt  }
0x6d: {  	_ =	shalt  }
0x6e: {  	_ =	shalt  }
0x6f: {  	_ =	shalt  }
0x70: {  	_ =	shalt  }
0x71: {  	_ =	shalt  }
0x72: {  	_ =	shalt  }
0x73: {  	_ =	shalt  }
0x74: {  	_ =	shalt  }
0x75: {  	_ =	shalt  }
0x76: {  	_ =	shalt  }
0x77: {  	_ =	shalt  }
0x78: {  	_ =	shalt  }
0x79: {  	_ =	shalt  }
0x7a: {  	_ =	shalt  }
0x7b: {  	_ =	shalt  }
0x7c: {  	_ =	shalt  }
0x7d: {  	_ =	shalt  }
0x7e: {  	_ =	shalt  }
0x7f: {  	_ =	shalt  }
0x80: {  	_ =	shalt  }
0x81: {  	_ =	shalt  }
0x82: {  	_ =	shalt  }
0x83: {  	_ =	shalt  }
0x84: {  	_ =	shalt  }
0x85: {  	_ =	shalt  }
0x86: {  	_ =	shalt  }
0x87: {  	_ =	shalt  }
.Lfunc_end0:
.L_simem_size_0:
called_computation_lowered:
.L_overlay_start_0:
0x88: {  	s2 =	sld [smem:$0x3FD9]  }
0x89: {  	s3 =	sld [smem:$0x3FFE];
	_ =	sdelay $0x1  }
0x8a: {  	s1 =	srdreg.scid  }
0x8b: {  	s0 =	sand.u32 $0x1, s1  }
0x8c: {  	s14 =	sshll.u32 s0, $0xA;
	s2 =	sadd.s32 s3, s2  }
0x8d: {  	s2 =	sadd.s32 s2, s14  }
0x8e: {  	[smem:$0x3FAF] =	sst s2  }
0x8f: {  	_ = 	snop  }
0x90: {  	s2 =	sld [smem:$0x3FD0];
	_ =	sdelay $0x2  }
0x91: {  	s15 =	simm.s32 $0xA;
	s4 =	simm.s32 $0x10  }
0x92: {  	[smem:s4], [sflag:s15] =	dma.local [hbm:s2], $0x1  }
0x93: {  	_ =	swait.eq [sflag:s15], $0x1  }
0x94: {  	[sflag:s15] =	ssyncset.done $0x0  }
0x95: {  	[sflag:s15] =	ssyncadd.s32 $0xFFFFFFFF  }
0x96: {  	s16 =	sld [smem:$0x11];
	(tm) =	ssettm $0x1  }
0x97: {  	s17 =	sld [smem:$0x3FFB];
	_ =	sdelay $0x3  }
0x98: {  	_ =	strace s17  }
0x99: {  	s3 =	sld [smem:$0x3FFC];
	_ =	sdelay $0x3  }
0x9a: {  	_ =	strace s3  }
0x9b: {  	s3 =	sld [smem:$0x3FFD];
	_ =	sdelay $0x3  }
0x9c: {  	_ =	strace s3  }
0x9d: {  	_ =	strace $0x8FFFFFFF  }
0x9e: {  	s18 =	sld [smem:$0x3FDB];
	_ =	sdelay $0x1  }
0x9f: {  	s19 =	simm.s32 $_scs_section_size  }
0xa0: {  	s5 =	simm.s32 $_size__tile_overlayer_lowered;
	s6 =	simm.s32 $_tile_overlayer_lowered  }
0xa1: {  	s22 =	simm.s32 $0x1BFF;
	s21 =	sshll.u32 s6, $0x1;
	s3 =	sadd.s32 s19, s18  }
0xa2: {  	s7 =	simm.s32 $0x0;
	s20 =	sshll.u32 s5, $0x1;
	s5 =	sadd.s32 s21, s3  }
0xa3: {  	[timem:s7], [sflag:s22] =	dma.local [hbm:s5], s20  }
0xa4: {  	_ =	swait.ge [sflag:s22], s20  }
0xa5: {  	s4 =	ssub.s32 $0x0, s20;
	[sflag:s22] =	ssyncset.done $0x0  }
0xa6: {  	[sflag:s22] =	ssyncadd.s32 s4;
	_ =	sdelay $0x1  }
0xa7: {  	s23 =	simm.s32 $0x1B8B  }
0xa8: {  	_ =	swait.ge [sflag:s23], $0x1  }
0xa9: {  	[sflag:s23] =	ssyncset.done $0x0  }
0xaa: {  	s25 =	simm.s32 $0x1B8E;
	s24 =	sld [smem:$0x3FFE];
	[sflag:s23] =	ssyncadd.s32 $0xFFFFFFFF  }
0xab: {  	s26 =	simm.s32 $execute0_lowered;
	[smem:$0x3FD2] =	sst s25  }
0xac: {  	s5 =	sshll.u32 s26, $0x1;
	_ =	strace $0x80000046;
	[dreg:$0x1] =	wrdreg $0xFFFFFFFF  }
0xad: {  	s28 =	simm.s32 $_size_execute0_lowered;
	s3 =	sadd.s32 s3, s5;
	[dreg:$0x0] =	wrdreg $0x0  }
0xae: {  	s5 =	sshll.u32 s28, $0x1;
	[dreg:$0x2] =	wrdreg s3  }
0xaf: {  	[dreg:$0x3] =	wrdreg s5  }
0xb0: {  	[dreg:$0x4] =	wrdreg $0xC0  }
0xb1: {  	_ =	task [dreg:s7], $0x5FFFF  }
0xb2: {  	[dreg:$0x1] =	wrdreg $0xFFFFFFFF  }
0xb3: {  	[dreg:$0x0] =	wrdreg $0x60  }
0xb4: {  	[dreg:$0x2] =	wrdreg s16  }
0xb5: {  	[dreg:$0x3] =	wrdreg s24  }
0xb6: {  	[dreg:$0x4] =	wrdreg $0x9  }
0xb7: {  	_ =	task.clear_ibuf [dreg:s7], $0x5FFFF;
	_ =	strace $0x90000046  }
0xb8: {  	s29 =	simm.s32 $0x9;
	_ =	strace $0x80000048  }
0xb9: {  	_ =	swait.ge [sflag:s29], $0x1  }
0xba: {  	[sflag:s29] =	ssyncadd.s32 $0xFFFFFFFF  }
0xbb: {  	_ =	strace $0x90000048  }
0xbc: {  	_ =	sfence  }
0xbd: {  	s30 =	sld [smem:$0x0];
	_ =	sdelay $0x2  }
0xbe: {  	s31 =	sshll.u32 s1, $0xD;
	s1 =	sshrl.u32 s1, $0x2  }
0xbf: {  	s3 =	sand.u32 $0x4000, s31;
	s1 =	sadd.s32 s1, s30  }
0xc0: {  	s0 =	sor.u32 s3, s0;
	s1 =	sshll.u32 s1, $0x11  }
0xc1: {  	s0 =	sor.u32 s1, s0  }
0xc2: {  	s0 =	sadd.s32 $0x8F2B, s0  }
0xc3: {  	[sflag:s0] =	ssyncadd.remote.s32 $0x1  }
0xc4: {  	_ =	sfence.sel $0xFFFF  }
0xc5: {  	[dreg:$0x0] =	wrdreg $0xFFFFFFFF;
	(pc) =	sbr.abs _section_cstart, $3  }
0xc6: {  	[dreg:$0x1] =	wrdreg $0xFFFFFFFF  }
0xc7: {  	_ =	task.clear_ibuf [dreg:s7], $0x2FFFF;
	_ =	strace $0x9FFFFFFF  }
0xc8: {  	(tm) =	ssettm $0x7FFFFFFF  }
0xc9: {  	_ =	shalt  }
tec
execute0_lowered:
.L_overlay_start_1:
0x0: {  	(tag) =	ssettag $0x1  }
0x1: {  	s2 =	rddreg [dreg:$0x0]  }
0x2: {  	s0 =	rddreg [dreg:$0x1]  }
0x3: {  	s1 =	srdreg.scid;
	s8 =	stileid.u32;
	s3 =	simm.s32 $0x0  }
0x4: {  	s21 =	simm.s32 $0x1000;
	s17 =	simm.s32 $0x1800;
	s18 =	simm.s32 $0x2000  }
0x5: {  	s19 =	simm.s32 $0x2800;
	s20 =	simm.s32 $0x3000;
	s30 =	simm.s32 $0x3800  }
0x6: {  	s22 =	simm.s32 $0x4000;
	s28 =	simm.s32 $0x6000;
	s29 =	simm.s32 $0x6800  }
0x7: {  	s10 =	simm.s32 $0xA800;
	s11 =	simm.s32 $0xB000;
	s12 =	simm.s32 $0xB800  }
0x8: {  	s13 =	simm.s32 $0xC000;
	s9 =	simm.s32 $0xC800;
	s31 =	simm.s32 $0xD000  }
0x9: {  	s14 =	simm.s32 $0x1;
	s15 =	simm.s32 $0x2;
	s16 =	simm.s32 $0x0  }
0xa: {  	s1 =	sand.u32 $0x1, s1;
	s4 =	sshll.u32 s8, $0xD;
	[smem:$0x7FF] =	sst s3  }
0xb: {  	s23 =	sshll.u32 s8, $0x12;
	s8 =	simm.s32 $0x3;
	s5 =	sshll.u32 s1, $0xC  }
0xc: {  	_ =	strace $0x80000047;
	s6 =	ssub.s32 $0x2, s1;
	s1 =	sshll.u32 s1, $0x11  }
0xd: {  	[dreg:$0x8] =	wrdreg s16;
	s4 =	sor.u32 s5, s4;
	s7 =	sshrl.u32 s6, $0x1  }
0xe: {  	s5 =	sshrl.u32 s4, $0x3;
	s6 =	ssub.s32 s6, s7;
	s4 =	sshll.u32 s4, $0x5  }
0xf: {  	s7 =	simm.s32 $0xA000;
	s5 =	sadd.s32 s5, s0;
	s0 =	sadd.s32 $0x26600, s0  }
0x10: {  	s26 =	smax.u32 s6, $0x1;
	s6 =	simm.s32 $0x9800;
	s4 =	sadd.s32 s4, s0  }
0x11: {  	s0 =	sadd.s32 s23, s0;
	s5 =	sadd.s32 $0x22600, s5;
	[dreg:$0x7] =	wrdreg s26  }
0x12: {  	s23 =	simm.s32 $0x4800;
	[dreg:$0x4] =	wrdreg s5;
	s24 =	sadd.s32 $0x1E000, s4  }
0x13: {  	s26 =	simm.s32 $0x5800;
	s25 =	sadd.s32 $0x1F000, s4;
	[dreg:$0x5] =	wrdreg s24  }
0x14: {  	v2 =	vlaneseq.u32;
	s0 =	sadd.s32 s1, s0;
	s1 =	simm.s32 $0x7800;
	[dreg:$0x6] =	wrdreg s25  }
0x15: {  	vm0 =	vmmov $0xffff;
	v1 =	vshrl.u32 v2, $0x3;
	s4 =	simm.s32 $0x8000;
	s5 =	simm.s32 $0x8800;
	[dreg:$0x3] =	wrdreg s0  }
0x16: {  	v0 =	vand.u32 $0x7, v2;
	v2 =	vor.u32 $0x8, v2;
	v1 =	vmul.u32 $0x8, v1;
	s24 =	simm.s32 $0x5000;
	s0 =	simm.s32 $0x7000;
	s25 =	simm.s32 $0x9000  }
.LBB2_1:
0x17: {  	s16 =	rddreg [dreg:$0x4]  }
0x18: {  	[tilespmem:s3], [sflag:$0x3] =	stream.linear.gather [hbm4b:s16+s3], $0x1000, $0x38;
	[tilespmem:$0x11000] =	vst v63  }
0x19: {  	_ =	swait.ge [sflag:s8], $0x1000  }
0x1a: {  	[sflag:s8] =	ssyncset.done $0x0  }
0x1b: {  	[sflag:s8] =	ssyncadd.s32 $0xFFFFF000  }
0x1c: {  	v3 =	vld [tilespmem:$0x0];
	_ =	sdelay $0x4  }
0x1d: {  	v4 =	vshll.u32 v3, $0x1  }
0x1e: {  	v3 =	vand.u32 $0x7, v3;
	v4 =	vand.u32 $0xFFFFFFF0, v4  }
0x1f: {  	v3 =	vor.u32 v3, v4  }
0x20: {  	v4 =	vperm.xlane v3, v0;
	_ =	sdelay $0x1  }
0x21: {  	v3 =	vperm.xlane v3, v2;
	v4 =	vadd.s32 v1, v4;
	_ =	sdelay $0x1  }
0x22: {  	v3 =	vadd.s32 v1, v3;
	_ =	sdelay $0x2  }
0x23: {  	[tilespmem:s21], [sflag:$0x1] =	stream.indirect_vreg.gather [hbm4b:s2+s3], $0x80, v4, vm0, $0xb8;
	[tilespmem:$0x11000] =	vst v63  }
0x24: {  	_ = 	snop  }
0x25: {  	[tilespmem:s17], [sflag:$0x1] =	stream.indirect_vreg.gather [hbm4b:s2+s3], $0x80, v3, vm0, $0xb8;
	[tilespmem:$0x11000] =	vst v63  }
0x26: {  	v3 =	vld [tilespmem:$0x10];
	_ =	sdelay $0x4  }
0x27: {  	v49 =	vshll.u32 v3, $0x1  }
0x28: {  	v3 =	vand.u32 $0x7, v3;
	v4 =	vand.u32 $0xFFFFFFF0, v49  }
0x29: {  	v3 =	vor.u32 v3, v4  }
0x2a: {  	v4 =	vperm.xlane v3, v0;
	_ =	sdelay $0x1  }
0x2b: {  	v3 =	vperm.xlane v3, v2;
	v4 =	vadd.s32 v1, v4;
	_ =	sdelay $0x1  }
0x2c: {  	v3 =	vadd.s32 v1, v3;
	_ =	sdelay $0x2  }
0x2d: {  	[tilespmem:s18], [sflag:$0x1] =	stream.indirect_vreg.gather [hbm4b:s2+s3], $0x80, v4, vm0, $0xb8;
	[tilespmem:$0x11000] =	vst v63  }
0x2e: {  	_ = 	snop  }
0x2f: {  	[tilespmem:s19], [sflag:$0x1] =	stream.indirect_vreg.gather [hbm4b:s2+s3], $0x80, v3, vm0, $0xb8;
	[tilespmem:$0x11000] =	vst v63  }
0x30: {  	v3 =	vld [tilespmem:$0x20];
	_ =	sdelay $0x4  }
0x31: {  	v50 =	vshll.u32 v3, $0x1  }
0x32: {  	v3 =	vand.u32 $0x7, v3;
	v4 =	vand.u32 $0xFFFFFFF0, v50  }
0x33: {  	v3 =	vor.u32 v3, v4  }
0x34: {  	v4 =	vperm.xlane v3, v0;
	_ =	sdelay $0x1  }
0x35: {  	v3 =	vperm.xlane v3, v2;
	v4 =	vadd.s32 v1, v4;
	_ =	sdelay $0x1  }
0x36: {  	v3 =	vadd.s32 v1, v3;
	_ =	sdelay $0x2  }
0x37: {  	[tilespmem:s20], [sflag:$0x1] =	stream.indirect_vreg.gather [hbm4b:s2+s3], $0x80, v4, vm0, $0xb8;
	[tilespmem:$0x11000] =	vst v63  }
0x38: {  	_ = 	snop  }
0x39: {  	[tilespmem:s30], [sflag:$0x1] =	stream.indirect_vreg.gather [hbm4b:s2+s3], $0x80, v3, vm0, $0xb8;
	[tilespmem:$0x11000] =	vst v63  }
0x3a: {  	v3 =	vld [tilespmem:$0x30];
	_ =	sdelay $0x4  }
0x3b: {  	v51 =	vshll.u32 v3, $0x1  }
0x3c: {  	v3 =	vand.u32 $0x7, v3;
	v4 =	vand.u32 $0xFFFFFFF0, v51  }
0x3d: {  	v3 =	vor.u32 v3, v4  }
0x3e: {  	v4 =	vperm.xlane v3, v0;
	_ =	sdelay $0x1  }
0x3f: {  	v3 =	vperm.xlane v3, v2;
	v4 =	vadd.s32 v1, v4;
	_ =	sdelay $0x1  }
0x40: {  	v3 =	vadd.s32 v1, v3;
	_ =	sdelay $0x2  }
0x41: {  	[tilespmem:s22], [sflag:$0x1] =	stream.indirect_vreg.gather [hbm4b:s2+s3], $0x80, v4, vm0, $0xb8;
	[tilespmem:$0x11000] =	vst v63  }
0x42: {  	_ = 	snop  }
0x43: {  	[tilespmem:s23], [sflag:$0x1] =	stream.indirect_vreg.gather [hbm4b:s2+s3], $0x80, v3, vm0, $0xb8;
	[tilespmem:$0x11000] =	vst v63  }
0x44: {  	v3 =	vld [tilespmem:$0x40];
	_ =	sdelay $0x4  }
0x45: {  	v52 =	vshll.u32 v3, $0x1  }
0x46: {  	v3 =	vand.u32 $0x7, v3;
	v4 =	vand.u32 $0xFFFFFFF0, v52  }
0x47: {  	v3 =	vor.u32 v3, v4  }
0x48: {  	v4 =	vperm.xlane v3, v0;
	_ =	sdelay $0x1  }
0x49: {  	v3 =	vperm.xlane v3, v2;
	v4 =	vadd.s32 v1, v4;
	_ =	sdelay $0x1  }
0x4a: {  	v3 =	vadd.s32 v1, v3;
	_ =	sdelay $0x2  }
0x4b: {  	[tilespmem:s24], [sflag:$0x1] =	stream.indirect_vreg.gather [hbm4b:s2+s3], $0x80, v4, vm0, $0xb8;
	[tilespmem:$0x11000] =	vst v63  }
0x4c: {  	_ = 	snop  }
0x4d: {  	[tilespmem:s26], [sflag:$0x1] =	stream.indirect_vreg.gather [hbm4b:s2+s3], $0x80, v3, vm0, $0xb8;
	[tilespmem:$0x11000] =	vst v63  }
0x4e: {  	v3 =	vld [tilespmem:$0x50];
	_ =	sdelay $0x4  }
0x4f: {  	v53 =	vshll.u32 v3, $0x1  }
0x50: {  	v3 =	vand.u32 $0x7, v3;
	v4 =	vand.u32 $0xFFFFFFF0, v53  }
0x51: {  	v3 =	vor.u32 v3, v4  }
0x52: {  	v4 =	vperm.xlane v3, v0;
	_ =	sdelay $0x1  }
0x53: {  	v3 =	vperm.xlane v3, v2;
	v4 =	vadd.s32 v1, v4;
	_ =	sdelay $0x1  }
0x54: {  	v3 =	vadd.s32 v1, v3;
	_ =	sdelay $0x2  }
0x55: {  	[tilespmem:s28], [sflag:$0x1] =	stream.indirect_vreg.gather [hbm4b:s2+s3], $0x80, v4, vm0, $0xb8;
	[tilespmem:$0x11000] =	vst v63  }
0x56: {  	_ = 	snop  }
0x57: {  	[tilespmem:s29], [sflag:$0x1] =	stream.indirect_vreg.gather [hbm4b:s2+s3], $0x80, v3, vm0, $0xb8;
	[tilespmem:$0x11000] =	vst v63  }
0x58: {  	v3 =	vld [tilespmem:$0x60];
	_ =	sdelay $0x4  }
0x59: {  	v54 =	vshll.u32 v3, $0x1  }
0x5a: {  	v3 =	vand.u32 $0x7, v3;
	v4 =	vand.u32 $0xFFFFFFF0, v54  }
0x5b: {  	v3 =	vor.u32 v3, v4  }
0x5c: {  	v4 =	vperm.xlane v3, v0;
	_ =	sdelay $0x1  }
0x5d: {  	v3 =	vperm.xlane v3, v2;
	v4 =	vadd.s32 v1, v4;
	_ =	sdelay $0x1  }
0x5e: {  	v3 =	vadd.s32 v1, v3;
	_ =	sdelay $0x2  }
0x5f: {  	[tilespmem:s0], [sflag:$0x1] =	stream.indirect_vreg.gather [hbm4b:s2+s3], $0x80, v4, vm0, $0xb8;
	[tilespmem:$0x11000] =	vst v63  }
0x60: {  	_ = 	snop  }
0x61: {  	[tilespmem:s1], [sflag:$0x1] =	stream.indirect_vreg.gather [hbm4b:s2+s3], $0x80, v3, vm0, $0xb8;
	[tilespmem:$0x11000] =	vst v63  }
0x62: {  	v3 =	vld [tilespmem:$0x70];
	_ =	sdelay $0x4  }
0x63: {  	v55 =	vshll.u32 v3, $0x1  }
0x64: {  	v3 =	vand.u32 $0x7, v3;
	v4 =	vand.u32 $0xFFFFFFF0, v55  }
0x65: {  	v3 =	vor.u32 v3, v4  }
0x66: {  	v4 =	vperm.xlane v3, v0;
	_ =	sdelay $0x1  }
0x67: {  	v3 =	vperm.xlane v3, v2;
	v4 =	vadd.s32 v1, v4;
	_ =	sdelay $0x1  }
0x68: {  	v3 =	vadd.s32 v1, v3;
	_ =	sdelay $0x2  }
0x69: {  	[tilespmem:s4], [sflag:$0x1] =	stream.indirect_vreg.gather [hbm4b:s2+s3], $0x80, v4, vm0, $0xb8;
	[tilespmem:$0x11000] =	vst v63  }
0x6a: {  	_ = 	snop  }
0x6b: {  	[tilespmem:s5], [sflag:$0x1] =	stream.indirect_vreg.gather [hbm4b:s2+s3], $0x80, v3, vm0, $0xb8;
	[tilespmem:$0x11000] =	vst v63  }
0x6c: {  	v3 =	vld [tilespmem:$0x80];
	_ =	sdelay $0x4  }
0x6d: {  	v56 =	vshll.u32 v3, $0x1  }
0x6e: {  	v3 =	vand.u32 $0x7, v3;
	v4 =	vand.u32 $0xFFFFFFF0, v56  }
0x6f: {  	v3 =	vor.u32 v3, v4  }
0x70: {  	v4 =	vperm.xlane v3, v0;
	_ =	sdelay $0x1  }
0x71: {  	v3 =	vperm.xlane v3, v2;
	v4 =	vadd.s32 v1, v4;
	_ =	sdelay $0x1  }
0x72: {  	v3 =	vadd.s32 v1, v3;
	_ =	sdelay $0x2  }
0x73: {  	[tilespmem:s25], [sflag:$0x2] =	stream.indirect_vreg.gather [hbm4b:s2+s3], $0x80, v4, vm0, $0xb8;
	[tilespmem:$0x11000] =	vst v63  }
0x74: {  	_ = 	snop  }
0x75: {  	[tilespmem:s6], [sflag:$0x2] =	stream.indirect_vreg.gather [hbm4b:s2+s3], $0x80, v3, vm0, $0xb8;
	[tilespmem:$0x11000] =	vst v63  }
0x76: {  	v3 =	vld [tilespmem:$0x90];
	_ =	sdelay $0x4  }
0x77: {  	v57 =	vshll.u32 v3, $0x1  }
0x78: {  	v3 =	vand.u32 $0x7, v3;
	v4 =	vand.u32 $0xFFFFFFF0, v57  }
0x79: {  	v3 =	vor.u32 v3, v4  }
0x7a: {  	v4 =	vperm.xlane v3, v0;
	_ =	sdelay $0x1  }
0x7b: {  	v3 =	vperm.xlane v3, v2;
	v4 =	vadd.s32 v1, v4;
	_ =	sdelay $0x1  }
0x7c: {  	v3 =	vadd.s32 v1, v3;
	_ =	sdelay $0x2  }
0x7d: {  	[tilespmem:s7], [sflag:$0x2] =	stream.indirect_vreg.gather [hbm4b:s2+s3], $0x80, v4, vm0, $0xb8;
	[tilespmem:$0x11000] =	vst v63  }
0x7e: {  	_ = 	snop  }
0x7f: {  	[tilespmem:s10], [sflag:$0x2] =	stream.indirect_vreg.gather [hbm4b:s2+s3], $0x80, v3, vm0, $0xb8;
	[tilespmem:$0x11000] =	vst v63  }
0x80: {  	v3 =	vld [tilespmem:$0xA0];
	_ =	sdelay $0x4  }
0x81: {  	v58 =	vshll.u32 v3, $0x1  }
0x82: {  	v3 =	vand.u32 $0x7, v3;
	v4 =	vand.u32 $0xFFFFFFF0, v58  }
0x83: {  	v3 =	vor.u32 v3, v4  }
0x84: {  	v4 =	vperm.xlane v3, v0;
	_ =	sdelay $0x1  }
0x85: {  	v3 =	vperm.xlane v3, v2;
	v4 =	vadd.s32 v1, v4;
	_ =	sdelay $0x1  }
0x86: {  	v3 =	vadd.s32 v1, v3;
	_ =	sdelay $0x2  }
0x87: {  	[tilespmem:s11], [sflag:$0x2] =	stream.indirect_vreg.gather [hbm4b:s2+s3], $0x80, v4, vm0, $0xb8;
	[tilespmem:$0x11000] =	vst v63  }
0x88: {  	_ = 	snop  }
0x89: {  	[tilespmem:s12], [sflag:$0x2] =	stream.indirect_vreg.gather [hbm4b:s2+s3], $0x80, v3, vm0, $0xb8;
	[tilespmem:$0x11000] =	vst v63  }
0x8a: {  	v3 =	vld [tilespmem:$0xB0];
	_ =	sdelay $0x4  }
0x8b: {  	v59 =	vshll.u32 v3, $0x1  }
0x8c: {  	v3 =	vand.u32 $0x7, v3;
	v4 =	vand.u32 $0xFFFFFFF0, v59  }
0x8d: {  	v3 =	vor.u32 v3, v4  }
0x8e: {  	v4 =	vperm.xlane v3, v0;
	_ =	sdelay $0x1  }
0x8f: {  	v3 =	vperm.xlane v3, v2;
	v4 =	vadd.s32 v1, v4;
	_ =	sdelay $0x1  }
0x90: {  	v3 =	vadd.s32 v1, v3;
	_ =	sdelay $0x2  }
0x91: {  	[tilespmem:s13], [sflag:$0x2] =	stream.indirect_vreg.gather [hbm4b:s2+s3], $0x80, v4, vm0, $0xb8;
	[tilespmem:$0x11000] =	vst v63  }
0x92: {  	_ = 	snop  }
0x93: {  	[tilespmem:s9], [sflag:$0x2] =	stream.indirect_vreg.gather [hbm4b:s2+s3], $0x80, v3, vm0, $0xb8;
	[tilespmem:$0x11000] =	vst v63  }
0x94: {  	v3 =	vld [tilespmem:$0xC0];
	_ =	sdelay $0x4  }
0x95: {  	v60 =	vshll.u32 v3, $0x1  }
0x96: {  	v3 =	vand.u32 $0x7, v3;
	v4 =	vand.u32 $0xFFFFFFF0, v60  }
0x97: {  	v3 =	vor.u32 v3, v4  }
0x98: {  	v4 =	vperm.xlane v3, v0;
	_ =	sdelay $0x1  }
0x99: {  	v3 =	vperm.xlane v3, v2;
	v4 =	vadd.s32 v1, v4;
	_ =	sdelay $0x1  }
0x9a: {  	v3 =	vadd.s32 v1, v3;
	_ =	sdelay $0x2  }
0x9b: {  	[tilespmem:s31], [sflag:$0x2] =	stream.indirect_vreg.gather [hbm4b:s2+s3], $0x80, v4, vm0, $0xb8;
	[tilespmem:$0x11000] =	vst v63  }
0x9c: {  	s21 =	simm.s32 $0xD800  }
0x9d: {  	[tilespmem:s21], [sflag:$0x2] =	stream.indirect_vreg.gather [hbm4b:s2+s3], $0x80, v3, vm0, $0xb8;
	[tilespmem:$0x11000] =	vst v63  }
0x9e: {  	v3 =	vld [tilespmem:$0xD0];
	_ =	sdelay $0x4  }
0x9f: {  	v61 =	vshll.u32 v3, $0x1  }
0xa0: {  	v3 =	vand.u32 $0x7, v3;
	v4 =	vand.u32 $0xFFFFFFF0, v61  }
0xa1: {  	v3 =	vor.u32 v3, v4  }
0xa2: {  	v4 =	vperm.xlane v3, v0;
	_ =	sdelay $0x1  }
0xa3: {  	v3 =	vperm.xlane v3, v2;
	v4 =	vadd.s32 v1, v4;
	_ =	sdelay $0x1  }
0xa4: {  	v3 =	vadd.s32 v1, v3;
	_ =	sdelay $0x1  }
0xa5: {  	s22 =	simm.s32 $0xE000  }
0xa6: {  	[tilespmem:s22], [sflag:$0x2] =	stream.indirect_vreg.gather [hbm4b:s2+s3], $0x80, v4, vm0, $0xb8;
	[tilespmem:$0x11000] =	vst v63  }
0xa7: {  	s23 =	simm.s32 $0xE800  }
0xa8: {  	[tilespmem:s23], [sflag:$0x2] =	stream.indirect_vreg.gather [hbm4b:s2+s3], $0x80, v3, vm0, $0xb8;
	[tilespmem:$0x11000] =	vst v63  }
0xa9: {  	v3 =	vld [tilespmem:$0xE0];
	_ =	sdelay $0x4  }
0xaa: {  	v62 =	vshll.u32 v3, $0x1  }
0xab: {  	v3 =	vand.u32 $0x7, v3;
	v4 =	vand.u32 $0xFFFFFFF0, v62  }
0xac: {  	v3 =	vor.u32 v3, v4  }
0xad: {  	v4 =	vperm.xlane v3, v0;
	_ =	sdelay $0x1  }
0xae: {  	v3 =	vperm.xlane v3, v2;
	v4 =	vadd.s32 v1, v4;
	_ =	sdelay $0x1  }
0xaf: {  	v3 =	vadd.s32 v1, v3;
	_ =	sdelay $0x1  }
0xb0: {  	s24 =	simm.s32 $0xF000  }
0xb1: {  	[tilespmem:s24], [sflag:$0x2] =	stream.indirect_vreg.gather [hbm4b:s2+s3], $0x80, v4, vm0, $0xb8;
	[tilespmem:$0x11000] =	vst v63  }
0xb2: {  	s26 =	simm.s32 $0xF800  }
0xb3: {  	[tilespmem:s26], [sflag:$0x2] =	stream.indirect_vreg.gather [hbm4b:s2+s3], $0x80, v3, vm0, $0xb8;
	[tilespmem:$0x11000] =	vst v63  }
0xb4: {  	v3 =	vld [tilespmem:$0xF0];
	_ =	sdelay $0x4  }
0xb5: {  	v63 =	vshll.u32 v3, $0x1  }
0xb6: {  	v3 =	vand.u32 $0x7, v3;
	v4 =	vand.u32 $0xFFFFFFF0, v63  }
0xb7: {  	v3 =	vor.u32 v3, v4  }
0xb8: {  	s16 =	simm.s32 $0x1F0;
	v4 =	vperm.xlane v3, v0  }
0xb9: {  	s17 =	simm.s32 $0x0;
	s19 =	simm.s32 $0x10000;
	s20 =	simm.s32 $0x2000  }
0xba: {  	s30 =	simm.s32 $0x6000;
	s28 =	simm.s32 $0x5000;
	s29 =	simm.s32 $0x5800;
	v3 =	vperm.xlane v3, v2;
	v4 =	vadd.s32 v1, v4  }
0xbb: {  	s0 =	simm.s32 $0x7000;
	s1 =	simm.s32 $0x7800;
	s4 =	simm.s32 $0x8000  }
0xbc: {  	s5 =	simm.s32 $0x8800;
	s6 =	simm.s32 $0x9800;
	s7 =	simm.s32 $0xA000;
	v3 =	vadd.s32 v1, v3  }
0xbd: {  	s10 =	simm.s32 $0xA800;
	s11 =	simm.s32 $0xB000;
	s12 =	simm.s32 $0xB800  }
0xbe: {  	s13 =	simm.s32 $0xC000;
	s9 =	simm.s32 $0xC800;
	s31 =	simm.s32 $0xD000  }
0xbf: {  	[tilespmem:s19], [sflag:$0x2] =	stream.indirect_vreg.gather [hbm4b:s2+s3], $0x80, v4, vm0, $0xb8;
	[tilespmem:$0x11000] =	vst v63  }
0xc0: {  	s22 =	simm.s32 $0x3000;
	s23 =	simm.s32 $0x10800;
	s24 =	simm.s32 $0x4000  }
0xc1: {  	[tilespmem:s23], [sflag:$0x2] =	stream.indirect_vreg.gather [hbm4b:s2+s3], $0x80, v3, vm0, $0xb8;
	[tilespmem:$0x11000] =	vst v63  }
.LBB2_2:
0xc2: {  	_ =	swait.ge [sflag:s14], $0x8000  }
0xc3: {  	s18 =	rddreg [dreg:$0x3];
	[sflag:s14] =	ssyncset.done $0x0  }
0xc4: {  	s26 =	simm.s32 $0x1000;
	[sflag:s14] =	ssyncadd.s32 $0xFFFF8000;
	s18 =	sadd.s32 s17, s18  }
0xc5: {  	[hbm4b:s18+s3] =	stream.linear.scatter [tilespmem:s26], [sflag:$0x3], $0x8000, $0x38;
	[tilespmem:$0x11000] =	vst v63  }
0xc6: {  	_ =	swait.ge [sflag:s8], $0x8000  }
0xc7: {  	[sflag:s8] =	ssyncset.done $0x0  }
0xc8: {  	[sflag:s8] =	ssyncadd.s32 $0xFFFF8000  }
0xc9: {  	v3 =	vld [tilespmem:s16+$0xFFFFFF10];
	_ =	sdelay $0x4  }
0xca: {  	v4 =	vshll.u32 v3, $0x1  }
0xcb: {  	v3 =	vand.u32 $0x7, v3;
	v4 =	vand.u32 $0xFFFFFFF0, v4  }
0xcc: {  	v3 =	vor.u32 v3, v4  }
0xcd: {  	v4 =	vperm.xlane v3, v0;
	_ =	sdelay $0x1  }
0xce: {  	v3 =	vperm.xlane v3, v2;
	v4 =	vadd.s32 v1, v4;
	_ =	sdelay $0x1  }
0xcf: {  	v3 =	vadd.s32 v1, v3;
	_ =	sdelay $0x2  }
0xd0: {  	[tilespmem:s26], [sflag:$0x1] =	stream.indirect_vreg.gather [hbm4b:s2+s3], $0x80, v4, vm0, $0xb8;
	[tilespmem:$0x11000] =	vst v63  }
0xd1: {  	s26 =	simm.s32 $0x1800  }
0xd2: {  	[tilespmem:s26], [sflag:$0x1] =	stream.indirect_vreg.gather [hbm4b:s2+s3], $0x80, v3, vm0, $0xb8;
	[tilespmem:$0x11000] =	vst v63  }
0xd3: {  	v3 =	vld [tilespmem:s16+$0xFFFFFF20];
	_ =	sdelay $0x4  }
0xd4: {  	v49 =	vshll.u32 v3, $0x1  }
0xd5: {  	v3 =	vand.u32 $0x7, v3;
	v4 =	vand.u32 $0xFFFFFFF0, v49  }
0xd6: {  	v3 =	vor.u32 v3, v4  }
0xd7: {  	v4 =	vperm.xlane v3, v0;
	_ =	sdelay $0x1  }
0xd8: {  	v3 =	vperm.xlane v3, v2;
	v4 =	vadd.s32 v1, v4;
	_ =	sdelay $0x1  }
0xd9: {  	v3 =	vadd.s32 v1, v3;
	_ =	sdelay $0x2  }
0xda: {  	[tilespmem:s20], [sflag:$0x1] =	stream.indirect_vreg.gather [hbm4b:s2+s3], $0x80, v4, vm0, $0xb8;
	[tilespmem:$0x11000] =	vst v63  }
0xdb: {  	s26 =	simm.s32 $0x2800  }
0xdc: {  	[tilespmem:s26], [sflag:$0x1] =	stream.indirect_vreg.gather [hbm4b:s2+s3], $0x80, v3, vm0, $0xb8;
	[tilespmem:$0x11000] =	vst v63  }
0xdd: {  	v3 =	vld [tilespmem:s16+$0xFFFFFF30];
	_ =	sdelay $0x4  }
0xde: {  	v50 =	vshll.u32 v3, $0x1  }
0xdf: {  	v3 =	vand.u32 $0x7, v3;
	v4 =	vand.u32 $0xFFFFFFF0, v50  }
0xe0: {  	v3 =	vor.u32 v3, v4  }
0xe1: {  	v4 =	vperm.xlane v3, v0;
	_ =	sdelay $0x1  }
0xe2: {  	v3 =	vperm.xlane v3, v2;
	v4 =	vadd.s32 v1, v4;
	_ =	sdelay $0x1  }
0xe3: {  	v3 =	vadd.s32 v1, v3;
	_ =	sdelay $0x2  }
0xe4: {  	[tilespmem:s22], [sflag:$0x1] =	stream.indirect_vreg.gather [hbm4b:s2+s3], $0x80, v4, vm0, $0xb8;
	[tilespmem:$0x11000] =	vst v63  }
0xe5: {  	s26 =	simm.s32 $0x3800  }
0xe6: {  	[tilespmem:s26], [sflag:$0x1] =	stream.indirect_vreg.gather [hbm4b:s2+s3], $0x80, v3, vm0, $0xb8;
	[tilespmem:$0x11000] =	vst v63  }
0xe7: {  	v3 =	vld [tilespmem:s16+$0xFFFFFF40];
	_ =	sdelay $0x4  }
0xe8: {  	v51 =	vshll.u32 v3, $0x1  }
0xe9: {  	v3 =	vand.u32 $0x7, v3;
	v4 =	vand.u32 $0xFFFFFFF0, v51  }
0xea: {  	v3 =	vor.u32 v3, v4  }
0xeb: {  	v4 =	vperm.xlane v3, v0;
	_ =	sdelay $0x1  }
0xec: {  	v3 =	vperm.xlane v3, v2;
	v4 =	vadd.s32 v1, v4;
	_ =	sdelay $0x1  }
0xed: {  	v3 =	vadd.s32 v1, v3;
	_ =	sdelay $0x2  }
0xee: {  	[tilespmem:s24], [sflag:$0x1] =	stream.indirect_vreg.gather [hbm4b:s2+s3], $0x80, v4, vm0, $0xb8;
	[tilespmem:$0x11000] =	vst v63  }
0xef: {  	s26 =	simm.s32 $0x4800  }
0xf0: {  	[tilespmem:s26], [sflag:$0x1] =	stream.indirect_vreg.gather [hbm4b:s2+s3], $0x80, v3, vm0, $0xb8;
	[tilespmem:$0x11000] =	vst v63  }
0xf1: {  	v3 =	vld [tilespmem:s16+$0xFFFFFF50];
	_ =	sdelay $0x4  }
0xf2: {  	v52 =	vshll.u32 v3, $0x1  }
0xf3: {  	v3 =	vand.u32 $0x7, v3;
	v4 =	vand.u32 $0xFFFFFFF0, v52  }
0xf4: {  	v3 =	vor.u32 v3, v4  }
0xf5: {  	v4 =	vperm.xlane v3, v0;
	_ =	sdelay $0x1  }
0xf6: {  	v3 =	vperm.xlane v3, v2;
	v4 =	vadd.s32 v1, v4;
	_ =	sdelay $0x1  }
0xf7: {  	v3 =	vadd.s32 v1, v3;
	_ =	sdelay $0x2  }
0xf8: {  	[tilespmem:s28], [sflag:$0x1] =	stream.indirect_vreg.gather [hbm4b:s2+s3], $0x80, v4, vm0, $0xb8;
	[tilespmem:$0x11000] =	vst v63  }
0xf9: {  	_ = 	snop  }
0xfa: {  	[tilespmem:s29], [sflag:$0x1] =	stream.indirect_vreg.gather [hbm4b:s2+s3], $0x80, v3, vm0, $0xb8;
	[tilespmem:$0x11000] =	vst v63  }
0xfb: {  	v3 =	vld [tilespmem:s16+$0xFFFFFF60];
	_ =	sdelay $0x4  }
0xfc: {  	v53 =	vshll.u32 v3, $0x1  }
0xfd: {  	v3 =	vand.u32 $0x7, v3;
	v4 =	vand.u32 $0xFFFFFFF0, v53  }
0xfe: {  	v3 =	vor.u32 v3, v4  }
0xff: {  	v4 =	vperm.xlane v3, v0;
	_ =	sdelay $0x1  }
0x100: {  	v3 =	vperm.xlane v3, v2;
	v4 =	vadd.s32 v1, v4;
	_ =	sdelay $0x1  }
0x101: {  	v3 =	vadd.s32 v1, v3;
	_ =	sdelay $0x2  }
0x102: {  	[tilespmem:s30], [sflag:$0x1] =	stream.indirect_vreg.gather [hbm4b:s2+s3], $0x80, v4, vm0, $0xb8;
	[tilespmem:$0x11000] =	vst v63  }
0x103: {  	s26 =	simm.s32 $0x6800  }
0x104: {  	[tilespmem:s26], [sflag:$0x1] =	stream.indirect_vreg.gather [hbm4b:s2+s3], $0x80, v3, vm0, $0xb8;
	[tilespmem:$0x11000] =	vst v63  }
0x105: {  	v3 =	vld [tilespmem:s16+$0xFFFFFF70];
	_ =	sdelay $0x4  }
0x106: {  	v54 =	vshll.u32 v3, $0x1  }
0x107: {  	v3 =	vand.u32 $0x7, v3;
	v4 =	vand.u32 $0xFFFFFFF0, v54  }
0x108: {  	v3 =	vor.u32 v3, v4  }
0x109: {  	v4 =	vperm.xlane v3, v0;
	_ =	sdelay $0x1  }
0x10a: {  	v3 =	vperm.xlane v3, v2;
	v4 =	vadd.s32 v1, v4;
	_ =	sdelay $0x1  }
0x10b: {  	v3 =	vadd.s32 v1, v3;
	_ =	sdelay $0x2  }
0x10c: {  	[tilespmem:s0], [sflag:$0x1] =	stream.indirect_vreg.gather [hbm4b:s2+s3], $0x80, v4, vm0, $0xb8;
	[tilespmem:$0x11000] =	vst v63  }
0x10d: {  	_ = 	snop  }
0x10e: {  	[tilespmem:s1], [sflag:$0x1] =	stream.indirect_vreg.gather [hbm4b:s2+s3], $0x80, v3, vm0, $0xb8;
	[tilespmem:$0x11000] =	vst v63  }
0x10f: {  	v3 =	vld [tilespmem:s16+$0xFFFFFF80];
	_ =	sdelay $0x4  }
0x110: {  	v55 =	vshll.u32 v3, $0x1  }
0x111: {  	v3 =	vand.u32 $0x7, v3;
	v4 =	vand.u32 $0xFFFFFFF0, v55  }
0x112: {  	v3 =	vor.u32 v3, v4  }
0x113: {  	v4 =	vperm.xlane v3, v0;
	_ =	sdelay $0x1  }
0x114: {  	v3 =	vperm.xlane v3, v2;
	v4 =	vadd.s32 v1, v4;
	_ =	sdelay $0x1  }
0x115: {  	v3 =	vadd.s32 v1, v3;
	_ =	sdelay $0x2  }
0x116: {  	[tilespmem:s4], [sflag:$0x1] =	stream.indirect_vreg.gather [hbm4b:s2+s3], $0x80, v4, vm0, $0xb8;
	[tilespmem:$0x11000] =	vst v63  }
0x117: {  	_ = 	snop  }
0x118: {  	[tilespmem:s5], [sflag:$0x1] =	stream.indirect_vreg.gather [hbm4b:s2+s3], $0x80, v3, vm0, $0xb8;
	[tilespmem:$0x11000] =	vst v63  }
0x119: {  	_ =	swait.ge [sflag:s15], $0x8000  }
0x11a: {  	[sflag:s15] =	ssyncset.done $0x0  }
0x11b: {  	s18 =	sadd.s32 $0x1000, s18;
	[sflag:s15] =	ssyncadd.s32 $0xFFFF8000  }
0x11c: {  	[hbm4b:s18+s3] =	stream.linear.scatter [tilespmem:s25], [sflag:$0x3], $0x8000, $0x38;
	[tilespmem:$0x11000] =	vst v63  }
0x11d: {  	_ =	swait.ge [sflag:s8], $0x8000  }
0x11e: {  	[sflag:s8] =	ssyncset.done $0x0  }
0x11f: {  	[sflag:s8] =	ssyncadd.s32 $0xFFFF8000  }
0x120: {  	v3 =	vld [tilespmem:s16+$0xFFFFFF90];
	_ =	sdelay $0x4  }
0x121: {  	v56 =	vshll.u32 v3, $0x1  }
0x122: {  	v3 =	vand.u32 $0x7, v3;
	v4 =	vand.u32 $0xFFFFFFF0, v56  }
0x123: {  	v3 =	vor.u32 v3, v4  }
0x124: {  	v4 =	vperm.xlane v3, v0;
	_ =	sdelay $0x1  }
0x125: {  	v3 =	vperm.xlane v3, v2;
	v4 =	vadd.s32 v1, v4;
	_ =	sdelay $0x1  }
0x126: {  	v3 =	vadd.s32 v1, v3;
	_ =	sdelay $0x2  }
0x127: {  	[tilespmem:s25], [sflag:$0x2] =	stream.indirect_vreg.gather [hbm4b:s2+s3], $0x80, v4, vm0, $0xb8;
	[tilespmem:$0x11000] =	vst v63  }
0x128: {  	_ = 	snop  }
0x129: {  	[tilespmem:s6], [sflag:$0x2] =	stream.indirect_vreg.gather [hbm4b:s2+s3], $0x80, v3, vm0, $0xb8;
	[tilespmem:$0x11000] =	vst v63  }
0x12a: {  	v3 =	vld [tilespmem:s16+$0xFFFFFFA0];
	_ =	sdelay $0x4  }
0x12b: {  	v57 =	vshll.u32 v3, $0x1  }
0x12c: {  	v3 =	vand.u32 $0x7, v3;
	v4 =	vand.u32 $0xFFFFFFF0, v57  }
0x12d: {  	v3 =	vor.u32 v3, v4  }
0x12e: {  	v4 =	vperm.xlane v3, v0;
	_ =	sdelay $0x1  }
0x12f: {  	v3 =	vperm.xlane v3, v2;
	v4 =	vadd.s32 v1, v4;
	_ =	sdelay $0x1  }
0x130: {  	v3 =	vadd.s32 v1, v3;
	_ =	sdelay $0x2  }
0x131: {  	[tilespmem:s7], [sflag:$0x2] =	stream.indirect_vreg.gather [hbm4b:s2+s3], $0x80, v4, vm0, $0xb8;
	[tilespmem:$0x11000] =	vst v63  }
0x132: {  	_ = 	snop  }
0x133: {  	[tilespmem:s10], [sflag:$0x2] =	stream.indirect_vreg.gather [hbm4b:s2+s3], $0x80, v3, vm0, $0xb8;
	[tilespmem:$0x11000] =	vst v63  }
0x134: {  	v3 =	vld [tilespmem:s16+$0xFFFFFFB0];
	_ =	sdelay $0x4  }
0x135: {  	v58 =	vshll.u32 v3, $0x1  }
0x136: {  	v3 =	vand.u32 $0x7, v3;
	v4 =	vand.u32 $0xFFFFFFF0, v58  }
0x137: {  	v3 =	vor.u32 v3, v4  }
0x138: {  	v4 =	vperm.xlane v3, v0;
	_ =	sdelay $0x1  }
0x139: {  	v3 =	vperm.xlane v3, v2;
	v4 =	vadd.s32 v1, v4;
	_ =	sdelay $0x1  }
0x13a: {  	v3 =	vadd.s32 v1, v3;
	_ =	sdelay $0x2  }
0x13b: {  	[tilespmem:s11], [sflag:$0x2] =	stream.indirect_vreg.gather [hbm4b:s2+s3], $0x80, v4, vm0, $0xb8;
	[tilespmem:$0x11000] =	vst v63  }
0x13c: {  	_ = 	snop  }
0x13d: {  	[tilespmem:s12], [sflag:$0x2] =	stream.indirect_vreg.gather [hbm4b:s2+s3], $0x80, v3, vm0, $0xb8;
	[tilespmem:$0x11000] =	vst v63  }
0x13e: {  	v3 =	vld [tilespmem:s16+$0xFFFFFFC0];
	_ =	sdelay $0x4  }
0x13f: {  	v59 =	vshll.u32 v3, $0x1  }
0x140: {  	v3 =	vand.u32 $0x7, v3;
	v4 =	vand.u32 $0xFFFFFFF0, v59  }
0x141: {  	v3 =	vor.u32 v3, v4  }
0x142: {  	v4 =	vperm.xlane v3, v0;
	_ =	sdelay $0x1  }
0x143: {  	v3 =	vperm.xlane v3, v2;
	v4 =	vadd.s32 v1, v4;
	_ =	sdelay $0x1  }
0x144: {  	v3 =	vadd.s32 v1, v3;
	_ =	sdelay $0x2  }
0x145: {  	[tilespmem:s13], [sflag:$0x2] =	stream.indirect_vreg.gather [hbm4b:s2+s3], $0x80, v4, vm0, $0xb8;
	[tilespmem:$0x11000] =	vst v63  }
0x146: {  	_ = 	snop  }
0x147: {  	[tilespmem:s9], [sflag:$0x2] =	stream.indirect_vreg.gather [hbm4b:s2+s3], $0x80, v3, vm0, $0xb8;
	[tilespmem:$0x11000] =	vst v63  }
0x148: {  	v3 =	vld [tilespmem:s16+$0xFFFFFFD0];
	_ =	sdelay $0x4  }
0x149: {  	v60 =	vshll.u32 v3, $0x1  }
0x14a: {  	v3 =	vand.u32 $0x7, v3;
	v4 =	vand.u32 $0xFFFFFFF0, v60  }
0x14b: {  	v3 =	vor.u32 v3, v4  }
0x14c: {  	v4 =	vperm.xlane v3, v0;
	_ =	sdelay $0x1  }
0x14d: {  	v3 =	vperm.xlane v3, v2;
	v4 =	vadd.s32 v1, v4;
	_ =	sdelay $0x1  }
0x14e: {  	v3 =	vadd.s32 v1, v3;
	_ =	sdelay $0x2  }
0x14f: {  	[tilespmem:s31], [sflag:$0x2] =	stream.indirect_vreg.gather [hbm4b:s2+s3], $0x80, v4, vm0, $0xb8;
	[tilespmem:$0x11000] =	vst v63  }
0x150: {  	s26 =	simm.s32 $0xD800  }
0x151: {  	[tilespmem:s26], [sflag:$0x2] =	stream.indirect_vreg.gather [hbm4b:s2+s3], $0x80, v3, vm0, $0xb8;
	[tilespmem:$0x11000] =	vst v63  }
0x152: {  	v3 =	vld [tilespmem:s16+$0xFFFFFFE0];
	_ =	sdelay $0x4  }
0x153: {  	v61 =	vshll.u32 v3, $0x1  }
0x154: {  	v3 =	vand.u32 $0x7, v3;
	v4 =	vand.u32 $0xFFFFFFF0, v61  }
0x155: {  	v3 =	vor.u32 v3, v4  }
0x156: {  	v4 =	vperm.xlane v3, v0;
	_ =	sdelay $0x1  }
0x157: {  	v3 =	vperm.xlane v3, v2;
	v4 =	vadd.s32 v1, v4;
	_ =	sdelay $0x1  }
0x158: {  	v3 =	vadd.s32 v1, v3;
	_ =	sdelay $0x1  }
0x159: {  	s26 =	simm.s32 $0xE000  }
0x15a: {  	[tilespmem:s26], [sflag:$0x2] =	stream.indirect_vreg.gather [hbm4b:s2+s3], $0x80, v4, vm0, $0xb8;
	[tilespmem:$0x11000] =	vst v63  }
0x15b: {  	s26 =	simm.s32 $0xE800  }
0x15c: {  	[tilespmem:s26], [sflag:$0x2] =	stream.indirect_vreg.gather [hbm4b:s2+s3], $0x80, v3, vm0, $0xb8;
	[tilespmem:$0x11000] =	vst v63  }
0x15d: {  	v3 =	vld [tilespmem:s16+$0xFFFFFFF0];
	_ =	sdelay $0x4  }
0x15e: {  	v62 =	vshll.u32 v3, $0x1  }
0x15f: {  	v3 =	vand.u32 $0x7, v3;
	v4 =	vand.u32 $0xFFFFFFF0, v62  }
0x160: {  	v3 =	vor.u32 v3, v4  }
0x161: {  	v4 =	vperm.xlane v3, v0;
	_ =	sdelay $0x1  }
0x162: {  	v3 =	vperm.xlane v3, v2;
	v4 =	vadd.s32 v1, v4;
	_ =	sdelay $0x1  }
0x163: {  	v3 =	vadd.s32 v1, v3;
	_ =	sdelay $0x1  }
0x164: {  	s26 =	simm.s32 $0xF000  }
0x165: {  	[tilespmem:s26], [sflag:$0x2] =	stream.indirect_vreg.gather [hbm4b:s2+s3], $0x80, v4, vm0, $0xb8;
	[tilespmem:$0x11000] =	vst v63  }
0x166: {  	s26 =	simm.s32 $0xF800  }
0x167: {  	[tilespmem:s26], [sflag:$0x2] =	stream.indirect_vreg.gather [hbm4b:s2+s3], $0x80, v3, vm0, $0xb8;
	[tilespmem:$0x11000] =	vst v63  }
0x168: {  	v3 =	vld [tilespmem:s16+$0x0];
	_ =	sdelay $0x4  }
0x169: {  	v63 =	vshll.u32 v3, $0x1  }
0x16a: {  	v3 =	vand.u32 $0x7, v3;
	v4 =	vand.u32 $0xFFFFFFF0, v63  }
0x16b: {  	v3 =	vor.u32 v3, v4  }
0x16c: {  	v4 =	vperm.xlane v3, v0;
	_ =	sdelay $0x1  }
0x16d: {  	v3 =	vperm.xlane v3, v2;
	v4 =	vadd.s32 v1, v4;
	_ =	sdelay $0x1  }
0x16e: {  	p0 =	sne.s32 s17, $0x1C000;
	v3 =	vadd.s32 v1, v3  }
.Ltmp0:
0x16f: {  	_ = 	snop;
	(pc) =	sbr.rel @p0 .LBB2_2-.Ltmp0, $4  }
0x170: {  	_ = 	snop  }
0x171: {  	[tilespmem:s19], [sflag:$0x2] =	stream.indirect_vreg.gather [hbm4b:s2+s3], $0x80, v4, vm0, $0xb8;
	[tilespmem:$0x11000] =	vst v63  }
0x172: {  	s21 =	simm.s32 $0x1000;
	s17 =	sadd.s32 $0x2000, s17;
	s16 =	sadd.s32 $0x100, s16  }
0x173: {  	[tilespmem:s23], [sflag:$0x2] =	stream.indirect_vreg.gather [hbm4b:s2+s3], $0x80, v3, vm0, $0xb8;
	[tilespmem:$0x11000] =	vst v63  }
0x174: {  	_ =	swait.ge [sflag:s14], $0x8000  }
0x175: {  	[sflag:s14] =	ssyncset.done $0x0  }
0x176: {  	s16 =	rddreg [dreg:$0x5];
	[sflag:s14] =	ssyncadd.s32 $0xFFFF8000  }
0x177: {  	[hbm4b:s16+s3] =	stream.linear.scatter [tilespmem:s21], [sflag:$0x3], $0x8000, $0x38;
	[tilespmem:$0x11000] =	vst v63  }
0x178: {  	_ =	swait.ge [sflag:s8], $0x8000  }
0x179: {  	[sflag:s8] =	ssyncset.done $0x0  }
0x17a: {  	[sflag:s8] =	ssyncadd.s32 $0xFFFF8000  }
0x17b: {  	s17 =	simm.s32 $0x1800;
	s18 =	simm.s32 $0x2000;
	_ =	swait.ge [sflag:s15], $0x8000  }
0x17c: {  	s19 =	simm.s32 $0x2800;
	s20 =	simm.s32 $0x3000;
	[sflag:s15] =	ssyncset.done $0x0  }
0x17d: {  	s30 =	simm.s32 $0x3800;
	s24 =	rddreg [dreg:$0x6];
	[sflag:s15] =	ssyncadd.s32 $0xFFFF8000  }
0x17e: {  	[hbm4b:s24+s3] =	stream.linear.scatter [tilespmem:s25], [sflag:$0x3], $0x8000, $0x38;
	[tilespmem:$0x11000] =	vst v63  }
0x17f: {  	s22 =	simm.s32 $0x4000;
	s23 =	simm.s32 $0x4800;
	_ =	swait.ge [sflag:s8], $0x8000  }
0x180: {  	s28 =	simm.s32 $0x6000;
	s29 =	simm.s32 $0x6800;
	s0 =	rddreg [dreg:$0x8]  }
0x181: {  	s1 =	simm.s32 $0x7800;
	s26 =	rddreg [dreg:$0x7];
	s0 =	sadd.s32 $0x1, s0  }
0x182: {  	s4 =	simm.s32 $0x8000;
	s5 =	simm.s32 $0x8800;
	p0 =	sne.s32 s0, s26  }
.Ltmp1:
0x183: {  	s6 =	simm.s32 $0x9800;
	s7 =	simm.s32 $0xA000;
	(pc) =	sbr.rel @p0 .LBB2_1-.Ltmp1, $4  }
0x184: {  	s10 =	simm.s32 $0xA800;
	s11 =	simm.s32 $0xB000;
	s12 =	simm.s32 $0xB800  }
0x185: {  	s13 =	simm.s32 $0xC000;
	s9 =	simm.s32 $0xC800;
	[sflag:s8] =	ssyncset.done $0x0  }
0x186: {  	s31 =	simm.s32 $0xD000;
	s24 =	simm.s32 $0x5000;
	[sflag:s8] =	ssyncadd.s32 $0xFFFF8000  }
0x187: {  	[dreg:$0x8] =	wrdreg s0;
	s26 =	simm.s32 $0x5800;
	s0 =	simm.s32 $0x7000  }
0x188: {  	_ =	sfence.sel $0x180000  }
0x189: {  	[bflag:$0x0] =	sbarrier.arrive $0xFFFF  }
0x18a: {  	_ =	strace $0x90000047  }
0x18b: {  	s0 =	stileid.u32;
	[bflag:$0x2] =	sbarrier.arrive $0xFFFF  }
0x18c: {  	p0 =	sne.s32 s0, $0x0;
	s0 =	rddreg [dreg:$0x2]  }
0x18d: {  	s0 =	sadd.s32 @!p0 $0x100000, s0  }
0x18e: {  	[sflag:s0] =	ssyncadd.tile.s32 @!p0 $0x1;
	_ =	shalt  }
.Lfunc_end2:
_tile_overlayer_lowered:
.L_overlay_start_2:
0x18f: {  	(tag) =	ssettag $0x2  }
0x190: {  	s0 =	rddreg [dreg:$0x0];
	s2 =	stileid.u32  }
0x191: {  	s1 =	rddreg [dreg:$0x1];
	p0 =	sne.s32 s2, $0x0  }
0x192: {  	s3 =	rddreg [dreg:$0x2];
	[bflag:$0x3] =	sbarrier.arrive $0xFFFF;
	s2 =	simm.s32 @!p0 $0x1C03  }
0x193: {  	[timem:s3], [sflag:s2] =	dma.local @!p0 [hbm:s0], s1  }
0x194: {  	s0 =	simm.s32 @!p0 $0x3  }
0x195: {  	_ =	swait.ge @!p0 [sflag:s0], s1  }
0x196: {  	s1 =	ssub.s32 @!p0 $0x0, s1;
	[sflag:s0] =	ssyncset.done @!p0 $0x0  }
0x197: {  	[sflag:s0] =	ssyncadd.s32 @!p0 s1  }
0x198: {  	[bflag:$0x3] =	sbarrier.arrive $0xFFFF  }
0x199: {  	_ =	shalt  }

// kernel: kernel.16.cloned.1.call-start
scs
__scs_entry_jumppad:
0x0: {  	(pc) =	sbr.rel $0x88, $3  }
0x1: {  	(tag) =	ssettag $0x0;
	lr =	simm.s32 $0x1  }
0x2: {  	[smem:$0x3F88] =	sst lr;
	_ =	strace $0xD0000000  }
0x3: {  	_ = 	snop  }
0x4: {  	_ = 	snop  }
0x5: {  	_ = 	snop  }
0x6: {  	_ = 	snop  }
0x7: {  	_ = 	snop  }
__scs_overlays_trampoline_lowered:
0x8: {  	[smem:$0x3F97] =	sst s0  }
0x9: {  	[smem:$0x3F98] =	sst s1  }
0xa: {  	[smem:$0x3F99] =	sst s2  }
0xb: {  	[smem:$0x3F9A] =	sst s3  }
0xc: {  	[smem:$0x3F9B] =	sst s4  }
0xd: {  	[smem:$0x3F9C] =	sst s5  }
0xe: {  	[smem:$0x3F9D] =	sst s6  }
0xf: {  	[smem:$0x3F9E] =	sst s7  }
0x10: {  	[smem:$0x3F9F] =	sst s8  }
0x11: {  	[smem:$0x3FA0] =	sst s9;
	s0 =	simm.s32 @!p0 $0x0  }
0x12: {  	s1 =	sld [smem:$0x3F86];
	s0 =	simm.s32 @p0 $0x1  }
0x13: {  	[smem:$0x3FA1] =	sst s0;
	s0 =	simm.s32 @!p1 $0x0  }
0x14: {  	s2 =	sld [smem:$0x3F85];
	s0 =	simm.s32 @p1 $0x1  }
0x15: {  	[smem:$0x3FA2] =	sst s0;
	s0 =	simm.s32 @!p2 $0x0  }
0x16: {  	s3 =	sld [smem:$0x3FDB];
	s0 =	simm.s32 @p2 $0x1  }
0x17: {  	s4 =	simm.s32 $0x1BF5;
	[smem:$0x3FA4] =	sst s0  }
0x18: {  	s0 =	sld [smem:$0x3F87];
	_ =	swait.ge [sflag:s4], $0x0  }
0x19: {  	s7 =	sld [smem:$0x3F88]  }
0x1a: {  	s8 =	sadd.s32 $0xFFFFE003, lr  }
0x1b: {  	s9 =	sadd.s32 $0xFFFFFEF7, lr;
	s5 =	simm.s32 $0xFFFFFFFF;
	p2 =	slt.u32 s8, $0xFFFFF086  }
0x1c: {  	p1 =	slt.u32 s9, $0xF7A;
	s5 =	simm.s32 @!p2 $0x0  }
0x1d: {  	s5 =	simm.s32 @p1 $0x1;
	p0 =	seq.s32 s7, s2  }
0x1e: {  	s7 =	smul.u32 @!p0 $0xF7A, s2;
	p2 =	seq.s32 @!p0 s5, $0x0  }
0x1f: {  	s9 =	smul.u32 $0xF7A, s1;
	s8 =	simm.s32 @!p0 $0x1BF5;
	p2 =	por !p2, p0  }
0x20: {  	[sflag:s8] =	ssyncset.s32 @!p0 $0xFFFFF086;
	s6 =	sadd.s32 @!p0 s3, s7;
	s7 =	simm.s32 @!p0 $0x108  }
0x21: {  	s3 =	sadd.s32 s3, s9;
	s6 =	sadd.s32 @!p0 $0x88, s6;
	s7 =	simm.s32 @p2 $0x1082  }
0x22: {  	[simem:s7], [sflag:s8] =	dma.local @!p0 [hbm:s6], $0xF7A  }
0x23: {  	s9 =	sor.u32 $0xD0000000, s2;
	s6 =	simm.s32 $0x108;
	_ =	swait.ge @!p0 [sflag:s8], $0x0  }
0x24: {  	s3 =	sadd.s32 $0x88, s3;
	s6 =	simm.s32 @!p1 $0x1082;
	[sflag:s4] =	ssyncset.s32 $0xFFFFF086  }
0x25: {  	[simem:s6], [sflag:s4] =	dma.local [hbm:s3], $0xF7A  }
0x26: {  	[smem:$0x3F88] =	sst s1;
	(tag) =	ssettag s2;
	_ =	strace s9  }
0x27: {  	s1 =	sld [smem:$0x3F98]  }
0x28: {  	s2 =	sld [smem:$0x3F99]  }
0x29: {  	s4 =	sld [smem:$0x3F9B]  }
0x2a: {  	p0 =	seq.s32 s5, $0x0;
	s5 =	sld [smem:$0x3F9C]  }
0x2b: {  	s6 =	sld [smem:$0x3F9D]  }
0x2c: {  	s7 =	sld [smem:$0x3F9E]  }
0x2d: {  	s3 =	simm.s32 $0x108;
	s8 =	sld [smem:$0x3F9F]  }
0x2e: {  	s3 =	simm.s32 @!p0 $0x1082;
	s9 =	sld [smem:$0x3FA0]  }
0x2f: {  	lr =	sadd.s32 s0, s3;
	s0 =	sld [smem:$0x3F97]  }
0x30: {  	s3 =	sld [smem:$0x3F9A]  }
0x31: {  	[smem:$0x3FA3] =	sst s10  }
0x32: {  	s10 =	sld [smem:$0x3FA1];
	_ =	sdelay $0x3  }
0x33: {  	p0 =	seq.s32 s10, $0x1;
	s10 =	sld [smem:$0x3FA3];
	_ =	sdelay $0x3  }
0x34: {  	[smem:$0x3FA3] =	sst s10  }
0x35: {  	s10 =	sld [smem:$0x3FA2];
	_ =	sdelay $0x3  }
0x36: {  	p1 =	seq.s32 s10, $0x1;
	s10 =	sld [smem:$0x3FA3];
	_ =	sdelay $0x3  }
0x37: {  	[smem:$0x3FA3] =	sst s10  }
0x38: {  	s10 =	sld [smem:$0x3FA4]  }
0x39: {  	_ = 	snop;
	(pc) =	sbr.ind lr, $3  }
0x3a: {  	_ = 	snop  }
0x3b: {  	_ = 	snop  }
0x3c: {  	p2 =	seq.s32 s10, $0x1;
	s10 =	sld [smem:$0x3FA3]  }
0x3d: {  	_ =	shalt  }
0x3e: {  	_ =	shalt  }
0x3f: {  	_ =	shalt  }
0x40: {  	_ =	shalt  }
0x41: {  	_ =	shalt  }
0x42: {  	_ =	shalt  }
0x43: {  	_ =	shalt  }
0x44: {  	_ =	shalt  }
0x45: {  	_ =	shalt  }
0x46: {  	_ =	shalt  }
0x47: {  	_ =	shalt  }
0x48: {  	_ =	shalt  }
0x49: {  	_ =	shalt  }
0x4a: {  	_ =	shalt  }
0x4b: {  	_ =	shalt  }
0x4c: {  	_ =	shalt  }
0x4d: {  	_ =	shalt  }
0x4e: {  	_ =	shalt  }
0x4f: {  	_ =	shalt  }
0x50: {  	_ =	shalt  }
0x51: {  	_ =	shalt  }
0x52: {  	_ =	shalt  }
0x53: {  	_ =	shalt  }
0x54: {  	_ =	shalt  }
0x55: {  	_ =	shalt  }
0x56: {  	_ =	shalt  }
0x57: {  	_ =	shalt  }
0x58: {  	_ =	shalt  }
0x59: {  	_ =	shalt  }
0x5a: {  	_ =	shalt  }
0x5b: {  	_ =	shalt  }
0x5c: {  	_ =	shalt  }
0x5d: {  	_ =	shalt  }
0x5e: {  	_ =	shalt  }
0x5f: {  	_ =	shalt  }
0x60: {  	_ =	shalt  }
0x61: {  	_ =	shalt  }
0x62: {  	_ =	shalt  }
0x63: {  	_ =	shalt  }
0x64: {  	_ =	shalt  }
0x65: {  	_ =	shalt  }
0x66: {  	_ =	shalt  }
0x67: {  	_ =	shalt  }
0x68: {  	_ =	shalt  }
0x69: {  	_ =	shalt  }
0x6a: {  	_ =	shalt  }
0x6b: {  	_ =	shalt  }
0x6c: {  	_ =	shalt  }
0x6d: {  	_ =	shalt  }
0x6e: {  	_ =	shalt  }
0x6f: {  	_ =	shalt  }
0x70: {  	_ =	shalt  }
0x71: {  	_ =	shalt  }
0x72: {  	_ =	shalt  }
0x73: {  	_ =	shalt  }
0x74: {  	_ =	shalt  }
0x75: {  	_ =	shalt  }
0x76: {  	_ =	shalt  }
0x77: {  	_ =	shalt  }
0x78: {  	_ =	shalt  }
0x79: {  	_ =	shalt  }
0x7a: {  	_ =	shalt  }
0x7b: {  	_ =	shalt  }
0x7c: {  	_ =	shalt  }
0x7d: {  	_ =	shalt  }
0x7e: {  	_ =	shalt  }
0x7f: {  	_ =	shalt  }
0x80: {  	_ =	shalt  }
0x81: {  	_ =	shalt  }
0x82: {  	_ =	shalt  }
0x83: {  	_ =	shalt  }
0x84: {  	_ =	shalt  }
0x85: {  	_ =	shalt  }
0x86: {  	_ =	shalt  }
0x87: {  	_ =	shalt  }
.Lfunc_end0:
.L_simem_size_0:
called_computation.1_lowered:
.L_overlay_start_0:
0x88: {  	s2 =	sld [smem:$0x3FD9]  }
0x89: {  	s3 =	sld [smem:$0x3FFE];
	_ =	sdelay $0x1  }
0x8a: {  	s1 =	srdreg.scid  }
0x8b: {  	s0 =	sand.u32 $0x1, s1  }
0x8c: {  	s14 =	sshll.u32 s0, $0xA;
	s2 =	sadd.s32 s3, s2  }
0x8d: {  	s2 =	sadd.s32 s2, s14  }
0x8e: {  	[smem:$0x3FAF] =	sst s2  }
0x8f: {  	_ = 	snop  }
0x90: {  	s2 =	sld [smem:$0x3FD0];
	_ =	sdelay $0x2  }
0x91: {  	s15 =	simm.s32 $0xA;
	s4 =	simm.s32 $0x10  }
0x92: {  	[smem:s4], [sflag:s15] =	dma.local [hbm:s2], $0x1  }
0x93: {  	_ =	swait.eq [sflag:s15], $0x1  }
0x94: {  	[sflag:s15] =	ssyncset.done $0x0  }
0x95: {  	[sflag:s15] =	ssyncadd.s32 $0xFFFFFFFF  }
0x96: {  	s16 =	sld [smem:$0x11];
	(tm) =	ssettm $0x1  }
0x97: {  	s17 =	sld [smem:$0x3FFB];
	_ =	sdelay $0x3  }
0x98: {  	_ =	strace s17  }
0x99: {  	s3 =	sld [smem:$0x3FFC];
	_ =	sdelay $0x3  }
0x9a: {  	_ =	strace s3  }
0x9b: {  	s3 =	sld [smem:$0x3FFD];
	_ =	sdelay $0x3  }
0x9c: {  	_ =	strace s3  }
0x9d: {  	_ =	strace $0x8FFFFFFF  }
0x9e: {  	s18 =	sld [smem:$0x3FDB];
	_ =	sdelay $0x1  }
0x9f: {  	s19 =	simm.s32 $_scs_section_size  }
0xa0: {  	s5 =	simm.s32 $_size__tile_overlayer_lowered;
	s6 =	simm.s32 $_tile_overlayer_lowered  }
0xa1: {  	s22 =	simm.s32 $0x1BFF;
	s21 =	sshll.u32 s6, $0x1;
	s3 =	sadd.s32 s19, s18  }
0xa2: {  	s7 =	simm.s32 $0x0;
	s20 =	sshll.u32 s5, $0x1;
	s5 =	sadd.s32 s21, s3  }
0xa3: {  	[timem:s7], [sflag:s22] =	dma.local [hbm:s5], s20  }
0xa4: {  	_ =	swait.ge [sflag:s22], s20  }
0xa5: {  	s4 =	ssub.s32 $0x0, s20;
	[sflag:s22] =	ssyncset.done $0x0  }
0xa6: {  	[sflag:s22] =	ssyncadd.s32 s4;
	_ =	sdelay $0x1  }
0xa7: {  	s23 =	simm.s32 $0x1B8B  }
0xa8: {  	_ =	swait.ge [sflag:s23], $0x1  }
0xa9: {  	[sflag:s23] =	ssyncset.done $0x0  }
0xaa: {  	s25 =	simm.s32 $0x1B8E;
	s24 =	sld [smem:$0x3FFE];
	[sflag:s23] =	ssyncadd.s32 $0xFFFFFFFF  }
0xab: {  	s26 =	simm.s32 $execute0_lowered;
	[smem:$0x3FD2] =	sst s25  }
0xac: {  	s5 =	sshll.u32 s26, $0x1;
	_ =	strace $0x80000049;
	[dreg:$0x1] =	wrdreg $0xFFFFFFFF  }
0xad: {  	s28 =	simm.s32 $_size_execute0_lowered;
	s3 =	sadd.s32 s3, s5;
	[dreg:$0x0] =	wrdreg $0x0  }
0xae: {  	s5 =	sshll.u32 s28, $0x1;
	[dreg:$0x2] =	wrdreg s3  }
0xaf: {  	[dreg:$0x3] =	wrdreg s5  }
0xb0: {  	[dreg:$0x4] =	wrdreg $0xC0  }
0xb1: {  	_ =	task [dreg:s7], $0x5FFFF  }
0xb2: {  	[dreg:$0x1] =	wrdreg $0xFFFFFFFF  }
0xb3: {  	[dreg:$0x0] =	wrdreg $0x60  }
0xb4: {  	[dreg:$0x2] =	wrdreg s16  }
0xb5: {  	[dreg:$0x3] =	wrdreg s24  }
0xb6: {  	[dreg:$0x4] =	wrdreg $0x9  }
0xb7: {  	_ =	task.clear_ibuf [dreg:s7], $0x5FFFF;
	_ =	strace $0x90000049  }
0xb8: {  	s29 =	simm.s32 $0x9;
	_ =	strace $0x8000004B  }
0xb9: {  	_ =	swait.ge [sflag:s29], $0x1  }
0xba: {  	[sflag:s29] =	ssyncadd.s32 $0xFFFFFFFF  }
0xbb: {  	_ =	strace $0x9000004B  }
0xbc: {  	_ =	sfence  }
0xbd: {  	s30 =	sld [smem:$0x0];
	_ =	sdelay $0x2  }
0xbe: {  	s31 =	sshll.u32 s1, $0xD;
	s1 =	sshrl.u32 s1, $0x2  }
0xbf: {  	s3 =	sand.u32 $0x4000, s31;
	s1 =	sadd.s32 s1, s30  }
0xc0: {  	s0 =	sor.u32 s3, s0;
	s1 =	sshll.u32 s1, $0x11  }
0xc1: {  	s0 =	sor.u32 s1, s0  }
0xc2: {  	s0 =	sadd.s32 $0x8F2B, s0  }
0xc3: {  	[sflag:s0] =	ssyncadd.remote.s32 $0x1  }
0xc4: {  	_ =	sfence.sel $0xFFFF  }
0xc5: {  	[dreg:$0x0] =	wrdreg $0xFFFFFFFF;
	(pc) =	sbr.abs _section_cstart, $3  }
0xc6: {  	[dreg:$0x1] =	wrdreg $0xFFFFFFFF  }
0xc7: {  	_ =	task.clear_ibuf [dreg:s7], $0x2FFFF;
	_ =	strace $0x9FFFFFFF  }
0xc8: {  	(tm) =	ssettm $0x7FFFFFFF  }
0xc9: {  	_ =	shalt  }
tec
execute0_lowered:
.L_overlay_start_1:
0x0: {  	(tag) =	ssettag $0x1  }
0x1: {  	s2 =	rddreg [dreg:$0x0]  }
0x2: {  	s4 =	rddreg [dreg:$0x1];
	s3 =	srdreg.scid  }
0x3: {  	s0 =	rddreg [dreg:$0x2];
	s1 =	stileid.u32  }
0x4: {  	s11 =	simm.s32 $0x1000;
	s12 =	simm.s32 $0x5000;
	s13 =	simm.s32 $0x1  }
0x5: {  	s14 =	simm.s32 $0x2;
	s15 =	simm.s32 $0x0;
	s7 =	sand.u32 $0x1, s3  }
0x6: {  	s3 =	simm.s32 $0x0;
	s5 =	sshll.u32 s1, $0xD;
	s9 =	sadd.s32 $0x26600, s4  }
0x7: {  	s30 =	sshll.u32 s1, $0x11;
	s6 =	sshll.u32 s7, $0xC;
	[smem:$0x7FF] =	sst s3  }
0x8: {  	s8 =	ssub.s32 $0x2, s7;
	s31 =	sshll.u32 s7, $0x10;
	s5 =	sor.u32 s6, s5  }
0x9: {  	_ =	strace $0x8000004A;
	s10 =	sshrl.u32 s8, $0x1;
	s6 =	sshrl.u32 s5, $0x3  }
0xa: {  	s5 =	sshll.u32 s5, $0x4;
	s8 =	ssub.s32 s8, s10;
	s10 =	simm.s32 $0x80  }
0xb: {  	s4 =	sadd.s32 s6, s4;
	s29 =	sadd.s32 s5, s9;
	s9 =	sadd.s32 s30, s9  }
0xc: {  	s7 =	smax.u32 s8, $0x1;
	s4 =	sadd.s32 $0x22600, s4;
	s5 =	sadd.s32 $0xF000, s29  }
0xd: {  	s6 =	sadd.s32 $0xF800, s29;
	s8 =	sadd.s32 s31, s9;
	s9 =	simm.s32 $0x3  }
.LBB2_1:
0xe: {  	[tilespmem:s3], [sflag:$0x3] =	stream.linear.gather [hbm4b:s4+s3], $0x1000, $0x38;
	[tilespmem:$0x9000] =	vst v63  }
0xf: {  	_ =	swait.ge [sflag:s9], $0x1000  }
0x10: {  	[sflag:s9] =	ssyncset.done $0x0  }
0x11: {  	[sflag:s9] =	ssyncadd.s32 $0xFFFFF000  }
0x12: {  	[tilespmem:s11], [sflag:$0x1] =	stream.indirect.gather [hbm4b:s2+s10], $0x80, s3, s10, $0xb8;
	[tilespmem:$0x9000] =	vst v63  }
0x13: {  	_ = 	snop  }
0x14: {  	[tilespmem:s12], [sflag:$0x2] =	stream.indirect.gather [hbm4b:s2+s10], $0x80, s10, s10, $0xb8;
	[tilespmem:$0x9000] =	vst v63  }
0x15: {  	_ =	swait.ge [sflag:s13], $0x4000  }
0x16: {  	[sflag:s13] =	ssyncset.done $0x0  }
0x17: {  	s16 =	sadd.s32 $0x0, s8;
	[sflag:s13] =	ssyncadd.s32 $0xFFFFC000  }
0x18: {  	[hbm4b:s16+s3] =	stream.linear.scatter [tilespmem:s11], [sflag:$0x3], $0x4000, $0x38;
	[tilespmem:$0x9000] =	vst v63  }
0x19: {  	_ =	swait.ge [sflag:s9], $0x4000  }
0x1a: {  	[sflag:s9] =	ssyncset.done $0x0  }
0x1b: {  	s17 =	simm.s32 $0x100;
	[sflag:s9] =	ssyncadd.s32 $0xFFFFC000  }
0x1c: {  	[tilespmem:s11], [sflag:$0x1] =	stream.indirect.gather [hbm4b:s2+s10], $0x80, s17, s10, $0xb8;
	[tilespmem:$0x9000] =	vst v63  }
0x1d: {  	_ =	swait.ge [sflag:s14], $0x4000  }
0x1e: {  	[sflag:s14] =	ssyncset.done $0x0  }
0x1f: {  	s16 =	sadd.s32 $0x800, s16;
	[sflag:s14] =	ssyncadd.s32 $0xFFFFC000  }
0x20: {  	[hbm4b:s16+s3] =	stream.linear.scatter [tilespmem:s12], [sflag:$0x3], $0x4000, $0x38;
	[tilespmem:$0x9000] =	vst v63  }
0x21: {  	_ =	swait.ge [sflag:s9], $0x4000  }
0x22: {  	s18 =	simm.s32 $0x280;
	[sflag:s9] =	ssyncset.done $0x0  }
0x23: {  	s17 =	simm.s32 $0x1000;
	s16 =	simm.s32 $0x180;
	[sflag:s9] =	ssyncadd.s32 $0xFFFFC000  }
.LBB2_2:
0x24: {  	[tilespmem:s12], [sflag:$0x2] =	stream.indirect.gather [hbm4b:s2+s10], $0x80, s16, s10, $0xb8;
	[tilespmem:$0x9000] =	vst v63  }
0x25: {  	s19 =	smov.u32 s17;
	s16 =	smov.u32 s18  }
0x26: {  	p0 =	sne.s32 s17, $0xE000;
	s17 =	sadd.s32 $0x1000, s17;
	_ =	swait.ge [sflag:s13], $0x4000  }
0x27: {  	[sflag:s13] =	ssyncset.done $0x0  }
0x28: {  	s19 =	sadd.s32 s19, s8;
	[sflag:s13] =	ssyncadd.s32 $0xFFFFC000  }
0x29: {  	[hbm4b:s19+s3] =	stream.linear.scatter [tilespmem:s11], [sflag:$0x3], $0x4000, $0x38;
	[tilespmem:$0x9000] =	vst v63  }
0x2a: {  	_ =	swait.ge [sflag:s9], $0x4000  }
0x2b: {  	[sflag:s9] =	ssyncset.done $0x0  }
0x2c: {  	s20 =	sadd.s32 $0xFFFFFF80, s18;
	[sflag:s9] =	ssyncadd.s32 $0xFFFFC000  }
0x2d: {  	[tilespmem:s11], [sflag:$0x1] =	stream.indirect.gather [hbm4b:s2+s10], $0x80, s20, s10, $0xb8;
	[tilespmem:$0x9000] =	vst v63  }
0x2e: {  	_ =	swait.ge [sflag:s14], $0x4000  }
0x2f: {  	[sflag:s14] =	ssyncset.done $0x0  }
.Ltmp0:
0x30: {  	s19 =	sadd.s32 $0x800, s19;
	[sflag:s14] =	ssyncadd.s32 $0xFFFFC000;
	(pc) =	sbr.rel @p0 .LBB2_2-.Ltmp0, $4  }
0x31: {  	[hbm4b:s19+s3] =	stream.linear.scatter [tilespmem:s12], [sflag:$0x3], $0x4000, $0x38;
	[tilespmem:$0x9000] =	vst v63  }
0x32: {  	_ =	swait.ge [sflag:s9], $0x4000  }
0x33: {  	[sflag:s9] =	ssyncset.done $0x0  }
0x34: {  	s18 =	sadd.s32 $0x100, s18;
	[sflag:s9] =	ssyncadd.s32 $0xFFFFC000  }
0x35: {  	[tilespmem:s12], [sflag:$0x2] =	stream.indirect.gather [hbm4b:s2+s10], $0x80, s16, s10, $0xb8;
	[tilespmem:$0x9000] =	vst v63  }
0x36: {  	_ =	swait.ge [sflag:s13], $0x4000  }
0x37: {  	[sflag:s13] =	ssyncset.done $0x0  }
0x38: {  	[sflag:s13] =	ssyncadd.s32 $0xFFFFC000  }
0x39: {  	[hbm4b:s5+s3] =	stream.linear.scatter [tilespmem:s11], [sflag:$0x3], $0x4000, $0x38;
	[tilespmem:$0x9000] =	vst v63  }
0x3a: {  	_ =	swait.ge [sflag:s9], $0x4000  }
0x3b: {  	[sflag:s9] =	ssyncset.done $0x0  }
0x3c: {  	[sflag:s9] =	ssyncadd.s32 $0xFFFFC000  }
0x3d: {  	s15 =	sadd.s32 $0x1, s15;
	_ =	swait.ge [sflag:s14], $0x4000  }
0x3e: {  	p0 =	sne.s32 s15, s7;
	[sflag:s14] =	ssyncset.done $0x0  }
.Ltmp1:
0x3f: {  	[sflag:s14] =	ssyncadd.s32 $0xFFFFC000;
	(pc) =	sbr.rel @p0 .LBB2_1-.Ltmp1, $4  }
0x40: {  	[hbm4b:s6+s3] =	stream.linear.scatter [tilespmem:s12], [sflag:$0x3], $0x4000, $0x38;
	[tilespmem:$0x9000] =	vst v63  }
0x41: {  	_ =	swait.ge [sflag:s9], $0x4000  }
0x42: {  	[sflag:s9] =	ssyncset.done $0x0  }
0x43: {  	[sflag:s9] =	ssyncadd.s32 $0xFFFFC000  }
0x44: {  	_ =	sfence.sel $0x180000  }
0x45: {  	[bflag:$0x0] =	sbarrier.arrive $0xFFFF  }
0x46: {  	p0 =	sne.s32 s1, $0x0;
	_ =	strace $0x9000004A  }
0x47: {  	s0 =	sadd.s32 @!p0 $0x100000, s0;
	[bflag:$0x2] =	sbarrier.arrive $0xFFFF  }
0x48: {  	[sflag:s0] =	ssyncadd.tile.s32 @!p0 $0x1;
	_ =	shalt  }
.Lfunc_end2:
_tile_overlayer_lowered:
.L_overlay_start_2:
0x49: {  	(tag) =	ssettag $0x2  }
0x4a: {  	s0 =	rddreg [dreg:$0x0];
	s2 =	stileid.u32  }
0x4b: {  	s1 =	rddreg [dreg:$0x1];
	p0 =	sne.s32 s2, $0x0  }
0x4c: {  	s3 =	rddreg [dreg:$0x2];
	[bflag:$0x3] =	sbarrier.arrive $0xFFFF;
	s2 =	simm.s32 @!p0 $0x1C03  }
0x4d: {  	[timem:s3], [sflag:s2] =	dma.local @!p0 [hbm:s0], s1  }
0x4e: {  	s0 =	simm.s32 @!p0 $0x3  }
0x4f: {  	_ =	swait.ge @!p0 [sflag:s0], s1  }
0x50: {  	s1 =	ssub.s32 @!p0 $0x0, s1;
	[sflag:s0] =	ssyncset.done @!p0 $0x0  }
0x51: {  	[sflag:s0] =	ssyncadd.s32 @!p0 s1  }
0x52: {  	[bflag:$0x3] =	sbarrier.arrive $0xFFFF  }
0x53: {  	_ =	shalt  }

// kernel: kernel.19.cloned.1.call-start
scs
__scs_entry_jumppad:
0x0: {  	(pc) =	sbr.rel $0x88, $3  }
0x1: {  	(tag) =	ssettag $0x0;
	lr =	simm.s32 $0x1  }
0x2: {  	[smem:$0x3F88] =	sst lr;
	_ =	strace $0xD0000000  }
0x3: {  	_ = 	snop  }
0x4: {  	_ = 	snop  }
0x5: {  	_ = 	snop  }
0x6: {  	_ = 	snop  }
0x7: {  	_ = 	snop  }
__scs_overlays_trampoline_lowered:
0x8: {  	[smem:$0x3F97] =	sst s0  }
0x9: {  	[smem:$0x3F98] =	sst s1  }
0xa: {  	[smem:$0x3F99] =	sst s2  }
0xb: {  	[smem:$0x3F9A] =	sst s3  }
0xc: {  	[smem:$0x3F9B] =	sst s4  }
0xd: {  	[smem:$0x3F9C] =	sst s5  }
0xe: {  	[smem:$0x3F9D] =	sst s6  }
0xf: {  	[smem:$0x3F9E] =	sst s7  }
0x10: {  	[smem:$0x3F9F] =	sst s8  }
0x11: {  	[smem:$0x3FA0] =	sst s9;
	s0 =	simm.s32 @!p0 $0x0  }
0x12: {  	s1 =	sld [smem:$0x3F86];
	s0 =	simm.s32 @p0 $0x1  }
0x13: {  	[smem:$0x3FA1] =	sst s0;
	s0 =	simm.s32 @!p1 $0x0  }
0x14: {  	s2 =	sld [smem:$0x3F85];
	s0 =	simm.s32 @p1 $0x1  }
0x15: {  	[smem:$0x3FA2] =	sst s0;
	s0 =	simm.s32 @!p2 $0x0  }
0x16: {  	s3 =	sld [smem:$0x3FDB];
	s0 =	simm.s32 @p2 $0x1  }
0x17: {  	s4 =	simm.s32 $0x1BF5;
	[smem:$0x3FA4] =	sst s0  }
0x18: {  	s0 =	sld [smem:$0x3F87];
	_ =	swait.ge [sflag:s4], $0x0  }
0x19: {  	s7 =	sld [smem:$0x3F88]  }
0x1a: {  	s8 =	sadd.s32 $0xFFFFE003, lr  }
0x1b: {  	s9 =	sadd.s32 $0xFFFFFEF7, lr;
	s5 =	simm.s32 $0xFFFFFFFF;
	p2 =	slt.u32 s8, $0xFFFFF086  }
0x1c: {  	p1 =	slt.u32 s9, $0xF7A;
	s5 =	simm.s32 @!p2 $0x0  }
0x1d: {  	s5 =	simm.s32 @p1 $0x1;
	p0 =	seq.s32 s7, s2  }
0x1e: {  	s7 =	smul.u32 @!p0 $0xF7A, s2;
	p2 =	seq.s32 @!p0 s5, $0x0  }
0x1f: {  	s9 =	smul.u32 $0xF7A, s1;
	s8 =	simm.s32 @!p0 $0x1BF5;
	p2 =	por !p2, p0  }
0x20: {  	[sflag:s8] =	ssyncset.s32 @!p0 $0xFFFFF086;
	s6 =	sadd.s32 @!p0 s3, s7;
	s7 =	simm.s32 @!p0 $0x108  }
0x21: {  	s3 =	sadd.s32 s3, s9;
	s6 =	sadd.s32 @!p0 $0x88, s6;
	s7 =	simm.s32 @p2 $0x1082  }
0x22: {  	[simem:s7], [sflag:s8] =	dma.local @!p0 [hbm:s6], $0xF7A  }
0x23: {  	s9 =	sor.u32 $0xD0000000, s2;
	s6 =	simm.s32 $0x108;
	_ =	swait.ge @!p0 [sflag:s8], $0x0  }
0x24: {  	s3 =	sadd.s32 $0x88, s3;
	s6 =	simm.s32 @!p1 $0x1082;
	[sflag:s4] =	ssyncset.s32 $0xFFFFF086  }
0x25: {  	[simem:s6], [sflag:s4] =	dma.local [hbm:s3], $0xF7A  }
0x26: {  	[smem:$0x3F88] =	sst s1;
	(tag) =	ssettag s2;
	_ =	strace s9  }
0x27: {  	s1 =	sld [smem:$0x3F98]  }
0x28: {  	s2 =	sld [smem:$0x3F99]  }
0x29: {  	s4 =	sld [smem:$0x3F9B]  }
0x2a: {  	p0 =	seq.s32 s5, $0x0;
	s5 =	sld [smem:$0x3F9C]  }
0x2b: {  	s6 =	sld [smem:$0x3F9D]  }
0x2c: {  	s7 =	sld [smem:$0x3F9E]  }
0x2d: {  	s3 =	simm.s32 $0x108;
	s8 =	sld [smem:$0x3F9F]  }
0x2e: {  	s3 =	simm.s32 @!p0 $0x1082;
	s9 =	sld [smem:$0x3FA0]  }
0x2f: {  	lr =	sadd.s32 s0, s3;
	s0 =	sld [smem:$0x3F97]  }
0x30: {  	s3 =	sld [smem:$0x3F9A]  }
0x31: {  	[smem:$0x3FA3] =	sst s10  }
0x32: {  	s10 =	sld [smem:$0x3FA1];
	_ =	sdelay $0x3  }
0x33: {  	p0 =	seq.s32 s10, $0x1;
	s10 =	sld [smem:$0x3FA3];
	_ =	sdelay $0x3  }
0x34: {  	[smem:$0x3FA3] =	sst s10  }
0x35: {  	s10 =	sld [smem:$0x3FA2];
	_ =	sdelay $0x3  }
0x36: {  	p1 =	seq.s32 s10, $0x1;
	s10 =	sld [smem:$0x3FA3];
	_ =	sdelay $0x3  }
0x37: {  	[smem:$0x3FA3] =	sst s10  }
0x38: {  	s10 =	sld [smem:$0x3FA4]  }
0x39: {  	_ = 	snop;
	(pc) =	sbr.ind lr, $3  }
0x3a: {  	_ = 	snop  }
0x3b: {  	_ = 	snop  }
0x3c: {  	p2 =	seq.s32 s10, $0x1;
	s10 =	sld [smem:$0x3FA3]  }
0x3d: {  	_ =	shalt  }
0x3e: {  	_ =	shalt  }
0x3f: {  	_ =	shalt  }
0x40: {  	_ =	shalt  }
0x41: {  	_ =	shalt  }
0x42: {  	_ =	shalt  }
0x43: {  	_ =	shalt  }
0x44: {  	_ =	shalt  }
0x45: {  	_ =	shalt  }
0x46: {  	_ =	shalt  }
0x47: {  	_ =	shalt  }
0x48: {  	_ =	shalt  }
0x49: {  	_ =	shalt  }
0x4a: {  	_ =	shalt  }
0x4b: {  	_ =	shalt  }
0x4c: {  	_ =	shalt  }
0x4d: {  	_ =	shalt  }
0x4e: {  	_ =	shalt  }
0x4f: {  	_ =	shalt  }
0x50: {  	_ =	shalt  }
0x51: {  	_ =	shalt  }
0x52: {  	_ =	shalt  }
0x53: {  	_ =	shalt  }
0x54: {  	_ =	shalt  }
0x55: {  	_ =	shalt  }
0x56: {  	_ =	shalt  }
0x57: {  	_ =	shalt  }
0x58: {  	_ =	shalt  }
0x59: {  	_ =	shalt  }
0x5a: {  	_ =	shalt  }
0x5b: {  	_ =	shalt  }
0x5c: {  	_ =	shalt  }
0x5d: {  	_ =	shalt  }
0x5e: {  	_ =	shalt  }
0x5f: {  	_ =	shalt  }
0x60: {  	_ =	shalt  }
0x61: {  	_ =	shalt  }
0x62: {  	_ =	shalt  }
0x63: {  	_ =	shalt  }
0x64: {  	_ =	shalt  }
0x65: {  	_ =	shalt  }
0x66: {  	_ =	shalt  }
0x67: {  	_ =	shalt  }
0x68: {  	_ =	shalt  }
0x69: {  	_ =	shalt  }
0x6a: {  	_ =	shalt  }
0x6b: {  	_ =	shalt  }
0x6c: {  	_ =	shalt  }
0x6d: {  	_ =	shalt  }
0x6e: {  	_ =	shalt  }
0x6f: {  	_ =	shalt  }
0x70: {  	_ =	shalt  }
0x71: {  	_ =	shalt  }
0x72: {  	_ =	shalt  }
0x73: {  	_ =	shalt  }
0x74: {  	_ =	shalt  }
0x75: {  	_ =	shalt  }
0x76: {  	_ =	shalt  }
0x77: {  	_ =	shalt  }
0x78: {  	_ =	shalt  }
0x79: {  	_ =	shalt  }
0x7a: {  	_ =	shalt  }
0x7b: {  	_ =	shalt  }
0x7c: {  	_ =	shalt  }
0x7d: {  	_ =	shalt  }
0x7e: {  	_ =	shalt  }
0x7f: {  	_ =	shalt  }
0x80: {  	_ =	shalt  }
0x81: {  	_ =	shalt  }
0x82: {  	_ =	shalt  }
0x83: {  	_ =	shalt  }
0x84: {  	_ =	shalt  }
0x85: {  	_ =	shalt  }
0x86: {  	_ =	shalt  }
0x87: {  	_ =	shalt  }
.Lfunc_end0:
.L_simem_size_0:
called_computation.2_lowered:
.L_overlay_start_0:
0x88: {  	s2 =	sld [smem:$0x3FD9]  }
0x89: {  	s3 =	sld [smem:$0x3FFE];
	_ =	sdelay $0x1  }
0x8a: {  	s1 =	srdreg.scid  }
0x8b: {  	s0 =	sand.u32 $0x1, s1  }
0x8c: {  	s14 =	sshll.u32 s0, $0xA;
	s2 =	sadd.s32 s3, s2  }
0x8d: {  	s2 =	sadd.s32 s2, s14  }
0x8e: {  	[smem:$0x3FAF] =	sst s2  }
0x8f: {  	_ = 	snop  }
0x90: {  	s2 =	sld [smem:$0x3FD0];
	_ =	sdelay $0x2  }
0x91: {  	s15 =	simm.s32 $0xA;
	s4 =	simm.s32 $0x10  }
0x92: {  	[smem:s4], [sflag:s15] =	dma.local [hbm:s2], $0x1  }
0x93: {  	_ =	swait.eq [sflag:s15], $0x1  }
0x94: {  	[sflag:s15] =	ssyncset.done $0x0  }
0x95: {  	[sflag:s15] =	ssyncadd.s32 $0xFFFFFFFF  }
0x96: {  	s16 =	sld [smem:$0x10];
	(tm) =	ssettm $0x1  }
0x97: {  	s17 =	sld [smem:$0x3FFB];
	_ =	sdelay $0x3  }
0x98: {  	_ =	strace s17  }
0x99: {  	s3 =	sld [smem:$0x3FFC];
	_ =	sdelay $0x3  }
0x9a: {  	_ =	strace s3  }
0x9b: {  	s3 =	sld [smem:$0x3FFD];
	_ =	sdelay $0x3  }
0x9c: {  	_ =	strace s3  }
0x9d: {  	_ =	strace $0x8FFFFFFF  }
0x9e: {  	s18 =	sld [smem:$0x3FDB];
	_ =	sdelay $0x1  }
0x9f: {  	s19 =	simm.s32 $_scs_section_size  }
0xa0: {  	s5 =	simm.s32 $_size__tile_overlayer_lowered;
	s6 =	simm.s32 $_tile_overlayer_lowered  }
0xa1: {  	s22 =	simm.s32 $0x1BFF;
	s21 =	sshll.u32 s6, $0x1;
	s3 =	sadd.s32 s19, s18  }
0xa2: {  	s7 =	simm.s32 $0x0;
	s20 =	sshll.u32 s5, $0x1;
	s5 =	sadd.s32 s21, s3  }
0xa3: {  	[timem:s7], [sflag:s22] =	dma.local [hbm:s5], s20  }
0xa4: {  	_ =	swait.ge [sflag:s22], s20  }
0xa5: {  	s4 =	ssub.s32 $0x0, s20;
	[sflag:s22] =	ssyncset.done $0x0  }
0xa6: {  	[sflag:s22] =	ssyncadd.s32 s4;
	_ =	sdelay $0x1  }
0xa7: {  	s23 =	simm.s32 $0x1B8B  }
0xa8: {  	_ =	swait.ge [sflag:s23], $0x1  }
0xa9: {  	[sflag:s23] =	ssyncset.done $0x0  }
0xaa: {  	s25 =	simm.s32 $0x1B8E;
	s24 =	sld [smem:$0x3FFE];
	[sflag:s23] =	ssyncadd.s32 $0xFFFFFFFF  }
0xab: {  	s26 =	simm.s32 $execute0_lowered;
	[smem:$0x3FD2] =	sst s25  }
0xac: {  	s5 =	sshll.u32 s26, $0x1;
	_ =	strace $0x8000004C;
	[dreg:$0x1] =	wrdreg $0xFFFFFFFF  }
0xad: {  	s28 =	simm.s32 $_size_execute0_lowered;
	s3 =	sadd.s32 s3, s5;
	[dreg:$0x0] =	wrdreg $0x0  }
0xae: {  	s5 =	sshll.u32 s28, $0x1;
	[dreg:$0x2] =	wrdreg s3  }
0xaf: {  	[dreg:$0x3] =	wrdreg s5  }
0xb0: {  	[dreg:$0x4] =	wrdreg $0xC0  }
0xb1: {  	_ =	task [dreg:s7], $0x5FFFF  }
0xb2: {  	[dreg:$0x1] =	wrdreg $0xFFFFFFFF  }
0xb3: {  	[dreg:$0x0] =	wrdreg $0x60  }
0xb4: {  	[dreg:$0x2] =	wrdreg s16  }
0xb5: {  	[dreg:$0x3] =	wrdreg s24  }
0xb6: {  	[dreg:$0x4] =	wrdreg $0x9  }
0xb7: {  	_ =	task.clear_ibuf [dreg:s7], $0x5FFFF;
	_ =	strace $0x9000004C  }
0xb8: {  	s29 =	simm.s32 $0x9;
	_ =	strace $0x8000004E  }
0xb9: {  	_ =	swait.ge [sflag:s29], $0x1  }
0xba: {  	[sflag:s29] =	ssyncadd.s32 $0xFFFFFFFF  }
0xbb: {  	_ =	strace $0x9000004E  }
0xbc: {  	_ =	sfence  }
0xbd: {  	s30 =	sld [smem:$0x0];
	_ =	sdelay $0x2  }
0xbe: {  	s31 =	sshll.u32 s1, $0xD;
	s1 =	sshrl.u32 s1, $0x2  }
0xbf: {  	s3 =	sand.u32 $0x4000, s31;
	s1 =	sadd.s32 s1, s30  }
0xc0: {  	s0 =	sor.u32 s3, s0;
	s1 =	sshll.u32 s1, $0x11  }
0xc1: {  	s0 =	sor.u32 s1, s0  }
0xc2: {  	s0 =	sadd.s32 $0x8F2B, s0  }
0xc3: {  	[sflag:s0] =	ssyncadd.remote.s32 $0x1  }
0xc4: {  	_ =	sfence.sel $0xFFFF  }
0xc5: {  	[dreg:$0x0] =	wrdreg $0xFFFFFFFF;
	(pc) =	sbr.abs _section_cstart, $3  }
0xc6: {  	[dreg:$0x1] =	wrdreg $0xFFFFFFFF  }
0xc7: {  	_ =	task.clear_ibuf [dreg:s7], $0x2FFFF;
	_ =	strace $0x9FFFFFFF  }
0xc8: {  	(tm) =	ssettm $0x7FFFFFFF  }
0xc9: {  	_ =	shalt  }
tec
execute0_lowered:
.L_overlay_start_1:
0x0: {  	(tag) =	ssettag $0x1  }
0x1: {  	s2 =	rddreg [dreg:$0x0]  }
0x2: {  	s4 =	rddreg [dreg:$0x1];
	s3 =	srdreg.scid  }
0x3: {  	s0 =	rddreg [dreg:$0x2];
	s1 =	stileid.u32  }
0x4: {  	s11 =	simm.s32 $0x1000;
	s12 =	simm.s32 $0x5000;
	s13 =	simm.s32 $0x1  }
0x5: {  	s14 =	simm.s32 $0x2;
	s15 =	simm.s32 $0x0;
	s7 =	sand.u32 $0x1, s3  }
0x6: {  	s3 =	simm.s32 $0x0;
	s5 =	sshll.u32 s1, $0xD;
	s9 =	sadd.s32 $0x26600, s4  }
0x7: {  	s30 =	sshll.u32 s1, $0x11;
	s6 =	sshll.u32 s7, $0xC;
	[smem:$0x7FF] =	sst s3  }
0x8: {  	s8 =	ssub.s32 $0x2, s7;
	s31 =	sshll.u32 s7, $0x10;
	s5 =	sor.u32 s6, s5  }
0x9: {  	_ =	strace $0x8000004D;
	s10 =	sshrl.u32 s8, $0x1;
	s6 =	sshrl.u32 s5, $0x3  }
0xa: {  	s5 =	sshll.u32 s5, $0x4;
	s8 =	ssub.s32 s8, s10;
	s10 =	simm.s32 $0x80  }
0xb: {  	s4 =	sadd.s32 s6, s4;
	s29 =	sadd.s32 s5, s9;
	s9 =	sadd.s32 s30, s9  }
0xc: {  	s7 =	smax.u32 s8, $0x1;
	s4 =	sadd.s32 $0x22600, s4;
	s5 =	sadd.s32 $0xF000, s29  }
0xd: {  	s6 =	sadd.s32 $0xF800, s29;
	s8 =	sadd.s32 s31, s9;
	s9 =	simm.s32 $0x3  }
.LBB2_1:
0xe: {  	[tilespmem:s3], [sflag:$0x3] =	stream.linear.gather [hbm4b:s4+s3], $0x1000, $0x38;
	[tilespmem:$0x9000] =	vst v63  }
0xf: {  	_ =	swait.ge [sflag:s9], $0x1000  }
0x10: {  	[sflag:s9] =	ssyncset.done $0x0  }
0x11: {  	[sflag:s9] =	ssyncadd.s32 $0xFFFFF000  }
0x12: {  	[tilespmem:s11], [sflag:$0x1] =	stream.indirect.gather [hbm4b:s2+s10], $0x80, s3, s10, $0xb8;
	[tilespmem:$0x9000] =	vst v63  }
0x13: {  	_ = 	snop  }
0x14: {  	[tilespmem:s12], [sflag:$0x2] =	stream.indirect.gather [hbm4b:s2+s10], $0x80, s10, s10, $0xb8;
	[tilespmem:$0x9000] =	vst v63  }
0x15: {  	_ =	swait.ge [sflag:s13], $0x4000  }
0x16: {  	[sflag:s13] =	ssyncset.done $0x0  }
0x17: {  	s16 =	sadd.s32 $0x0, s8;
	[sflag:s13] =	ssyncadd.s32 $0xFFFFC000  }
0x18: {  	[hbm4b:s16+s3] =	stream.linear.scatter [tilespmem:s11], [sflag:$0x3], $0x4000, $0x38;
	[tilespmem:$0x9000] =	vst v63  }
0x19: {  	_ =	swait.ge [sflag:s9], $0x4000  }
0x1a: {  	[sflag:s9] =	ssyncset.done $0x0  }
0x1b: {  	s17 =	simm.s32 $0x100;
	[sflag:s9] =	ssyncadd.s32 $0xFFFFC000  }
0x1c: {  	[tilespmem:s11], [sflag:$0x1] =	stream.indirect.gather [hbm4b:s2+s10], $0x80, s17, s10, $0xb8;
	[tilespmem:$0x9000] =	vst v63  }
0x1d: {  	_ =	swait.ge [sflag:s14], $0x4000  }
0x1e: {  	[sflag:s14] =	ssyncset.done $0x0  }
0x1f: {  	s16 =	sadd.s32 $0x800, s16;
	[sflag:s14] =	ssyncadd.s32 $0xFFFFC000  }
0x20: {  	[hbm4b:s16+s3] =	stream.linear.scatter [tilespmem:s12], [sflag:$0x3], $0x4000, $0x38;
	[tilespmem:$0x9000] =	vst v63  }
0x21: {  	_ =	swait.ge [sflag:s9], $0x4000  }
0x22: {  	s18 =	simm.s32 $0x280;
	[sflag:s9] =	ssyncset.done $0x0  }
0x23: {  	s17 =	simm.s32 $0x1000;
	s16 =	simm.s32 $0x180;
	[sflag:s9] =	ssyncadd.s32 $0xFFFFC000  }
.LBB2_2:
0x24: {  	[tilespmem:s12], [sflag:$0x2] =	stream.indirect.gather [hbm4b:s2+s10], $0x80, s16, s10, $0xb8;
	[tilespmem:$0x9000] =	vst v63  }
0x25: {  	s19 =	smov.u32 s17;
	s16 =	smov.u32 s18  }
0x26: {  	p0 =	sne.s32 s17, $0xE000;
	s17 =	sadd.s32 $0x1000, s17;
	_ =	swait.ge [sflag:s13], $0x4000  }
0x27: {  	[sflag:s13] =	ssyncset.done $0x0  }
0x28: {  	s19 =	sadd.s32 s19, s8;
	[sflag:s13] =	ssyncadd.s32 $0xFFFFC000  }
0x29: {  	[hbm4b:s19+s3] =	stream.linear.scatter [tilespmem:s11], [sflag:$0x3], $0x4000, $0x38;
	[tilespmem:$0x9000] =	vst v63  }
0x2a: {  	_ =	swait.ge [sflag:s9], $0x4000  }
0x2b: {  	[sflag:s9] =	ssyncset.done $0x0  }
0x2c: {  	s20 =	sadd.s32 $0xFFFFFF80, s18;
	[sflag:s9] =	ssyncadd.s32 $0xFFFFC000  }
0x2d: {  	[tilespmem:s11], [sflag:$0x1] =	stream.indirect.gather [hbm4b:s2+s10], $0x80, s20, s10, $0xb8;
	[tilespmem:$0x9000] =	vst v63  }
0x2e: {  	_ =	swait.ge [sflag:s14], $0x4000  }
0x2f: {  	[sflag:s14] =	ssyncset.done $0x0  }
.Ltmp0:
0x30: {  	s19 =	sadd.s32 $0x800, s19;
	[sflag:s14] =	ssyncadd.s32 $0xFFFFC000;
	(pc) =	sbr.rel @p0 .LBB2_2-.Ltmp0, $4  }
0x31: {  	[hbm4b:s19+s3] =	stream.linear.scatter [tilespmem:s12], [sflag:$0x3], $0x4000, $0x38;
	[tilespmem:$0x9000] =	vst v63  }
0x32: {  	_ =	swait.ge [sflag:s9], $0x4000  }
0x33: {  	[sflag:s9] =	ssyncset.done $0x0  }
0x34: {  	s18 =	sadd.s32 $0x100, s18;
	[sflag:s9] =	ssyncadd.s32 $0xFFFFC000  }
0x35: {  	[tilespmem:s12], [sflag:$0x2] =	stream.indirect.gather [hbm4b:s2+s10], $0x80, s16, s10, $0xb8;
	[tilespmem:$0x9000] =	vst v63  }
0x36: {  	_ =	swait.ge [sflag:s13], $0x4000  }
0x37: {  	[sflag:s13] =	ssyncset.done $0x0  }
0x38: {  	[sflag:s13] =	ssyncadd.s32 $0xFFFFC000  }
0x39: {  	[hbm4b:s5+s3] =	stream.linear.scatter [tilespmem:s11], [sflag:$0x3], $0x4000, $0x38;
	[tilespmem:$0x9000] =	vst v63  }
0x3a: {  	_ =	swait.ge [sflag:s9], $0x4000  }
0x3b: {  	[sflag:s9] =	ssyncset.done $0x0  }
0x3c: {  	[sflag:s9] =	ssyncadd.s32 $0xFFFFC000  }
0x3d: {  	s15 =	sadd.s32 $0x1, s15;
	_ =	swait.ge [sflag:s14], $0x4000  }
0x3e: {  	p0 =	sne.s32 s15, s7;
	[sflag:s14] =	ssyncset.done $0x0  }
.Ltmp1:
0x3f: {  	[sflag:s14] =	ssyncadd.s32 $0xFFFFC000;
	(pc) =	sbr.rel @p0 .LBB2_1-.Ltmp1, $4  }
0x40: {  	[hbm4b:s6+s3] =	stream.linear.scatter [tilespmem:s12], [sflag:$0x3], $0x4000, $0x38;
	[tilespmem:$0x9000] =	vst v63  }
0x41: {  	_ =	swait.ge [sflag:s9], $0x4000  }
0x42: {  	[sflag:s9] =	ssyncset.done $0x0  }
0x43: {  	[sflag:s9] =	ssyncadd.s32 $0xFFFFC000  }
0x44: {  	_ =	sfence.sel $0x180000  }
0x45: {  	[bflag:$0x0] =	sbarrier.arrive $0xFFFF  }
0x46: {  	p0 =	sne.s32 s1, $0x0;
	_ =	strace $0x9000004D  }
0x47: {  	s0 =	sadd.s32 @!p0 $0x100000, s0;
	[bflag:$0x2] =	sbarrier.arrive $0xFFFF  }
0x48: {  	[sflag:s0] =	ssyncadd.tile.s32 @!p0 $0x1;
	_ =	shalt  }
.Lfunc_end2:
_tile_overlayer_lowered:
.L_overlay_start_2:
0x49: {  	(tag) =	ssettag $0x2  }
0x4a: {  	s0 =	rddreg [dreg:$0x0];
	s2 =	stileid.u32  }
0x4b: {  	s1 =	rddreg [dreg:$0x1];
	p0 =	sne.s32 s2, $0x0  }
0x4c: {  	s3 =	rddreg [dreg:$0x2];
	[bflag:$0x3] =	sbarrier.arrive $0xFFFF;
	s2 =	simm.s32 @!p0 $0x1C03  }
0x4d: {  	[timem:s3], [sflag:s2] =	dma.local @!p0 [hbm:s0], s1  }
0x4e: {  	s0 =	simm.s32 @!p0 $0x3  }
0x4f: {  	_ =	swait.ge @!p0 [sflag:s0], s1  }
0x50: {  	s1 =	ssub.s32 @!p0 $0x0, s1;
	[sflag:s0] =	ssyncset.done @!p0 $0x0  }
0x51: {  	[sflag:s0] =	ssyncadd.s32 @!p0 s1  }
0x52: {  	[bflag:$0x3] =	sbarrier.arrive $0xFFFF  }
0x53: {  	_ =	shalt  }

</sc_bundles>
